<compile_context>
chip_gen: v7x
topology: tpu7x:2x2x1
jax: 0.10.2.dev20260603
libtpu: 0.0.44.dev20260713+nightly
codegen_flags: <defaults>
</compile_context>

<pallas_src>
import functools

import jax
import jax.numpy as jnp
from jax import lax
from jax.experimental import pallas as pl
from jax.experimental.pallas import tpu as pltpu
from jax.experimental.pallas import tpu_sc as plsc

_NC = 8
_C = 2048
_H = _C // 2
_N = 8192
_BLK = 256
_GRID = _N // _BLK

_L = 16
_NW = 32
_RPW = _N // _NW
_CH = 16
_CHM = 128
_W = 128


def _bce(z, y):
    return jnp.maximum(z, 0.0) - z * y + jnp.log1p(jnp.exp(-jnp.abs(z)))



def _head0_kernel(x_ref, labels_ref, w1_ref, b1_ref, w2_ref, b2_ref,
                  cp_ref, side_ref, mask_ref, pn_ref, acc_pn):
    i = pl.program_id(0)

    @pl.when(i == 0)
    def _init():
        acc_pn[:, :] = jnp.zeros_like(acc_pn)

    xb = x_ref[:, :].astype(jnp.bfloat16)
    h = jax.lax.dot_general(xb, w1_ref[:, :], (((1,), (1,)), ((), ())),
                            preferred_element_type=jnp.float32)
    h = jnp.maximum(h + b1_ref[:, :], 0.0)
    z = jax.lax.dot_general(h.astype(jnp.bfloat16), w2_ref[:, :],
                            (((1,), (0,)), ((), ())),
                            preferred_element_type=jnp.float32)
    z = z + b2_ref[0, 0]
    y0 = labels_ref[:, 0:1]
    acc_pn[:, :] += jnp.sum(_bce(z, y0), axis=(0, 1), keepdims=True)
    probs = jax.nn.sigmoid(z)
    mask = probs >= 0.5
    cp_ref[:, :] = jnp.concatenate(
        [probs, jnp.zeros((_BLK, _W - 1), jnp.float32)], axis=1)
    side_ref[:, :] = jnp.concatenate(
        [labels_ref[:, 1:8], probs, jnp.zeros((_BLK, _W - 8), jnp.float32)],
        axis=1)
    mask_ref[:, :] = mask.astype(jnp.int32)

    @pl.when(i == _GRID - 1)
    def _fin():
        pn_ref[:, :] = acc_pn[:, :] * (1.0 / _N)


def _run_head0(x, labels, w1b, b1, w2b, b2):
    full = lambda *shape: pl.BlockSpec(shape, lambda i: (0,) * len(shape))
    return pl.pallas_call(
        _head0_kernel,
        grid=(_GRID,),
        in_specs=[
            pl.BlockSpec((_BLK, _C), lambda i: (i, 0)),
            pl.BlockSpec((_BLK, _NC), lambda i: (i, 0)),
            full(_H, _C),
            full(1, _H),
            full(_H, 1),
            full(1, 1),
        ],
        out_specs=[
            pl.BlockSpec((_BLK, _W), lambda i: (i, 0)),
            pl.BlockSpec((_BLK, _W), lambda i: (i, 0)),
            pl.BlockSpec((_BLK, 1), lambda i: (i, 0)),
            pl.BlockSpec((1, 1), lambda i: (0, 0)),
        ],
        out_shape=(
            jax.ShapeDtypeStruct((_N, _W), jnp.float32),
            jax.ShapeDtypeStruct((_N, _W), jnp.float32),
            jax.ShapeDtypeStruct((_N, 1), jnp.int32),
            jax.ShapeDtypeStruct((1, 1), jnp.float32),
        ),
        scratch_shapes=[pltpu.VMEM((1, 1), jnp.float32)],
        compiler_params=pltpu.CompilerParams(
            dimension_semantics=("arbitrary",),
            vmem_limit_bytes=64 * 1024 * 1024,
        ),
    )(x, labels, w1b, b1, w2b, b2)



_GDN = lax.GatherDimensionNumbers(offset_dims=(), collapsed_slice_dims=(0,),
                                  start_index_map=(0,))


def _take(v, idx):
    return lax.gather(v, idx[:, None], _GDN, (1,),
                      mode=lax.GatherScatterMode.PROMISE_IN_BOUNDS)


def _lane():
    return lax.iota(jnp.int32, _L)


def _prefix_incl(v):
    lane = _lane()
    for k in (1, 2, 4, 8):
        idx = jnp.maximum(lane - k, 0)
        msk = jnp.minimum(jnp.maximum(lane - (k - 1), 0), 1)
        v = v + _take(v, idx) * msk
    return v


def _splat_last(v):
    return _take(v, _lane() * 0 + (_L - 1))


_SC_MESH = plsc.VectorSubcoreMesh(core_axis_name="c", subcore_axis_name="s")



@functools.partial(
    pl.kernel, mesh=_SC_MESH,
    out_type=[jax.ShapeDtypeStruct((_N + 2 * _BLK, _C), jnp.float32),
              jax.ShapeDtypeStruct((_N + 2 * _BLK, _W), jnp.float32),
              jax.ShapeDtypeStruct((16,), jnp.int32),
              jax.ShapeDtypeStruct((_N,), jnp.int32)],
    scratch_types=[pltpu.VMEM((_N,), jnp.int32),
                   pltpu.VMEM((_N,), jnp.int32),
                   pltpu.VMEM((_N,), jnp.int32),
                   pltpu.VMEM((_CH,), jnp.int32),
                   pltpu.VMEM((_CH, _C), jnp.float32),
                   pltpu.VMEM((_CH, _W), jnp.float32),
                   pltpu.VMEM((16,), jnp.int32),
                   pltpu.SemaphoreType.DMA,
                   pltpu.SemaphoreType.DMA])
def _sc_gather(mask_hbm, x_hbm, side_hbm,
               xg_hbm, sideg_hbm, cnt_hbm, sel_hbm,
               mask_v, addr_v, sel_v, addrw_v, rows_v, srow_v, cnt_v,
               sem, sem2):
    wid = lax.axis_index("s") * 2 + lax.axis_index("c")
    pltpu.sync_copy(mask_hbm, mask_v)
    lane = _lane()

    def comp(i, wpos_v):
        mi = mask_v[pl.ds(i * _L, _L)]
        pre = _prefix_incl(mi)
        tot = _splat_last(pre)
        gpos = wpos_v + pre - mi
        src = lane + i * _L
        addr = gpos * mi + (_N + lane) * (1 - mi)
        addr_v[pl.ds(i * _L, _L)] = addr
        sel_v[pl.ds(i * _L, _L)] = gpos * mi + (_N + src) * (1 - mi)
        return wpos_v + tot

    wpos_v = lax.fori_loop(0, _N // _L, comp, jnp.zeros((_L,), jnp.int32))

    @pl.when(wid == 0)
    def _():
        cnt_v[:] = wpos_v
        pltpu.sync_copy(cnt_v, cnt_hbm)
        pltpu.sync_copy(sel_v, sel_hbm)

    for c in range(_RPW // _CH):
        base = wid * _RPW + c * _CH
        ra = pltpu.async_copy(x_hbm.at[pl.ds(base, _CH)], rows_v, sem)
        rb = pltpu.async_copy(side_hbm.at[pl.ds(base, _CH)], srow_v, sem2)
        av = addr_v[pl.ds(base, _CH)]
        ist = jnp.minimum(jnp.maximum(av - (_N - 1), 0), 1)
        av = av * (1 - ist) + (_N + wid * _CH + lane) * ist
        addrw_v[pl.ds(0, _CH)] = av
        ra.wait()
        rb.wait()
        sa = pltpu.async_copy(rows_v, xg_hbm.at[addrw_v], sem)
        sb = pltpu.async_copy(srow_v, sideg_hbm.at[addrw_v], sem2)
        sa.wait()
        sb.wait()



def _heads_kernel(cnt_ref, xg_ref, sideg_ref, w1_ref, b1_ref, w2_ref, b2_ref,
                  zg_ref, cls_ref, acc_cls):
    j = pl.program_id(0)
    cnt = cnt_ref[0]

    @pl.when(j == 0)
    def _init():
        acc_cls[:, :] = jnp.zeros_like(acc_cls)

    @pl.when(j * _BLK < cnt)
    def _active():
        xb = xg_ref[:, :].astype(jnp.bfloat16)
        rowid = j * _BLK + lax.broadcasted_iota(jnp.int32, (_BLK, 1), 0)
        lmask = rowid < cnt
        hbs = []
        for c in range(_NC - 1):
            h = jax.lax.dot_general(xb, w1_ref[c], (((1,), (1,)), ((), ())),
                                    preferred_element_type=jnp.float32)
            h = jnp.maximum(h + b1_ref[c], 0.0)
            hbs.append(h.astype(jnp.bfloat16))
        cols = [sideg_ref[:, 7:8]]
        part = jnp.zeros((1, 1), jnp.float32)
        for c in range(_NC - 1):
            z = jax.lax.dot_general(hbs[c], w2_ref[c], (((1,), (0,)), ((), ())),
                                    preferred_element_type=jnp.float32)
            z = z + b2_ref[c, 0]
            y = sideg_ref[:, c:c + 1]
            part = part + jnp.sum(jnp.where(lmask, _bce(z, y), 0.0),
                                  axis=(0, 1), keepdims=True)
            cols.append(jax.nn.sigmoid(z))
        acc_cls[:, :] += part
        zg_ref[:, :] = jnp.concatenate(
            cols + [jnp.zeros((_BLK, _W - 8), jnp.float32)], axis=1)

    @pl.when(j == _GRID - 1)
    def _fin():
        cls_ref[:, :] = acc_cls[:, :] / jnp.maximum(cnt.astype(jnp.float32), 1.0)


def _run_heads(cnt, xg, sideg, w1, b1, w2, b2):
    full = lambda *shape: pl.BlockSpec(shape, lambda i, c: (0,) * len(shape))
    grid_spec = pltpu.PrefetchScalarGridSpec(
        num_scalar_prefetch=1,
        grid=(_GRID,),
        in_specs=[
            pl.BlockSpec((_BLK, _C), lambda i, c: (i, 0)),
            pl.BlockSpec((_BLK, _W), lambda i, c: (i, 0)),
            full(_NC - 1, _H, _C),
            full(_NC - 1, 1, _H),
            full(_NC - 1, _H, 1),
            full(_NC - 1, 1),
        ],
        out_specs=[
            pl.BlockSpec((_BLK, _W), lambda i, c: (i, 0)),
            pl.BlockSpec((1, 1), lambda i, c: (0, 0)),
        ],
        scratch_shapes=[pltpu.VMEM((1, 1), jnp.float32)],
    )
    return pl.pallas_call(
        _heads_kernel,
        grid_spec=grid_spec,
        out_shape=(
            jax.ShapeDtypeStruct((_N, _W), jnp.float32),
            jax.ShapeDtypeStruct((1, 1), jnp.float32),
        ),
        compiler_params=pltpu.CompilerParams(
            dimension_semantics=("arbitrary",),
            vmem_limit_bytes=64 * 1024 * 1024,
        ),
    )(cnt, xg, sideg, w1, b1, w2, b2)



@functools.partial(
    pl.kernel, mesh=_SC_MESH,
    out_type=jax.ShapeDtypeStruct((_N, _W), jnp.float32),
    scratch_types=[pltpu.VMEM((_CHM,), jnp.int32),
                   pltpu.VMEM((_CHM, _W), jnp.float32),
                   pltpu.SemaphoreType.DMA])
def _sc_merge(sel_hbm, src_hbm, out_hbm, selw_v, rows_v, sem):
    wid = lax.axis_index("s") * 2 + lax.axis_index("c")
    for c in range(_RPW // _CHM):
        base = wid * _RPW + c * _CHM
        pltpu.sync_copy(sel_hbm.at[pl.ds(base, _CHM)], selw_v)
        pltpu.async_copy(src_hbm.at[selw_v], rows_v, sem).wait()
        pltpu.sync_copy(rows_v, out_hbm.at[pl.ds(base, _CHM)])



def kernel(fuse_embeddings, segment_classes, pn_W1, pn_b1, pn_W2, pn_b2,
           cat_W1, cat_b1, cat_W2, cat_b2):
    seg = segment_classes.reshape(-1).astype(jnp.int32)
    lab0 = (seg > 0).astype(jnp.float32)
    labc = (seg[:, None] == jnp.arange(1, _NC, dtype=jnp.int32)[None, :]).astype(jnp.float32)
    labels = jnp.concatenate([lab0[:, None], labc], axis=1)

    x = fuse_embeddings.reshape(_N, _C)

    cp16, side, maskN1, pn = _run_head0(
        x, labels, pn_W1.astype(jnp.bfloat16), pn_b1.reshape(1, _H),
        pn_W2.astype(jnp.bfloat16).reshape(_H, 1), pn_b2.reshape(1, 1))

    xg, sideg, cnt16, sel = _sc_gather(maskN1.reshape(_N), x, side)

    zg, cls = _run_heads(
        cnt16[0:1], xg, sideg,
        cat_W1.astype(jnp.bfloat16),
        cat_b1.reshape(_NC - 1, 1, _H),
        cat_W2.astype(jnp.bfloat16).reshape(_NC - 1, _H, 1),
        cat_b2.reshape(_NC - 1, 1))

    src = jnp.concatenate([zg, cp16], axis=0)
    cpf = _sc_merge(sel, src)

    return pn[0, 0], cls.reshape(1), cpf[:, :8]

# --- scband reference (transcript-rebuilt; emitter-appended) ---
"""Pipeline reference for scband-field-type-classification-88545045774742 (READ-ONLY COPY).

The authoritative reference and input builder live on the scoring server;
editing this copy changes nothing except your own understanding.
"""

import jax, jax.numpy as jnp
import numpy as np

NUM_CLASSES = 8
C = 2048
H = C // 2
N = 8192


def setup_inputs(seed: int = 0) -> dict:
    key = jax.random.key(seed)
    ks = jax.random.split(key, 8)
    inp = {}
    inp["fuse_embeddings"] = jax.random.normal(ks[0], (N, C), dtype=jnp.float32)
    inp["segment_classes"] = jax.random.randint(ks[1], (1, N), 0, NUM_CLASSES).astype(jnp.int64)
    inp["pn_W1"] = jax.random.normal(ks[2], (H, C), dtype=jnp.float32) * 0.02
    inp["pn_b1"] = jnp.zeros((H,), jnp.float32)
    inp["pn_W2"] = jax.random.normal(ks[3], (H,), dtype=jnp.float32) * 0.02
    inp["pn_b2"] = jnp.zeros((1,), jnp.float32)
    inp["cat_W1"] = jax.random.normal(ks[4], (NUM_CLASSES - 1, H, C), dtype=jnp.float32) * 0.02
    inp["cat_b1"] = jnp.zeros((NUM_CLASSES - 1, H), jnp.float32)
    inp["cat_W2"] = jax.random.normal(ks[5], (NUM_CLASSES - 1, H), dtype=jnp.float32) * 0.02
    inp["cat_b2"] = jnp.zeros((NUM_CLASSES - 1,), jnp.float32)
    return inp


def _bce_logits(z, y):
    # numerically-stable binary cross entropy with logits (mean-free, per-element)
    return jnp.maximum(z, 0.0) - z * y + jnp.log1p(jnp.exp(-jnp.abs(z)))


def reference(fuse_embeddings, segment_classes, pn_W1, pn_b1, pn_W2, pn_b2, cat_W1, cat_b1, cat_W2, cat_b2):
    # torch.cat(segment_classes, dim=0) over the iterable [1, N] tensor -> [N]
    seg = segment_classes.reshape(-1).astype(jnp.int32)
    label_pos_neg = (seg > 0).astype(jnp.float32)
    x = fuse_embeddings.reshape(-1, C)
    # pos/neg BinaryClassifier (MultipleLayer: C -> C//2 -> 1)
    h = jax.nn.relu(x @ pn_W1.T + pn_b1)
    pred_pos_neg = h @ pn_W2 + pn_b2[0]
    pos_neg_loss = jnp.mean(_bce_logits(pred_pos_neg, label_pos_neg))
    probs = jax.nn.sigmoid(jax.lax.stop_gradient(pred_pos_neg))
    mask = probs >= 0.5
    maskf = mask.astype(jnp.float32)
    denom = jnp.maximum(jnp.sum(maskf), 1.0)
    cols = [probs]
    cls_loss = jnp.zeros((1,), jnp.float32)
    for c in range(NUM_CLASSES - 1):
        hc = jax.nn.relu(x @ cat_W1[c].T + cat_b1[c])
        zc = hc @ cat_W2[c] + cat_b2[c]
        yc = (seg == (c + 1)).astype(jnp.float32)
        # loss over the positive-masked subset only; mask is detached so
        # mask-weighted mean is mathematically identical to boolean gather
        lc = jnp.sum(_bce_logits(zc, yc) * maskf) / denom
        cls_loss = cls_loss + lc
        cols.append(jnp.where(mask, jax.nn.sigmoid(jax.lax.stop_gradient(zc)), 0.0))
    class_pred = jnp.stack(cols, axis=1)
    return pos_neg_loss, cls_loss, class_pred

if __name__ == "__main__":
    import jax
    _d = setup_inputs()
    print(jax.jit(kernel)(*tuple(_d.values())))

</pallas_src>

<mosaic_0001>
#map = affine_map<(d0, d1) -> (0)>
#map1 = affine_map<(d0, d1) -> (0, 0)>
module attributes {stable_mosaic.version = 14 : i64} {
  func.func @_sc_gather(%arg0: i32, %arg1: i32, %arg2: memref<8192xi32, #tpu.memory_space<hbm>>, %arg3: memref<8192x2048xf32, #tpu.memory_space<hbm>>, %arg4: memref<8192x128xf32, #tpu.memory_space<hbm>>, %arg5: memref<8704x2048xf32, #tpu.memory_space<hbm>>, %arg6: memref<8704x128xf32, #tpu.memory_space<hbm>>, %arg7: memref<16xi32, #tpu.memory_space<hbm>>, %arg8: memref<8192xi32, #tpu.memory_space<hbm>>, %arg9: memref<8192xi32, #tpu.memory_space<vmem>>, %arg10: memref<8192xi32, #tpu.memory_space<vmem>>, %arg11: memref<8192xi32, #tpu.memory_space<vmem>>, %arg12: memref<16xi32, #tpu.memory_space<vmem>>, %arg13: memref<16x2048xf32, #tpu.memory_space<vmem>>, %arg14: memref<16x128xf32, #tpu.memory_space<vmem>>, %arg15: memref<16xi32, #tpu.memory_space<vmem>>, %arg16: memref<!tpu.dma_semaphore, #tpu.memory_space<semaphore_mem>>, %arg17: memref<!tpu.dma_semaphore, #tpu.memory_space<semaphore_mem>>) attributes {dimension_semantics = [#tpu.dimension_semantics<core_parallel>, #tpu.dimension_semantics<subcore_parallel>], iteration_bounds = array<i64: 2, 16>, scalar_prefetch = 0 : i64, scratch_operands = 9 : i64, tpu.core_type = #tpu.core_type<sc_vector_subcore>, window_params = [{transform_indices = #map}, {transform_indices = #map1}, {transform_indices = #map1}, {transform_indices = #map1}, {transform_indices = #map1}, {transform_indices = #map}, {transform_indices = #map}]} {
    %mul3A = arith.constant 2 : i32
    %mul3A_0 = arith.muli %arg1, %mul3A : i32
    %add3A = arith.addi %mul3A_0, %arg0 : i32
    "tpu.region"() ({
      %run_scoped3A = tpu.sem_alloc : memref<!tpu.dma_semaphore, #tpu.memory_space<semaphore_mem>>
      tpu.enqueue_dma source(%arg2 : memref<8192xi32, #tpu.memory_space<hbm>>) target(%arg9 : memref<8192xi32, #tpu.memory_space<vmem>>) target_semaphore(%run_scoped3A : memref<!tpu.dma_semaphore, #tpu.memory_space<semaphore_mem>>)
      tpu.wait_dma2 semaphore(%run_scoped3A : memref<!tpu.dma_semaphore, #tpu.memory_space<semaphore_mem>>) src(%arg2 : memref<8192xi32, #tpu.memory_space<hbm>>) dst(%arg9 : memref<8192xi32, #tpu.memory_space<vmem>>)
      tpu.yield
    }) : () -> ()
    %iota3A = tpu.iota {dimensions = array<i32: 0>} : vector<16xi32>
    %broadcast_in_dim3A = arith.constant 0 : i32
    %broadcast_in_dim3A_1 = vector.broadcast %broadcast_in_dim3A : i32 to vector<16xi32>
    %scan3A = arith.constant 0 : i32
    %scan3A_2 = arith.constant 512 : i32
    %scan3A_3 = arith.addi %scan3A, %scan3A_2 : i32
    %scan3A_4 = arith.constant 1 : i32
    %scan3A_5 = scf.for %scan3A_962 = %scan3A to %scan3A_3 step %scan3A_4 iter_args(%scan3A_963 = %broadcast_in_dim3A_1) -> (vector<16xi32>)  : i32 {
      %mul3A_964 = arith.constant 16 : i32
      %mul3A_965 = arith.muli %scan3A_962, %mul3A_964 : i32
      %get3A_966 = arith.index_cast %mul3A_965 : i32 to index
      %get3A_967 = tpu.vector_load %arg9[%get3A_966] {strides = array<i32>} : memref<8192xi32, #tpu.memory_space<vmem>>, vector<16xi32>,
      %get3A_968 = vector.shape_cast %get3A_967 : vector<16xi32> to vector<16xi32>
      %iota3A_969 = tpu.iota {dimensions = array<i32: 0>} : vector<16xi32>
      %sub3A_970 = arith.constant 1 : i32
      %sub3A_971 = vector.broadcast %sub3A_970 : i32 to vector<16xi32>
      %sub3A_972 = arith.subi %iota3A_969, %sub3A_971 : vector<16xi32>
      %max3A_973 = arith.constant 0 : i32
      %max3A_974 = vector.broadcast %max3A_973 : i32 to vector<16xi32>
      %max3A_975 = arith.maxsi %sub3A_972, %max3A_974 : vector<16xi32>
      %sub3A_976 = arith.constant 0 : i32
      %sub3A_977 = vector.broadcast %sub3A_976 : i32 to vector<16xi32>
      %sub3A_978 = arith.subi %iota3A_969, %sub3A_977 : vector<16xi32>
      %max3A_979 = arith.constant 0 : i32
      %max3A_980 = vector.broadcast %max3A_979 : i32 to vector<16xi32>
      %max3A_981 = arith.maxsi %sub3A_978, %max3A_980 : vector<16xi32>
      %min3A_982 = arith.constant 1 : i32
      %min3A_983 = vector.broadcast %min3A_982 : i32 to vector<16xi32>
      %min3A_984 = arith.minsi %max3A_981, %min3A_983 : vector<16xi32>
      %broadcast_in_dim3A_985 = vector.shape_cast %max3A_975 : vector<16xi32> to vector<16x1xi32>
      %gather3A = vector.shape_cast %broadcast_in_dim3A_985 : vector<16x1xi32> to vector<16xi32>
      %gather3A_986 = tpu.dynamic_gather %get3A_968[%gather3A] in [0] : vector<16xi32>, vector<16xi32> -> vector<16xi32>
      %mul3A_987 = arith.muli %gather3A_986, %min3A_984 : vector<16xi32>
      %add3A_988 = arith.addi %get3A_968, %mul3A_987 : vector<16xi32>
      %sub3A_989 = arith.constant 2 : i32
      %sub3A_990 = vector.broadcast %sub3A_989 : i32 to vector<16xi32>
      %sub3A_991 = arith.subi %iota3A_969, %sub3A_990 : vector<16xi32>
      %max3A_992 = arith.constant 0 : i32
      %max3A_993 = vector.broadcast %max3A_992 : i32 to vector<16xi32>
      %max3A_994 = arith.maxsi %sub3A_991, %max3A_993 : vector<16xi32>
      %sub3A_995 = arith.constant 1 : i32
      %sub3A_996 = vector.broadcast %sub3A_995 : i32 to vector<16xi32>
      %sub3A_997 = arith.subi %iota3A_969, %sub3A_996 : vector<16xi32>
      %max3A_998 = arith.constant 0 : i32
      %max3A_999 = vector.broadcast %max3A_998 : i32 to vector<16xi32>
      %max3A_1000 = arith.maxsi %sub3A_997, %max3A_999 : vector<16xi32>
      %min3A_1001 = arith.constant 1 : i32
      %min3A_1002 = vector.broadcast %min3A_1001 : i32 to vector<16xi32>
      %min3A_1003 = arith.minsi %max3A_1000, %min3A_1002 : vector<16xi32>
      %broadcast_in_dim3A_1004 = vector.shape_cast %max3A_994 : vector<16xi32> to vector<16x1xi32>
      %gather3A_1005 = vector.shape_cast %broadcast_in_dim3A_1004 : vector<16x1xi32> to vector<16xi32>
      %gather3A_1006 = tpu.dynamic_gather %add3A_988[%gather3A_1005] in [0] : vector<16xi32>, vector<16xi32> -> vector<16xi32>
      %mul3A_1007 = arith.muli %gather3A_1006, %min3A_1003 : vector<16xi32>
      %add3A_1008 = arith.addi %add3A_988, %mul3A_1007 : vector<16xi32>
      %sub3A_1009 = arith.constant 4 : i32
      %sub3A_1010 = vector.broadcast %sub3A_1009 : i32 to vector<16xi32>
      %sub3A_1011 = arith.subi %iota3A_969, %sub3A_1010 : vector<16xi32>
      %max3A_1012 = arith.constant 0 : i32
      %max3A_1013 = vector.broadcast %max3A_1012 : i32 to vector<16xi32>
      %max3A_1014 = arith.maxsi %sub3A_1011, %max3A_1013 : vector<16xi32>
      %sub3A_1015 = arith.constant 3 : i32
      %sub3A_1016 = vector.broadcast %sub3A_1015 : i32 to vector<16xi32>
      %sub3A_1017 = arith.subi %iota3A_969, %sub3A_1016 : vector<16xi32>
      %max3A_1018 = arith.constant 0 : i32
      %max3A_1019 = vector.broadcast %max3A_1018 : i32 to vector<16xi32>
      %max3A_1020 = arith.maxsi %sub3A_1017, %max3A_1019 : vector<16xi32>
      %min3A_1021 = arith.constant 1 : i32
      %min3A_1022 = vector.broadcast %min3A_1021 : i32 to vector<16xi32>
      %min3A_1023 = arith.minsi %max3A_1020, %min3A_1022 : vector<16xi32>
      %broadcast_in_dim3A_1024 = vector.shape_cast %max3A_1014 : vector<16xi32> to vector<16x1xi32>
      %gather3A_1025 = vector.shape_cast %broadcast_in_dim3A_1024 : vector<16x1xi32> to vector<16xi32>
      %gather3A_1026 = tpu.dynamic_gather %add3A_1008[%gather3A_1025] in [0] : vector<16xi32>, vector<16xi32> -> vector<16xi32>
      %mul3A_1027 = arith.muli %gather3A_1026, %min3A_1023 : vector<16xi32>
      %add3A_1028 = arith.addi %add3A_1008, %mul3A_1027 : vector<16xi32>
      %sub3A_1029 = arith.constant 8 : i32
      %sub3A_1030 = vector.broadcast %sub3A_1029 : i32 to vector<16xi32>
      %sub3A_1031 = arith.subi %iota3A_969, %sub3A_1030 : vector<16xi32>
      %max3A_1032 = arith.constant 0 : i32
      %max3A_1033 = vector.broadcast %max3A_1032 : i32 to vector<16xi32>
      %max3A_1034 = arith.maxsi %sub3A_1031, %max3A_1033 : vector<16xi32>
      %sub3A_1035 = arith.constant 7 : i32
      %sub3A_1036 = vector.broadcast %sub3A_1035 : i32 to vector<16xi32>
      %sub3A_1037 = arith.subi %iota3A_969, %sub3A_1036 : vector<16xi32>
      %max3A_1038 = arith.constant 0 : i32
      %max3A_1039 = vector.broadcast %max3A_1038 : i32 to vector<16xi32>
      %max3A_1040 = arith.maxsi %sub3A_1037, %max3A_1039 : vector<16xi32>
      %min3A_1041 = arith.constant 1 : i32
      %min3A_1042 = vector.broadcast %min3A_1041 : i32 to vector<16xi32>
      %min3A_1043 = arith.minsi %max3A_1040, %min3A_1042 : vector<16xi32>
      %broadcast_in_dim3A_1044 = vector.shape_cast %max3A_1034 : vector<16xi32> to vector<16x1xi32>
      %gather3A_1045 = vector.shape_cast %broadcast_in_dim3A_1044 : vector<16x1xi32> to vector<16xi32>
      %gather3A_1046 = tpu.dynamic_gather %add3A_1028[%gather3A_1045] in [0] : vector<16xi32>, vector<16xi32> -> vector<16xi32>
      %mul3A_1047 = arith.muli %gather3A_1046, %min3A_1043 : vector<16xi32>
      %add3A_1048 = arith.addi %add3A_1028, %mul3A_1047 : vector<16xi32>
      %iota3A_1049 = tpu.iota {dimensions = array<i32: 0>} : vector<16xi32>
      %mul3A_1050 = arith.constant 0 : i32
      %mul3A_1051 = vector.broadcast %mul3A_1050 : i32 to vector<16xi32>
      %mul3A_1052 = arith.muli %iota3A_1049, %mul3A_1051 : vector<16xi32>
      %add3A_1053 = arith.constant 15 : i32
      %add3A_1054 = vector.broadcast %add3A_1053 : i32 to vector<16xi32>
      %add3A_1055 = arith.addi %mul3A_1052, %add3A_1054 : vector<16xi32>
      %broadcast_in_dim3A_1056 = vector.shape_cast %add3A_1055 : vector<16xi32> to vector<16x1xi32>
      %gather3A_1057 = vector.shape_cast %broadcast_in_dim3A_1056 : vector<16x1xi32> to vector<16xi32>
      %gather3A_1058 = tpu.dynamic_gather %add3A_1048[%gather3A_1057] in [0] : vector<16xi32>, vector<16xi32> -> vector<16xi32>
      %add3A_1059 = arith.addi %scan3A_963, %add3A_1048 : vector<16xi32>
      %sub3A_1060 = arith.subi %add3A_1059, %get3A_968 : vector<16xi32>
      %mul3A_1061 = arith.constant 16 : i32
      %mul3A_1062 = arith.muli %scan3A_962, %mul3A_1061 : i32
      %add3A_1063 = vector.broadcast %mul3A_1062 : i32 to vector<16xi32>
      %add3A_1064 = arith.addi %iota3A, %add3A_1063 : vector<16xi32>
      %mul3A_1065 = arith.muli %sub3A_1060, %get3A_968 : vector<16xi32>
      %add3A_1066 = arith.constant 8192 : i32
      %add3A_1067 = vector.broadcast %add3A_1066 : i32 to vector<16xi32>
      %add3A_1068 = arith.addi %add3A_1067, %iota3A : vector<16xi32>
      %sub3A_1069 = arith.constant 1 : i32
      %sub3A_1070 = vector.broadcast %sub3A_1069 : i32 to vector<16xi32>
      %sub3A_1071 = arith.subi %sub3A_1070, %get3A_968 : vector<16xi32>
      %mul3A_1072 = arith.muli %add3A_1068, %sub3A_1071 : vector<16xi32>
      %add3A_1073 = arith.addi %mul3A_1065, %mul3A_1072 : vector<16xi32>
      %mul3A_1074 = arith.constant 16 : i32
      %mul3A_1075 = arith.muli %scan3A_962, %mul3A_1074 : i32
      %swap3A_1076 = arith.index_cast %mul3A_1075 : i32 to index
      %swap3A_1077 = tpu.vector_load %arg10[%swap3A_1076] {strides = array<i32>} : memref<8192xi32, #tpu.memory_space<vmem>>, vector<16xi32>,
      %swap3A_1078 = vector.shape_cast %swap3A_1077 : vector<16xi32> to vector<16xi32>
      %swap3A_1079 = vector.shape_cast %add3A_1073 : vector<16xi32> to vector<16xi32>
      tpu.vector_store %arg10[%swap3A_1076], %swap3A_1079 {strides = array<i32>} : memref<8192xi32, #tpu.memory_space<vmem>>, vector<16xi32>,
      %mul3A_1080 = arith.muli %sub3A_1060, %get3A_968 : vector<16xi32>
      %add3A_1081 = arith.constant 8192 : i32
      %add3A_1082 = vector.broadcast %add3A_1081 : i32 to vector<16xi32>
      %add3A_1083 = arith.addi %add3A_1082, %add3A_1064 : vector<16xi32>
      %sub3A_1084 = arith.constant 1 : i32
      %sub3A_1085 = vector.broadcast %sub3A_1084 : i32 to vector<16xi32>
      %sub3A_1086 = arith.subi %sub3A_1085, %get3A_968 : vector<16xi32>
      %mul3A_1087 = arith.muli %add3A_1083, %sub3A_1086 : vector<16xi32>
      %add3A_1088 = arith.addi %mul3A_1080, %mul3A_1087 : vector<16xi32>
      %mul3A_1089 = arith.constant 16 : i32
      %mul3A_1090 = arith.muli %scan3A_962, %mul3A_1089 : i32
      %swap3A_1091 = arith.index_cast %mul3A_1090 : i32 to index
      %swap3A_1092 = tpu.vector_load %arg11[%swap3A_1091] {strides = array<i32>} : memref<8192xi32, #tpu.memory_space<vmem>>, vector<16xi32>,
      %swap3A_1093 = vector.shape_cast %swap3A_1092 : vector<16xi32> to vector<16xi32>
      %swap3A_1094 = vector.shape_cast %add3A_1088 : vector<16xi32> to vector<16xi32>
      tpu.vector_store %arg11[%swap3A_1091], %swap3A_1094 {strides = array<i32>} : memref<8192xi32, #tpu.memory_space<vmem>>, vector<16xi32>,
      %add3A_1095 = arith.addi %scan3A_963, %gather3A_1058 : vector<16xi32>
      scf.yield %add3A_1095 : vector<16xi32>
    }
    %scan3A_6 = arith.constant 512 : i32
    %eq3A = arith.constant 0 : i32
    %eq3A_7 = arith.cmpi eq, %add3A, %eq3A : i32
    %convert_element_type3A = arith.extui %eq3A_7 : i1 to i32
    %cond3A = arith.constant 0 : i32
    %cond3A_8 = arith.cmpi ne, %convert_element_type3A, %cond3A : i32
    scf.if %cond3A_8 {
      %swap3A_962 = arith.constant 0 : index
      %swap3A_963 = tpu.vector_load %arg15[%swap3A_962] {strides = array<i32>} : memref<16xi32, #tpu.memory_space<vmem>>, vector<16xi32>,
      %swap3A_964 = vector.shape_cast %swap3A_963 : vector<16xi32> to vector<16xi32>
      %swap3A_965 = vector.shape_cast %scan3A_5 : vector<16xi32> to vector<16xi32>
      tpu.vector_store %arg15[%swap3A_962], %swap3A_965 {strides = array<i32>} : memref<16xi32, #tpu.memory_space<vmem>>, vector<16xi32>,
      "tpu.region"() ({
        %run_scoped3A = tpu.sem_alloc : memref<!tpu.dma_semaphore, #tpu.memory_space<semaphore_mem>>
        tpu.enqueue_dma source(%arg15 : memref<16xi32, #tpu.memory_space<vmem>>) target(%arg7 : memref<16xi32, #tpu.memory_space<hbm>>) target_semaphore(%run_scoped3A : memref<!tpu.dma_semaphore, #tpu.memory_space<semaphore_mem>>)
        tpu.wait_dma2 semaphore(%run_scoped3A : memref<!tpu.dma_semaphore, #tpu.memory_space<semaphore_mem>>) src(%arg15 : memref<16xi32, #tpu.memory_space<vmem>>) dst(%arg7 : memref<16xi32, #tpu.memory_space<hbm>>)
        tpu.yield
      }) : () -> ()
      "tpu.region"() ({
        %run_scoped3A = tpu.sem_alloc : memref<!tpu.dma_semaphore, #tpu.memory_space<semaphore_mem>>
        tpu.enqueue_dma source(%arg11 : memref<8192xi32, #tpu.memory_space<vmem>>) target(%arg8 : memref<8192xi32, #tpu.memory_space<hbm>>) target_semaphore(%run_scoped3A : memref<!tpu.dma_semaphore, #tpu.memory_space<semaphore_mem>>)
        tpu.wait_dma2 semaphore(%run_scoped3A : memref<!tpu.dma_semaphore, #tpu.memory_space<semaphore_mem>>) src(%arg11 : memref<8192xi32, #tpu.memory_space<vmem>>) dst(%arg8 : memref<8192xi32, #tpu.memory_space<hbm>>)
        tpu.yield
      }) : () -> ()
    } else {
    }
    %mul3A_9 = arith.constant 256 : i32
    %mul3A_10 = arith.muli %add3A, %mul3A_9 : i32
    %add3A_11 = arith.constant 0 : i32
    %add3A_12 = arith.addi %mul3A_10, %add3A_11 : i32
    %dma_start3A = arith.constant 0 : i32
    %dma_start3A_13 = tpu.memref_slice %arg3[%add3A_12, %dma_start3A] : memref<8192x2048xf32, #tpu.memory_space<hbm>> -> memref<16x2048xf32, #tpu.memory_space<hbm>>
    %dma_start3A_14 = arith.constant 0 : i32
    %dma_start3A_15 = tpu.memref_slice %arg3[%add3A_12, %dma_start3A_14] : memref<8192x2048xf32, #tpu.memory_space<hbm>> -> memref<16x2048xf32, #tpu.memory_space<hbm>>
    tpu.enqueue_dma source(%dma_start3A_15 : memref<16x2048xf32, #tpu.memory_space<hbm>>) target(%arg13 : memref<16x2048xf32, #tpu.memory_space<vmem>>) target_semaphore(%arg16 : memref<!tpu.dma_semaphore, #tpu.memory_space<semaphore_mem>>)
    %dma_start3A_16 = arith.constant 0 : i32
    %dma_start3A_17 = tpu.memref_slice %arg4[%add3A_12, %dma_start3A_16] : memref<8192x128xf32, #tpu.memory_space<hbm>> -> memref<16x128xf32, #tpu.memory_space<hbm>>
    %dma_start3A_18 = arith.constant 0 : i32
    %dma_start3A_19 = tpu.memref_slice %arg4[%add3A_12, %dma_start3A_18] : memref<8192x128xf32, #tpu.memory_space<hbm>> -> memref<16x128xf32, #tpu.memory_space<hbm>>
    tpu.enqueue_dma source(%dma_start3A_19 : memref<16x128xf32, #tpu.memory_space<hbm>>) target(%arg14 : memref<16x128xf32, #tpu.memory_space<vmem>>) target_semaphore(%arg17 : memref<!tpu.dma_semaphore, #tpu.memory_space<semaphore_mem>>)
    %get3A = arith.index_cast %add3A_12 : i32 to index
    %get3A_20 = tpu.vector_load %arg10[%get3A] {strides = array<i32>} : memref<8192xi32, #tpu.memory_space<vmem>>, vector<16xi32>,
    %get3A_21 = vector.shape_cast %get3A_20 : vector<16xi32> to vector<16xi32>
    %sub3A = arith.constant 8191 : i32
    %sub3A_22 = vector.broadcast %sub3A : i32 to vector<16xi32>
    %sub3A_23 = arith.subi %get3A_21, %sub3A_22 : vector<16xi32>
    %max3A = arith.constant 0 : i32
    %max3A_24 = vector.broadcast %max3A : i32 to vector<16xi32>
    %max3A_25 = arith.maxsi %sub3A_23, %max3A_24 : vector<16xi32>
    %min3A = arith.constant 1 : i32
    %min3A_26 = vector.broadcast %min3A : i32 to vector<16xi32>
    %min3A_27 = arith.minsi %max3A_25, %min3A_26 : vector<16xi32>
    %sub3A_28 = arith.constant 1 : i32
    %sub3A_29 = vector.broadcast %sub3A_28 : i32 to vector<16xi32>
    %sub3A_30 = arith.subi %sub3A_29, %min3A_27 : vector<16xi32>
    %mul3A_31 = arith.muli %get3A_21, %sub3A_30 : vector<16xi32>
    %mul3A_32 = arith.constant 16 : i32
    %mul3A_33 = arith.muli %add3A, %mul3A_32 : i32
    %add3A_34 = arith.constant 8192 : i32
    %add3A_35 = arith.addi %add3A_34, %mul3A_33 : i32
    %add3A_36 = vector.broadcast %add3A_35 : i32 to vector<16xi32>
    %add3A_37 = arith.addi %add3A_36, %iota3A : vector<16xi32>
    %mul3A_38 = arith.muli %add3A_37, %min3A_27 : vector<16xi32>
    %add3A_39 = arith.addi %mul3A_31, %mul3A_38 : vector<16xi32>
    %swap3A = arith.constant 0 : index
    %swap3A_40 = tpu.vector_load %arg12[%swap3A] {strides = array<i32>} : memref<16xi32, #tpu.memory_space<vmem>>, vector<16xi32>,
    %swap3A_41 = vector.shape_cast %swap3A_40 : vector<16xi32> to vector<16xi32>
    %swap3A_42 = vector.shape_cast %add3A_39 : vector<16xi32> to vector<16xi32>
    tpu.vector_store %arg12[%swap3A], %swap3A_42 {strides = array<i32>} : memref<16xi32, #tpu.memory_space<vmem>>, vector<16xi32>,
    %dma_wait3A = arith.constant 0 : i32
    %dma_wait3A_43 = tpu.memref_slice %arg3[%add3A_12, %dma_wait3A] : memref<8192x2048xf32, #tpu.memory_space<hbm>> -> memref<16x2048xf32, #tpu.memory_space<hbm>>
    %dma_wait3A_44 = arith.constant 0 : i32
    %dma_wait3A_45 = tpu.memref_slice %arg3[%add3A_12, %dma_wait3A_44] : memref<8192x2048xf32, #tpu.memory_space<hbm>> -> memref<16x2048xf32, #tpu.memory_space<hbm>>
    tpu.wait_dma2 semaphore(%arg16 : memref<!tpu.dma_semaphore, #tpu.memory_space<semaphore_mem>>) src(%dma_wait3A_45 : memref<16x2048xf32, #tpu.memory_space<hbm>>) dst(%arg13 : memref<16x2048xf32, #tpu.memory_space<vmem>>)
    %dma_wait3A_46 = arith.constant 0 : i32
    %dma_wait3A_47 = tpu.memref_slice %arg4[%add3A_12, %dma_wait3A_46] : memref<8192x128xf32, #tpu.memory_space<hbm>> -> memref<16x128xf32, #tpu.memory_space<hbm>>
    %dma_wait3A_48 = arith.constant 0 : i32
    %dma_wait3A_49 = tpu.memref_slice %arg4[%add3A_12, %dma_wait3A_48] : memref<8192x128xf32, #tpu.memory_space<hbm>> -> memref<16x128xf32, #tpu.memory_space<hbm>>
    tpu.wait_dma2 semaphore(%arg17 : memref<!tpu.dma_semaphore, #tpu.memory_space<semaphore_mem>>) src(%dma_wait3A_49 : memref<16x128xf32, #tpu.memory_space<hbm>>) dst(%arg14 : memref<16x128xf32, #tpu.memory_space<vmem>>)
    %dma_start3A_50 = arith.constant 0 : i32
    %dma_start3A_51 = arith.constant 0 : i32
    %dma_start3A_52 = tpu.memref_slice %arg5[%dma_start3A_50, %dma_start3A_51] : memref<8704x2048xf32, #tpu.memory_space<hbm>> -> memref<8704x2048xf32, #tpu.memory_space<hbm>>
    tpu.enqueue_indirect_dma source(%arg13 : memref<16x2048xf32, #tpu.memory_space<vmem>>) target(%dma_start3A_52 : memref<8704x2048xf32, #tpu.memory_space<hbm>>) offsets(%arg12 : memref<16xi32, #tpu.memory_space<vmem>>) semaphore(%arg16 : memref<!tpu.dma_semaphore, #tpu.memory_space<semaphore_mem>>)
    %dma_start3A_53 = arith.constant 0 : i32
    %dma_start3A_54 = arith.constant 0 : i32
    %dma_start3A_55 = tpu.memref_slice %arg6[%dma_start3A_53, %dma_start3A_54] : memref<8704x128xf32, #tpu.memory_space<hbm>> -> memref<8704x128xf32, #tpu.memory_space<hbm>>
    tpu.enqueue_indirect_dma source(%arg14 : memref<16x128xf32, #tpu.memory_space<vmem>>) target(%dma_start3A_55 : memref<8704x128xf32, #tpu.memory_space<hbm>>) offsets(%arg12 : memref<16xi32, #tpu.memory_space<vmem>>) semaphore(%arg17 : memref<!tpu.dma_semaphore, #tpu.memory_space<semaphore_mem>>)
    %dma_wait3A_56 = arith.constant 0 : i32
    %dma_wait3A_57 = arith.constant 0 : i32
    %dma_wait3A_58 = tpu.memref_slice %arg5[%dma_wait3A_56, %dma_wait3A_57] : memref<8704x2048xf32, #tpu.memory_space<hbm>> -> memref<8704x2048xf32, #tpu.memory_space<hbm>>
    tpu.wait_indirect_dma semaphore(%arg16 : memref<!tpu.dma_semaphore, #tpu.memory_space<semaphore_mem>>) src(%arg13 : memref<16x2048xf32, #tpu.memory_space<vmem>>) dst(%dma_wait3A_58 : memref<8704x2048xf32, #tpu.memory_space<hbm>>)
    %dma_wait3A_59 = arith.constant 0 : i32
    %dma_wait3A_60 = arith.constant 0 : i32
    %dma_wait3A_61 = tpu.memref_slice %arg6[%dma_wait3A_59, %dma_wait3A_60] : memref<8704x128xf32, #tpu.memory_space<hbm>> -> memref<8704x128xf32, #tpu.memory_space<hbm>>
    tpu.wait_indirect_dma semaphore(%arg17 : memref<!tpu.dma_semaphore, #tpu.memory_space<semaphore_mem>>) src(%arg14 : memref<16x128xf32, #tpu.memory_space<vmem>>) dst(%dma_wait3A_61 : memref<8704x128xf32, #tpu.memory_space<hbm>>)
    %mul3A_62 = arith.constant 256 : i32
    %mul3A_63 = arith.muli %add3A, %mul3A_62 : i32
    %add3A_64 = arith.constant 16 : i32
    %add3A_65 = arith.addi %mul3A_63, %add3A_64 : i32
    %dma_start3A_66 = arith.constant 0 : i32
    %dma_start3A_67 = tpu.memref_slice %arg3[%add3A_65, %dma_start3A_66] : memref<8192x2048xf32, #tpu.memory_space<hbm>> -> memref<16x2048xf32, #tpu.memory_space<hbm>>
    %dma_start3A_68 = arith.constant 0 : i32
    %dma_start3A_69 = tpu.memref_slice %arg3[%add3A_65, %dma_start3A_68] : memref<8192x2048xf32, #tpu.memory_space<hbm>> -> memref<16x2048xf32, #tpu.memory_space<hbm>>
    tpu.enqueue_dma source(%dma_start3A_69 : memref<16x2048xf32, #tpu.memory_space<hbm>>) target(%arg13 : memref<16x2048xf32, #tpu.memory_space<vmem>>) target_semaphore(%arg16 : memref<!tpu.dma_semaphore, #tpu.memory_space<semaphore_mem>>)
    %dma_start3A_70 = arith.constant 0 : i32
    %dma_start3A_71 = tpu.memref_slice %arg4[%add3A_65, %dma_start3A_70] : memref<8192x128xf32, #tpu.memory_space<hbm>> -> memref<16x128xf32, #tpu.memory_space<hbm>>
    %dma_start3A_72 = arith.constant 0 : i32
    %dma_start3A_73 = tpu.memref_slice %arg4[%add3A_65, %dma_start3A_72] : memref<8192x128xf32, #tpu.memory_space<hbm>> -> memref<16x128xf32, #tpu.memory_space<hbm>>
    tpu.enqueue_dma source(%dma_start3A_73 : memref<16x128xf32, #tpu.memory_space<hbm>>) target(%arg14 : memref<16x128xf32, #tpu.memory_space<vmem>>) target_semaphore(%arg17 : memref<!tpu.dma_semaphore, #tpu.memory_space<semaphore_mem>>)
    %get3A_74 = arith.index_cast %add3A_65 : i32 to index
    %get3A_75 = tpu.vector_load %arg10[%get3A_74] {strides = array<i32>} : memref<8192xi32, #tpu.memory_space<vmem>>, vector<16xi32>,
    %get3A_76 = vector.shape_cast %get3A_75 : vector<16xi32> to vector<16xi32>
    %sub3A_77 = arith.constant 8191 : i32
    %sub3A_78 = vector.broadcast %sub3A_77 : i32 to vector<16xi32>
    %sub3A_79 = arith.subi %get3A_76, %sub3A_78 : vector<16xi32>
    %max3A_80 = arith.constant 0 : i32
    %max3A_81 = vector.broadcast %max3A_80 : i32 to vector<16xi32>
    %max3A_82 = arith.maxsi %sub3A_79, %max3A_81 : vector<16xi32>
    %min3A_83 = arith.constant 1 : i32
    %min3A_84 = vector.broadcast %min3A_83 : i32 to vector<16xi32>
    %min3A_85 = arith.minsi %max3A_82, %min3A_84 : vector<16xi32>
    %sub3A_86 = arith.constant 1 : i32
    %sub3A_87 = vector.broadcast %sub3A_86 : i32 to vector<16xi32>
    %sub3A_88 = arith.subi %sub3A_87, %min3A_85 : vector<16xi32>
    %mul3A_89 = arith.muli %get3A_76, %sub3A_88 : vector<16xi32>
    %mul3A_90 = arith.constant 16 : i32
    %mul3A_91 = arith.muli %add3A, %mul3A_90 : i32
    %add3A_92 = arith.constant 8192 : i32
    %add3A_93 = arith.addi %add3A_92, %mul3A_91 : i32
    %add3A_94 = vector.broadcast %add3A_93 : i32 to vector<16xi32>
    %add3A_95 = arith.addi %add3A_94, %iota3A : vector<16xi32>
    %mul3A_96 = arith.muli %add3A_95, %min3A_85 : vector<16xi32>
    %add3A_97 = arith.addi %mul3A_89, %mul3A_96 : vector<16xi32>
    %swap3A_98 = arith.constant 0 : index
    %swap3A_99 = tpu.vector_load %arg12[%swap3A_98] {strides = array<i32>} : memref<16xi32, #tpu.memory_space<vmem>>, vector<16xi32>,
    %swap3A_100 = vector.shape_cast %swap3A_99 : vector<16xi32> to vector<16xi32>
    %swap3A_101 = vector.shape_cast %add3A_97 : vector<16xi32> to vector<16xi32>
    tpu.vector_store %arg12[%swap3A_98], %swap3A_101 {strides = array<i32>} : memref<16xi32, #tpu.memory_space<vmem>>, vector<16xi32>,
    %dma_wait3A_102 = arith.constant 0 : i32
    %dma_wait3A_103 = tpu.memref_slice %arg3[%add3A_65, %dma_wait3A_102] : memref<8192x2048xf32, #tpu.memory_space<hbm>> -> memref<16x2048xf32, #tpu.memory_space<hbm>>
    %dma_wait3A_104 = arith.constant 0 : i32
    %dma_wait3A_105 = tpu.memref_slice %arg3[%add3A_65, %dma_wait3A_104] : memref<8192x2048xf32, #tpu.memory_space<hbm>> -> memref<16x2048xf32, #tpu.memory_space<hbm>>
    tpu.wait_dma2 semaphore(%arg16 : memref<!tpu.dma_semaphore, #tpu.memory_space<semaphore_mem>>) src(%dma_wait3A_105 : memref<16x2048xf32, #tpu.memory_space<hbm>>) dst(%arg13 : memref<16x2048xf32, #tpu.memory_space<vmem>>)
    %dma_wait3A_106 = arith.constant 0 : i32
    %dma_wait3A_107 = tpu.memref_slice %arg4[%add3A_65, %dma_wait3A_106] : memref<8192x128xf32, #tpu.memory_space<hbm>> -> memref<16x128xf32, #tpu.memory_space<hbm>>
    %dma_wait3A_108 = arith.constant 0 : i32
    %dma_wait3A_109 = tpu.memref_slice %arg4[%add3A_65, %dma_wait3A_108] : memref<8192x128xf32, #tpu.memory_space<hbm>> -> memref<16x128xf32, #tpu.memory_space<hbm>>
    tpu.wait_dma2 semaphore(%arg17 : memref<!tpu.dma_semaphore, #tpu.memory_space<semaphore_mem>>) src(%dma_wait3A_109 : memref<16x128xf32, #tpu.memory_space<hbm>>) dst(%arg14 : memref<16x128xf32, #tpu.memory_space<vmem>>)
    %dma_start3A_110 = arith.constant 0 : i32
    %dma_start3A_111 = arith.constant 0 : i32
    %dma_start3A_112 = tpu.memref_slice %arg5[%dma_start3A_110, %dma_start3A_111] : memref<8704x2048xf32, #tpu.memory_space<hbm>> -> memref<8704x2048xf32, #tpu.memory_space<hbm>>
    tpu.enqueue_indirect_dma source(%arg13 : memref<16x2048xf32, #tpu.memory_space<vmem>>) target(%dma_start3A_112 : memref<8704x2048xf32, #tpu.memory_space<hbm>>) offsets(%arg12 : memref<16xi32, #tpu.memory_space<vmem>>) semaphore(%arg16 : memref<!tpu.dma_semaphore, #tpu.memory_space<semaphore_mem>>)
    %dma_start3A_113 = arith.constant 0 : i32
    %dma_start3A_114 = arith.constant 0 : i32
    %dma_start3A_115 = tpu.memref_slice %arg6[%dma_start3A_113, %dma_start3A_114] : memref<8704x128xf32, #tpu.memory_space<hbm>> -> memref<8704x128xf32, #tpu.memory_space<hbm>>
    tpu.enqueue_indirect_dma source(%arg14 : memref<16x128xf32, #tpu.memory_space<vmem>>) target(%dma_start3A_115 : memref<8704x128xf32, #tpu.memory_space<hbm>>) offsets(%arg12 : memref<16xi32, #tpu.memory_space<vmem>>) semaphore(%arg17 : memref<!tpu.dma_semaphore, #tpu.memory_space<semaphore_mem>>)
    %dma_wait3A_116 = arith.constant 0 : i32
    %dma_wait3A_117 = arith.constant 0 : i32
    %dma_wait3A_118 = tpu.memref_slice %arg5[%dma_wait3A_116, %dma_wait3A_117] : memref<8704x2048xf32, #tpu.memory_space<hbm>> -> memref<8704x2048xf32, #tpu.memory_space<hbm>>
    tpu.wait_indirect_dma semaphore(%arg16 : memref<!tpu.dma_semaphore, #tpu.memory_space<semaphore_mem>>) src(%arg13 : memref<16x2048xf32, #tpu.memory_space<vmem>>) dst(%dma_wait3A_118 : memref<8704x2048xf32, #tpu.memory_space<hbm>>)
    %dma_wait3A_119 = arith.constant 0 : i32
    %dma_wait3A_120 = arith.constant 0 : i32
    %dma_wait3A_121 = tpu.memref_slice %arg6[%dma_wait3A_119, %dma_wait3A_120] : memref<8704x128xf32, #tpu.memory_space<hbm>> -> memref<8704x128xf32, #tpu.memory_space<hbm>>
    tpu.wait_indirect_dma semaphore(%arg17 : memref<!tpu.dma_semaphore, #tpu.memory_space<semaphore_mem>>) src(%arg14 : memref<16x128xf32, #tpu.memory_space<vmem>>) dst(%dma_wait3A_121 : memref<8704x128xf32, #tpu.memory_space<hbm>>)
    %mul3A_122 = arith.constant 256 : i32
    %mul3A_123 = arith.muli %add3A, %mul3A_122 : i32
    %add3A_124 = arith.constant 32 : i32
    %add3A_125 = arith.addi %mul3A_123, %add3A_124 : i32
    %dma_start3A_126 = arith.constant 0 : i32
    %dma_start3A_127 = tpu.memref_slice %arg3[%add3A_125, %dma_start3A_126] : memref<8192x2048xf32, #tpu.memory_space<hbm>> -> memref<16x2048xf32, #tpu.memory_space<hbm>>
    %dma_start3A_128 = arith.constant 0 : i32
    %dma_start3A_129 = tpu.memref_slice %arg3[%add3A_125, %dma_start3A_128] : memref<8192x2048xf32, #tpu.memory_space<hbm>> -> memref<16x2048xf32, #tpu.memory_space<hbm>>
    tpu.enqueue_dma source(%dma_start3A_129 : memref<16x2048xf32, #tpu.memory_space<hbm>>) target(%arg13 : memref<16x2048xf32, #tpu.memory_space<vmem>>) target_semaphore(%arg16 : memref<!tpu.dma_semaphore, #tpu.memory_space<semaphore_mem>>)
    %dma_start3A_130 = arith.constant 0 : i32
    %dma_start3A_131 = tpu.memref_slice %arg4[%add3A_125, %dma_start3A_130] : memref<8192x128xf32, #tpu.memory_space<hbm>> -> memref<16x128xf32, #tpu.memory_space<hbm>>
    %dma_start3A_132 = arith.constant 0 : i32
    %dma_start3A_133 = tpu.memref_slice %arg4[%add3A_125, %dma_start3A_132] : memref<8192x128xf32, #tpu.memory_space<hbm>> -> memref<16x128xf32, #tpu.memory_space<hbm>>
    tpu.enqueue_dma source(%dma_start3A_133 : memref<16x128xf32, #tpu.memory_space<hbm>>) target(%arg14 : memref<16x128xf32, #tpu.memory_space<vmem>>) target_semaphore(%arg17 : memref<!tpu.dma_semaphore, #tpu.memory_space<semaphore_mem>>)
    %get3A_134 = arith.index_cast %add3A_125 : i32 to index
    %get3A_135 = tpu.vector_load %arg10[%get3A_134] {strides = array<i32>} : memref<8192xi32, #tpu.memory_space<vmem>>, vector<16xi32>,
    %get3A_136 = vector.shape_cast %get3A_135 : vector<16xi32> to vector<16xi32>
    %sub3A_137 = arith.constant 8191 : i32
    %sub3A_138 = vector.broadcast %sub3A_137 : i32 to vector<16xi32>
    %sub3A_139 = arith.subi %get3A_136, %sub3A_138 : vector<16xi32>
    %max3A_140 = arith.constant 0 : i32
    %max3A_141 = vector.broadcast %max3A_140 : i32 to vector<16xi32>
    %max3A_142 = arith.maxsi %sub3A_139, %max3A_141 : vector<16xi32>
    %min3A_143 = arith.constant 1 : i32
    %min3A_144 = vector.broadcast %min3A_143 : i32 to vector<16xi32>
    %min3A_145 = arith.minsi %max3A_142, %min3A_144 : vector<16xi32>
    %sub3A_146 = arith.constant 1 : i32
    %sub3A_147 = vector.broadcast %sub3A_146 : i32 to vector<16xi32>
    %sub3A_148 = arith.subi %sub3A_147, %min3A_145 : vector<16xi32>
    %mul3A_149 = arith.muli %get3A_136, %sub3A_148 : vector<16xi32>
    %mul3A_150 = arith.constant 16 : i32
    %mul3A_151 = arith.muli %add3A, %mul3A_150 : i32
    %add3A_152 = arith.constant 8192 : i32
    %add3A_153 = arith.addi %add3A_152, %mul3A_151 : i32
    %add3A_154 = vector.broadcast %add3A_153 : i32 to vector<16xi32>
    %add3A_155 = arith.addi %add3A_154, %iota3A : vector<16xi32>
    %mul3A_156 = arith.muli %add3A_155, %min3A_145 : vector<16xi32>
    %add3A_157 = arith.addi %mul3A_149, %mul3A_156 : vector<16xi32>
    %swap3A_158 = arith.constant 0 : index
    %swap3A_159 = tpu.vector_load %arg12[%swap3A_158] {strides = array<i32>} : memref<16xi32, #tpu.memory_space<vmem>>, vector<16xi32>,
    %swap3A_160 = vector.shape_cast %swap3A_159 : vector<16xi32> to vector<16xi32>
    %swap3A_161 = vector.shape_cast %add3A_157 : vector<16xi32> to vector<16xi32>
    tpu.vector_store %arg12[%swap3A_158], %swap3A_161 {strides = array<i32>} : memref<16xi32, #tpu.memory_space<vmem>>, vector<16xi32>,
    %dma_wait3A_162 = arith.constant 0 : i32
    %dma_wait3A_163 = tpu.memref_slice %arg3[%add3A_125, %dma_wait3A_162] : memref<8192x2048xf32, #tpu.memory_space<hbm>> -> memref<16x2048xf32, #tpu.memory_space<hbm>>
    %dma_wait3A_164 = arith.constant 0 : i32
    %dma_wait3A_165 = tpu.memref_slice %arg3[%add3A_125, %dma_wait3A_164] : memref<8192x2048xf32, #tpu.memory_space<hbm>> -> memref<16x2048xf32, #tpu.memory_space<hbm>>
    tpu.wait_dma2 semaphore(%arg16 : memref<!tpu.dma_semaphore, #tpu.memory_space<semaphore_mem>>) src(%dma_wait3A_165 : memref<16x2048xf32, #tpu.memory_space<hbm>>) dst(%arg13 : memref<16x2048xf32, #tpu.memory_space<vmem>>)
    %dma_wait3A_166 = arith.constant 0 : i32
    %dma_wait3A_167 = tpu.memref_slice %arg4[%add3A_125, %dma_wait3A_166] : memref<8192x128xf32, #tpu.memory_space<hbm>> -> memref<16x128xf32, #tpu.memory_space<hbm>>
    %dma_wait3A_168 = arith.constant 0 : i32
    %dma_wait3A_169 = tpu.memref_slice %arg4[%add3A_125, %dma_wait3A_168] : memref<8192x128xf32, #tpu.memory_space<hbm>> -> memref<16x128xf32, #tpu.memory_space<hbm>>
    tpu.wait_dma2 semaphore(%arg17 : memref<!tpu.dma_semaphore, #tpu.memory_space<semaphore_mem>>) src(%dma_wait3A_169 : memref<16x128xf32, #tpu.memory_space<hbm>>) dst(%arg14 : memref<16x128xf32, #tpu.memory_space<vmem>>)
    %dma_start3A_170 = arith.constant 0 : i32
    %dma_start3A_171 = arith.constant 0 : i32
    %dma_start3A_172 = tpu.memref_slice %arg5[%dma_start3A_170, %dma_start3A_171] : memref<8704x2048xf32, #tpu.memory_space<hbm>> -> memref<8704x2048xf32, #tpu.memory_space<hbm>>
    tpu.enqueue_indirect_dma source(%arg13 : memref<16x2048xf32, #tpu.memory_space<vmem>>) target(%dma_start3A_172 : memref<8704x2048xf32, #tpu.memory_space<hbm>>) offsets(%arg12 : memref<16xi32, #tpu.memory_space<vmem>>) semaphore(%arg16 : memref<!tpu.dma_semaphore, #tpu.memory_space<semaphore_mem>>)
    %dma_start3A_173 = arith.constant 0 : i32
    %dma_start3A_174 = arith.constant 0 : i32
    %dma_start3A_175 = tpu.memref_slice %arg6[%dma_start3A_173, %dma_start3A_174] : memref<8704x128xf32, #tpu.memory_space<hbm>> -> memref<8704x128xf32, #tpu.memory_space<hbm>>
    tpu.enqueue_indirect_dma source(%arg14 : memref<16x128xf32, #tpu.memory_space<vmem>>) target(%dma_start3A_175 : memref<8704x128xf32, #tpu.memory_space<hbm>>) offsets(%arg12 : memref<16xi32, #tpu.memory_space<vmem>>) semaphore(%arg17 : memref<!tpu.dma_semaphore, #tpu.memory_space<semaphore_mem>>)
    %dma_wait3A_176 = arith.constant 0 : i32
    %dma_wait3A_177 = arith.constant 0 : i32
    %dma_wait3A_178 = tpu.memref_slice %arg5[%dma_wait3A_176, %dma_wait3A_177] : memref<8704x2048xf32, #tpu.memory_space<hbm>> -> memref<8704x2048xf32, #tpu.memory_space<hbm>>
    tpu.wait_indirect_dma semaphore(%arg16 : memref<!tpu.dma_semaphore, #tpu.memory_space<semaphore_mem>>) src(%arg13 : memref<16x2048xf32, #tpu.memory_space<vmem>>) dst(%dma_wait3A_178 : memref<8704x2048xf32, #tpu.memory_space<hbm>>)
    %dma_wait3A_179 = arith.constant 0 : i32
    %dma_wait3A_180 = arith.constant 0 : i32
    %dma_wait3A_181 = tpu.memref_slice %arg6[%dma_wait3A_179, %dma_wait3A_180] : memref<8704x128xf32, #tpu.memory_space<hbm>> -> memref<8704x128xf32, #tpu.memory_space<hbm>>
    tpu.wait_indirect_dma semaphore(%arg17 : memref<!tpu.dma_semaphore, #tpu.memory_space<semaphore_mem>>) src(%arg14 : memref<16x128xf32, #tpu.memory_space<vmem>>) dst(%dma_wait3A_181 : memref<8704x128xf32, #tpu.memory_space<hbm>>)
    %mul3A_182 = arith.constant 256 : i32
    %mul3A_183 = arith.muli %add3A, %mul3A_182 : i32
    %add3A_184 = arith.constant 48 : i32
    %add3A_185 = arith.addi %mul3A_183, %add3A_184 : i32
    %dma_start3A_186 = arith.constant 0 : i32
    %dma_start3A_187 = tpu.memref_slice %arg3[%add3A_185, %dma_start3A_186] : memref<8192x2048xf32, #tpu.memory_space<hbm>> -> memref<16x2048xf32, #tpu.memory_space<hbm>>
    %dma_start3A_188 = arith.constant 0 : i32
    %dma_start3A_189 = tpu.memref_slice %arg3[%add3A_185, %dma_start3A_188] : memref<8192x2048xf32, #tpu.memory_space<hbm>> -> memref<16x2048xf32, #tpu.memory_space<hbm>>
    tpu.enqueue_dma source(%dma_start3A_189 : memref<16x2048xf32, #tpu.memory_space<hbm>>) target(%arg13 : memref<16x2048xf32, #tpu.memory_space<vmem>>) target_semaphore(%arg16 : memref<!tpu.dma_semaphore, #tpu.memory_space<semaphore_mem>>)
    %dma_start3A_190 = arith.constant 0 : i32
    %dma_start3A_191 = tpu.memref_slice %arg4[%add3A_185, %dma_start3A_190] : memref<8192x128xf32, #tpu.memory_space<hbm>> -> memref<16x128xf32, #tpu.memory_space<hbm>>
    %dma_start3A_192 = arith.constant 0 : i32
    %dma_start3A_193 = tpu.memref_slice %arg4[%add3A_185, %dma_start3A_192] : memref<8192x128xf32, #tpu.memory_space<hbm>> -> memref<16x128xf32, #tpu.memory_space<hbm>>
    tpu.enqueue_dma source(%dma_start3A_193 : memref<16x128xf32, #tpu.memory_space<hbm>>) target(%arg14 : memref<16x128xf32, #tpu.memory_space<vmem>>) target_semaphore(%arg17 : memref<!tpu.dma_semaphore, #tpu.memory_space<semaphore_mem>>)
    %get3A_194 = arith.index_cast %add3A_185 : i32 to index
    %get3A_195 = tpu.vector_load %arg10[%get3A_194] {strides = array<i32>} : memref<8192xi32, #tpu.memory_space<vmem>>, vector<16xi32>,
    %get3A_196 = vector.shape_cast %get3A_195 : vector<16xi32> to vector<16xi32>
    %sub3A_197 = arith.constant 8191 : i32
    %sub3A_198 = vector.broadcast %sub3A_197 : i32 to vector<16xi32>
    %sub3A_199 = arith.subi %get3A_196, %sub3A_198 : vector<16xi32>
    %max3A_200 = arith.constant 0 : i32
    %max3A_201 = vector.broadcast %max3A_200 : i32 to vector<16xi32>
    %max3A_202 = arith.maxsi %sub3A_199, %max3A_201 : vector<16xi32>
    %min3A_203 = arith.constant 1 : i32
    %min3A_204 = vector.broadcast %min3A_203 : i32 to vector<16xi32>
    %min3A_205 = arith.minsi %max3A_202, %min3A_204 : vector<16xi32>
    %sub3A_206 = arith.constant 1 : i32
    %sub3A_207 = vector.broadcast %sub3A_206 : i32 to vector<16xi32>
    %sub3A_208 = arith.subi %sub3A_207, %min3A_205 : vector<16xi32>
    %mul3A_209 = arith.muli %get3A_196, %sub3A_208 : vector<16xi32>
    %mul3A_210 = arith.constant 16 : i32
    %mul3A_211 = arith.muli %add3A, %mul3A_210 : i32
    %add3A_212 = arith.constant 8192 : i32
    %add3A_213 = arith.addi %add3A_212, %mul3A_211 : i32
    %add3A_214 = vector.broadcast %add3A_213 : i32 to vector<16xi32>
    %add3A_215 = arith.addi %add3A_214, %iota3A : vector<16xi32>
    %mul3A_216 = arith.muli %add3A_215, %min3A_205 : vector<16xi32>
    %add3A_217 = arith.addi %mul3A_209, %mul3A_216 : vector<16xi32>
    %swap3A_218 = arith.constant 0 : index
    %swap3A_219 = tpu.vector_load %arg12[%swap3A_218] {strides = array<i32>} : memref<16xi32, #tpu.memory_space<vmem>>, vector<16xi32>,
    %swap3A_220 = vector.shape_cast %swap3A_219 : vector<16xi32> to vector<16xi32>
    %swap3A_221 = vector.shape_cast %add3A_217 : vector<16xi32> to vector<16xi32>
    tpu.vector_store %arg12[%swap3A_218], %swap3A_221 {strides = array<i32>} : memref<16xi32, #tpu.memory_space<vmem>>, vector<16xi32>,
    %dma_wait3A_222 = arith.constant 0 : i32
    %dma_wait3A_223 = tpu.memref_slice %arg3[%add3A_185, %dma_wait3A_222] : memref<8192x2048xf32, #tpu.memory_space<hbm>> -> memref<16x2048xf32, #tpu.memory_space<hbm>>
    %dma_wait3A_224 = arith.constant 0 : i32
    %dma_wait3A_225 = tpu.memref_slice %arg3[%add3A_185, %dma_wait3A_224] : memref<8192x2048xf32, #tpu.memory_space<hbm>> -> memref<16x2048xf32, #tpu.memory_space<hbm>>
    tpu.wait_dma2 semaphore(%arg16 : memref<!tpu.dma_semaphore, #tpu.memory_space<semaphore_mem>>) src(%dma_wait3A_225 : memref<16x2048xf32, #tpu.memory_space<hbm>>) dst(%arg13 : memref<16x2048xf32, #tpu.memory_space<vmem>>)
    %dma_wait3A_226 = arith.constant 0 : i32
    %dma_wait3A_227 = tpu.memref_slice %arg4[%add3A_185, %dma_wait3A_226] : memref<8192x128xf32, #tpu.memory_space<hbm>> -> memref<16x128xf32, #tpu.memory_space<hbm>>
    %dma_wait3A_228 = arith.constant 0 : i32
    %dma_wait3A_229 = tpu.memref_slice %arg4[%add3A_185, %dma_wait3A_228] : memref<8192x128xf32, #tpu.memory_space<hbm>> -> memref<16x128xf32, #tpu.memory_space<hbm>>
    tpu.wait_dma2 semaphore(%arg17 : memref<!tpu.dma_semaphore, #tpu.memory_space<semaphore_mem>>) src(%dma_wait3A_229 : memref<16x128xf32, #tpu.memory_space<hbm>>) dst(%arg14 : memref<16x128xf32, #tpu.memory_space<vmem>>)
    %dma_start3A_230 = arith.constant 0 : i32
    %dma_start3A_231 = arith.constant 0 : i32
    %dma_start3A_232 = tpu.memref_slice %arg5[%dma_start3A_230, %dma_start3A_231] : memref<8704x2048xf32, #tpu.memory_space<hbm>> -> memref<8704x2048xf32, #tpu.memory_space<hbm>>
    tpu.enqueue_indirect_dma source(%arg13 : memref<16x2048xf32, #tpu.memory_space<vmem>>) target(%dma_start3A_232 : memref<8704x2048xf32, #tpu.memory_space<hbm>>) offsets(%arg12 : memref<16xi32, #tpu.memory_space<vmem>>) semaphore(%arg16 : memref<!tpu.dma_semaphore, #tpu.memory_space<semaphore_mem>>)
    %dma_start3A_233 = arith.constant 0 : i32
    %dma_start3A_234 = arith.constant 0 : i32
    %dma_start3A_235 = tpu.memref_slice %arg6[%dma_start3A_233, %dma_start3A_234] : memref<8704x128xf32, #tpu.memory_space<hbm>> -> memref<8704x128xf32, #tpu.memory_space<hbm>>
    tpu.enqueue_indirect_dma source(%arg14 : memref<16x128xf32, #tpu.memory_space<vmem>>) target(%dma_start3A_235 : memref<8704x128xf32, #tpu.memory_space<hbm>>) offsets(%arg12 : memref<16xi32, #tpu.memory_space<vmem>>) semaphore(%arg17 : memref<!tpu.dma_semaphore, #tpu.memory_space<semaphore_mem>>)
    %dma_wait3A_236 = arith.constant 0 : i32
    %dma_wait3A_237 = arith.constant 0 : i32
    %dma_wait3A_238 = tpu.memref_slice %arg5[%dma_wait3A_236, %dma_wait3A_237] : memref<8704x2048xf32, #tpu.memory_space<hbm>> -> memref<8704x2048xf32, #tpu.memory_space<hbm>>
    tpu.wait_indirect_dma semaphore(%arg16 : memref<!tpu.dma_semaphore, #tpu.memory_space<semaphore_mem>>) src(%arg13 : memref<16x2048xf32, #tpu.memory_space<vmem>>) dst(%dma_wait3A_238 : memref<8704x2048xf32, #tpu.memory_space<hbm>>)
    %dma_wait3A_239 = arith.constant 0 : i32
    %dma_wait3A_240 = arith.constant 0 : i32
    %dma_wait3A_241 = tpu.memref_slice %arg6[%dma_wait3A_239, %dma_wait3A_240] : memref<8704x128xf32, #tpu.memory_space<hbm>> -> memref<8704x128xf32, #tpu.memory_space<hbm>>
    tpu.wait_indirect_dma semaphore(%arg17 : memref<!tpu.dma_semaphore, #tpu.memory_space<semaphore_mem>>) src(%arg14 : memref<16x128xf32, #tpu.memory_space<vmem>>) dst(%dma_wait3A_241 : memref<8704x128xf32, #tpu.memory_space<hbm>>)
    %mul3A_242 = arith.constant 256 : i32
    %mul3A_243 = arith.muli %add3A, %mul3A_242 : i32
    %add3A_244 = arith.constant 64 : i32
    %add3A_245 = arith.addi %mul3A_243, %add3A_244 : i32
    %dma_start3A_246 = arith.constant 0 : i32
    %dma_start3A_247 = tpu.memref_slice %arg3[%add3A_245, %dma_start3A_246] : memref<8192x2048xf32, #tpu.memory_space<hbm>> -> memref<16x2048xf32, #tpu.memory_space<hbm>>
    %dma_start3A_248 = arith.constant 0 : i32
    %dma_start3A_249 = tpu.memref_slice %arg3[%add3A_245, %dma_start3A_248] : memref<8192x2048xf32, #tpu.memory_space<hbm>> -> memref<16x2048xf32, #tpu.memory_space<hbm>>
    tpu.enqueue_dma source(%dma_start3A_249 : memref<16x2048xf32, #tpu.memory_space<hbm>>) target(%arg13 : memref<16x2048xf32, #tpu.memory_space<vmem>>) target_semaphore(%arg16 : memref<!tpu.dma_semaphore, #tpu.memory_space<semaphore_mem>>)
    %dma_start3A_250 = arith.constant 0 : i32
    %dma_start3A_251 = tpu.memref_slice %arg4[%add3A_245, %dma_start3A_250] : memref<8192x128xf32, #tpu.memory_space<hbm>> -> memref<16x128xf32, #tpu.memory_space<hbm>>
    %dma_start3A_252 = arith.constant 0 : i32
    %dma_start3A_253 = tpu.memref_slice %arg4[%add3A_245, %dma_start3A_252] : memref<8192x128xf32, #tpu.memory_space<hbm>> -> memref<16x128xf32, #tpu.memory_space<hbm>>
    tpu.enqueue_dma source(%dma_start3A_253 : memref<16x128xf32, #tpu.memory_space<hbm>>) target(%arg14 : memref<16x128xf32, #tpu.memory_space<vmem>>) target_semaphore(%arg17 : memref<!tpu.dma_semaphore, #tpu.memory_space<semaphore_mem>>)
    %get3A_254 = arith.index_cast %add3A_245 : i32 to index
    %get3A_255 = tpu.vector_load %arg10[%get3A_254] {strides = array<i32>} : memref<8192xi32, #tpu.memory_space<vmem>>, vector<16xi32>,
    %get3A_256 = vector.shape_cast %get3A_255 : vector<16xi32> to vector<16xi32>
    %sub3A_257 = arith.constant 8191 : i32
    %sub3A_258 = vector.broadcast %sub3A_257 : i32 to vector<16xi32>
    %sub3A_259 = arith.subi %get3A_256, %sub3A_258 : vector<16xi32>
    %max3A_260 = arith.constant 0 : i32
    %max3A_261 = vector.broadcast %max3A_260 : i32 to vector<16xi32>
    %max3A_262 = arith.maxsi %sub3A_259, %max3A_261 : vector<16xi32>
    %min3A_263 = arith.constant 1 : i32
    %min3A_264 = vector.broadcast %min3A_263 : i32 to vector<16xi32>
    %min3A_265 = arith.minsi %max3A_262, %min3A_264 : vector<16xi32>
    %sub3A_266 = arith.constant 1 : i32
    %sub3A_267 = vector.broadcast %sub3A_266 : i32 to vector<16xi32>
    %sub3A_268 = arith.subi %sub3A_267, %min3A_265 : vector<16xi32>
    %mul3A_269 = arith.muli %get3A_256, %sub3A_268 : vector<16xi32>
    %mul3A_270 = arith.constant 16 : i32
    %mul3A_271 = arith.muli %add3A, %mul3A_270 : i32
    %add3A_272 = arith.constant 8192 : i32
    %add3A_273 = arith.addi %add3A_272, %mul3A_271 : i32
    %add3A_274 = vector.broadcast %add3A_273 : i32 to vector<16xi32>
    %add3A_275 = arith.addi %add3A_274, %iota3A : vector<16xi32>
    %mul3A_276 = arith.muli %add3A_275, %min3A_265 : vector<16xi32>
    %add3A_277 = arith.addi %mul3A_269, %mul3A_276 : vector<16xi32>
    %swap3A_278 = arith.constant 0 : index
    %swap3A_279 = tpu.vector_load %arg12[%swap3A_278] {strides = array<i32>} : memref<16xi32, #tpu.memory_space<vmem>>, vector<16xi32>,
    %swap3A_280 = vector.shape_cast %swap3A_279 : vector<16xi32> to vector<16xi32>
    %swap3A_281 = vector.shape_cast %add3A_277 : vector<16xi32> to vector<16xi32>
    tpu.vector_store %arg12[%swap3A_278], %swap3A_281 {strides = array<i32>} : memref<16xi32, #tpu.memory_space<vmem>>, vector<16xi32>,
    %dma_wait3A_282 = arith.constant 0 : i32
    %dma_wait3A_283 = tpu.memref_slice %arg3[%add3A_245, %dma_wait3A_282] : memref<8192x2048xf32, #tpu.memory_space<hbm>> -> memref<16x2048xf32, #tpu.memory_space<hbm>>
    %dma_wait3A_284 = arith.constant 0 : i32
    %dma_wait3A_285 = tpu.memref_slice %arg3[%add3A_245, %dma_wait3A_284] : memref<8192x2048xf32, #tpu.memory_space<hbm>> -> memref<16x2048xf32, #tpu.memory_space<hbm>>
    tpu.wait_dma2 semaphore(%arg16 : memref<!tpu.dma_semaphore, #tpu.memory_space<semaphore_mem>>) src(%dma_wait3A_285 : memref<16x2048xf32, #tpu.memory_space<hbm>>) dst(%arg13 : memref<16x2048xf32, #tpu.memory_space<vmem>>)
    %dma_wait3A_286 = arith.constant 0 : i32
    %dma_wait3A_287 = tpu.memref_slice %arg4[%add3A_245, %dma_wait3A_286] : memref<8192x128xf32, #tpu.memory_space<hbm>> -> memref<16x128xf32, #tpu.memory_space<hbm>>
    %dma_wait3A_288 = arith.constant 0 : i32
    %dma_wait3A_289 = tpu.memref_slice %arg4[%add3A_245, %dma_wait3A_288] : memref<8192x128xf32, #tpu.memory_space<hbm>> -> memref<16x128xf32, #tpu.memory_space<hbm>>
    tpu.wait_dma2 semaphore(%arg17 : memref<!tpu.dma_semaphore, #tpu.memory_space<semaphore_mem>>) src(%dma_wait3A_289 : memref<16x128xf32, #tpu.memory_space<hbm>>) dst(%arg14 : memref<16x128xf32, #tpu.memory_space<vmem>>)
    %dma_start3A_290 = arith.constant 0 : i32
    %dma_start3A_291 = arith.constant 0 : i32
    %dma_start3A_292 = tpu.memref_slice %arg5[%dma_start3A_290, %dma_start3A_291] : memref<8704x2048xf32, #tpu.memory_space<hbm>> -> memref<8704x2048xf32, #tpu.memory_space<hbm>>
    tpu.enqueue_indirect_dma source(%arg13 : memref<16x2048xf32, #tpu.memory_space<vmem>>) target(%dma_start3A_292 : memref<8704x2048xf32, #tpu.memory_space<hbm>>) offsets(%arg12 : memref<16xi32, #tpu.memory_space<vmem>>) semaphore(%arg16 : memref<!tpu.dma_semaphore, #tpu.memory_space<semaphore_mem>>)
    %dma_start3A_293 = arith.constant 0 : i32
    %dma_start3A_294 = arith.constant 0 : i32
    %dma_start3A_295 = tpu.memref_slice %arg6[%dma_start3A_293, %dma_start3A_294] : memref<8704x128xf32, #tpu.memory_space<hbm>> -> memref<8704x128xf32, #tpu.memory_space<hbm>>
    tpu.enqueue_indirect_dma source(%arg14 : memref<16x128xf32, #tpu.memory_space<vmem>>) target(%dma_start3A_295 : memref<8704x128xf32, #tpu.memory_space<hbm>>) offsets(%arg12 : memref<16xi32, #tpu.memory_space<vmem>>) semaphore(%arg17 : memref<!tpu.dma_semaphore, #tpu.memory_space<semaphore_mem>>)
    %dma_wait3A_296 = arith.constant 0 : i32
    %dma_wait3A_297 = arith.constant 0 : i32
    %dma_wait3A_298 = tpu.memref_slice %arg5[%dma_wait3A_296, %dma_wait3A_297] : memref<8704x2048xf32, #tpu.memory_space<hbm>> -> memref<8704x2048xf32, #tpu.memory_space<hbm>>
    tpu.wait_indirect_dma semaphore(%arg16 : memref<!tpu.dma_semaphore, #tpu.memory_space<semaphore_mem>>) src(%arg13 : memref<16x2048xf32, #tpu.memory_space<vmem>>) dst(%dma_wait3A_298 : memref<8704x2048xf32, #tpu.memory_space<hbm>>)
    %dma_wait3A_299 = arith.constant 0 : i32
    %dma_wait3A_300 = arith.constant 0 : i32
    %dma_wait3A_301 = tpu.memref_slice %arg6[%dma_wait3A_299, %dma_wait3A_300] : memref<8704x128xf32, #tpu.memory_space<hbm>> -> memref<8704x128xf32, #tpu.memory_space<hbm>>
    tpu.wait_indirect_dma semaphore(%arg17 : memref<!tpu.dma_semaphore, #tpu.memory_space<semaphore_mem>>) src(%arg14 : memref<16x128xf32, #tpu.memory_space<vmem>>) dst(%dma_wait3A_301 : memref<8704x128xf32, #tpu.memory_space<hbm>>)
    %mul3A_302 = arith.constant 256 : i32
    %mul3A_303 = arith.muli %add3A, %mul3A_302 : i32
    %add3A_304 = arith.constant 80 : i32
    %add3A_305 = arith.addi %mul3A_303, %add3A_304 : i32
    %dma_start3A_306 = arith.constant 0 : i32
    %dma_start3A_307 = tpu.memref_slice %arg3[%add3A_305, %dma_start3A_306] : memref<8192x2048xf32, #tpu.memory_space<hbm>> -> memref<16x2048xf32, #tpu.memory_space<hbm>>
    %dma_start3A_308 = arith.constant 0 : i32
    %dma_start3A_309 = tpu.memref_slice %arg3[%add3A_305, %dma_start3A_308] : memref<8192x2048xf32, #tpu.memory_space<hbm>> -> memref<16x2048xf32, #tpu.memory_space<hbm>>
    tpu.enqueue_dma source(%dma_start3A_309 : memref<16x2048xf32, #tpu.memory_space<hbm>>) target(%arg13 : memref<16x2048xf32, #tpu.memory_space<vmem>>) target_semaphore(%arg16 : memref<!tpu.dma_semaphore, #tpu.memory_space<semaphore_mem>>)
    %dma_start3A_310 = arith.constant 0 : i32
    %dma_start3A_311 = tpu.memref_slice %arg4[%add3A_305, %dma_start3A_310] : memref<8192x128xf32, #tpu.memory_space<hbm>> -> memref<16x128xf32, #tpu.memory_space<hbm>>
    %dma_start3A_312 = arith.constant 0 : i32
    %dma_start3A_313 = tpu.memref_slice %arg4[%add3A_305, %dma_start3A_312] : memref<8192x128xf32, #tpu.memory_space<hbm>> -> memref<16x128xf32, #tpu.memory_space<hbm>>
    tpu.enqueue_dma source(%dma_start3A_313 : memref<16x128xf32, #tpu.memory_space<hbm>>) target(%arg14 : memref<16x128xf32, #tpu.memory_space<vmem>>) target_semaphore(%arg17 : memref<!tpu.dma_semaphore, #tpu.memory_space<semaphore_mem>>)
    %get3A_314 = arith.index_cast %add3A_305 : i32 to index
    %get3A_315 = tpu.vector_load %arg10[%get3A_314] {strides = array<i32>} : memref<8192xi32, #tpu.memory_space<vmem>>, vector<16xi32>,
    %get3A_316 = vector.shape_cast %get3A_315 : vector<16xi32> to vector<16xi32>
    %sub3A_317 = arith.constant 8191 : i32
    %sub3A_318 = vector.broadcast %sub3A_317 : i32 to vector<16xi32>
    %sub3A_319 = arith.subi %get3A_316, %sub3A_318 : vector<16xi32>
    %max3A_320 = arith.constant 0 : i32
    %max3A_321 = vector.broadcast %max3A_320 : i32 to vector<16xi32>
    %max3A_322 = arith.maxsi %sub3A_319, %max3A_321 : vector<16xi32>
    %min3A_323 = arith.constant 1 : i32
    %min3A_324 = vector.broadcast %min3A_323 : i32 to vector<16xi32>
    %min3A_325 = arith.minsi %max3A_322, %min3A_324 : vector<16xi32>
    %sub3A_326 = arith.constant 1 : i32
    %sub3A_327 = vector.broadcast %sub3A_326 : i32 to vector<16xi32>
    %sub3A_328 = arith.subi %sub3A_327, %min3A_325 : vector<16xi32>
    %mul3A_329 = arith.muli %get3A_316, %sub3A_328 : vector<16xi32>
    %mul3A_330 = arith.constant 16 : i32
    %mul3A_331 = arith.muli %add3A, %mul3A_330 : i32
    %add3A_332 = arith.constant 8192 : i32
    %add3A_333 = arith.addi %add3A_332, %mul3A_331 : i32
    %add3A_334 = vector.broadcast %add3A_333 : i32 to vector<16xi32>
    %add3A_335 = arith.addi %add3A_334, %iota3A : vector<16xi32>
    %mul3A_336 = arith.muli %add3A_335, %min3A_325 : vector<16xi32>
    %add3A_337 = arith.addi %mul3A_329, %mul3A_336 : vector<16xi32>
    %swap3A_338 = arith.constant 0 : index
    %swap3A_339 = tpu.vector_load %arg12[%swap3A_338] {strides = array<i32>} : memref<16xi32, #tpu.memory_space<vmem>>, vector<16xi32>,
    %swap3A_340 = vector.shape_cast %swap3A_339 : vector<16xi32> to vector<16xi32>
    %swap3A_341 = vector.shape_cast %add3A_337 : vector<16xi32> to vector<16xi32>
    tpu.vector_store %arg12[%swap3A_338], %swap3A_341 {strides = array<i32>} : memref<16xi32, #tpu.memory_space<vmem>>, vector<16xi32>,
    %dma_wait3A_342 = arith.constant 0 : i32
    %dma_wait3A_343 = tpu.memref_slice %arg3[%add3A_305, %dma_wait3A_342] : memref<8192x2048xf32, #tpu.memory_space<hbm>> -> memref<16x2048xf32, #tpu.memory_space<hbm>>
    %dma_wait3A_344 = arith.constant 0 : i32
    %dma_wait3A_345 = tpu.memref_slice %arg3[%add3A_305, %dma_wait3A_344] : memref<8192x2048xf32, #tpu.memory_space<hbm>> -> memref<16x2048xf32, #tpu.memory_space<hbm>>
    tpu.wait_dma2 semaphore(%arg16 : memref<!tpu.dma_semaphore, #tpu.memory_space<semaphore_mem>>) src(%dma_wait3A_345 : memref<16x2048xf32, #tpu.memory_space<hbm>>) dst(%arg13 : memref<16x2048xf32, #tpu.memory_space<vmem>>)
    %dma_wait3A_346 = arith.constant 0 : i32
    %dma_wait3A_347 = tpu.memref_slice %arg4[%add3A_305, %dma_wait3A_346] : memref<8192x128xf32, #tpu.memory_space<hbm>> -> memref<16x128xf32, #tpu.memory_space<hbm>>
    %dma_wait3A_348 = arith.constant 0 : i32
    %dma_wait3A_349 = tpu.memref_slice %arg4[%add3A_305, %dma_wait3A_348] : memref<8192x128xf32, #tpu.memory_space<hbm>> -> memref<16x128xf32, #tpu.memory_space<hbm>>
    tpu.wait_dma2 semaphore(%arg17 : memref<!tpu.dma_semaphore, #tpu.memory_space<semaphore_mem>>) src(%dma_wait3A_349 : memref<16x128xf32, #tpu.memory_space<hbm>>) dst(%arg14 : memref<16x128xf32, #tpu.memory_space<vmem>>)
    %dma_start3A_350 = arith.constant 0 : i32
    %dma_start3A_351 = arith.constant 0 : i32
    %dma_start3A_352 = tpu.memref_slice %arg5[%dma_start3A_350, %dma_start3A_351] : memref<8704x2048xf32, #tpu.memory_space<hbm>> -> memref<8704x2048xf32, #tpu.memory_space<hbm>>
    tpu.enqueue_indirect_dma source(%arg13 : memref<16x2048xf32, #tpu.memory_space<vmem>>) target(%dma_start3A_352 : memref<8704x2048xf32, #tpu.memory_space<hbm>>) offsets(%arg12 : memref<16xi32, #tpu.memory_space<vmem>>) semaphore(%arg16 : memref<!tpu.dma_semaphore, #tpu.memory_space<semaphore_mem>>)
    %dma_start3A_353 = arith.constant 0 : i32
    %dma_start3A_354 = arith.constant 0 : i32
    %dma_start3A_355 = tpu.memref_slice %arg6[%dma_start3A_353, %dma_start3A_354] : memref<8704x128xf32, #tpu.memory_space<hbm>> -> memref<8704x128xf32, #tpu.memory_space<hbm>>
    tpu.enqueue_indirect_dma source(%arg14 : memref<16x128xf32, #tpu.memory_space<vmem>>) target(%dma_start3A_355 : memref<8704x128xf32, #tpu.memory_space<hbm>>) offsets(%arg12 : memref<16xi32, #tpu.memory_space<vmem>>) semaphore(%arg17 : memref<!tpu.dma_semaphore, #tpu.memory_space<semaphore_mem>>)
    %dma_wait3A_356 = arith.constant 0 : i32
    %dma_wait3A_357 = arith.constant 0 : i32
    %dma_wait3A_358 = tpu.memref_slice %arg5[%dma_wait3A_356, %dma_wait3A_357] : memref<8704x2048xf32, #tpu.memory_space<hbm>> -> memref<8704x2048xf32, #tpu.memory_space<hbm>>
    tpu.wait_indirect_dma semaphore(%arg16 : memref<!tpu.dma_semaphore, #tpu.memory_space<semaphore_mem>>) src(%arg13 : memref<16x2048xf32, #tpu.memory_space<vmem>>) dst(%dma_wait3A_358 : memref<8704x2048xf32, #tpu.memory_space<hbm>>)
    %dma_wait3A_359 = arith.constant 0 : i32
    %dma_wait3A_360 = arith.constant 0 : i32
    %dma_wait3A_361 = tpu.memref_slice %arg6[%dma_wait3A_359, %dma_wait3A_360] : memref<8704x128xf32, #tpu.memory_space<hbm>> -> memref<8704x128xf32, #tpu.memory_space<hbm>>
    tpu.wait_indirect_dma semaphore(%arg17 : memref<!tpu.dma_semaphore, #tpu.memory_space<semaphore_mem>>) src(%arg14 : memref<16x128xf32, #tpu.memory_space<vmem>>) dst(%dma_wait3A_361 : memref<8704x128xf32, #tpu.memory_space<hbm>>)
    %mul3A_362 = arith.constant 256 : i32
    %mul3A_363 = arith.muli %add3A, %mul3A_362 : i32
    %add3A_364 = arith.constant 96 : i32
    %add3A_365 = arith.addi %mul3A_363, %add3A_364 : i32
    %dma_start3A_366 = arith.constant 0 : i32
    %dma_start3A_367 = tpu.memref_slice %arg3[%add3A_365, %dma_start3A_366] : memref<8192x2048xf32, #tpu.memory_space<hbm>> -> memref<16x2048xf32, #tpu.memory_space<hbm>>
    %dma_start3A_368 = arith.constant 0 : i32
    %dma_start3A_369 = tpu.memref_slice %arg3[%add3A_365, %dma_start3A_368] : memref<8192x2048xf32, #tpu.memory_space<hbm>> -> memref<16x2048xf32, #tpu.memory_space<hbm>>
    tpu.enqueue_dma source(%dma_start3A_369 : memref<16x2048xf32, #tpu.memory_space<hbm>>) target(%arg13 : memref<16x2048xf32, #tpu.memory_space<vmem>>) target_semaphore(%arg16 : memref<!tpu.dma_semaphore, #tpu.memory_space<semaphore_mem>>)
    %dma_start3A_370 = arith.constant 0 : i32
    %dma_start3A_371 = tpu.memref_slice %arg4[%add3A_365, %dma_start3A_370] : memref<8192x128xf32, #tpu.memory_space<hbm>> -> memref<16x128xf32, #tpu.memory_space<hbm>>
    %dma_start3A_372 = arith.constant 0 : i32
    %dma_start3A_373 = tpu.memref_slice %arg4[%add3A_365, %dma_start3A_372] : memref<8192x128xf32, #tpu.memory_space<hbm>> -> memref<16x128xf32, #tpu.memory_space<hbm>>
    tpu.enqueue_dma source(%dma_start3A_373 : memref<16x128xf32, #tpu.memory_space<hbm>>) target(%arg14 : memref<16x128xf32, #tpu.memory_space<vmem>>) target_semaphore(%arg17 : memref<!tpu.dma_semaphore, #tpu.memory_space<semaphore_mem>>)
    %get3A_374 = arith.index_cast %add3A_365 : i32 to index
    %get3A_375 = tpu.vector_load %arg10[%get3A_374] {strides = array<i32>} : memref<8192xi32, #tpu.memory_space<vmem>>, vector<16xi32>,
    %get3A_376 = vector.shape_cast %get3A_375 : vector<16xi32> to vector<16xi32>
    %sub3A_377 = arith.constant 8191 : i32
    %sub3A_378 = vector.broadcast %sub3A_377 : i32 to vector<16xi32>
    %sub3A_379 = arith.subi %get3A_376, %sub3A_378 : vector<16xi32>
    %max3A_380 = arith.constant 0 : i32
    %max3A_381 = vector.broadcast %max3A_380 : i32 to vector<16xi32>
    %max3A_382 = arith.maxsi %sub3A_379, %max3A_381 : vector<16xi32>
    %min3A_383 = arith.constant 1 : i32
    %min3A_384 = vector.broadcast %min3A_383 : i32 to vector<16xi32>
    %min3A_385 = arith.minsi %max3A_382, %min3A_384 : vector<16xi32>
    %sub3A_386 = arith.constant 1 : i32
    %sub3A_387 = vector.broadcast %sub3A_386 : i32 to vector<16xi32>
    %sub3A_388 = arith.subi %sub3A_387, %min3A_385 : vector<16xi32>
    %mul3A_389 = arith.muli %get3A_376, %sub3A_388 : vector<16xi32>
    %mul3A_390 = arith.constant 16 : i32
    %mul3A_391 = arith.muli %add3A, %mul3A_390 : i32
    %add3A_392 = arith.constant 8192 : i32
    %add3A_393 = arith.addi %add3A_392, %mul3A_391 : i32
    %add3A_394 = vector.broadcast %add3A_393 : i32 to vector<16xi32>
    %add3A_395 = arith.addi %add3A_394, %iota3A : vector<16xi32>
    %mul3A_396 = arith.muli %add3A_395, %min3A_385 : vector<16xi32>
    %add3A_397 = arith.addi %mul3A_389, %mul3A_396 : vector<16xi32>
    %swap3A_398 = arith.constant 0 : index
    %swap3A_399 = tpu.vector_load %arg12[%swap3A_398] {strides = array<i32>} : memref<16xi32, #tpu.memory_space<vmem>>, vector<16xi32>,
    %swap3A_400 = vector.shape_cast %swap3A_399 : vector<16xi32> to vector<16xi32>
    %swap3A_401 = vector.shape_cast %add3A_397 : vector<16xi32> to vector<16xi32>
    tpu.vector_store %arg12[%swap3A_398], %swap3A_401 {strides = array<i32>} : memref<16xi32, #tpu.memory_space<vmem>>, vector<16xi32>,
    %dma_wait3A_402 = arith.constant 0 : i32
    %dma_wait3A_403 = tpu.memref_slice %arg3[%add3A_365, %dma_wait3A_402] : memref<8192x2048xf32, #tpu.memory_space<hbm>> -> memref<16x2048xf32, #tpu.memory_space<hbm>>
    %dma_wait3A_404 = arith.constant 0 : i32
    %dma_wait3A_405 = tpu.memref_slice %arg3[%add3A_365, %dma_wait3A_404] : memref<8192x2048xf32, #tpu.memory_space<hbm>> -> memref<16x2048xf32, #tpu.memory_space<hbm>>
    tpu.wait_dma2 semaphore(%arg16 : memref<!tpu.dma_semaphore, #tpu.memory_space<semaphore_mem>>) src(%dma_wait3A_405 : memref<16x2048xf32, #tpu.memory_space<hbm>>) dst(%arg13 : memref<16x2048xf32, #tpu.memory_space<vmem>>)
    %dma_wait3A_406 = arith.constant 0 : i32
    %dma_wait3A_407 = tpu.memref_slice %arg4[%add3A_365, %dma_wait3A_406] : memref<8192x128xf32, #tpu.memory_space<hbm>> -> memref<16x128xf32, #tpu.memory_space<hbm>>
    %dma_wait3A_408 = arith.constant 0 : i32
    %dma_wait3A_409 = tpu.memref_slice %arg4[%add3A_365, %dma_wait3A_408] : memref<8192x128xf32, #tpu.memory_space<hbm>> -> memref<16x128xf32, #tpu.memory_space<hbm>>
    tpu.wait_dma2 semaphore(%arg17 : memref<!tpu.dma_semaphore, #tpu.memory_space<semaphore_mem>>) src(%dma_wait3A_409 : memref<16x128xf32, #tpu.memory_space<hbm>>) dst(%arg14 : memref<16x128xf32, #tpu.memory_space<vmem>>)
    %dma_start3A_410 = arith.constant 0 : i32
    %dma_start3A_411 = arith.constant 0 : i32
    %dma_start3A_412 = tpu.memref_slice %arg5[%dma_start3A_410, %dma_start3A_411] : memref<8704x2048xf32, #tpu.memory_space<hbm>> -> memref<8704x2048xf32, #tpu.memory_space<hbm>>
    tpu.enqueue_indirect_dma source(%arg13 : memref<16x2048xf32, #tpu.memory_space<vmem>>) target(%dma_start3A_412 : memref<8704x2048xf32, #tpu.memory_space<hbm>>) offsets(%arg12 : memref<16xi32, #tpu.memory_space<vmem>>) semaphore(%arg16 : memref<!tpu.dma_semaphore, #tpu.memory_space<semaphore_mem>>)
    %dma_start3A_413 = arith.constant 0 : i32
    %dma_start3A_414 = arith.constant 0 : i32
    %dma_start3A_415 = tpu.memref_slice %arg6[%dma_start3A_413, %dma_start3A_414] : memref<8704x128xf32, #tpu.memory_space<hbm>> -> memref<8704x128xf32, #tpu.memory_space<hbm>>
    tpu.enqueue_indirect_dma source(%arg14 : memref<16x128xf32, #tpu.memory_space<vmem>>) target(%dma_start3A_415 : memref<8704x128xf32, #tpu.memory_space<hbm>>) offsets(%arg12 : memref<16xi32, #tpu.memory_space<vmem>>) semaphore(%arg17 : memref<!tpu.dma_semaphore, #tpu.memory_space<semaphore_mem>>)
    %dma_wait3A_416 = arith.constant 0 : i32
    %dma_wait3A_417 = arith.constant 0 : i32
    %dma_wait3A_418 = tpu.memref_slice %arg5[%dma_wait3A_416, %dma_wait3A_417] : memref<8704x2048xf32, #tpu.memory_space<hbm>> -> memref<8704x2048xf32, #tpu.memory_space<hbm>>
    tpu.wait_indirect_dma semaphore(%arg16 : memref<!tpu.dma_semaphore, #tpu.memory_space<semaphore_mem>>) src(%arg13 : memref<16x2048xf32, #tpu.memory_space<vmem>>) dst(%dma_wait3A_418 : memref<8704x2048xf32, #tpu.memory_space<hbm>>)
    %dma_wait3A_419 = arith.constant 0 : i32
    %dma_wait3A_420 = arith.constant 0 : i32
    %dma_wait3A_421 = tpu.memref_slice %arg6[%dma_wait3A_419, %dma_wait3A_420] : memref<8704x128xf32, #tpu.memory_space<hbm>> -> memref<8704x128xf32, #tpu.memory_space<hbm>>
    tpu.wait_indirect_dma semaphore(%arg17 : memref<!tpu.dma_semaphore, #tpu.memory_space<semaphore_mem>>) src(%arg14 : memref<16x128xf32, #tpu.memory_space<vmem>>) dst(%dma_wait3A_421 : memref<8704x128xf32, #tpu.memory_space<hbm>>)
    %mul3A_422 = arith.constant 256 : i32
    %mul3A_423 = arith.muli %add3A, %mul3A_422 : i32
    %add3A_424 = arith.constant 112 : i32
    %add3A_425 = arith.addi %mul3A_423, %add3A_424 : i32
    %dma_start3A_426 = arith.constant 0 : i32
    %dma_start3A_427 = tpu.memref_slice %arg3[%add3A_425, %dma_start3A_426] : memref<8192x2048xf32, #tpu.memory_space<hbm>> -> memref<16x2048xf32, #tpu.memory_space<hbm>>
    %dma_start3A_428 = arith.constant 0 : i32
    %dma_start3A_429 = tpu.memref_slice %arg3[%add3A_425, %dma_start3A_428] : memref<8192x2048xf32, #tpu.memory_space<hbm>> -> memref<16x2048xf32, #tpu.memory_space<hbm>>
    tpu.enqueue_dma source(%dma_start3A_429 : memref<16x2048xf32, #tpu.memory_space<hbm>>) target(%arg13 : memref<16x2048xf32, #tpu.memory_space<vmem>>) target_semaphore(%arg16 : memref<!tpu.dma_semaphore, #tpu.memory_space<semaphore_mem>>)
    %dma_start3A_430 = arith.constant 0 : i32
    %dma_start3A_431 = tpu.memref_slice %arg4[%add3A_425, %dma_start3A_430] : memref<8192x128xf32, #tpu.memory_space<hbm>> -> memref<16x128xf32, #tpu.memory_space<hbm>>
    %dma_start3A_432 = arith.constant 0 : i32
    %dma_start3A_433 = tpu.memref_slice %arg4[%add3A_425, %dma_start3A_432] : memref<8192x128xf32, #tpu.memory_space<hbm>> -> memref<16x128xf32, #tpu.memory_space<hbm>>
    tpu.enqueue_dma source(%dma_start3A_433 : memref<16x128xf32, #tpu.memory_space<hbm>>) target(%arg14 : memref<16x128xf32, #tpu.memory_space<vmem>>) target_semaphore(%arg17 : memref<!tpu.dma_semaphore, #tpu.memory_space<semaphore_mem>>)
    %get3A_434 = arith.index_cast %add3A_425 : i32 to index
    %get3A_435 = tpu.vector_load %arg10[%get3A_434] {strides = array<i32>} : memref<8192xi32, #tpu.memory_space<vmem>>, vector<16xi32>,
    %get3A_436 = vector.shape_cast %get3A_435 : vector<16xi32> to vector<16xi32>
    %sub3A_437 = arith.constant 8191 : i32
    %sub3A_438 = vector.broadcast %sub3A_437 : i32 to vector<16xi32>
    %sub3A_439 = arith.subi %get3A_436, %sub3A_438 : vector<16xi32>
    %max3A_440 = arith.constant 0 : i32
    %max3A_441 = vector.broadcast %max3A_440 : i32 to vector<16xi32>
    %max3A_442 = arith.maxsi %sub3A_439, %max3A_441 : vector<16xi32>
    %min3A_443 = arith.constant 1 : i32
    %min3A_444 = vector.broadcast %min3A_443 : i32 to vector<16xi32>
    %min3A_445 = arith.minsi %max3A_442, %min3A_444 : vector<16xi32>
    %sub3A_446 = arith.constant 1 : i32
    %sub3A_447 = vector.broadcast %sub3A_446 : i32 to vector<16xi32>
    %sub3A_448 = arith.subi %sub3A_447, %min3A_445 : vector<16xi32>
    %mul3A_449 = arith.muli %get3A_436, %sub3A_448 : vector<16xi32>
    %mul3A_450 = arith.constant 16 : i32
    %mul3A_451 = arith.muli %add3A, %mul3A_450 : i32
    %add3A_452 = arith.constant 8192 : i32
    %add3A_453 = arith.addi %add3A_452, %mul3A_451 : i32
    %add3A_454 = vector.broadcast %add3A_453 : i32 to vector<16xi32>
    %add3A_455 = arith.addi %add3A_454, %iota3A : vector<16xi32>
    %mul3A_456 = arith.muli %add3A_455, %min3A_445 : vector<16xi32>
    %add3A_457 = arith.addi %mul3A_449, %mul3A_456 : vector<16xi32>
    %swap3A_458 = arith.constant 0 : index
    %swap3A_459 = tpu.vector_load %arg12[%swap3A_458] {strides = array<i32>} : memref<16xi32, #tpu.memory_space<vmem>>, vector<16xi32>,
    %swap3A_460 = vector.shape_cast %swap3A_459 : vector<16xi32> to vector<16xi32>
    %swap3A_461 = vector.shape_cast %add3A_457 : vector<16xi32> to vector<16xi32>
    tpu.vector_store %arg12[%swap3A_458], %swap3A_461 {strides = array<i32>} : memref<16xi32, #tpu.memory_space<vmem>>, vector<16xi32>,
    %dma_wait3A_462 = arith.constant 0 : i32
    %dma_wait3A_463 = tpu.memref_slice %arg3[%add3A_425, %dma_wait3A_462] : memref<8192x2048xf32, #tpu.memory_space<hbm>> -> memref<16x2048xf32, #tpu.memory_space<hbm>>
    %dma_wait3A_464 = arith.constant 0 : i32
    %dma_wait3A_465 = tpu.memref_slice %arg3[%add3A_425, %dma_wait3A_464] : memref<8192x2048xf32, #tpu.memory_space<hbm>> -> memref<16x2048xf32, #tpu.memory_space<hbm>>
    tpu.wait_dma2 semaphore(%arg16 : memref<!tpu.dma_semaphore, #tpu.memory_space<semaphore_mem>>) src(%dma_wait3A_465 : memref<16x2048xf32, #tpu.memory_space<hbm>>) dst(%arg13 : memref<16x2048xf32, #tpu.memory_space<vmem>>)
    %dma_wait3A_466 = arith.constant 0 : i32
    %dma_wait3A_467 = tpu.memref_slice %arg4[%add3A_425, %dma_wait3A_466] : memref<8192x128xf32, #tpu.memory_space<hbm>> -> memref<16x128xf32, #tpu.memory_space<hbm>>
    %dma_wait3A_468 = arith.constant 0 : i32
    %dma_wait3A_469 = tpu.memref_slice %arg4[%add3A_425, %dma_wait3A_468] : memref<8192x128xf32, #tpu.memory_space<hbm>> -> memref<16x128xf32, #tpu.memory_space<hbm>>
    tpu.wait_dma2 semaphore(%arg17 : memref<!tpu.dma_semaphore, #tpu.memory_space<semaphore_mem>>) src(%dma_wait3A_469 : memref<16x128xf32, #tpu.memory_space<hbm>>) dst(%arg14 : memref<16x128xf32, #tpu.memory_space<vmem>>)
    %dma_start3A_470 = arith.constant 0 : i32
    %dma_start3A_471 = arith.constant 0 : i32
    %dma_start3A_472 = tpu.memref_slice %arg5[%dma_start3A_470, %dma_start3A_471] : memref<8704x2048xf32, #tpu.memory_space<hbm>> -> memref<8704x2048xf32, #tpu.memory_space<hbm>>
    tpu.enqueue_indirect_dma source(%arg13 : memref<16x2048xf32, #tpu.memory_space<vmem>>) target(%dma_start3A_472 : memref<8704x2048xf32, #tpu.memory_space<hbm>>) offsets(%arg12 : memref<16xi32, #tpu.memory_space<vmem>>) semaphore(%arg16 : memref<!tpu.dma_semaphore, #tpu.memory_space<semaphore_mem>>)
    %dma_start3A_473 = arith.constant 0 : i32
    %dma_start3A_474 = arith.constant 0 : i32
    %dma_start3A_475 = tpu.memref_slice %arg6[%dma_start3A_473, %dma_start3A_474] : memref<8704x128xf32, #tpu.memory_space<hbm>> -> memref<8704x128xf32, #tpu.memory_space<hbm>>
    tpu.enqueue_indirect_dma source(%arg14 : memref<16x128xf32, #tpu.memory_space<vmem>>) target(%dma_start3A_475 : memref<8704x128xf32, #tpu.memory_space<hbm>>) offsets(%arg12 : memref<16xi32, #tpu.memory_space<vmem>>) semaphore(%arg17 : memref<!tpu.dma_semaphore, #tpu.memory_space<semaphore_mem>>)
    %dma_wait3A_476 = arith.constant 0 : i32
    %dma_wait3A_477 = arith.constant 0 : i32
    %dma_wait3A_478 = tpu.memref_slice %arg5[%dma_wait3A_476, %dma_wait3A_477] : memref<8704x2048xf32, #tpu.memory_space<hbm>> -> memref<8704x2048xf32, #tpu.memory_space<hbm>>
    tpu.wait_indirect_dma semaphore(%arg16 : memref<!tpu.dma_semaphore, #tpu.memory_space<semaphore_mem>>) src(%arg13 : memref<16x2048xf32, #tpu.memory_space<vmem>>) dst(%dma_wait3A_478 : memref<8704x2048xf32, #tpu.memory_space<hbm>>)
    %dma_wait3A_479 = arith.constant 0 : i32
    %dma_wait3A_480 = arith.constant 0 : i32
    %dma_wait3A_481 = tpu.memref_slice %arg6[%dma_wait3A_479, %dma_wait3A_480] : memref<8704x128xf32, #tpu.memory_space<hbm>> -> memref<8704x128xf32, #tpu.memory_space<hbm>>
    tpu.wait_indirect_dma semaphore(%arg17 : memref<!tpu.dma_semaphore, #tpu.memory_space<semaphore_mem>>) src(%arg14 : memref<16x128xf32, #tpu.memory_space<vmem>>) dst(%dma_wait3A_481 : memref<8704x128xf32, #tpu.memory_space<hbm>>)
    %mul3A_482 = arith.constant 256 : i32
    %mul3A_483 = arith.muli %add3A, %mul3A_482 : i32
    %add3A_484 = arith.constant 128 : i32
    %add3A_485 = arith.addi %mul3A_483, %add3A_484 : i32
    %dma_start3A_486 = arith.constant 0 : i32
    %dma_start3A_487 = tpu.memref_slice %arg3[%add3A_485, %dma_start3A_486] : memref<8192x2048xf32, #tpu.memory_space<hbm>> -> memref<16x2048xf32, #tpu.memory_space<hbm>>
    %dma_start3A_488 = arith.constant 0 : i32
    %dma_start3A_489 = tpu.memref_slice %arg3[%add3A_485, %dma_start3A_488] : memref<8192x2048xf32, #tpu.memory_space<hbm>> -> memref<16x2048xf32, #tpu.memory_space<hbm>>
    tpu.enqueue_dma source(%dma_start3A_489 : memref<16x2048xf32, #tpu.memory_space<hbm>>) target(%arg13 : memref<16x2048xf32, #tpu.memory_space<vmem>>) target_semaphore(%arg16 : memref<!tpu.dma_semaphore, #tpu.memory_space<semaphore_mem>>)
    %dma_start3A_490 = arith.constant 0 : i32
    %dma_start3A_491 = tpu.memref_slice %arg4[%add3A_485, %dma_start3A_490] : memref<8192x128xf32, #tpu.memory_space<hbm>> -> memref<16x128xf32, #tpu.memory_space<hbm>>
    %dma_start3A_492 = arith.constant 0 : i32
    %dma_start3A_493 = tpu.memref_slice %arg4[%add3A_485, %dma_start3A_492] : memref<8192x128xf32, #tpu.memory_space<hbm>> -> memref<16x128xf32, #tpu.memory_space<hbm>>
    tpu.enqueue_dma source(%dma_start3A_493 : memref<16x128xf32, #tpu.memory_space<hbm>>) target(%arg14 : memref<16x128xf32, #tpu.memory_space<vmem>>) target_semaphore(%arg17 : memref<!tpu.dma_semaphore, #tpu.memory_space<semaphore_mem>>)
    %get3A_494 = arith.index_cast %add3A_485 : i32 to index
    %get3A_495 = tpu.vector_load %arg10[%get3A_494] {strides = array<i32>} : memref<8192xi32, #tpu.memory_space<vmem>>, vector<16xi32>,
    %get3A_496 = vector.shape_cast %get3A_495 : vector<16xi32> to vector<16xi32>
    %sub3A_497 = arith.constant 8191 : i32
    %sub3A_498 = vector.broadcast %sub3A_497 : i32 to vector<16xi32>
    %sub3A_499 = arith.subi %get3A_496, %sub3A_498 : vector<16xi32>
    %max3A_500 = arith.constant 0 : i32
    %max3A_501 = vector.broadcast %max3A_500 : i32 to vector<16xi32>
    %max3A_502 = arith.maxsi %sub3A_499, %max3A_501 : vector<16xi32>
    %min3A_503 = arith.constant 1 : i32
    %min3A_504 = vector.broadcast %min3A_503 : i32 to vector<16xi32>
    %min3A_505 = arith.minsi %max3A_502, %min3A_504 : vector<16xi32>
    %sub3A_506 = arith.constant 1 : i32
    %sub3A_507 = vector.broadcast %sub3A_506 : i32 to vector<16xi32>
    %sub3A_508 = arith.subi %sub3A_507, %min3A_505 : vector<16xi32>
    %mul3A_509 = arith.muli %get3A_496, %sub3A_508 : vector<16xi32>
    %mul3A_510 = arith.constant 16 : i32
    %mul3A_511 = arith.muli %add3A, %mul3A_510 : i32
    %add3A_512 = arith.constant 8192 : i32
    %add3A_513 = arith.addi %add3A_512, %mul3A_511 : i32
    %add3A_514 = vector.broadcast %add3A_513 : i32 to vector<16xi32>
    %add3A_515 = arith.addi %add3A_514, %iota3A : vector<16xi32>
    %mul3A_516 = arith.muli %add3A_515, %min3A_505 : vector<16xi32>
    %add3A_517 = arith.addi %mul3A_509, %mul3A_516 : vector<16xi32>
    %swap3A_518 = arith.constant 0 : index
    %swap3A_519 = tpu.vector_load %arg12[%swap3A_518] {strides = array<i32>} : memref<16xi32, #tpu.memory_space<vmem>>, vector<16xi32>,
    %swap3A_520 = vector.shape_cast %swap3A_519 : vector<16xi32> to vector<16xi32>
    %swap3A_521 = vector.shape_cast %add3A_517 : vector<16xi32> to vector<16xi32>
    tpu.vector_store %arg12[%swap3A_518], %swap3A_521 {strides = array<i32>} : memref<16xi32, #tpu.memory_space<vmem>>, vector<16xi32>,
    %dma_wait3A_522 = arith.constant 0 : i32
    %dma_wait3A_523 = tpu.memref_slice %arg3[%add3A_485, %dma_wait3A_522] : memref<8192x2048xf32, #tpu.memory_space<hbm>> -> memref<16x2048xf32, #tpu.memory_space<hbm>>
    %dma_wait3A_524 = arith.constant 0 : i32
    %dma_wait3A_525 = tpu.memref_slice %arg3[%add3A_485, %dma_wait3A_524] : memref<8192x2048xf32, #tpu.memory_space<hbm>> -> memref<16x2048xf32, #tpu.memory_space<hbm>>
    tpu.wait_dma2 semaphore(%arg16 : memref<!tpu.dma_semaphore, #tpu.memory_space<semaphore_mem>>) src(%dma_wait3A_525 : memref<16x2048xf32, #tpu.memory_space<hbm>>) dst(%arg13 : memref<16x2048xf32, #tpu.memory_space<vmem>>)
    %dma_wait3A_526 = arith.constant 0 : i32
    %dma_wait3A_527 = tpu.memref_slice %arg4[%add3A_485, %dma_wait3A_526] : memref<8192x128xf32, #tpu.memory_space<hbm>> -> memref<16x128xf32, #tpu.memory_space<hbm>>
    %dma_wait3A_528 = arith.constant 0 : i32
    %dma_wait3A_529 = tpu.memref_slice %arg4[%add3A_485, %dma_wait3A_528] : memref<8192x128xf32, #tpu.memory_space<hbm>> -> memref<16x128xf32, #tpu.memory_space<hbm>>
    tpu.wait_dma2 semaphore(%arg17 : memref<!tpu.dma_semaphore, #tpu.memory_space<semaphore_mem>>) src(%dma_wait3A_529 : memref<16x128xf32, #tpu.memory_space<hbm>>) dst(%arg14 : memref<16x128xf32, #tpu.memory_space<vmem>>)
    %dma_start3A_530 = arith.constant 0 : i32
    %dma_start3A_531 = arith.constant 0 : i32
    %dma_start3A_532 = tpu.memref_slice %arg5[%dma_start3A_530, %dma_start3A_531] : memref<8704x2048xf32, #tpu.memory_space<hbm>> -> memref<8704x2048xf32, #tpu.memory_space<hbm>>
    tpu.enqueue_indirect_dma source(%arg13 : memref<16x2048xf32, #tpu.memory_space<vmem>>) target(%dma_start3A_532 : memref<8704x2048xf32, #tpu.memory_space<hbm>>) offsets(%arg12 : memref<16xi32, #tpu.memory_space<vmem>>) semaphore(%arg16 : memref<!tpu.dma_semaphore, #tpu.memory_space<semaphore_mem>>)
    %dma_start3A_533 = arith.constant 0 : i32
    %dma_start3A_534 = arith.constant 0 : i32
    %dma_start3A_535 = tpu.memref_slice %arg6[%dma_start3A_533, %dma_start3A_534] : memref<8704x128xf32, #tpu.memory_space<hbm>> -> memref<8704x128xf32, #tpu.memory_space<hbm>>
    tpu.enqueue_indirect_dma source(%arg14 : memref<16x128xf32, #tpu.memory_space<vmem>>) target(%dma_start3A_535 : memref<8704x128xf32, #tpu.memory_space<hbm>>) offsets(%arg12 : memref<16xi32, #tpu.memory_space<vmem>>) semaphore(%arg17 : memref<!tpu.dma_semaphore, #tpu.memory_space<semaphore_mem>>)
    %dma_wait3A_536 = arith.constant 0 : i32
    %dma_wait3A_537 = arith.constant 0 : i32
    %dma_wait3A_538 = tpu.memref_slice %arg5[%dma_wait3A_536, %dma_wait3A_537] : memref<8704x2048xf32, #tpu.memory_space<hbm>> -> memref<8704x2048xf32, #tpu.memory_space<hbm>>
    tpu.wait_indirect_dma semaphore(%arg16 : memref<!tpu.dma_semaphore, #tpu.memory_space<semaphore_mem>>) src(%arg13 : memref<16x2048xf32, #tpu.memory_space<vmem>>) dst(%dma_wait3A_538 : memref<8704x2048xf32, #tpu.memory_space<hbm>>)
    %dma_wait3A_539 = arith.constant 0 : i32
    %dma_wait3A_540 = arith.constant 0 : i32
    %dma_wait3A_541 = tpu.memref_slice %arg6[%dma_wait3A_539, %dma_wait3A_540] : memref<8704x128xf32, #tpu.memory_space<hbm>> -> memref<8704x128xf32, #tpu.memory_space<hbm>>
    tpu.wait_indirect_dma semaphore(%arg17 : memref<!tpu.dma_semaphore, #tpu.memory_space<semaphore_mem>>) src(%arg14 : memref<16x128xf32, #tpu.memory_space<vmem>>) dst(%dma_wait3A_541 : memref<8704x128xf32, #tpu.memory_space<hbm>>)
    %mul3A_542 = arith.constant 256 : i32
    %mul3A_543 = arith.muli %add3A, %mul3A_542 : i32
    %add3A_544 = arith.constant 144 : i32
    %add3A_545 = arith.addi %mul3A_543, %add3A_544 : i32
    %dma_start3A_546 = arith.constant 0 : i32
    %dma_start3A_547 = tpu.memref_slice %arg3[%add3A_545, %dma_start3A_546] : memref<8192x2048xf32, #tpu.memory_space<hbm>> -> memref<16x2048xf32, #tpu.memory_space<hbm>>
    %dma_start3A_548 = arith.constant 0 : i32
    %dma_start3A_549 = tpu.memref_slice %arg3[%add3A_545, %dma_start3A_548] : memref<8192x2048xf32, #tpu.memory_space<hbm>> -> memref<16x2048xf32, #tpu.memory_space<hbm>>
    tpu.enqueue_dma source(%dma_start3A_549 : memref<16x2048xf32, #tpu.memory_space<hbm>>) target(%arg13 : memref<16x2048xf32, #tpu.memory_space<vmem>>) target_semaphore(%arg16 : memref<!tpu.dma_semaphore, #tpu.memory_space<semaphore_mem>>)
    %dma_start3A_550 = arith.constant 0 : i32
    %dma_start3A_551 = tpu.memref_slice %arg4[%add3A_545, %dma_start3A_550] : memref<8192x128xf32, #tpu.memory_space<hbm>> -> memref<16x128xf32, #tpu.memory_space<hbm>>
    %dma_start3A_552 = arith.constant 0 : i32
    %dma_start3A_553 = tpu.memref_slice %arg4[%add3A_545, %dma_start3A_552] : memref<8192x128xf32, #tpu.memory_space<hbm>> -> memref<16x128xf32, #tpu.memory_space<hbm>>
    tpu.enqueue_dma source(%dma_start3A_553 : memref<16x128xf32, #tpu.memory_space<hbm>>) target(%arg14 : memref<16x128xf32, #tpu.memory_space<vmem>>) target_semaphore(%arg17 : memref<!tpu.dma_semaphore, #tpu.memory_space<semaphore_mem>>)
    %get3A_554 = arith.index_cast %add3A_545 : i32 to index
    %get3A_555 = tpu.vector_load %arg10[%get3A_554] {strides = array<i32>} : memref<8192xi32, #tpu.memory_space<vmem>>, vector<16xi32>,
    %get3A_556 = vector.shape_cast %get3A_555 : vector<16xi32> to vector<16xi32>
    %sub3A_557 = arith.constant 8191 : i32
    %sub3A_558 = vector.broadcast %sub3A_557 : i32 to vector<16xi32>
    %sub3A_559 = arith.subi %get3A_556, %sub3A_558 : vector<16xi32>
    %max3A_560 = arith.constant 0 : i32
    %max3A_561 = vector.broadcast %max3A_560 : i32 to vector<16xi32>
    %max3A_562 = arith.maxsi %sub3A_559, %max3A_561 : vector<16xi32>
    %min3A_563 = arith.constant 1 : i32
    %min3A_564 = vector.broadcast %min3A_563 : i32 to vector<16xi32>
    %min3A_565 = arith.minsi %max3A_562, %min3A_564 : vector<16xi32>
    %sub3A_566 = arith.constant 1 : i32
    %sub3A_567 = vector.broadcast %sub3A_566 : i32 to vector<16xi32>
    %sub3A_568 = arith.subi %sub3A_567, %min3A_565 : vector<16xi32>
    %mul3A_569 = arith.muli %get3A_556, %sub3A_568 : vector<16xi32>
    %mul3A_570 = arith.constant 16 : i32
    %mul3A_571 = arith.muli %add3A, %mul3A_570 : i32
    %add3A_572 = arith.constant 8192 : i32
    %add3A_573 = arith.addi %add3A_572, %mul3A_571 : i32
    %add3A_574 = vector.broadcast %add3A_573 : i32 to vector<16xi32>
    %add3A_575 = arith.addi %add3A_574, %iota3A : vector<16xi32>
    %mul3A_576 = arith.muli %add3A_575, %min3A_565 : vector<16xi32>
    %add3A_577 = arith.addi %mul3A_569, %mul3A_576 : vector<16xi32>
    %swap3A_578 = arith.constant 0 : index
    %swap3A_579 = tpu.vector_load %arg12[%swap3A_578] {strides = array<i32>} : memref<16xi32, #tpu.memory_space<vmem>>, vector<16xi32>,
    %swap3A_580 = vector.shape_cast %swap3A_579 : vector<16xi32> to vector<16xi32>
    %swap3A_581 = vector.shape_cast %add3A_577 : vector<16xi32> to vector<16xi32>
    tpu.vector_store %arg12[%swap3A_578], %swap3A_581 {strides = array<i32>} : memref<16xi32, #tpu.memory_space<vmem>>, vector<16xi32>,
    %dma_wait3A_582 = arith.constant 0 : i32
    %dma_wait3A_583 = tpu.memref_slice %arg3[%add3A_545, %dma_wait3A_582] : memref<8192x2048xf32, #tpu.memory_space<hbm>> -> memref<16x2048xf32, #tpu.memory_space<hbm>>
    %dma_wait3A_584 = arith.constant 0 : i32
    %dma_wait3A_585 = tpu.memref_slice %arg3[%add3A_545, %dma_wait3A_584] : memref<8192x2048xf32, #tpu.memory_space<hbm>> -> memref<16x2048xf32, #tpu.memory_space<hbm>>
    tpu.wait_dma2 semaphore(%arg16 : memref<!tpu.dma_semaphore, #tpu.memory_space<semaphore_mem>>) src(%dma_wait3A_585 : memref<16x2048xf32, #tpu.memory_space<hbm>>) dst(%arg13 : memref<16x2048xf32, #tpu.memory_space<vmem>>)
    %dma_wait3A_586 = arith.constant 0 : i32
    %dma_wait3A_587 = tpu.memref_slice %arg4[%add3A_545, %dma_wait3A_586] : memref<8192x128xf32, #tpu.memory_space<hbm>> -> memref<16x128xf32, #tpu.memory_space<hbm>>
    %dma_wait3A_588 = arith.constant 0 : i32
    %dma_wait3A_589 = tpu.memref_slice %arg4[%add3A_545, %dma_wait3A_588] : memref<8192x128xf32, #tpu.memory_space<hbm>> -> memref<16x128xf32, #tpu.memory_space<hbm>>
    tpu.wait_dma2 semaphore(%arg17 : memref<!tpu.dma_semaphore, #tpu.memory_space<semaphore_mem>>) src(%dma_wait3A_589 : memref<16x128xf32, #tpu.memory_space<hbm>>) dst(%arg14 : memref<16x128xf32, #tpu.memory_space<vmem>>)
    %dma_start3A_590 = arith.constant 0 : i32
    %dma_start3A_591 = arith.constant 0 : i32
    %dma_start3A_592 = tpu.memref_slice %arg5[%dma_start3A_590, %dma_start3A_591] : memref<8704x2048xf32, #tpu.memory_space<hbm>> -> memref<8704x2048xf32, #tpu.memory_space<hbm>>
    tpu.enqueue_indirect_dma source(%arg13 : memref<16x2048xf32, #tpu.memory_space<vmem>>) target(%dma_start3A_592 : memref<8704x2048xf32, #tpu.memory_space<hbm>>) offsets(%arg12 : memref<16xi32, #tpu.memory_space<vmem>>) semaphore(%arg16 : memref<!tpu.dma_semaphore, #tpu.memory_space<semaphore_mem>>)
    %dma_start3A_593 = arith.constant 0 : i32
    %dma_start3A_594 = arith.constant 0 : i32
    %dma_start3A_595 = tpu.memref_slice %arg6[%dma_start3A_593, %dma_start3A_594] : memref<8704x128xf32, #tpu.memory_space<hbm>> -> memref<8704x128xf32, #tpu.memory_space<hbm>>
    tpu.enqueue_indirect_dma source(%arg14 : memref<16x128xf32, #tpu.memory_space<vmem>>) target(%dma_start3A_595 : memref<8704x128xf32, #tpu.memory_space<hbm>>) offsets(%arg12 : memref<16xi32, #tpu.memory_space<vmem>>) semaphore(%arg17 : memref<!tpu.dma_semaphore, #tpu.memory_space<semaphore_mem>>)
    %dma_wait3A_596 = arith.constant 0 : i32
    %dma_wait3A_597 = arith.constant 0 : i32
    %dma_wait3A_598 = tpu.memref_slice %arg5[%dma_wait3A_596, %dma_wait3A_597] : memref<8704x2048xf32, #tpu.memory_space<hbm>> -> memref<8704x2048xf32, #tpu.memory_space<hbm>>
    tpu.wait_indirect_dma semaphore(%arg16 : memref<!tpu.dma_semaphore, #tpu.memory_space<semaphore_mem>>) src(%arg13 : memref<16x2048xf32, #tpu.memory_space<vmem>>) dst(%dma_wait3A_598 : memref<8704x2048xf32, #tpu.memory_space<hbm>>)
    %dma_wait3A_599 = arith.constant 0 : i32
    %dma_wait3A_600 = arith.constant 0 : i32
    %dma_wait3A_601 = tpu.memref_slice %arg6[%dma_wait3A_599, %dma_wait3A_600] : memref<8704x128xf32, #tpu.memory_space<hbm>> -> memref<8704x128xf32, #tpu.memory_space<hbm>>
    tpu.wait_indirect_dma semaphore(%arg17 : memref<!tpu.dma_semaphore, #tpu.memory_space<semaphore_mem>>) src(%arg14 : memref<16x128xf32, #tpu.memory_space<vmem>>) dst(%dma_wait3A_601 : memref<8704x128xf32, #tpu.memory_space<hbm>>)
    %mul3A_602 = arith.constant 256 : i32
    %mul3A_603 = arith.muli %add3A, %mul3A_602 : i32
    %add3A_604 = arith.constant 160 : i32
    %add3A_605 = arith.addi %mul3A_603, %add3A_604 : i32
    %dma_start3A_606 = arith.constant 0 : i32
    %dma_start3A_607 = tpu.memref_slice %arg3[%add3A_605, %dma_start3A_606] : memref<8192x2048xf32, #tpu.memory_space<hbm>> -> memref<16x2048xf32, #tpu.memory_space<hbm>>
    %dma_start3A_608 = arith.constant 0 : i32
    %dma_start3A_609 = tpu.memref_slice %arg3[%add3A_605, %dma_start3A_608] : memref<8192x2048xf32, #tpu.memory_space<hbm>> -> memref<16x2048xf32, #tpu.memory_space<hbm>>
    tpu.enqueue_dma source(%dma_start3A_609 : memref<16x2048xf32, #tpu.memory_space<hbm>>) target(%arg13 : memref<16x2048xf32, #tpu.memory_space<vmem>>) target_semaphore(%arg16 : memref<!tpu.dma_semaphore, #tpu.memory_space<semaphore_mem>>)
    %dma_start3A_610 = arith.constant 0 : i32
    %dma_start3A_611 = tpu.memref_slice %arg4[%add3A_605, %dma_start3A_610] : memref<8192x128xf32, #tpu.memory_space<hbm>> -> memref<16x128xf32, #tpu.memory_space<hbm>>
    %dma_start3A_612 = arith.constant 0 : i32
    %dma_start3A_613 = tpu.memref_slice %arg4[%add3A_605, %dma_start3A_612] : memref<8192x128xf32, #tpu.memory_space<hbm>> -> memref<16x128xf32, #tpu.memory_space<hbm>>
    tpu.enqueue_dma source(%dma_start3A_613 : memref<16x128xf32, #tpu.memory_space<hbm>>) target(%arg14 : memref<16x128xf32, #tpu.memory_space<vmem>>) target_semaphore(%arg17 : memref<!tpu.dma_semaphore, #tpu.memory_space<semaphore_mem>>)
    %get3A_614 = arith.index_cast %add3A_605 : i32 to index
    %get3A_615 = tpu.vector_load %arg10[%get3A_614] {strides = array<i32>} : memref<8192xi32, #tpu.memory_space<vmem>>, vector<16xi32>,
    %get3A_616 = vector.shape_cast %get3A_615 : vector<16xi32> to vector<16xi32>
    %sub3A_617 = arith.constant 8191 : i32
    %sub3A_618 = vector.broadcast %sub3A_617 : i32 to vector<16xi32>
    %sub3A_619 = arith.subi %get3A_616, %sub3A_618 : vector<16xi32>
    %max3A_620 = arith.constant 0 : i32
    %max3A_621 = vector.broadcast %max3A_620 : i32 to vector<16xi32>
    %max3A_622 = arith.maxsi %sub3A_619, %max3A_621 : vector<16xi32>
    %min3A_623 = arith.constant 1 : i32
    %min3A_624 = vector.broadcast %min3A_623 : i32 to vector<16xi32>
    %min3A_625 = arith.minsi %max3A_622, %min3A_624 : vector<16xi32>
    %sub3A_626 = arith.constant 1 : i32
    %sub3A_627 = vector.broadcast %sub3A_626 : i32 to vector<16xi32>
    %sub3A_628 = arith.subi %sub3A_627, %min3A_625 : vector<16xi32>
    %mul3A_629 = arith.muli %get3A_616, %sub3A_628 : vector<16xi32>
    %mul3A_630 = arith.constant 16 : i32
    %mul3A_631 = arith.muli %add3A, %mul3A_630 : i32
    %add3A_632 = arith.constant 8192 : i32
    %add3A_633 = arith.addi %add3A_632, %mul3A_631 : i32
    %add3A_634 = vector.broadcast %add3A_633 : i32 to vector<16xi32>
    %add3A_635 = arith.addi %add3A_634, %iota3A : vector<16xi32>
    %mul3A_636 = arith.muli %add3A_635, %min3A_625 : vector<16xi32>
    %add3A_637 = arith.addi %mul3A_629, %mul3A_636 : vector<16xi32>
    %swap3A_638 = arith.constant 0 : index
    %swap3A_639 = tpu.vector_load %arg12[%swap3A_638] {strides = array<i32>} : memref<16xi32, #tpu.memory_space<vmem>>, vector<16xi32>,
    %swap3A_640 = vector.shape_cast %swap3A_639 : vector<16xi32> to vector<16xi32>
    %swap3A_641 = vector.shape_cast %add3A_637 : vector<16xi32> to vector<16xi32>
    tpu.vector_store %arg12[%swap3A_638], %swap3A_641 {strides = array<i32>} : memref<16xi32, #tpu.memory_space<vmem>>, vector<16xi32>,
    %dma_wait3A_642 = arith.constant 0 : i32
    %dma_wait3A_643 = tpu.memref_slice %arg3[%add3A_605, %dma_wait3A_642] : memref<8192x2048xf32, #tpu.memory_space<hbm>> -> memref<16x2048xf32, #tpu.memory_space<hbm>>
    %dma_wait3A_644 = arith.constant 0 : i32
    %dma_wait3A_645 = tpu.memref_slice %arg3[%add3A_605, %dma_wait3A_644] : memref<8192x2048xf32, #tpu.memory_space<hbm>> -> memref<16x2048xf32, #tpu.memory_space<hbm>>
    tpu.wait_dma2 semaphore(%arg16 : memref<!tpu.dma_semaphore, #tpu.memory_space<semaphore_mem>>) src(%dma_wait3A_645 : memref<16x2048xf32, #tpu.memory_space<hbm>>) dst(%arg13 : memref<16x2048xf32, #tpu.memory_space<vmem>>)
    %dma_wait3A_646 = arith.constant 0 : i32
    %dma_wait3A_647 = tpu.memref_slice %arg4[%add3A_605, %dma_wait3A_646] : memref<8192x128xf32, #tpu.memory_space<hbm>> -> memref<16x128xf32, #tpu.memory_space<hbm>>
    %dma_wait3A_648 = arith.constant 0 : i32
    %dma_wait3A_649 = tpu.memref_slice %arg4[%add3A_605, %dma_wait3A_648] : memref<8192x128xf32, #tpu.memory_space<hbm>> -> memref<16x128xf32, #tpu.memory_space<hbm>>
    tpu.wait_dma2 semaphore(%arg17 : memref<!tpu.dma_semaphore, #tpu.memory_space<semaphore_mem>>) src(%dma_wait3A_649 : memref<16x128xf32, #tpu.memory_space<hbm>>) dst(%arg14 : memref<16x128xf32, #tpu.memory_space<vmem>>)
    %dma_start3A_650 = arith.constant 0 : i32
    %dma_start3A_651 = arith.constant 0 : i32
    %dma_start3A_652 = tpu.memref_slice %arg5[%dma_start3A_650, %dma_start3A_651] : memref<8704x2048xf32, #tpu.memory_space<hbm>> -> memref<8704x2048xf32, #tpu.memory_space<hbm>>
    tpu.enqueue_indirect_dma source(%arg13 : memref<16x2048xf32, #tpu.memory_space<vmem>>) target(%dma_start3A_652 : memref<8704x2048xf32, #tpu.memory_space<hbm>>) offsets(%arg12 : memref<16xi32, #tpu.memory_space<vmem>>) semaphore(%arg16 : memref<!tpu.dma_semaphore, #tpu.memory_space<semaphore_mem>>)
    %dma_start3A_653 = arith.constant 0 : i32
    %dma_start3A_654 = arith.constant 0 : i32
    %dma_start3A_655 = tpu.memref_slice %arg6[%dma_start3A_653, %dma_start3A_654] : memref<8704x128xf32, #tpu.memory_space<hbm>> -> memref<8704x128xf32, #tpu.memory_space<hbm>>
    tpu.enqueue_indirect_dma source(%arg14 : memref<16x128xf32, #tpu.memory_space<vmem>>) target(%dma_start3A_655 : memref<8704x128xf32, #tpu.memory_space<hbm>>) offsets(%arg12 : memref<16xi32, #tpu.memory_space<vmem>>) semaphore(%arg17 : memref<!tpu.dma_semaphore, #tpu.memory_space<semaphore_mem>>)
    %dma_wait3A_656 = arith.constant 0 : i32
    %dma_wait3A_657 = arith.constant 0 : i32
    %dma_wait3A_658 = tpu.memref_slice %arg5[%dma_wait3A_656, %dma_wait3A_657] : memref<8704x2048xf32, #tpu.memory_space<hbm>> -> memref<8704x2048xf32, #tpu.memory_space<hbm>>
    tpu.wait_indirect_dma semaphore(%arg16 : memref<!tpu.dma_semaphore, #tpu.memory_space<semaphore_mem>>) src(%arg13 : memref<16x2048xf32, #tpu.memory_space<vmem>>) dst(%dma_wait3A_658 : memref<8704x2048xf32, #tpu.memory_space<hbm>>)
    %dma_wait3A_659 = arith.constant 0 : i32
    %dma_wait3A_660 = arith.constant 0 : i32
    %dma_wait3A_661 = tpu.memref_slice %arg6[%dma_wait3A_659, %dma_wait3A_660] : memref<8704x128xf32, #tpu.memory_space<hbm>> -> memref<8704x128xf32, #tpu.memory_space<hbm>>
    tpu.wait_indirect_dma semaphore(%arg17 : memref<!tpu.dma_semaphore, #tpu.memory_space<semaphore_mem>>) src(%arg14 : memref<16x128xf32, #tpu.memory_space<vmem>>) dst(%dma_wait3A_661 : memref<8704x128xf32, #tpu.memory_space<hbm>>)
    %mul3A_662 = arith.constant 256 : i32
    %mul3A_663 = arith.muli %add3A, %mul3A_662 : i32
    %add3A_664 = arith.constant 176 : i32
    %add3A_665 = arith.addi %mul3A_663, %add3A_664 : i32
    %dma_start3A_666 = arith.constant 0 : i32
    %dma_start3A_667 = tpu.memref_slice %arg3[%add3A_665, %dma_start3A_666] : memref<8192x2048xf32, #tpu.memory_space<hbm>> -> memref<16x2048xf32, #tpu.memory_space<hbm>>
    %dma_start3A_668 = arith.constant 0 : i32
    %dma_start3A_669 = tpu.memref_slice %arg3[%add3A_665, %dma_start3A_668] : memref<8192x2048xf32, #tpu.memory_space<hbm>> -> memref<16x2048xf32, #tpu.memory_space<hbm>>
    tpu.enqueue_dma source(%dma_start3A_669 : memref<16x2048xf32, #tpu.memory_space<hbm>>) target(%arg13 : memref<16x2048xf32, #tpu.memory_space<vmem>>) target_semaphore(%arg16 : memref<!tpu.dma_semaphore, #tpu.memory_space<semaphore_mem>>)
    %dma_start3A_670 = arith.constant 0 : i32
    %dma_start3A_671 = tpu.memref_slice %arg4[%add3A_665, %dma_start3A_670] : memref<8192x128xf32, #tpu.memory_space<hbm>> -> memref<16x128xf32, #tpu.memory_space<hbm>>
    %dma_start3A_672 = arith.constant 0 : i32
    %dma_start3A_673 = tpu.memref_slice %arg4[%add3A_665, %dma_start3A_672] : memref<8192x128xf32, #tpu.memory_space<hbm>> -> memref<16x128xf32, #tpu.memory_space<hbm>>
    tpu.enqueue_dma source(%dma_start3A_673 : memref<16x128xf32, #tpu.memory_space<hbm>>) target(%arg14 : memref<16x128xf32, #tpu.memory_space<vmem>>) target_semaphore(%arg17 : memref<!tpu.dma_semaphore, #tpu.memory_space<semaphore_mem>>)
    %get3A_674 = arith.index_cast %add3A_665 : i32 to index
    %get3A_675 = tpu.vector_load %arg10[%get3A_674] {strides = array<i32>} : memref<8192xi32, #tpu.memory_space<vmem>>, vector<16xi32>,
    %get3A_676 = vector.shape_cast %get3A_675 : vector<16xi32> to vector<16xi32>
    %sub3A_677 = arith.constant 8191 : i32
    %sub3A_678 = vector.broadcast %sub3A_677 : i32 to vector<16xi32>
    %sub3A_679 = arith.subi %get3A_676, %sub3A_678 : vector<16xi32>
    %max3A_680 = arith.constant 0 : i32
    %max3A_681 = vector.broadcast %max3A_680 : i32 to vector<16xi32>
    %max3A_682 = arith.maxsi %sub3A_679, %max3A_681 : vector<16xi32>
    %min3A_683 = arith.constant 1 : i32
    %min3A_684 = vector.broadcast %min3A_683 : i32 to vector<16xi32>
    %min3A_685 = arith.minsi %max3A_682, %min3A_684 : vector<16xi32>
    %sub3A_686 = arith.constant 1 : i32
    %sub3A_687 = vector.broadcast %sub3A_686 : i32 to vector<16xi32>
    %sub3A_688 = arith.subi %sub3A_687, %min3A_685 : vector<16xi32>
    %mul3A_689 = arith.muli %get3A_676, %sub3A_688 : vector<16xi32>
    %mul3A_690 = arith.constant 16 : i32
    %mul3A_691 = arith.muli %add3A, %mul3A_690 : i32
    %add3A_692 = arith.constant 8192 : i32
    %add3A_693 = arith.addi %add3A_692, %mul3A_691 : i32
    %add3A_694 = vector.broadcast %add3A_693 : i32 to vector<16xi32>
    %add3A_695 = arith.addi %add3A_694, %iota3A : vector<16xi32>
    %mul3A_696 = arith.muli %add3A_695, %min3A_685 : vector<16xi32>
    %add3A_697 = arith.addi %mul3A_689, %mul3A_696 : vector<16xi32>
    %swap3A_698 = arith.constant 0 : index
    %swap3A_699 = tpu.vector_load %arg12[%swap3A_698] {strides = array<i32>} : memref<16xi32, #tpu.memory_space<vmem>>, vector<16xi32>,
    %swap3A_700 = vector.shape_cast %swap3A_699 : vector<16xi32> to vector<16xi32>
    %swap3A_701 = vector.shape_cast %add3A_697 : vector<16xi32> to vector<16xi32>
    tpu.vector_store %arg12[%swap3A_698], %swap3A_701 {strides = array<i32>} : memref<16xi32, #tpu.memory_space<vmem>>, vector<16xi32>,
    %dma_wait3A_702 = arith.constant 0 : i32
    %dma_wait3A_703 = tpu.memref_slice %arg3[%add3A_665, %dma_wait3A_702] : memref<8192x2048xf32, #tpu.memory_space<hbm>> -> memref<16x2048xf32, #tpu.memory_space<hbm>>
    %dma_wait3A_704 = arith.constant 0 : i32
    %dma_wait3A_705 = tpu.memref_slice %arg3[%add3A_665, %dma_wait3A_704] : memref<8192x2048xf32, #tpu.memory_space<hbm>> -> memref<16x2048xf32, #tpu.memory_space<hbm>>
    tpu.wait_dma2 semaphore(%arg16 : memref<!tpu.dma_semaphore, #tpu.memory_space<semaphore_mem>>) src(%dma_wait3A_705 : memref<16x2048xf32, #tpu.memory_space<hbm>>) dst(%arg13 : memref<16x2048xf32, #tpu.memory_space<vmem>>)
    %dma_wait3A_706 = arith.constant 0 : i32
    %dma_wait3A_707 = tpu.memref_slice %arg4[%add3A_665, %dma_wait3A_706] : memref<8192x128xf32, #tpu.memory_space<hbm>> -> memref<16x128xf32, #tpu.memory_space<hbm>>
    %dma_wait3A_708 = arith.constant 0 : i32
    %dma_wait3A_709 = tpu.memref_slice %arg4[%add3A_665, %dma_wait3A_708] : memref<8192x128xf32, #tpu.memory_space<hbm>> -> memref<16x128xf32, #tpu.memory_space<hbm>>
    tpu.wait_dma2 semaphore(%arg17 : memref<!tpu.dma_semaphore, #tpu.memory_space<semaphore_mem>>) src(%dma_wait3A_709 : memref<16x128xf32, #tpu.memory_space<hbm>>) dst(%arg14 : memref<16x128xf32, #tpu.memory_space<vmem>>)
    %dma_start3A_710 = arith.constant 0 : i32
    %dma_start3A_711 = arith.constant 0 : i32
    %dma_start3A_712 = tpu.memref_slice %arg5[%dma_start3A_710, %dma_start3A_711] : memref<8704x2048xf32, #tpu.memory_space<hbm>> -> memref<8704x2048xf32, #tpu.memory_space<hbm>>
    tpu.enqueue_indirect_dma source(%arg13 : memref<16x2048xf32, #tpu.memory_space<vmem>>) target(%dma_start3A_712 : memref<8704x2048xf32, #tpu.memory_space<hbm>>) offsets(%arg12 : memref<16xi32, #tpu.memory_space<vmem>>) semaphore(%arg16 : memref<!tpu.dma_semaphore, #tpu.memory_space<semaphore_mem>>)
    %dma_start3A_713 = arith.constant 0 : i32
    %dma_start3A_714 = arith.constant 0 : i32
    %dma_start3A_715 = tpu.memref_slice %arg6[%dma_start3A_713, %dma_start3A_714] : memref<8704x128xf32, #tpu.memory_space<hbm>> -> memref<8704x128xf32, #tpu.memory_space<hbm>>
    tpu.enqueue_indirect_dma source(%arg14 : memref<16x128xf32, #tpu.memory_space<vmem>>) target(%dma_start3A_715 : memref<8704x128xf32, #tpu.memory_space<hbm>>) offsets(%arg12 : memref<16xi32, #tpu.memory_space<vmem>>) semaphore(%arg17 : memref<!tpu.dma_semaphore, #tpu.memory_space<semaphore_mem>>)
    %dma_wait3A_716 = arith.constant 0 : i32
    %dma_wait3A_717 = arith.constant 0 : i32
    %dma_wait3A_718 = tpu.memref_slice %arg5[%dma_wait3A_716, %dma_wait3A_717] : memref<8704x2048xf32, #tpu.memory_space<hbm>> -> memref<8704x2048xf32, #tpu.memory_space<hbm>>
    tpu.wait_indirect_dma semaphore(%arg16 : memref<!tpu.dma_semaphore, #tpu.memory_space<semaphore_mem>>) src(%arg13 : memref<16x2048xf32, #tpu.memory_space<vmem>>) dst(%dma_wait3A_718 : memref<8704x2048xf32, #tpu.memory_space<hbm>>)
    %dma_wait3A_719 = arith.constant 0 : i32
    %dma_wait3A_720 = arith.constant 0 : i32
    %dma_wait3A_721 = tpu.memref_slice %arg6[%dma_wait3A_719, %dma_wait3A_720] : memref<8704x128xf32, #tpu.memory_space<hbm>> -> memref<8704x128xf32, #tpu.memory_space<hbm>>
    tpu.wait_indirect_dma semaphore(%arg17 : memref<!tpu.dma_semaphore, #tpu.memory_space<semaphore_mem>>) src(%arg14 : memref<16x128xf32, #tpu.memory_space<vmem>>) dst(%dma_wait3A_721 : memref<8704x128xf32, #tpu.memory_space<hbm>>)
    %mul3A_722 = arith.constant 256 : i32
    %mul3A_723 = arith.muli %add3A, %mul3A_722 : i32
    %add3A_724 = arith.constant 192 : i32
    %add3A_725 = arith.addi %mul3A_723, %add3A_724 : i32
    %dma_start3A_726 = arith.constant 0 : i32
    %dma_start3A_727 = tpu.memref_slice %arg3[%add3A_725, %dma_start3A_726] : memref<8192x2048xf32, #tpu.memory_space<hbm>> -> memref<16x2048xf32, #tpu.memory_space<hbm>>
    %dma_start3A_728 = arith.constant 0 : i32
    %dma_start3A_729 = tpu.memref_slice %arg3[%add3A_725, %dma_start3A_728] : memref<8192x2048xf32, #tpu.memory_space<hbm>> -> memref<16x2048xf32, #tpu.memory_space<hbm>>
    tpu.enqueue_dma source(%dma_start3A_729 : memref<16x2048xf32, #tpu.memory_space<hbm>>) target(%arg13 : memref<16x2048xf32, #tpu.memory_space<vmem>>) target_semaphore(%arg16 : memref<!tpu.dma_semaphore, #tpu.memory_space<semaphore_mem>>)
    %dma_start3A_730 = arith.constant 0 : i32
    %dma_start3A_731 = tpu.memref_slice %arg4[%add3A_725, %dma_start3A_730] : memref<8192x128xf32, #tpu.memory_space<hbm>> -> memref<16x128xf32, #tpu.memory_space<hbm>>
    %dma_start3A_732 = arith.constant 0 : i32
    %dma_start3A_733 = tpu.memref_slice %arg4[%add3A_725, %dma_start3A_732] : memref<8192x128xf32, #tpu.memory_space<hbm>> -> memref<16x128xf32, #tpu.memory_space<hbm>>
    tpu.enqueue_dma source(%dma_start3A_733 : memref<16x128xf32, #tpu.memory_space<hbm>>) target(%arg14 : memref<16x128xf32, #tpu.memory_space<vmem>>) target_semaphore(%arg17 : memref<!tpu.dma_semaphore, #tpu.memory_space<semaphore_mem>>)
    %get3A_734 = arith.index_cast %add3A_725 : i32 to index
    %get3A_735 = tpu.vector_load %arg10[%get3A_734] {strides = array<i32>} : memref<8192xi32, #tpu.memory_space<vmem>>, vector<16xi32>,
    %get3A_736 = vector.shape_cast %get3A_735 : vector<16xi32> to vector<16xi32>
    %sub3A_737 = arith.constant 8191 : i32
    %sub3A_738 = vector.broadcast %sub3A_737 : i32 to vector<16xi32>
    %sub3A_739 = arith.subi %get3A_736, %sub3A_738 : vector<16xi32>
    %max3A_740 = arith.constant 0 : i32
    %max3A_741 = vector.broadcast %max3A_740 : i32 to vector<16xi32>
    %max3A_742 = arith.maxsi %sub3A_739, %max3A_741 : vector<16xi32>
    %min3A_743 = arith.constant 1 : i32
    %min3A_744 = vector.broadcast %min3A_743 : i32 to vector<16xi32>
    %min3A_745 = arith.minsi %max3A_742, %min3A_744 : vector<16xi32>
    %sub3A_746 = arith.constant 1 : i32
    %sub3A_747 = vector.broadcast %sub3A_746 : i32 to vector<16xi32>
    %sub3A_748 = arith.subi %sub3A_747, %min3A_745 : vector<16xi32>
    %mul3A_749 = arith.muli %get3A_736, %sub3A_748 : vector<16xi32>
    %mul3A_750 = arith.constant 16 : i32
    %mul3A_751 = arith.muli %add3A, %mul3A_750 : i32
    %add3A_752 = arith.constant 8192 : i32
    %add3A_753 = arith.addi %add3A_752, %mul3A_751 : i32
    %add3A_754 = vector.broadcast %add3A_753 : i32 to vector<16xi32>
    %add3A_755 = arith.addi %add3A_754, %iota3A : vector<16xi32>
    %mul3A_756 = arith.muli %add3A_755, %min3A_745 : vector<16xi32>
    %add3A_757 = arith.addi %mul3A_749, %mul3A_756 : vector<16xi32>
    %swap3A_758 = arith.constant 0 : index
    %swap3A_759 = tpu.vector_load %arg12[%swap3A_758] {strides = array<i32>} : memref<16xi32, #tpu.memory_space<vmem>>, vector<16xi32>,
    %swap3A_760 = vector.shape_cast %swap3A_759 : vector<16xi32> to vector<16xi32>
    %swap3A_761 = vector.shape_cast %add3A_757 : vector<16xi32> to vector<16xi32>
    tpu.vector_store %arg12[%swap3A_758], %swap3A_761 {strides = array<i32>} : memref<16xi32, #tpu.memory_space<vmem>>, vector<16xi32>,
    %dma_wait3A_762 = arith.constant 0 : i32
    %dma_wait3A_763 = tpu.memref_slice %arg3[%add3A_725, %dma_wait3A_762] : memref<8192x2048xf32, #tpu.memory_space<hbm>> -> memref<16x2048xf32, #tpu.memory_space<hbm>>
    %dma_wait3A_764 = arith.constant 0 : i32
    %dma_wait3A_765 = tpu.memref_slice %arg3[%add3A_725, %dma_wait3A_764] : memref<8192x2048xf32, #tpu.memory_space<hbm>> -> memref<16x2048xf32, #tpu.memory_space<hbm>>
    tpu.wait_dma2 semaphore(%arg16 : memref<!tpu.dma_semaphore, #tpu.memory_space<semaphore_mem>>) src(%dma_wait3A_765 : memref<16x2048xf32, #tpu.memory_space<hbm>>) dst(%arg13 : memref<16x2048xf32, #tpu.memory_space<vmem>>)
    %dma_wait3A_766 = arith.constant 0 : i32
    %dma_wait3A_767 = tpu.memref_slice %arg4[%add3A_725, %dma_wait3A_766] : memref<8192x128xf32, #tpu.memory_space<hbm>> -> memref<16x128xf32, #tpu.memory_space<hbm>>
    %dma_wait3A_768 = arith.constant 0 : i32
    %dma_wait3A_769 = tpu.memref_slice %arg4[%add3A_725, %dma_wait3A_768] : memref<8192x128xf32, #tpu.memory_space<hbm>> -> memref<16x128xf32, #tpu.memory_space<hbm>>
    tpu.wait_dma2 semaphore(%arg17 : memref<!tpu.dma_semaphore, #tpu.memory_space<semaphore_mem>>) src(%dma_wait3A_769 : memref<16x128xf32, #tpu.memory_space<hbm>>) dst(%arg14 : memref<16x128xf32, #tpu.memory_space<vmem>>)
    %dma_start3A_770 = arith.constant 0 : i32
    %dma_start3A_771 = arith.constant 0 : i32
    %dma_start3A_772 = tpu.memref_slice %arg5[%dma_start3A_770, %dma_start3A_771] : memref<8704x2048xf32, #tpu.memory_space<hbm>> -> memref<8704x2048xf32, #tpu.memory_space<hbm>>
    tpu.enqueue_indirect_dma source(%arg13 : memref<16x2048xf32, #tpu.memory_space<vmem>>) target(%dma_start3A_772 : memref<8704x2048xf32, #tpu.memory_space<hbm>>) offsets(%arg12 : memref<16xi32, #tpu.memory_space<vmem>>) semaphore(%arg16 : memref<!tpu.dma_semaphore, #tpu.memory_space<semaphore_mem>>)
    %dma_start3A_773 = arith.constant 0 : i32
    %dma_start3A_774 = arith.constant 0 : i32
    %dma_start3A_775 = tpu.memref_slice %arg6[%dma_start3A_773, %dma_start3A_774] : memref<8704x128xf32, #tpu.memory_space<hbm>> -> memref<8704x128xf32, #tpu.memory_space<hbm>>
    tpu.enqueue_indirect_dma source(%arg14 : memref<16x128xf32, #tpu.memory_space<vmem>>) target(%dma_start3A_775 : memref<8704x128xf32, #tpu.memory_space<hbm>>) offsets(%arg12 : memref<16xi32, #tpu.memory_space<vmem>>) semaphore(%arg17 : memref<!tpu.dma_semaphore, #tpu.memory_space<semaphore_mem>>)
    %dma_wait3A_776 = arith.constant 0 : i32
    %dma_wait3A_777 = arith.constant 0 : i32
    %dma_wait3A_778 = tpu.memref_slice %arg5[%dma_wait3A_776, %dma_wait3A_777] : memref<8704x2048xf32, #tpu.memory_space<hbm>> -> memref<8704x2048xf32, #tpu.memory_space<hbm>>
    tpu.wait_indirect_dma semaphore(%arg16 : memref<!tpu.dma_semaphore, #tpu.memory_space<semaphore_mem>>) src(%arg13 : memref<16x2048xf32, #tpu.memory_space<vmem>>) dst(%dma_wait3A_778 : memref<8704x2048xf32, #tpu.memory_space<hbm>>)
    %dma_wait3A_779 = arith.constant 0 : i32
    %dma_wait3A_780 = arith.constant 0 : i32
    %dma_wait3A_781 = tpu.memref_slice %arg6[%dma_wait3A_779, %dma_wait3A_780] : memref<8704x128xf32, #tpu.memory_space<hbm>> -> memref<8704x128xf32, #tpu.memory_space<hbm>>
    tpu.wait_indirect_dma semaphore(%arg17 : memref<!tpu.dma_semaphore, #tpu.memory_space<semaphore_mem>>) src(%arg14 : memref<16x128xf32, #tpu.memory_space<vmem>>) dst(%dma_wait3A_781 : memref<8704x128xf32, #tpu.memory_space<hbm>>)
    %mul3A_782 = arith.constant 256 : i32
    %mul3A_783 = arith.muli %add3A, %mul3A_782 : i32
    %add3A_784 = arith.constant 208 : i32
    %add3A_785 = arith.addi %mul3A_783, %add3A_784 : i32
    %dma_start3A_786 = arith.constant 0 : i32
    %dma_start3A_787 = tpu.memref_slice %arg3[%add3A_785, %dma_start3A_786] : memref<8192x2048xf32, #tpu.memory_space<hbm>> -> memref<16x2048xf32, #tpu.memory_space<hbm>>
    %dma_start3A_788 = arith.constant 0 : i32
    %dma_start3A_789 = tpu.memref_slice %arg3[%add3A_785, %dma_start3A_788] : memref<8192x2048xf32, #tpu.memory_space<hbm>> -> memref<16x2048xf32, #tpu.memory_space<hbm>>
    tpu.enqueue_dma source(%dma_start3A_789 : memref<16x2048xf32, #tpu.memory_space<hbm>>) target(%arg13 : memref<16x2048xf32, #tpu.memory_space<vmem>>) target_semaphore(%arg16 : memref<!tpu.dma_semaphore, #tpu.memory_space<semaphore_mem>>)
    %dma_start3A_790 = arith.constant 0 : i32
    %dma_start3A_791 = tpu.memref_slice %arg4[%add3A_785, %dma_start3A_790] : memref<8192x128xf32, #tpu.memory_space<hbm>> -> memref<16x128xf32, #tpu.memory_space<hbm>>
    %dma_start3A_792 = arith.constant 0 : i32
    %dma_start3A_793 = tpu.memref_slice %arg4[%add3A_785, %dma_start3A_792] : memref<8192x128xf32, #tpu.memory_space<hbm>> -> memref<16x128xf32, #tpu.memory_space<hbm>>
    tpu.enqueue_dma source(%dma_start3A_793 : memref<16x128xf32, #tpu.memory_space<hbm>>) target(%arg14 : memref<16x128xf32, #tpu.memory_space<vmem>>) target_semaphore(%arg17 : memref<!tpu.dma_semaphore, #tpu.memory_space<semaphore_mem>>)
    %get3A_794 = arith.index_cast %add3A_785 : i32 to index
    %get3A_795 = tpu.vector_load %arg10[%get3A_794] {strides = array<i32>} : memref<8192xi32, #tpu.memory_space<vmem>>, vector<16xi32>,
    %get3A_796 = vector.shape_cast %get3A_795 : vector<16xi32> to vector<16xi32>
    %sub3A_797 = arith.constant 8191 : i32
    %sub3A_798 = vector.broadcast %sub3A_797 : i32 to vector<16xi32>
    %sub3A_799 = arith.subi %get3A_796, %sub3A_798 : vector<16xi32>
    %max3A_800 = arith.constant 0 : i32
    %max3A_801 = vector.broadcast %max3A_800 : i32 to vector<16xi32>
    %max3A_802 = arith.maxsi %sub3A_799, %max3A_801 : vector<16xi32>
    %min3A_803 = arith.constant 1 : i32
    %min3A_804 = vector.broadcast %min3A_803 : i32 to vector<16xi32>
    %min3A_805 = arith.minsi %max3A_802, %min3A_804 : vector<16xi32>
    %sub3A_806 = arith.constant 1 : i32
    %sub3A_807 = vector.broadcast %sub3A_806 : i32 to vector<16xi32>
    %sub3A_808 = arith.subi %sub3A_807, %min3A_805 : vector<16xi32>
    %mul3A_809 = arith.muli %get3A_796, %sub3A_808 : vector<16xi32>
    %mul3A_810 = arith.constant 16 : i32
    %mul3A_811 = arith.muli %add3A, %mul3A_810 : i32
    %add3A_812 = arith.constant 8192 : i32
    %add3A_813 = arith.addi %add3A_812, %mul3A_811 : i32
    %add3A_814 = vector.broadcast %add3A_813 : i32 to vector<16xi32>
    %add3A_815 = arith.addi %add3A_814, %iota3A : vector<16xi32>
    %mul3A_816 = arith.muli %add3A_815, %min3A_805 : vector<16xi32>
    %add3A_817 = arith.addi %mul3A_809, %mul3A_816 : vector<16xi32>
    %swap3A_818 = arith.constant 0 : index
    %swap3A_819 = tpu.vector_load %arg12[%swap3A_818] {strides = array<i32>} : memref<16xi32, #tpu.memory_space<vmem>>, vector<16xi32>,
    %swap3A_820 = vector.shape_cast %swap3A_819 : vector<16xi32> to vector<16xi32>
    %swap3A_821 = vector.shape_cast %add3A_817 : vector<16xi32> to vector<16xi32>
    tpu.vector_store %arg12[%swap3A_818], %swap3A_821 {strides = array<i32>} : memref<16xi32, #tpu.memory_space<vmem>>, vector<16xi32>,
    %dma_wait3A_822 = arith.constant 0 : i32
    %dma_wait3A_823 = tpu.memref_slice %arg3[%add3A_785, %dma_wait3A_822] : memref<8192x2048xf32, #tpu.memory_space<hbm>> -> memref<16x2048xf32, #tpu.memory_space<hbm>>
    %dma_wait3A_824 = arith.constant 0 : i32
    %dma_wait3A_825 = tpu.memref_slice %arg3[%add3A_785, %dma_wait3A_824] : memref<8192x2048xf32, #tpu.memory_space<hbm>> -> memref<16x2048xf32, #tpu.memory_space<hbm>>
    tpu.wait_dma2 semaphore(%arg16 : memref<!tpu.dma_semaphore, #tpu.memory_space<semaphore_mem>>) src(%dma_wait3A_825 : memref<16x2048xf32, #tpu.memory_space<hbm>>) dst(%arg13 : memref<16x2048xf32, #tpu.memory_space<vmem>>)
    %dma_wait3A_826 = arith.constant 0 : i32
    %dma_wait3A_827 = tpu.memref_slice %arg4[%add3A_785, %dma_wait3A_826] : memref<8192x128xf32, #tpu.memory_space<hbm>> -> memref<16x128xf32, #tpu.memory_space<hbm>>
    %dma_wait3A_828 = arith.constant 0 : i32
    %dma_wait3A_829 = tpu.memref_slice %arg4[%add3A_785, %dma_wait3A_828] : memref<8192x128xf32, #tpu.memory_space<hbm>> -> memref<16x128xf32, #tpu.memory_space<hbm>>
    tpu.wait_dma2 semaphore(%arg17 : memref<!tpu.dma_semaphore, #tpu.memory_space<semaphore_mem>>) src(%dma_wait3A_829 : memref<16x128xf32, #tpu.memory_space<hbm>>) dst(%arg14 : memref<16x128xf32, #tpu.memory_space<vmem>>)
    %dma_start3A_830 = arith.constant 0 : i32
    %dma_start3A_831 = arith.constant 0 : i32
    %dma_start3A_832 = tpu.memref_slice %arg5[%dma_start3A_830, %dma_start3A_831] : memref<8704x2048xf32, #tpu.memory_space<hbm>> -> memref<8704x2048xf32, #tpu.memory_space<hbm>>
    tpu.enqueue_indirect_dma source(%arg13 : memref<16x2048xf32, #tpu.memory_space<vmem>>) target(%dma_start3A_832 : memref<8704x2048xf32, #tpu.memory_space<hbm>>) offsets(%arg12 : memref<16xi32, #tpu.memory_space<vmem>>) semaphore(%arg16 : memref<!tpu.dma_semaphore, #tpu.memory_space<semaphore_mem>>)
    %dma_start3A_833 = arith.constant 0 : i32
    %dma_start3A_834 = arith.constant 0 : i32
    %dma_start3A_835 = tpu.memref_slice %arg6[%dma_start3A_833, %dma_start3A_834] : memref<8704x128xf32, #tpu.memory_space<hbm>> -> memref<8704x128xf32, #tpu.memory_space<hbm>>
    tpu.enqueue_indirect_dma source(%arg14 : memref<16x128xf32, #tpu.memory_space<vmem>>) target(%dma_start3A_835 : memref<8704x128xf32, #tpu.memory_space<hbm>>) offsets(%arg12 : memref<16xi32, #tpu.memory_space<vmem>>) semaphore(%arg17 : memref<!tpu.dma_semaphore, #tpu.memory_space<semaphore_mem>>)
    %dma_wait3A_836 = arith.constant 0 : i32
    %dma_wait3A_837 = arith.constant 0 : i32
    %dma_wait3A_838 = tpu.memref_slice %arg5[%dma_wait3A_836, %dma_wait3A_837] : memref<8704x2048xf32, #tpu.memory_space<hbm>> -> memref<8704x2048xf32, #tpu.memory_space<hbm>>
    tpu.wait_indirect_dma semaphore(%arg16 : memref<!tpu.dma_semaphore, #tpu.memory_space<semaphore_mem>>) src(%arg13 : memref<16x2048xf32, #tpu.memory_space<vmem>>) dst(%dma_wait3A_838 : memref<8704x2048xf32, #tpu.memory_space<hbm>>)
    %dma_wait3A_839 = arith.constant 0 : i32
    %dma_wait3A_840 = arith.constant 0 : i32
    %dma_wait3A_841 = tpu.memref_slice %arg6[%dma_wait3A_839, %dma_wait3A_840] : memref<8704x128xf32, #tpu.memory_space<hbm>> -> memref<8704x128xf32, #tpu.memory_space<hbm>>
    tpu.wait_indirect_dma semaphore(%arg17 : memref<!tpu.dma_semaphore, #tpu.memory_space<semaphore_mem>>) src(%arg14 : memref<16x128xf32, #tpu.memory_space<vmem>>) dst(%dma_wait3A_841 : memref<8704x128xf32, #tpu.memory_space<hbm>>)
    %mul3A_842 = arith.constant 256 : i32
    %mul3A_843 = arith.muli %add3A, %mul3A_842 : i32
    %add3A_844 = arith.constant 224 : i32
    %add3A_845 = arith.addi %mul3A_843, %add3A_844 : i32
    %dma_start3A_846 = arith.constant 0 : i32
    %dma_start3A_847 = tpu.memref_slice %arg3[%add3A_845, %dma_start3A_846] : memref<8192x2048xf32, #tpu.memory_space<hbm>> -> memref<16x2048xf32, #tpu.memory_space<hbm>>
    %dma_start3A_848 = arith.constant 0 : i32
    %dma_start3A_849 = tpu.memref_slice %arg3[%add3A_845, %dma_start3A_848] : memref<8192x2048xf32, #tpu.memory_space<hbm>> -> memref<16x2048xf32, #tpu.memory_space<hbm>>
    tpu.enqueue_dma source(%dma_start3A_849 : memref<16x2048xf32, #tpu.memory_space<hbm>>) target(%arg13 : memref<16x2048xf32, #tpu.memory_space<vmem>>) target_semaphore(%arg16 : memref<!tpu.dma_semaphore, #tpu.memory_space<semaphore_mem>>)
    %dma_start3A_850 = arith.constant 0 : i32
    %dma_start3A_851 = tpu.memref_slice %arg4[%add3A_845, %dma_start3A_850] : memref<8192x128xf32, #tpu.memory_space<hbm>> -> memref<16x128xf32, #tpu.memory_space<hbm>>
    %dma_start3A_852 = arith.constant 0 : i32
    %dma_start3A_853 = tpu.memref_slice %arg4[%add3A_845, %dma_start3A_852] : memref<8192x128xf32, #tpu.memory_space<hbm>> -> memref<16x128xf32, #tpu.memory_space<hbm>>
    tpu.enqueue_dma source(%dma_start3A_853 : memref<16x128xf32, #tpu.memory_space<hbm>>) target(%arg14 : memref<16x128xf32, #tpu.memory_space<vmem>>) target_semaphore(%arg17 : memref<!tpu.dma_semaphore, #tpu.memory_space<semaphore_mem>>)
    %get3A_854 = arith.index_cast %add3A_845 : i32 to index
    %get3A_855 = tpu.vector_load %arg10[%get3A_854] {strides = array<i32>} : memref<8192xi32, #tpu.memory_space<vmem>>, vector<16xi32>,
    %get3A_856 = vector.shape_cast %get3A_855 : vector<16xi32> to vector<16xi32>
    %sub3A_857 = arith.constant 8191 : i32
    %sub3A_858 = vector.broadcast %sub3A_857 : i32 to vector<16xi32>
    %sub3A_859 = arith.subi %get3A_856, %sub3A_858 : vector<16xi32>
    %max3A_860 = arith.constant 0 : i32
    %max3A_861 = vector.broadcast %max3A_860 : i32 to vector<16xi32>
    %max3A_862 = arith.maxsi %sub3A_859, %max3A_861 : vector<16xi32>
    %min3A_863 = arith.constant 1 : i32
    %min3A_864 = vector.broadcast %min3A_863 : i32 to vector<16xi32>
    %min3A_865 = arith.minsi %max3A_862, %min3A_864 : vector<16xi32>
    %sub3A_866 = arith.constant 1 : i32
    %sub3A_867 = vector.broadcast %sub3A_866 : i32 to vector<16xi32>
    %sub3A_868 = arith.subi %sub3A_867, %min3A_865 : vector<16xi32>
    %mul3A_869 = arith.muli %get3A_856, %sub3A_868 : vector<16xi32>
    %mul3A_870 = arith.constant 16 : i32
    %mul3A_871 = arith.muli %add3A, %mul3A_870 : i32
    %add3A_872 = arith.constant 8192 : i32
    %add3A_873 = arith.addi %add3A_872, %mul3A_871 : i32
    %add3A_874 = vector.broadcast %add3A_873 : i32 to vector<16xi32>
    %add3A_875 = arith.addi %add3A_874, %iota3A : vector<16xi32>
    %mul3A_876 = arith.muli %add3A_875, %min3A_865 : vector<16xi32>
    %add3A_877 = arith.addi %mul3A_869, %mul3A_876 : vector<16xi32>
    %swap3A_878 = arith.constant 0 : index
    %swap3A_879 = tpu.vector_load %arg12[%swap3A_878] {strides = array<i32>} : memref<16xi32, #tpu.memory_space<vmem>>, vector<16xi32>,
    %swap3A_880 = vector.shape_cast %swap3A_879 : vector<16xi32> to vector<16xi32>
    %swap3A_881 = vector.shape_cast %add3A_877 : vector<16xi32> to vector<16xi32>
    tpu.vector_store %arg12[%swap3A_878], %swap3A_881 {strides = array<i32>} : memref<16xi32, #tpu.memory_space<vmem>>, vector<16xi32>,
    %dma_wait3A_882 = arith.constant 0 : i32
    %dma_wait3A_883 = tpu.memref_slice %arg3[%add3A_845, %dma_wait3A_882] : memref<8192x2048xf32, #tpu.memory_space<hbm>> -> memref<16x2048xf32, #tpu.memory_space<hbm>>
    %dma_wait3A_884 = arith.constant 0 : i32
    %dma_wait3A_885 = tpu.memref_slice %arg3[%add3A_845, %dma_wait3A_884] : memref<8192x2048xf32, #tpu.memory_space<hbm>> -> memref<16x2048xf32, #tpu.memory_space<hbm>>
    tpu.wait_dma2 semaphore(%arg16 : memref<!tpu.dma_semaphore, #tpu.memory_space<semaphore_mem>>) src(%dma_wait3A_885 : memref<16x2048xf32, #tpu.memory_space<hbm>>) dst(%arg13 : memref<16x2048xf32, #tpu.memory_space<vmem>>)
    %dma_wait3A_886 = arith.constant 0 : i32
    %dma_wait3A_887 = tpu.memref_slice %arg4[%add3A_845, %dma_wait3A_886] : memref<8192x128xf32, #tpu.memory_space<hbm>> -> memref<16x128xf32, #tpu.memory_space<hbm>>
    %dma_wait3A_888 = arith.constant 0 : i32
    %dma_wait3A_889 = tpu.memref_slice %arg4[%add3A_845, %dma_wait3A_888] : memref<8192x128xf32, #tpu.memory_space<hbm>> -> memref<16x128xf32, #tpu.memory_space<hbm>>
    tpu.wait_dma2 semaphore(%arg17 : memref<!tpu.dma_semaphore, #tpu.memory_space<semaphore_mem>>) src(%dma_wait3A_889 : memref<16x128xf32, #tpu.memory_space<hbm>>) dst(%arg14 : memref<16x128xf32, #tpu.memory_space<vmem>>)
    %dma_start3A_890 = arith.constant 0 : i32
    %dma_start3A_891 = arith.constant 0 : i32
    %dma_start3A_892 = tpu.memref_slice %arg5[%dma_start3A_890, %dma_start3A_891] : memref<8704x2048xf32, #tpu.memory_space<hbm>> -> memref<8704x2048xf32, #tpu.memory_space<hbm>>
    tpu.enqueue_indirect_dma source(%arg13 : memref<16x2048xf32, #tpu.memory_space<vmem>>) target(%dma_start3A_892 : memref<8704x2048xf32, #tpu.memory_space<hbm>>) offsets(%arg12 : memref<16xi32, #tpu.memory_space<vmem>>) semaphore(%arg16 : memref<!tpu.dma_semaphore, #tpu.memory_space<semaphore_mem>>)
    %dma_start3A_893 = arith.constant 0 : i32
    %dma_start3A_894 = arith.constant 0 : i32
    %dma_start3A_895 = tpu.memref_slice %arg6[%dma_start3A_893, %dma_start3A_894] : memref<8704x128xf32, #tpu.memory_space<hbm>> -> memref<8704x128xf32, #tpu.memory_space<hbm>>
    tpu.enqueue_indirect_dma source(%arg14 : memref<16x128xf32, #tpu.memory_space<vmem>>) target(%dma_start3A_895 : memref<8704x128xf32, #tpu.memory_space<hbm>>) offsets(%arg12 : memref<16xi32, #tpu.memory_space<vmem>>) semaphore(%arg17 : memref<!tpu.dma_semaphore, #tpu.memory_space<semaphore_mem>>)
    %dma_wait3A_896 = arith.constant 0 : i32
    %dma_wait3A_897 = arith.constant 0 : i32
    %dma_wait3A_898 = tpu.memref_slice %arg5[%dma_wait3A_896, %dma_wait3A_897] : memref<8704x2048xf32, #tpu.memory_space<hbm>> -> memref<8704x2048xf32, #tpu.memory_space<hbm>>
    tpu.wait_indirect_dma semaphore(%arg16 : memref<!tpu.dma_semaphore, #tpu.memory_space<semaphore_mem>>) src(%arg13 : memref<16x2048xf32, #tpu.memory_space<vmem>>) dst(%dma_wait3A_898 : memref<8704x2048xf32, #tpu.memory_space<hbm>>)
    %dma_wait3A_899 = arith.constant 0 : i32
    %dma_wait3A_900 = arith.constant 0 : i32
    %dma_wait3A_901 = tpu.memref_slice %arg6[%dma_wait3A_899, %dma_wait3A_900] : memref<8704x128xf32, #tpu.memory_space<hbm>> -> memref<8704x128xf32, #tpu.memory_space<hbm>>
    tpu.wait_indirect_dma semaphore(%arg17 : memref<!tpu.dma_semaphore, #tpu.memory_space<semaphore_mem>>) src(%arg14 : memref<16x128xf32, #tpu.memory_space<vmem>>) dst(%dma_wait3A_901 : memref<8704x128xf32, #tpu.memory_space<hbm>>)
    %mul3A_902 = arith.constant 256 : i32
    %mul3A_903 = arith.muli %add3A, %mul3A_902 : i32
    %add3A_904 = arith.constant 240 : i32
    %add3A_905 = arith.addi %mul3A_903, %add3A_904 : i32
    %dma_start3A_906 = arith.constant 0 : i32
    %dma_start3A_907 = tpu.memref_slice %arg3[%add3A_905, %dma_start3A_906] : memref<8192x2048xf32, #tpu.memory_space<hbm>> -> memref<16x2048xf32, #tpu.memory_space<hbm>>
    %dma_start3A_908 = arith.constant 0 : i32
    %dma_start3A_909 = tpu.memref_slice %arg3[%add3A_905, %dma_start3A_908] : memref<8192x2048xf32, #tpu.memory_space<hbm>> -> memref<16x2048xf32, #tpu.memory_space<hbm>>
    tpu.enqueue_dma source(%dma_start3A_909 : memref<16x2048xf32, #tpu.memory_space<hbm>>) target(%arg13 : memref<16x2048xf32, #tpu.memory_space<vmem>>) target_semaphore(%arg16 : memref<!tpu.dma_semaphore, #tpu.memory_space<semaphore_mem>>)
    %dma_start3A_910 = arith.constant 0 : i32
    %dma_start3A_911 = tpu.memref_slice %arg4[%add3A_905, %dma_start3A_910] : memref<8192x128xf32, #tpu.memory_space<hbm>> -> memref<16x128xf32, #tpu.memory_space<hbm>>
    %dma_start3A_912 = arith.constant 0 : i32
    %dma_start3A_913 = tpu.memref_slice %arg4[%add3A_905, %dma_start3A_912] : memref<8192x128xf32, #tpu.memory_space<hbm>> -> memref<16x128xf32, #tpu.memory_space<hbm>>
    tpu.enqueue_dma source(%dma_start3A_913 : memref<16x128xf32, #tpu.memory_space<hbm>>) target(%arg14 : memref<16x128xf32, #tpu.memory_space<vmem>>) target_semaphore(%arg17 : memref<!tpu.dma_semaphore, #tpu.memory_space<semaphore_mem>>)
    %get3A_914 = arith.index_cast %add3A_905 : i32 to index
    %get3A_915 = tpu.vector_load %arg10[%get3A_914] {strides = array<i32>} : memref<8192xi32, #tpu.memory_space<vmem>>, vector<16xi32>,
    %get3A_916 = vector.shape_cast %get3A_915 : vector<16xi32> to vector<16xi32>
    %sub3A_917 = arith.constant 8191 : i32
    %sub3A_918 = vector.broadcast %sub3A_917 : i32 to vector<16xi32>
    %sub3A_919 = arith.subi %get3A_916, %sub3A_918 : vector<16xi32>
    %max3A_920 = arith.constant 0 : i32
    %max3A_921 = vector.broadcast %max3A_920 : i32 to vector<16xi32>
    %max3A_922 = arith.maxsi %sub3A_919, %max3A_921 : vector<16xi32>
    %min3A_923 = arith.constant 1 : i32
    %min3A_924 = vector.broadcast %min3A_923 : i32 to vector<16xi32>
    %min3A_925 = arith.minsi %max3A_922, %min3A_924 : vector<16xi32>
    %sub3A_926 = arith.constant 1 : i32
    %sub3A_927 = vector.broadcast %sub3A_926 : i32 to vector<16xi32>
    %sub3A_928 = arith.subi %sub3A_927, %min3A_925 : vector<16xi32>
    %mul3A_929 = arith.muli %get3A_916, %sub3A_928 : vector<16xi32>
    %mul3A_930 = arith.constant 16 : i32
    %mul3A_931 = arith.muli %add3A, %mul3A_930 : i32
    %add3A_932 = arith.constant 8192 : i32
    %add3A_933 = arith.addi %add3A_932, %mul3A_931 : i32
    %add3A_934 = vector.broadcast %add3A_933 : i32 to vector<16xi32>
    %add3A_935 = arith.addi %add3A_934, %iota3A : vector<16xi32>
    %mul3A_936 = arith.muli %add3A_935, %min3A_925 : vector<16xi32>
    %add3A_937 = arith.addi %mul3A_929, %mul3A_936 : vector<16xi32>
    %swap3A_938 = arith.constant 0 : index
    %swap3A_939 = tpu.vector_load %arg12[%swap3A_938] {strides = array<i32>} : memref<16xi32, #tpu.memory_space<vmem>>, vector<16xi32>,
    %swap3A_940 = vector.shape_cast %swap3A_939 : vector<16xi32> to vector<16xi32>
    %swap3A_941 = vector.shape_cast %add3A_937 : vector<16xi32> to vector<16xi32>
    tpu.vector_store %arg12[%swap3A_938], %swap3A_941 {strides = array<i32>} : memref<16xi32, #tpu.memory_space<vmem>>, vector<16xi32>,
    %dma_wait3A_942 = arith.constant 0 : i32
    %dma_wait3A_943 = tpu.memref_slice %arg3[%add3A_905, %dma_wait3A_942] : memref<8192x2048xf32, #tpu.memory_space<hbm>> -> memref<16x2048xf32, #tpu.memory_space<hbm>>
    %dma_wait3A_944 = arith.constant 0 : i32
    %dma_wait3A_945 = tpu.memref_slice %arg3[%add3A_905, %dma_wait3A_944] : memref<8192x2048xf32, #tpu.memory_space<hbm>> -> memref<16x2048xf32, #tpu.memory_space<hbm>>
    tpu.wait_dma2 semaphore(%arg16 : memref<!tpu.dma_semaphore, #tpu.memory_space<semaphore_mem>>) src(%dma_wait3A_945 : memref<16x2048xf32, #tpu.memory_space<hbm>>) dst(%arg13 : memref<16x2048xf32, #tpu.memory_space<vmem>>)
    %dma_wait3A_946 = arith.constant 0 : i32
    %dma_wait3A_947 = tpu.memref_slice %arg4[%add3A_905, %dma_wait3A_946] : memref<8192x128xf32, #tpu.memory_space<hbm>> -> memref<16x128xf32, #tpu.memory_space<hbm>>
    %dma_wait3A_948 = arith.constant 0 : i32
    %dma_wait3A_949 = tpu.memref_slice %arg4[%add3A_905, %dma_wait3A_948] : memref<8192x128xf32, #tpu.memory_space<hbm>> -> memref<16x128xf32, #tpu.memory_space<hbm>>
    tpu.wait_dma2 semaphore(%arg17 : memref<!tpu.dma_semaphore, #tpu.memory_space<semaphore_mem>>) src(%dma_wait3A_949 : memref<16x128xf32, #tpu.memory_space<hbm>>) dst(%arg14 : memref<16x128xf32, #tpu.memory_space<vmem>>)
    %dma_start3A_950 = arith.constant 0 : i32
    %dma_start3A_951 = arith.constant 0 : i32
    %dma_start3A_952 = tpu.memref_slice %arg5[%dma_start3A_950, %dma_start3A_951] : memref<8704x2048xf32, #tpu.memory_space<hbm>> -> memref<8704x2048xf32, #tpu.memory_space<hbm>>
    tpu.enqueue_indirect_dma source(%arg13 : memref<16x2048xf32, #tpu.memory_space<vmem>>) target(%dma_start3A_952 : memref<8704x2048xf32, #tpu.memory_space<hbm>>) offsets(%arg12 : memref<16xi32, #tpu.memory_space<vmem>>) semaphore(%arg16 : memref<!tpu.dma_semaphore, #tpu.memory_space<semaphore_mem>>)
    %dma_start3A_953 = arith.constant 0 : i32
    %dma_start3A_954 = arith.constant 0 : i32
    %dma_start3A_955 = tpu.memref_slice %arg6[%dma_start3A_953, %dma_start3A_954] : memref<8704x128xf32, #tpu.memory_space<hbm>> -> memref<8704x128xf32, #tpu.memory_space<hbm>>
    tpu.enqueue_indirect_dma source(%arg14 : memref<16x128xf32, #tpu.memory_space<vmem>>) target(%dma_start3A_955 : memref<8704x128xf32, #tpu.memory_space<hbm>>) offsets(%arg12 : memref<16xi32, #tpu.memory_space<vmem>>) semaphore(%arg17 : memref<!tpu.dma_semaphore, #tpu.memory_space<semaphore_mem>>)
    %dma_wait3A_956 = arith.constant 0 : i32
    %dma_wait3A_957 = arith.constant 0 : i32
    %dma_wait3A_958 = tpu.memref_slice %arg5[%dma_wait3A_956, %dma_wait3A_957] : memref<8704x2048xf32, #tpu.memory_space<hbm>> -> memref<8704x2048xf32, #tpu.memory_space<hbm>>
    tpu.wait_indirect_dma semaphore(%arg16 : memref<!tpu.dma_semaphore, #tpu.memory_space<semaphore_mem>>) src(%arg13 : memref<16x2048xf32, #tpu.memory_space<vmem>>) dst(%dma_wait3A_958 : memref<8704x2048xf32, #tpu.memory_space<hbm>>)
    %dma_wait3A_959 = arith.constant 0 : i32
    %dma_wait3A_960 = arith.constant 0 : i32
    %dma_wait3A_961 = tpu.memref_slice %arg6[%dma_wait3A_959, %dma_wait3A_960] : memref<8704x128xf32, #tpu.memory_space<hbm>> -> memref<8704x128xf32, #tpu.memory_space<hbm>>
    tpu.wait_indirect_dma semaphore(%arg17 : memref<!tpu.dma_semaphore, #tpu.memory_space<semaphore_mem>>) src(%arg14 : memref<16x128xf32, #tpu.memory_space<vmem>>) dst(%dma_wait3A_961 : memref<8704x128xf32, #tpu.memory_space<hbm>>)
    return
  }
}

#map = affine_map<(d0, d1) -> (0)>
#map1 = affine_map<(d0, d1) -> (0, 0)>
module attributes {stable_mosaic.version = 14 : i64} {
  func.func @_sc_merge(%arg0: i32, %arg1: i32, %arg2: memref<8192xi32, #tpu.memory_space<hbm>>, %arg3: memref<16384x128xf32, #tpu.memory_space<hbm>>, %arg4: memref<8192x128xf32, #tpu.memory_space<hbm>>, %arg5: memref<128xi32, #tpu.memory_space<vmem>>, %arg6: memref<128x128xf32, #tpu.memory_space<vmem>>, %arg7: memref<!tpu.dma_semaphore, #tpu.memory_space<semaphore_mem>>) attributes {dimension_semantics = [#tpu.dimension_semantics<core_parallel>, #tpu.dimension_semantics<subcore_parallel>], iteration_bounds = array<i64: 2, 16>, scalar_prefetch = 0 : i64, scratch_operands = 3 : i64, tpu.core_type = #tpu.core_type<sc_vector_subcore>, window_params = [{transform_indices = #map}, {transform_indices = #map1}, {transform_indices = #map1}]} {
    %mul3A = arith.constant 2 : i32
    %mul3A_0 = arith.muli %arg1, %mul3A : i32
    %add3A = arith.addi %mul3A_0, %arg0 : i32
    %mul3A_1 = arith.constant 256 : i32
    %mul3A_2 = arith.muli %add3A, %mul3A_1 : i32
    %add3A_3 = arith.constant 0 : i32
    %add3A_4 = arith.addi %mul3A_2, %add3A_3 : i32
    "tpu.region"() ({
      %run_scoped3A = tpu.sem_alloc : memref<!tpu.dma_semaphore, #tpu.memory_space<semaphore_mem>>
      %dma_start3A_19 = tpu.memref_slice %arg2[%add3A_4] : memref<8192xi32, #tpu.memory_space<hbm>> -> memref<128xi32, #tpu.memory_space<hbm>>
      %dma_start3A_20 = tpu.memref_slice %arg2[%add3A_4] : memref<8192xi32, #tpu.memory_space<hbm>> -> memref<128xi32, #tpu.memory_space<hbm>>
      tpu.enqueue_dma source(%dma_start3A_20 : memref<128xi32, #tpu.memory_space<hbm>>) target(%arg5 : memref<128xi32, #tpu.memory_space<vmem>>) target_semaphore(%run_scoped3A : memref<!tpu.dma_semaphore, #tpu.memory_space<semaphore_mem>>)
      %dma_wait3A_21 = tpu.memref_slice %arg2[%add3A_4] : memref<8192xi32, #tpu.memory_space<hbm>> -> memref<128xi32, #tpu.memory_space<hbm>>
      %dma_wait3A_22 = tpu.memref_slice %arg2[%add3A_4] : memref<8192xi32, #tpu.memory_space<hbm>> -> memref<128xi32, #tpu.memory_space<hbm>>
      tpu.wait_dma2 semaphore(%run_scoped3A : memref<!tpu.dma_semaphore, #tpu.memory_space<semaphore_mem>>) src(%dma_wait3A_22 : memref<128xi32, #tpu.memory_space<hbm>>) dst(%arg5 : memref<128xi32, #tpu.memory_space<vmem>>)
      tpu.yield
    }) : () -> ()
    %dma_start3A = arith.constant 0 : i32
    %dma_start3A_5 = arith.constant 0 : i32
    %dma_start3A_6 = tpu.memref_slice %arg3[%dma_start3A, %dma_start3A_5] : memref<16384x128xf32, #tpu.memory_space<hbm>> -> memref<16384x128xf32, #tpu.memory_space<hbm>>
    tpu.enqueue_indirect_dma source(%dma_start3A_6 : memref<16384x128xf32, #tpu.memory_space<hbm>>) target(%arg6 : memref<128x128xf32, #tpu.memory_space<vmem>>) offsets(%arg5 : memref<128xi32, #tpu.memory_space<vmem>>) semaphore(%arg7 : memref<!tpu.dma_semaphore, #tpu.memory_space<semaphore_mem>>)
    %dma_wait3A = arith.constant 0 : i32
    %dma_wait3A_7 = arith.constant 0 : i32
    %dma_wait3A_8 = tpu.memref_slice %arg3[%dma_wait3A, %dma_wait3A_7] : memref<16384x128xf32, #tpu.memory_space<hbm>> -> memref<16384x128xf32, #tpu.memory_space<hbm>>
    tpu.wait_indirect_dma semaphore(%arg7 : memref<!tpu.dma_semaphore, #tpu.memory_space<semaphore_mem>>) src(%dma_wait3A_8 : memref<16384x128xf32, #tpu.memory_space<hbm>>) dst(%arg6 : memref<128x128xf32, #tpu.memory_space<vmem>>)
    "tpu.region"() ({
      %run_scoped3A = tpu.sem_alloc : memref<!tpu.dma_semaphore, #tpu.memory_space<semaphore_mem>>
      %dma_start3A_19 = arith.constant 0 : i32
      %dma_start3A_20 = tpu.memref_slice %arg4[%add3A_4, %dma_start3A_19] : memref<8192x128xf32, #tpu.memory_space<hbm>> -> memref<128x128xf32, #tpu.memory_space<hbm>>
      %dma_start3A_21 = arith.constant 0 : i32
      %dma_start3A_22 = tpu.memref_slice %arg4[%add3A_4, %dma_start3A_21] : memref<8192x128xf32, #tpu.memory_space<hbm>> -> memref<128x128xf32, #tpu.memory_space<hbm>>
      tpu.enqueue_dma source(%arg6 : memref<128x128xf32, #tpu.memory_space<vmem>>) target(%dma_start3A_22 : memref<128x128xf32, #tpu.memory_space<hbm>>) target_semaphore(%run_scoped3A : memref<!tpu.dma_semaphore, #tpu.memory_space<semaphore_mem>>)
      %dma_wait3A_23 = arith.constant 0 : i32
      %dma_wait3A_24 = tpu.memref_slice %arg4[%add3A_4, %dma_wait3A_23] : memref<8192x128xf32, #tpu.memory_space<hbm>> -> memref<128x128xf32, #tpu.memory_space<hbm>>
      %dma_wait3A_25 = arith.constant 0 : i32
      %dma_wait3A_26 = tpu.memref_slice %arg4[%add3A_4, %dma_wait3A_25] : memref<8192x128xf32, #tpu.memory_space<hbm>> -> memref<128x128xf32, #tpu.memory_space<hbm>>
      tpu.wait_dma2 semaphore(%run_scoped3A : memref<!tpu.dma_semaphore, #tpu.memory_space<semaphore_mem>>) src(%arg6 : memref<128x128xf32, #tpu.memory_space<vmem>>) dst(%dma_wait3A_26 : memref<128x128xf32, #tpu.memory_space<hbm>>)
      tpu.yield
    }) : () -> ()
    %mul3A_9 = arith.constant 256 : i32
    %mul3A_10 = arith.muli %add3A, %mul3A_9 : i32
    %add3A_11 = arith.constant 128 : i32
    %add3A_12 = arith.addi %mul3A_10, %add3A_11 : i32
    "tpu.region"() ({
      %run_scoped3A = tpu.sem_alloc : memref<!tpu.dma_semaphore, #tpu.memory_space<semaphore_mem>>
      %dma_start3A_19 = tpu.memref_slice %arg2[%add3A_12] : memref<8192xi32, #tpu.memory_space<hbm>> -> memref<128xi32, #tpu.memory_space<hbm>>
      %dma_start3A_20 = tpu.memref_slice %arg2[%add3A_12] : memref<8192xi32, #tpu.memory_space<hbm>> -> memref<128xi32, #tpu.memory_space<hbm>>
      tpu.enqueue_dma source(%dma_start3A_20 : memref<128xi32, #tpu.memory_space<hbm>>) target(%arg5 : memref<128xi32, #tpu.memory_space<vmem>>) target_semaphore(%run_scoped3A : memref<!tpu.dma_semaphore, #tpu.memory_space<semaphore_mem>>)
      %dma_wait3A_21 = tpu.memref_slice %arg2[%add3A_12] : memref<8192xi32, #tpu.memory_space<hbm>> -> memref<128xi32, #tpu.memory_space<hbm>>
      %dma_wait3A_22 = tpu.memref_slice %arg2[%add3A_12] : memref<8192xi32, #tpu.memory_space<hbm>> -> memref<128xi32, #tpu.memory_space<hbm>>
      tpu.wait_dma2 semaphore(%run_scoped3A : memref<!tpu.dma_semaphore, #tpu.memory_space<semaphore_mem>>) src(%dma_wait3A_22 : memref<128xi32, #tpu.memory_space<hbm>>) dst(%arg5 : memref<128xi32, #tpu.memory_space<vmem>>)
      tpu.yield
    }) : () -> ()
    %dma_start3A_13 = arith.constant 0 : i32
    %dma_start3A_14 = arith.constant 0 : i32
    %dma_start3A_15 = tpu.memref_slice %arg3[%dma_start3A_13, %dma_start3A_14] : memref<16384x128xf32, #tpu.memory_space<hbm>> -> memref<16384x128xf32, #tpu.memory_space<hbm>>
    tpu.enqueue_indirect_dma source(%dma_start3A_15 : memref<16384x128xf32, #tpu.memory_space<hbm>>) target(%arg6 : memref<128x128xf32, #tpu.memory_space<vmem>>) offsets(%arg5 : memref<128xi32, #tpu.memory_space<vmem>>) semaphore(%arg7 : memref<!tpu.dma_semaphore, #tpu.memory_space<semaphore_mem>>)
    %dma_wait3A_16 = arith.constant 0 : i32
    %dma_wait3A_17 = arith.constant 0 : i32
    %dma_wait3A_18 = tpu.memref_slice %arg3[%dma_wait3A_16, %dma_wait3A_17] : memref<16384x128xf32, #tpu.memory_space<hbm>> -> memref<16384x128xf32, #tpu.memory_space<hbm>>
    tpu.wait_indirect_dma semaphore(%arg7 : memref<!tpu.dma_semaphore, #tpu.memory_space<semaphore_mem>>) src(%dma_wait3A_18 : memref<16384x128xf32, #tpu.memory_space<hbm>>) dst(%arg6 : memref<128x128xf32, #tpu.memory_space<vmem>>)
    "tpu.region"() ({
      %run_scoped3A = tpu.sem_alloc : memref<!tpu.dma_semaphore, #tpu.memory_space<semaphore_mem>>
      %dma_start3A_19 = arith.constant 0 : i32
      %dma_start3A_20 = tpu.memref_slice %arg4[%add3A_12, %dma_start3A_19] : memref<8192x128xf32, #tpu.memory_space<hbm>> -> memref<128x128xf32, #tpu.memory_space<hbm>>
      %dma_start3A_21 = arith.constant 0 : i32
      %dma_start3A_22 = tpu.memref_slice %arg4[%add3A_12, %dma_start3A_21] : memref<8192x128xf32, #tpu.memory_space<hbm>> -> memref<128x128xf32, #tpu.memory_space<hbm>>
      tpu.enqueue_dma source(%arg6 : memref<128x128xf32, #tpu.memory_space<vmem>>) target(%dma_start3A_22 : memref<128x128xf32, #tpu.memory_space<hbm>>) target_semaphore(%run_scoped3A : memref<!tpu.dma_semaphore, #tpu.memory_space<semaphore_mem>>)
      %dma_wait3A_23 = arith.constant 0 : i32
      %dma_wait3A_24 = tpu.memref_slice %arg4[%add3A_12, %dma_wait3A_23] : memref<8192x128xf32, #tpu.memory_space<hbm>> -> memref<128x128xf32, #tpu.memory_space<hbm>>
      %dma_wait3A_25 = arith.constant 0 : i32
      %dma_wait3A_26 = tpu.memref_slice %arg4[%add3A_12, %dma_wait3A_25] : memref<8192x128xf32, #tpu.memory_space<hbm>> -> memref<128x128xf32, #tpu.memory_space<hbm>>
      tpu.wait_dma2 semaphore(%run_scoped3A : memref<!tpu.dma_semaphore, #tpu.memory_space<semaphore_mem>>) src(%arg6 : memref<128x128xf32, #tpu.memory_space<vmem>>) dst(%dma_wait3A_26 : memref<128x128xf32, #tpu.memory_space<hbm>>)
      tpu.yield
    }) : () -> ()
    return
  }
}

module attributes {stable_mosaic.version = 14 : i64} {
  func.func @_head0_kernel(%arg0: i32, %arg1: memref<256x2048xf32, #tpu.memory_space<vmem>>, %arg2: memref<256x8xf32, #tpu.memory_space<vmem>>, %arg3: memref<1024x2048xbf16, #tpu.memory_space<vmem>>, %arg4: memref<1x1024xf32, #tpu.memory_space<vmem>>, %arg5: memref<1024x1xbf16, #tpu.memory_space<vmem>>, %arg6: memref<1x1xf32, #tpu.memory_space<vmem>>, %arg7: memref<256x128xf32, #tpu.memory_space<vmem>>, %arg8: memref<256x128xf32, #tpu.memory_space<vmem>>, %arg9: memref<256x1xi32, #tpu.memory_space<vmem>>, %arg10: memref<1x1xf32, #tpu.memory_space<vmem>>, %arg11: memref<1x1xf32, #tpu.memory_space<vmem>>) attributes {dimension_semantics = [#tpu.dimension_semantics<arbitrary>], iteration_bounds = array<i64: 32>, scalar_prefetch = 0 : i64, scratch_operands = 1 : i64, tpu.core_type = #tpu.core_type<tc>, window_params = [{transform_indices = @transform_0, window_bounds = array<i64: 256, 2048>}, {transform_indices = @transform_1, window_bounds = array<i64: 256, 8>}, {pipeline_mode = #tpu.pipeline_mode<synchronous>, transform_indices = @transform_2, window_bounds = array<i64: 1024, 2048>}, {pipeline_mode = #tpu.pipeline_mode<synchronous>, transform_indices = @transform_3, window_bounds = array<i64: 1, 1024>}, {pipeline_mode = #tpu.pipeline_mode<synchronous>, transform_indices = @transform_4, window_bounds = array<i64: 1024, 1>}, {pipeline_mode = #tpu.pipeline_mode<synchronous>, transform_indices = @transform_5, window_bounds = array<i64: 1, 1>}, {transform_indices = @transform_6, window_bounds = array<i64: 256, 128>}, {transform_indices = @transform_7, window_bounds = array<i64: 256, 128>}, {transform_indices = @transform_8, window_bounds = array<i64: 256, 1>}, {pipeline_mode = #tpu.pipeline_mode<synchronous>, transform_indices = @transform_9, window_bounds = array<i64: 1, 1>}]} {
    %eq3A = arith.constant 0 : i32
    %eq3A_0 = arith.cmpi eq, %arg0, %eq3A : i32
    %convert_element_type3A = arith.extui %eq3A_0 : i1 to i32
    %cond3A = arith.constant 0 : i32
    %cond3A_1 = arith.cmpi ne, %convert_element_type3A, %cond3A : i32
    scf.if %cond3A_1 {
      %broadcast_in_dim3A_76 = arith.constant 0.000000e+00 : f32
      %broadcast_in_dim3A_77 = vector.broadcast %broadcast_in_dim3A_76 : f32 to vector<1x1xf32>
      %swap3A_78 = arith.constant 0 : index
      %swap3A_79 = arith.constant 0 : index
      %swap3A_80 = vector.load %arg11[%swap3A_78, %swap3A_79] : memref<1x1xf32, #tpu.memory_space<vmem>>, vector<1x1xf32>
      tpu.vector_store %arg11[%swap3A_78, %swap3A_79], %broadcast_in_dim3A_77 {strides = array<i32>} : memref<1x1xf32, #tpu.memory_space<vmem>>, vector<1x1xf32>,
    } else {
    }
    %get3A = arith.constant 0 : index
    %get3A_2 = arith.constant 0 : index
    %get3A_3 = vector.load %arg1[%get3A, %get3A_2] : memref<256x2048xf32, #tpu.memory_space<vmem>>, vector<256x2048xf32>
    %convert_element_type3A_4 = arith.truncf %get3A_3 : vector<256x2048xf32> to vector<256x2048xbf16>
    %get3A_5 = arith.constant 0 : index
    %get3A_6 = arith.constant 0 : index
    %get3A_7 = vector.load %arg3[%get3A_5, %get3A_6] : memref<1024x2048xbf16, #tpu.memory_space<vmem>>, vector<1024x2048xbf16>
    %dot_general3A = arith.constant dense<0.000000e+00> : vector<256x1024xf32>
    %dot_general3A_8 = tpu.matmul %convert_element_type3A_4, %get3A_7, %dot_general3A {dimension_numbers = #tpu.dot_dimension_numbers<[1], [1], [0], [0], [0, 0, 1, 0], [], []>, transpose_lhs_hint = false} : vector<256x2048xbf16>, vector<1024x2048xbf16>, vector<256x1024xf32> -> vector<256x1024xf32>
    %get3A_9 = arith.constant 0 : index
    %get3A_10 = arith.constant 0 : index
    %get3A_11 = vector.load %arg4[%get3A_9, %get3A_10] : memref<1x1024xf32, #tpu.memory_space<vmem>>, vector<1x1024xf32>
    %add3A = vector.broadcast %get3A_11 : vector<1x1024xf32> to vector<256x1024xf32>
    %add3A_12 = arith.addf %dot_general3A_8, %add3A : vector<256x1024xf32>
    %max3A = arith.constant 0.000000e+00 : f32
    %max3A_13 = vector.broadcast %max3A : f32 to vector<256x1024xf32>
    %max3A_14 = arith.maximumf %add3A_12, %max3A_13 : vector<256x1024xf32>
    %convert_element_type3A_15 = arith.truncf %max3A_14 : vector<256x1024xf32> to vector<256x1024xbf16>
    %get3A_16 = arith.constant 0 : index
    %get3A_17 = arith.constant 0 : index
    %get3A_18 = vector.load %arg5[%get3A_16, %get3A_17] : memref<1024x1xbf16, #tpu.memory_space<vmem>>, vector<1024x1xbf16>
    %dot_general3A_19 = arith.constant dense<0.000000e+00> : vector<256x1xf32>
    %dot_general3A_20 = tpu.matmul %convert_element_type3A_15, %get3A_18, %dot_general3A_19 {dimension_numbers = #tpu.dot_dimension_numbers<[1], [0], [0], [1], [0, 0, 1, 1], [], []>, transpose_lhs_hint = false} : vector<256x1024xbf16>, vector<1024x1xbf16>, vector<256x1xf32> -> vector<256x1xf32>
    %get3A_21 = arith.constant 0 : index
    %get3A_22 = arith.constant 0 : index
    %get3A_23 = vector.load %arg6[%get3A_21, %get3A_22] : memref<1x1xf32, #tpu.memory_space<vmem>>, vector<1x1xf32>
    %get3A_24 = vector.extract %get3A_23[0, 0] : f32 from vector<1x1xf32>
    %add3A_25 = vector.broadcast %get3A_24 : f32 to vector<256x1xf32>
    %add3A_26 = arith.addf %dot_general3A_20, %add3A_25 : vector<256x1xf32>
    %get3A_27 = arith.constant 0 : index
    %get3A_28 = arith.constant 0 : index
    %get3A_29 = vector.load %arg2[%get3A_27, %get3A_28] : memref<256x8xf32, #tpu.memory_space<vmem>>, vector<256x1xf32>
    %get3A_30 = arith.constant 0 : index
    %get3A_31 = arith.constant 0 : index
    %get3A_32 = vector.load %arg11[%get3A_30, %get3A_31] : memref<1x1xf32, #tpu.memory_space<vmem>>, vector<1x1xf32>
    %max3A_33 = arith.constant 0.000000e+00 : f32
    %max3A_34 = vector.broadcast %max3A_33 : f32 to vector<256x1xf32>
    %max3A_35 = arith.maximumf %add3A_26, %max3A_34 : vector<256x1xf32>
    %mul3A = arith.mulf %add3A_26, %get3A_29 : vector<256x1xf32>
    %sub3A = arith.subf %max3A_35, %mul3A : vector<256x1xf32>
    %abs3A = math.absf %add3A_26 : vector<256x1xf32>
    %neg3A = arith.constant 0.000000e+00 : f32
    %neg3A_36 = vector.broadcast %neg3A : f32 to vector<256x1xf32>
    %neg3A_37 = arith.subf %neg3A_36, %abs3A : vector<256x1xf32>
    %exp3A = math.exp %neg3A_37 : vector<256x1xf32>
    %log1p3A = math.log1p %exp3A : vector<256x1xf32>
    %add3A_38 = arith.addf %sub3A, %log1p3A : vector<256x1xf32>
    %reduce_sum3A = vector.shape_cast %add3A_38 : vector<256x1xf32> to vector<1x256x1xf32>
    %reduce_sum3A_39 = arith.constant dense<0.000000e+00> : vector<1xf32>
    %reduce_sum3A_40 = vector.multi_reduction <add>, %reduce_sum3A, %reduce_sum3A_39 [1, 2] : vector<1x256x1xf32> to vector<1xf32>
    %reduce_sum3A_41 = vector.shape_cast %reduce_sum3A_40 : vector<1xf32> to vector<1x1x1xf32>
    %reduce_sum3A_42 = vector.extract %reduce_sum3A_41[0, 0, 0] : f32 from vector<1x1x1xf32>
    %broadcast_in_dim3A = vector.broadcast %reduce_sum3A_42 : f32 to vector<1x1xf32>
    %add3A_43 = arith.addf %get3A_32, %broadcast_in_dim3A : vector<1x1xf32>
    %swap3A = arith.constant 0 : index
    %swap3A_44 = arith.constant 0 : index
    %swap3A_45 = vector.load %arg11[%swap3A, %swap3A_44] : memref<1x1xf32, #tpu.memory_space<vmem>>, vector<1x1xf32>
    tpu.vector_store %arg11[%swap3A, %swap3A_44], %add3A_43 {strides = array<i32>} : memref<1x1xf32, #tpu.memory_space<vmem>>, vector<1x1xf32>,
    %logistic3A = arith.negf %add3A_26 : vector<256x1xf32>
    %logistic3A_46 = math.exp %logistic3A : vector<256x1xf32>
    %logistic3A_47 = arith.constant 1.000000e+00 : f32
    %logistic3A_48 = vector.broadcast %logistic3A_47 : f32 to vector<256x1xf32>
    %logistic3A_49 = arith.addf %logistic3A_48, %logistic3A_46 : vector<256x1xf32>
    %logistic3A_50 = arith.divf %logistic3A_48, %logistic3A_49 : vector<256x1xf32>
    %ge3A = arith.constant 5.000000e-01 : f32
    %ge3A_51 = vector.broadcast %ge3A : f32 to vector<256x1xf32>
    %ge3A_52 = arith.cmpf oge, %logistic3A_50, %ge3A_51 : vector<256x1xf32>
    %broadcast_in_dim3A_53 = arith.constant 0.000000e+00 : f32
    %broadcast_in_dim3A_54 = vector.broadcast %broadcast_in_dim3A_53 : f32 to vector<256x127xf32>
    %concatenate3A = tpu.concatenate %logistic3A_50, %broadcast_in_dim3A_54 in 1 : vector<256x1xf32>, vector<256x127xf32> -> vector<256x128xf32>
    %swap3A_55 = arith.constant 0 : index
    %swap3A_56 = arith.constant 0 : index
    %swap3A_57 = vector.load %arg7[%swap3A_55, %swap3A_56] : memref<256x128xf32, #tpu.memory_space<vmem>>, vector<256x128xf32>
    tpu.vector_store %arg7[%swap3A_55, %swap3A_56], %concatenate3A {strides = array<i32>} : memref<256x128xf32, #tpu.memory_space<vmem>>, vector<256x128xf32>,
    %get3A_58 = arith.constant 0 : index
    %get3A_59 = arith.constant 1 : index
    %get3A_60 = vector.load %arg2[%get3A_58, %get3A_59] : memref<256x8xf32, #tpu.memory_space<vmem>>, vector<256x7xf32>
    %broadcast_in_dim3A_61 = arith.constant 0.000000e+00 : f32
    %broadcast_in_dim3A_62 = vector.broadcast %broadcast_in_dim3A_61 : f32 to vector<256x120xf32>
    %concatenate3A_63 = tpu.concatenate %get3A_60, %logistic3A_50, %broadcast_in_dim3A_62 in 1 : vector<256x7xf32>, vector<256x1xf32>, vector<256x120xf32> -> vector<256x128xf32>
    %swap3A_64 = arith.constant 0 : index
    %swap3A_65 = arith.constant 0 : index
    %swap3A_66 = vector.load %arg8[%swap3A_64, %swap3A_65] : memref<256x128xf32, #tpu.memory_space<vmem>>, vector<256x128xf32>
    tpu.vector_store %arg8[%swap3A_64, %swap3A_65], %concatenate3A_63 {strides = array<i32>} : memref<256x128xf32, #tpu.memory_space<vmem>>, vector<256x128xf32>,
    %convert_element_type3A_67 = arith.extui %ge3A_52 : vector<256x1xi1> to vector<256x1xi32>
    %swap3A_68 = arith.constant 0 : index
    %swap3A_69 = arith.constant 0 : index
    %swap3A_70 = vector.load %arg9[%swap3A_68, %swap3A_69] : memref<256x1xi32, #tpu.memory_space<vmem>>, vector<256x1xi32>
    tpu.vector_store %arg9[%swap3A_68, %swap3A_69], %convert_element_type3A_67 {strides = array<i32>} : memref<256x1xi32, #tpu.memory_space<vmem>>, vector<256x1xi32>,
    %eq3A_71 = arith.constant 31 : i32
    %eq3A_72 = arith.cmpi eq, %arg0, %eq3A_71 : i32
    %convert_element_type3A_73 = arith.extui %eq3A_72 : i1 to i32
    %cond3A_74 = arith.constant 0 : i32
    %cond3A_75 = arith.cmpi ne, %convert_element_type3A_73, %cond3A_74 : i32
    scf.if %cond3A_75 {
      %get3A_76 = arith.constant 0 : index
      %get3A_77 = arith.constant 0 : index
      %get3A_78 = vector.load %arg11[%get3A_76, %get3A_77] : memref<1x1xf32, #tpu.memory_space<vmem>>, vector<1x1xf32>
      %mul3A_79 = arith.constant 1.22070313E-4 : f32
      %mul3A_80 = vector.broadcast %mul3A_79 : f32 to vector<1x1xf32>
      %mul3A_81 = arith.mulf %get3A_78, %mul3A_80 : vector<1x1xf32>
      %swap3A_82 = arith.constant 0 : index
      %swap3A_83 = arith.constant 0 : index
      %swap3A_84 = vector.load %arg10[%swap3A_82, %swap3A_83] : memref<1x1xf32, #tpu.memory_space<vmem>>, vector<1x1xf32>
      tpu.vector_store %arg10[%swap3A_82, %swap3A_83], %mul3A_81 {strides = array<i32>} : memref<1x1xf32, #tpu.memory_space<vmem>>, vector<1x1xf32>,
    } else {
    }
    return
  }
  func.func @transform_0(%arg0: i32) -> (i32, i32) {
    %c0_i32 = arith.constant 0 : i32
    %c0_i32_0 = arith.constant 0 : i32
    return %arg0, %c0_i32 : i32, i32
  }
  func.func @transform_1(%arg0: i32) -> (i32, i32) {
    %c0_i32 = arith.constant 0 : i32
    %c0_i32_0 = arith.constant 0 : i32
    return %arg0, %c0_i32 : i32, i32
  }
  func.func @transform_2(%arg0: i32) -> (i32, i32) {
    %c0_i32 = arith.constant 0 : i32
    %c0_i32_0 = arith.constant 0 : i32
    %c0_i32_1 = arith.constant 0 : i32
    return %c0_i32, %c0_i32_0 : i32, i32
  }
  func.func @transform_3(%arg0: i32) -> (i32, i32) {
    %c0_i32 = arith.constant 0 : i32
    %c0_i32_0 = arith.constant 0 : i32
    %c0_i32_1 = arith.constant 0 : i32
    return %c0_i32, %c0_i32_0 : i32, i32
  }
  func.func @transform_4(%arg0: i32) -> (i32, i32) {
    %c0_i32 = arith.constant 0 : i32
    %c0_i32_0 = arith.constant 0 : i32
    %c0_i32_1 = arith.constant 0 : i32
    return %c0_i32, %c0_i32_0 : i32, i32
  }
  func.func @transform_5(%arg0: i32) -> (i32, i32) {
    %c0_i32 = arith.constant 0 : i32
    %c0_i32_0 = arith.constant 0 : i32
    %c0_i32_1 = arith.constant 0 : i32
    return %c0_i32, %c0_i32_0 : i32, i32
  }
  func.func @transform_6(%arg0: i32) -> (i32, i32) {
    %c0_i32 = arith.constant 0 : i32
    %c0_i32_0 = arith.constant 0 : i32
    return %arg0, %c0_i32 : i32, i32
  }
  func.func @transform_7(%arg0: i32) -> (i32, i32) {
    %c0_i32 = arith.constant 0 : i32
    %c0_i32_0 = arith.constant 0 : i32
    return %arg0, %c0_i32 : i32, i32
  }
  func.func @transform_8(%arg0: i32) -> (i32, i32) {
    %c0_i32 = arith.constant 0 : i32
    %c0_i32_0 = arith.constant 0 : i32
    return %arg0, %c0_i32 : i32, i32
  }
  func.func @transform_9(%arg0: i32) -> (i32, i32) {
    %c0_i32 = arith.constant 0 : i32
    %c0_i32_0 = arith.constant 0 : i32
    %c0_i32_1 = arith.constant 0 : i32
    return %c0_i32, %c0_i32_0 : i32, i32
  }
}

module attributes {stable_mosaic.version = 14 : i64} {
  func.func @_heads_kernel(%arg0: i32, %arg1: memref<1xi32, #tpu.memory_space<smem>>, %arg2: memref<256x2048xf32, #tpu.memory_space<vmem>>, %arg3: memref<256x128xf32, #tpu.memory_space<vmem>>, %arg4: memref<7x1024x2048xbf16, #tpu.memory_space<vmem>>, %arg5: memref<7x1x1024xf32, #tpu.memory_space<vmem>>, %arg6: memref<7x1024x1xbf16, #tpu.memory_space<vmem>>, %arg7: memref<7x1xf32, #tpu.memory_space<vmem>>, %arg8: memref<256x128xf32, #tpu.memory_space<vmem>>, %arg9: memref<1x1xf32, #tpu.memory_space<vmem>>, %arg10: memref<1x1xf32, #tpu.memory_space<vmem>>) attributes {dimension_semantics = [#tpu.dimension_semantics<arbitrary>], iteration_bounds = array<i64: 32>, scalar_prefetch = 1 : i64, scratch_operands = 1 : i64, tpu.core_type = #tpu.core_type<tc>, window_params = [{transform_indices = @transform_0, window_bounds = array<i64: 256, 2048>}, {transform_indices = @transform_1, window_bounds = array<i64: 256, 128>}, {pipeline_mode = #tpu.pipeline_mode<synchronous>, transform_indices = @transform_2, window_bounds = array<i64: 7, 1024, 2048>}, {pipeline_mode = #tpu.pipeline_mode<synchronous>, transform_indices = @transform_3, window_bounds = array<i64: 7, 1, 1024>}, {pipeline_mode = #tpu.pipeline_mode<synchronous>, transform_indices = @transform_4, window_bounds = array<i64: 7, 1024, 1>}, {pipeline_mode = #tpu.pipeline_mode<synchronous>, transform_indices = @transform_5, window_bounds = array<i64: 7, 1>}, {transform_indices = @transform_6, window_bounds = array<i64: 256, 128>}, {pipeline_mode = #tpu.pipeline_mode<synchronous>, transform_indices = @transform_7, window_bounds = array<i64: 1, 1>}]} {
    %get3A = arith.constant 0 : index
    %get3A_0 = memref.load %arg1[%get3A] : memref<1xi32, #tpu.memory_space<smem>>
    %eq3A = arith.constant 0 : i32
    %eq3A_1 = arith.cmpi eq, %arg0, %eq3A : i32
    %convert_element_type3A = arith.extui %eq3A_1 : i1 to i32
    %cond3A = arith.constant 0 : i32
    %cond3A_2 = arith.cmpi ne, %convert_element_type3A, %cond3A : i32
    scf.if %cond3A_2 {
      %broadcast_in_dim3A = arith.constant 0.000000e+00 : f32
      %broadcast_in_dim3A_12 = vector.broadcast %broadcast_in_dim3A : f32 to vector<1x1xf32>
      %swap3A = arith.constant 0 : index
      %swap3A_13 = arith.constant 0 : index
      %swap3A_14 = vector.load %arg10[%swap3A, %swap3A_13] : memref<1x1xf32, #tpu.memory_space<vmem>>, vector<1x1xf32>
      tpu.vector_store %arg10[%swap3A, %swap3A_13], %broadcast_in_dim3A_12 {strides = array<i32>} : memref<1x1xf32, #tpu.memory_space<vmem>>, vector<1x1xf32>,
    } else {
    }
    %mul3A = arith.constant 256 : i32
    %mul3A_3 = arith.muli %arg0, %mul3A : i32
    %lt3A = arith.cmpi slt, %mul3A_3, %get3A_0 : i32
    %convert_element_type3A_4 = arith.extui %lt3A : i1 to i32
    %cond3A_5 = arith.constant 0 : i32
    %cond3A_6 = arith.cmpi ne, %convert_element_type3A_4, %cond3A_5 : i32
    scf.if %cond3A_6 {
      %get3A_12 = arith.constant 0 : index
      %get3A_13 = arith.constant 0 : index
      %get3A_14 = vector.load %arg2[%get3A_12, %get3A_13] : memref<256x2048xf32, #tpu.memory_space<vmem>>, vector<256x2048xf32>
      %convert_element_type3A_15 = arith.truncf %get3A_14 : vector<256x2048xf32> to vector<256x2048xbf16>
      %mul3A_16 = arith.constant 256 : i32
      %mul3A_17 = arith.muli %arg0, %mul3A_16 : i32
      %iota3A = tpu.iota {dimensions = array<i32: 0>} : vector<256x1xi32>
      %add3A = vector.broadcast %mul3A_17 : i32 to vector<256x1xi32>
      %add3A_18 = arith.addi %add3A, %iota3A : vector<256x1xi32>
      %lt3A_19 = vector.broadcast %get3A_0 : i32 to vector<256x1xi32>
      %lt3A_20 = arith.cmpi slt, %add3A_18, %lt3A_19 : vector<256x1xi32>
      %get3A_21 = arith.constant 0 : index
      %get3A_22 = arith.constant 0 : index
      %get3A_23 = arith.constant 0 : index
      %get3A_24 = vector.load %arg4[%get3A_21, %get3A_22, %get3A_23] : memref<7x1024x2048xbf16, #tpu.memory_space<vmem>>, vector<1x1024x2048xbf16>
      %get3A_25 = vector.shape_cast %get3A_24 : vector<1x1024x2048xbf16> to vector<1024x2048xbf16>
      %dot_general3A = arith.constant dense<0.000000e+00> : vector<256x1024xf32>
      %dot_general3A_26 = tpu.matmul %convert_element_type3A_15, %get3A_25, %dot_general3A {dimension_numbers = #tpu.dot_dimension_numbers<[1], [1], [0], [0], [0, 0, 1, 0], [], []>, transpose_lhs_hint = false} : vector<256x2048xbf16>, vector<1024x2048xbf16>, vector<256x1024xf32> -> vector<256x1024xf32>
      %get3A_27 = arith.constant 0 : index
      %get3A_28 = arith.constant 0 : index
      %get3A_29 = arith.constant 0 : index
      %get3A_30 = vector.load %arg5[%get3A_27, %get3A_28, %get3A_29] : memref<7x1x1024xf32, #tpu.memory_space<vmem>>, vector<1x1x1024xf32>
      %get3A_31 = vector.shape_cast %get3A_30 : vector<1x1x1024xf32> to vector<1x1024xf32>
      %add3A_32 = vector.broadcast %get3A_31 : vector<1x1024xf32> to vector<256x1024xf32>
      %add3A_33 = arith.addf %dot_general3A_26, %add3A_32 : vector<256x1024xf32>
      %max3A = arith.constant 0.000000e+00 : f32
      %max3A_34 = vector.broadcast %max3A : f32 to vector<256x1024xf32>
      %max3A_35 = arith.maximumf %add3A_33, %max3A_34 : vector<256x1024xf32>
      %convert_element_type3A_36 = arith.truncf %max3A_35 : vector<256x1024xf32> to vector<256x1024xbf16>
      %get3A_37 = arith.constant 1 : index
      %get3A_38 = arith.constant 0 : index
      %get3A_39 = arith.constant 0 : index
      %get3A_40 = vector.load %arg4[%get3A_37, %get3A_38, %get3A_39] : memref<7x1024x2048xbf16, #tpu.memory_space<vmem>>, vector<1x1024x2048xbf16>
      %get3A_41 = vector.shape_cast %get3A_40 : vector<1x1024x2048xbf16> to vector<1024x2048xbf16>
      %dot_general3A_42 = arith.constant dense<0.000000e+00> : vector<256x1024xf32>
      %dot_general3A_43 = tpu.matmul %convert_element_type3A_15, %get3A_41, %dot_general3A_42 {dimension_numbers = #tpu.dot_dimension_numbers<[1], [1], [0], [0], [0, 0, 1, 0], [], []>, transpose_lhs_hint = false} : vector<256x2048xbf16>, vector<1024x2048xbf16>, vector<256x1024xf32> -> vector<256x1024xf32>
      %get3A_44 = arith.constant 1 : index
      %get3A_45 = arith.constant 0 : index
      %get3A_46 = arith.constant 0 : index
      %get3A_47 = vector.load %arg5[%get3A_44, %get3A_45, %get3A_46] : memref<7x1x1024xf32, #tpu.memory_space<vmem>>, vector<1x1x1024xf32>
      %get3A_48 = vector.shape_cast %get3A_47 : vector<1x1x1024xf32> to vector<1x1024xf32>
      %add3A_49 = vector.broadcast %get3A_48 : vector<1x1024xf32> to vector<256x1024xf32>
      %add3A_50 = arith.addf %dot_general3A_43, %add3A_49 : vector<256x1024xf32>
      %max3A_51 = arith.constant 0.000000e+00 : f32
      %max3A_52 = vector.broadcast %max3A_51 : f32 to vector<256x1024xf32>
      %max3A_53 = arith.maximumf %add3A_50, %max3A_52 : vector<256x1024xf32>
      %convert_element_type3A_54 = arith.truncf %max3A_53 : vector<256x1024xf32> to vector<256x1024xbf16>
      %get3A_55 = arith.constant 2 : index
      %get3A_56 = arith.constant 0 : index
      %get3A_57 = arith.constant 0 : index
      %get3A_58 = vector.load %arg4[%get3A_55, %get3A_56, %get3A_57] : memref<7x1024x2048xbf16, #tpu.memory_space<vmem>>, vector<1x1024x2048xbf16>
      %get3A_59 = vector.shape_cast %get3A_58 : vector<1x1024x2048xbf16> to vector<1024x2048xbf16>
      %dot_general3A_60 = arith.constant dense<0.000000e+00> : vector<256x1024xf32>
      %dot_general3A_61 = tpu.matmul %convert_element_type3A_15, %get3A_59, %dot_general3A_60 {dimension_numbers = #tpu.dot_dimension_numbers<[1], [1], [0], [0], [0, 0, 1, 0], [], []>, transpose_lhs_hint = false} : vector<256x2048xbf16>, vector<1024x2048xbf16>, vector<256x1024xf32> -> vector<256x1024xf32>
      %get3A_62 = arith.constant 2 : index
      %get3A_63 = arith.constant 0 : index
      %get3A_64 = arith.constant 0 : index
      %get3A_65 = vector.load %arg5[%get3A_62, %get3A_63, %get3A_64] : memref<7x1x1024xf32, #tpu.memory_space<vmem>>, vector<1x1x1024xf32>
      %get3A_66 = vector.shape_cast %get3A_65 : vector<1x1x1024xf32> to vector<1x1024xf32>
      %add3A_67 = vector.broadcast %get3A_66 : vector<1x1024xf32> to vector<256x1024xf32>
      %add3A_68 = arith.addf %dot_general3A_61, %add3A_67 : vector<256x1024xf32>
      %max3A_69 = arith.constant 0.000000e+00 : f32
      %max3A_70 = vector.broadcast %max3A_69 : f32 to vector<256x1024xf32>
      %max3A_71 = arith.maximumf %add3A_68, %max3A_70 : vector<256x1024xf32>
      %convert_element_type3A_72 = arith.truncf %max3A_71 : vector<256x1024xf32> to vector<256x1024xbf16>
      %get3A_73 = arith.constant 3 : index
      %get3A_74 = arith.constant 0 : index
      %get3A_75 = arith.constant 0 : index
      %get3A_76 = vector.load %arg4[%get3A_73, %get3A_74, %get3A_75] : memref<7x1024x2048xbf16, #tpu.memory_space<vmem>>, vector<1x1024x2048xbf16>
      %get3A_77 = vector.shape_cast %get3A_76 : vector<1x1024x2048xbf16> to vector<1024x2048xbf16>
      %dot_general3A_78 = arith.constant dense<0.000000e+00> : vector<256x1024xf32>
      %dot_general3A_79 = tpu.matmul %convert_element_type3A_15, %get3A_77, %dot_general3A_78 {dimension_numbers = #tpu.dot_dimension_numbers<[1], [1], [0], [0], [0, 0, 1, 0], [], []>, transpose_lhs_hint = false} : vector<256x2048xbf16>, vector<1024x2048xbf16>, vector<256x1024xf32> -> vector<256x1024xf32>
      %get3A_80 = arith.constant 3 : index
      %get3A_81 = arith.constant 0 : index
      %get3A_82 = arith.constant 0 : index
      %get3A_83 = vector.load %arg5[%get3A_80, %get3A_81, %get3A_82] : memref<7x1x1024xf32, #tpu.memory_space<vmem>>, vector<1x1x1024xf32>
      %get3A_84 = vector.shape_cast %get3A_83 : vector<1x1x1024xf32> to vector<1x1024xf32>
      %add3A_85 = vector.broadcast %get3A_84 : vector<1x1024xf32> to vector<256x1024xf32>
      %add3A_86 = arith.addf %dot_general3A_79, %add3A_85 : vector<256x1024xf32>
      %max3A_87 = arith.constant 0.000000e+00 : f32
      %max3A_88 = vector.broadcast %max3A_87 : f32 to vector<256x1024xf32>
      %max3A_89 = arith.maximumf %add3A_86, %max3A_88 : vector<256x1024xf32>
      %convert_element_type3A_90 = arith.truncf %max3A_89 : vector<256x1024xf32> to vector<256x1024xbf16>
      %get3A_91 = arith.constant 4 : index
      %get3A_92 = arith.constant 0 : index
      %get3A_93 = arith.constant 0 : index
      %get3A_94 = vector.load %arg4[%get3A_91, %get3A_92, %get3A_93] : memref<7x1024x2048xbf16, #tpu.memory_space<vmem>>, vector<1x1024x2048xbf16>
      %get3A_95 = vector.shape_cast %get3A_94 : vector<1x1024x2048xbf16> to vector<1024x2048xbf16>
      %dot_general3A_96 = arith.constant dense<0.000000e+00> : vector<256x1024xf32>
      %dot_general3A_97 = tpu.matmul %convert_element_type3A_15, %get3A_95, %dot_general3A_96 {dimension_numbers = #tpu.dot_dimension_numbers<[1], [1], [0], [0], [0, 0, 1, 0], [], []>, transpose_lhs_hint = false} : vector<256x2048xbf16>, vector<1024x2048xbf16>, vector<256x1024xf32> -> vector<256x1024xf32>
      %get3A_98 = arith.constant 4 : index
      %get3A_99 = arith.constant 0 : index
      %get3A_100 = arith.constant 0 : index
      %get3A_101 = vector.load %arg5[%get3A_98, %get3A_99, %get3A_100] : memref<7x1x1024xf32, #tpu.memory_space<vmem>>, vector<1x1x1024xf32>
      %get3A_102 = vector.shape_cast %get3A_101 : vector<1x1x1024xf32> to vector<1x1024xf32>
      %add3A_103 = vector.broadcast %get3A_102 : vector<1x1024xf32> to vector<256x1024xf32>
      %add3A_104 = arith.addf %dot_general3A_97, %add3A_103 : vector<256x1024xf32>
      %max3A_105 = arith.constant 0.000000e+00 : f32
      %max3A_106 = vector.broadcast %max3A_105 : f32 to vector<256x1024xf32>
      %max3A_107 = arith.maximumf %add3A_104, %max3A_106 : vector<256x1024xf32>
      %convert_element_type3A_108 = arith.truncf %max3A_107 : vector<256x1024xf32> to vector<256x1024xbf16>
      %get3A_109 = arith.constant 5 : index
      %get3A_110 = arith.constant 0 : index
      %get3A_111 = arith.constant 0 : index
      %get3A_112 = vector.load %arg4[%get3A_109, %get3A_110, %get3A_111] : memref<7x1024x2048xbf16, #tpu.memory_space<vmem>>, vector<1x1024x2048xbf16>
      %get3A_113 = vector.shape_cast %get3A_112 : vector<1x1024x2048xbf16> to vector<1024x2048xbf16>
      %dot_general3A_114 = arith.constant dense<0.000000e+00> : vector<256x1024xf32>
      %dot_general3A_115 = tpu.matmul %convert_element_type3A_15, %get3A_113, %dot_general3A_114 {dimension_numbers = #tpu.dot_dimension_numbers<[1], [1], [0], [0], [0, 0, 1, 0], [], []>, transpose_lhs_hint = false} : vector<256x2048xbf16>, vector<1024x2048xbf16>, vector<256x1024xf32> -> vector<256x1024xf32>
      %get3A_116 = arith.constant 5 : index
      %get3A_117 = arith.constant 0 : index
      %get3A_118 = arith.constant 0 : index
      %get3A_119 = vector.load %arg5[%get3A_116, %get3A_117, %get3A_118] : memref<7x1x1024xf32, #tpu.memory_space<vmem>>, vector<1x1x1024xf32>
      %get3A_120 = vector.shape_cast %get3A_119 : vector<1x1x1024xf32> to vector<1x1024xf32>
      %add3A_121 = vector.broadcast %get3A_120 : vector<1x1024xf32> to vector<256x1024xf32>
      %add3A_122 = arith.addf %dot_general3A_115, %add3A_121 : vector<256x1024xf32>
      %max3A_123 = arith.constant 0.000000e+00 : f32
      %max3A_124 = vector.broadcast %max3A_123 : f32 to vector<256x1024xf32>
      %max3A_125 = arith.maximumf %add3A_122, %max3A_124 : vector<256x1024xf32>
      %convert_element_type3A_126 = arith.truncf %max3A_125 : vector<256x1024xf32> to vector<256x1024xbf16>
      %get3A_127 = arith.constant 6 : index
      %get3A_128 = arith.constant 0 : index
      %get3A_129 = arith.constant 0 : index
      %get3A_130 = vector.load %arg4[%get3A_127, %get3A_128, %get3A_129] : memref<7x1024x2048xbf16, #tpu.memory_space<vmem>>, vector<1x1024x2048xbf16>
      %get3A_131 = vector.shape_cast %get3A_130 : vector<1x1024x2048xbf16> to vector<1024x2048xbf16>
      %dot_general3A_132 = arith.constant dense<0.000000e+00> : vector<256x1024xf32>
      %dot_general3A_133 = tpu.matmul %convert_element_type3A_15, %get3A_131, %dot_general3A_132 {dimension_numbers = #tpu.dot_dimension_numbers<[1], [1], [0], [0], [0, 0, 1, 0], [], []>, transpose_lhs_hint = false} : vector<256x2048xbf16>, vector<1024x2048xbf16>, vector<256x1024xf32> -> vector<256x1024xf32>
      %get3A_134 = arith.constant 6 : index
      %get3A_135 = arith.constant 0 : index
      %get3A_136 = arith.constant 0 : index
      %get3A_137 = vector.load %arg5[%get3A_134, %get3A_135, %get3A_136] : memref<7x1x1024xf32, #tpu.memory_space<vmem>>, vector<1x1x1024xf32>
      %get3A_138 = vector.shape_cast %get3A_137 : vector<1x1x1024xf32> to vector<1x1024xf32>
      %add3A_139 = vector.broadcast %get3A_138 : vector<1x1024xf32> to vector<256x1024xf32>
      %add3A_140 = arith.addf %dot_general3A_133, %add3A_139 : vector<256x1024xf32>
      %max3A_141 = arith.constant 0.000000e+00 : f32
      %max3A_142 = vector.broadcast %max3A_141 : f32 to vector<256x1024xf32>
      %max3A_143 = arith.maximumf %add3A_140, %max3A_142 : vector<256x1024xf32>
      %convert_element_type3A_144 = arith.truncf %max3A_143 : vector<256x1024xf32> to vector<256x1024xbf16>
      %get3A_145 = arith.constant 0 : index
      %get3A_146 = arith.constant 7 : index
      %get3A_147 = vector.load %arg3[%get3A_145, %get3A_146] : memref<256x128xf32, #tpu.memory_space<vmem>>, vector<256x1xf32>
      %broadcast_in_dim3A = arith.constant 0.000000e+00 : f32
      %broadcast_in_dim3A_148 = vector.broadcast %broadcast_in_dim3A : f32 to vector<1x1xf32>
      %get3A_149 = arith.constant 0 : index
      %get3A_150 = arith.constant 0 : index
      %get3A_151 = arith.constant 0 : index
      %get3A_152 = vector.load %arg6[%get3A_149, %get3A_150, %get3A_151] : memref<7x1024x1xbf16, #tpu.memory_space<vmem>>, vector<1x1024x1xbf16>
      %get3A_153 = vector.shape_cast %get3A_152 : vector<1x1024x1xbf16> to vector<1024x1xbf16>
      %dot_general3A_154 = arith.constant dense<0.000000e+00> : vector<256x1xf32>
      %dot_general3A_155 = tpu.matmul %convert_element_type3A_36, %get3A_153, %dot_general3A_154 {dimension_numbers = #tpu.dot_dimension_numbers<[1], [0], [0], [1], [0, 0, 1, 1], [], []>, transpose_lhs_hint = false} : vector<256x1024xbf16>, vector<1024x1xbf16>, vector<256x1xf32> -> vector<256x1xf32>
      %get3A_156 = arith.constant 0 : index
      %get3A_157 = arith.constant 0 : index
      %get3A_158 = vector.load %arg7[%get3A_156, %get3A_157] : memref<7x1xf32, #tpu.memory_space<vmem>>, vector<1x1xf32>
      %get3A_159 = vector.extract %get3A_158[0, 0] : f32 from vector<1x1xf32>
      %add3A_160 = vector.broadcast %get3A_159 : f32 to vector<256x1xf32>
      %add3A_161 = arith.addf %dot_general3A_155, %add3A_160 : vector<256x1xf32>
      %get3A_162 = arith.constant 0 : index
      %get3A_163 = arith.constant 0 : index
      %get3A_164 = vector.load %arg3[%get3A_162, %get3A_163] : memref<256x128xf32, #tpu.memory_space<vmem>>, vector<256x1xf32>
      %max3A_165 = arith.constant 0.000000e+00 : f32
      %max3A_166 = vector.broadcast %max3A_165 : f32 to vector<256x1xf32>
      %max3A_167 = arith.maximumf %add3A_161, %max3A_166 : vector<256x1xf32>
      %mul3A_168 = arith.mulf %add3A_161, %get3A_164 : vector<256x1xf32>
      %sub3A = arith.subf %max3A_167, %mul3A_168 : vector<256x1xf32>
      %abs3A = math.absf %add3A_161 : vector<256x1xf32>
      %neg3A = arith.constant 0.000000e+00 : f32
      %neg3A_169 = vector.broadcast %neg3A : f32 to vector<256x1xf32>
      %neg3A_170 = arith.subf %neg3A_169, %abs3A : vector<256x1xf32>
      %exp3A = math.exp %neg3A_170 : vector<256x1xf32>
      %log1p3A = math.log1p %exp3A : vector<256x1xf32>
      %add3A_171 = arith.addf %sub3A, %log1p3A : vector<256x1xf32>
      %jit3A = arith.constant 0.000000e+00 : f32
      %broadcast_in_dim3A_172 = vector.broadcast %jit3A : f32 to vector<256x1xf32>
      %select_n3A = arith.select %lt3A_20, %add3A_171, %broadcast_in_dim3A_172 : vector<256x1xi1>, vector<256x1xf32>
      %reduce_sum3A = vector.shape_cast %select_n3A : vector<256x1xf32> to vector<1x256x1xf32>
      %reduce_sum3A_173 = arith.constant dense<0.000000e+00> : vector<1xf32>
      %reduce_sum3A_174 = vector.multi_reduction <add>, %reduce_sum3A, %reduce_sum3A_173 [1, 2] : vector<1x256x1xf32> to vector<1xf32>
      %reduce_sum3A_175 = vector.shape_cast %reduce_sum3A_174 : vector<1xf32> to vector<1x1x1xf32>
      %reduce_sum3A_176 = vector.extract %reduce_sum3A_175[0, 0, 0] : f32 from vector<1x1x1xf32>
      %broadcast_in_dim3A_177 = vector.broadcast %reduce_sum3A_176 : f32 to vector<1x1xf32>
      %add3A_178 = arith.addf %broadcast_in_dim3A_148, %broadcast_in_dim3A_177 : vector<1x1xf32>
      %logistic3A = arith.negf %add3A_161 : vector<256x1xf32>
      %logistic3A_179 = math.exp %logistic3A : vector<256x1xf32>
      %logistic3A_180 = arith.constant 1.000000e+00 : f32
      %logistic3A_181 = vector.broadcast %logistic3A_180 : f32 to vector<256x1xf32>
      %logistic3A_182 = arith.addf %logistic3A_181, %logistic3A_179 : vector<256x1xf32>
      %logistic3A_183 = arith.divf %logistic3A_181, %logistic3A_182 : vector<256x1xf32>
      %get3A_184 = arith.constant 1 : index
      %get3A_185 = arith.constant 0 : index
      %get3A_186 = arith.constant 0 : index
      %get3A_187 = vector.load %arg6[%get3A_184, %get3A_185, %get3A_186] : memref<7x1024x1xbf16, #tpu.memory_space<vmem>>, vector<1x1024x1xbf16>
      %get3A_188 = vector.shape_cast %get3A_187 : vector<1x1024x1xbf16> to vector<1024x1xbf16>
      %dot_general3A_189 = arith.constant dense<0.000000e+00> : vector<256x1xf32>
      %dot_general3A_190 = tpu.matmul %convert_element_type3A_54, %get3A_188, %dot_general3A_189 {dimension_numbers = #tpu.dot_dimension_numbers<[1], [0], [0], [1], [0, 0, 1, 1], [], []>, transpose_lhs_hint = false} : vector<256x1024xbf16>, vector<1024x1xbf16>, vector<256x1xf32> -> vector<256x1xf32>
      %get3A_191 = arith.constant 1 : index
      %get3A_192 = arith.constant 0 : index
      %get3A_193 = vector.load %arg7[%get3A_191, %get3A_192] : memref<7x1xf32, #tpu.memory_space<vmem>>, vector<1x1xf32>
      %get3A_194 = vector.extract %get3A_193[0, 0] : f32 from vector<1x1xf32>
      %add3A_195 = vector.broadcast %get3A_194 : f32 to vector<256x1xf32>
      %add3A_196 = arith.addf %dot_general3A_190, %add3A_195 : vector<256x1xf32>
      %get3A_197 = arith.constant 0 : index
      %get3A_198 = arith.constant 1 : index
      %get3A_199 = vector.load %arg3[%get3A_197, %get3A_198] : memref<256x128xf32, #tpu.memory_space<vmem>>, vector<256x1xf32>
      %max3A_200 = arith.constant 0.000000e+00 : f32
      %max3A_201 = vector.broadcast %max3A_200 : f32 to vector<256x1xf32>
      %max3A_202 = arith.maximumf %add3A_196, %max3A_201 : vector<256x1xf32>
      %mul3A_203 = arith.mulf %add3A_196, %get3A_199 : vector<256x1xf32>
      %sub3A_204 = arith.subf %max3A_202, %mul3A_203 : vector<256x1xf32>
      %abs3A_205 = math.absf %add3A_196 : vector<256x1xf32>
      %neg3A_206 = arith.constant 0.000000e+00 : f32
      %neg3A_207 = vector.broadcast %neg3A_206 : f32 to vector<256x1xf32>
      %neg3A_208 = arith.subf %neg3A_207, %abs3A_205 : vector<256x1xf32>
      %exp3A_209 = math.exp %neg3A_208 : vector<256x1xf32>
      %log1p3A_210 = math.log1p %exp3A_209 : vector<256x1xf32>
      %add3A_211 = arith.addf %sub3A_204, %log1p3A_210 : vector<256x1xf32>
      %jit3A_212 = arith.constant 0.000000e+00 : f32
      %broadcast_in_dim3A_213 = vector.broadcast %jit3A_212 : f32 to vector<256x1xf32>
      %select_n3A_214 = arith.select %lt3A_20, %add3A_211, %broadcast_in_dim3A_213 : vector<256x1xi1>, vector<256x1xf32>
      %reduce_sum3A_215 = vector.shape_cast %select_n3A_214 : vector<256x1xf32> to vector<1x256x1xf32>
      %reduce_sum3A_216 = arith.constant dense<0.000000e+00> : vector<1xf32>
      %reduce_sum3A_217 = vector.multi_reduction <add>, %reduce_sum3A_215, %reduce_sum3A_216 [1, 2] : vector<1x256x1xf32> to vector<1xf32>
      %reduce_sum3A_218 = vector.shape_cast %reduce_sum3A_217 : vector<1xf32> to vector<1x1x1xf32>
      %reduce_sum3A_219 = vector.extract %reduce_sum3A_218[0, 0, 0] : f32 from vector<1x1x1xf32>
      %broadcast_in_dim3A_220 = vector.broadcast %reduce_sum3A_219 : f32 to vector<1x1xf32>
      %add3A_221 = arith.addf %add3A_178, %broadcast_in_dim3A_220 : vector<1x1xf32>
      %logistic3A_222 = arith.negf %add3A_196 : vector<256x1xf32>
      %logistic3A_223 = math.exp %logistic3A_222 : vector<256x1xf32>
      %logistic3A_224 = arith.constant 1.000000e+00 : f32
      %logistic3A_225 = vector.broadcast %logistic3A_224 : f32 to vector<256x1xf32>
      %logistic3A_226 = arith.addf %logistic3A_225, %logistic3A_223 : vector<256x1xf32>
      %logistic3A_227 = arith.divf %logistic3A_225, %logistic3A_226 : vector<256x1xf32>
      %get3A_228 = arith.constant 2 : index
      %get3A_229 = arith.constant 0 : index
      %get3A_230 = arith.constant 0 : index
      %get3A_231 = vector.load %arg6[%get3A_228, %get3A_229, %get3A_230] : memref<7x1024x1xbf16, #tpu.memory_space<vmem>>, vector<1x1024x1xbf16>
      %get3A_232 = vector.shape_cast %get3A_231 : vector<1x1024x1xbf16> to vector<1024x1xbf16>
      %dot_general3A_233 = arith.constant dense<0.000000e+00> : vector<256x1xf32>
      %dot_general3A_234 = tpu.matmul %convert_element_type3A_72, %get3A_232, %dot_general3A_233 {dimension_numbers = #tpu.dot_dimension_numbers<[1], [0], [0], [1], [0, 0, 1, 1], [], []>, transpose_lhs_hint = false} : vector<256x1024xbf16>, vector<1024x1xbf16>, vector<256x1xf32> -> vector<256x1xf32>
      %get3A_235 = arith.constant 2 : index
      %get3A_236 = arith.constant 0 : index
      %get3A_237 = vector.load %arg7[%get3A_235, %get3A_236] : memref<7x1xf32, #tpu.memory_space<vmem>>, vector<1x1xf32>
      %get3A_238 = vector.extract %get3A_237[0, 0] : f32 from vector<1x1xf32>
      %add3A_239 = vector.broadcast %get3A_238 : f32 to vector<256x1xf32>
      %add3A_240 = arith.addf %dot_general3A_234, %add3A_239 : vector<256x1xf32>
      %get3A_241 = arith.constant 0 : index
      %get3A_242 = arith.constant 2 : index
      %get3A_243 = vector.load %arg3[%get3A_241, %get3A_242] : memref<256x128xf32, #tpu.memory_space<vmem>>, vector<256x1xf32>
      %max3A_244 = arith.constant 0.000000e+00 : f32
      %max3A_245 = vector.broadcast %max3A_244 : f32 to vector<256x1xf32>
      %max3A_246 = arith.maximumf %add3A_240, %max3A_245 : vector<256x1xf32>
      %mul3A_247 = arith.mulf %add3A_240, %get3A_243 : vector<256x1xf32>
      %sub3A_248 = arith.subf %max3A_246, %mul3A_247 : vector<256x1xf32>
      %abs3A_249 = math.absf %add3A_240 : vector<256x1xf32>
      %neg3A_250 = arith.constant 0.000000e+00 : f32
      %neg3A_251 = vector.broadcast %neg3A_250 : f32 to vector<256x1xf32>
      %neg3A_252 = arith.subf %neg3A_251, %abs3A_249 : vector<256x1xf32>
      %exp3A_253 = math.exp %neg3A_252 : vector<256x1xf32>
      %log1p3A_254 = math.log1p %exp3A_253 : vector<256x1xf32>
      %add3A_255 = arith.addf %sub3A_248, %log1p3A_254 : vector<256x1xf32>
      %jit3A_256 = arith.constant 0.000000e+00 : f32
      %broadcast_in_dim3A_257 = vector.broadcast %jit3A_256 : f32 to vector<256x1xf32>
      %select_n3A_258 = arith.select %lt3A_20, %add3A_255, %broadcast_in_dim3A_257 : vector<256x1xi1>, vector<256x1xf32>
      %reduce_sum3A_259 = vector.shape_cast %select_n3A_258 : vector<256x1xf32> to vector<1x256x1xf32>
      %reduce_sum3A_260 = arith.constant dense<0.000000e+00> : vector<1xf32>
      %reduce_sum3A_261 = vector.multi_reduction <add>, %reduce_sum3A_259, %reduce_sum3A_260 [1, 2] : vector<1x256x1xf32> to vector<1xf32>
      %reduce_sum3A_262 = vector.shape_cast %reduce_sum3A_261 : vector<1xf32> to vector<1x1x1xf32>
      %reduce_sum3A_263 = vector.extract %reduce_sum3A_262[0, 0, 0] : f32 from vector<1x1x1xf32>
      %broadcast_in_dim3A_264 = vector.broadcast %reduce_sum3A_263 : f32 to vector<1x1xf32>
      %add3A_265 = arith.addf %add3A_221, %broadcast_in_dim3A_264 : vector<1x1xf32>
      %logistic3A_266 = arith.negf %add3A_240 : vector<256x1xf32>
      %logistic3A_267 = math.exp %logistic3A_266 : vector<256x1xf32>
      %logistic3A_268 = arith.constant 1.000000e+00 : f32
      %logistic3A_269 = vector.broadcast %logistic3A_268 : f32 to vector<256x1xf32>
      %logistic3A_270 = arith.addf %logistic3A_269, %logistic3A_267 : vector<256x1xf32>
      %logistic3A_271 = arith.divf %logistic3A_269, %logistic3A_270 : vector<256x1xf32>
      %get3A_272 = arith.constant 3 : index
      %get3A_273 = arith.constant 0 : index
      %get3A_274 = arith.constant 0 : index
      %get3A_275 = vector.load %arg6[%get3A_272, %get3A_273, %get3A_274] : memref<7x1024x1xbf16, #tpu.memory_space<vmem>>, vector<1x1024x1xbf16>
      %get3A_276 = vector.shape_cast %get3A_275 : vector<1x1024x1xbf16> to vector<1024x1xbf16>
      %dot_general3A_277 = arith.constant dense<0.000000e+00> : vector<256x1xf32>
      %dot_general3A_278 = tpu.matmul %convert_element_type3A_90, %get3A_276, %dot_general3A_277 {dimension_numbers = #tpu.dot_dimension_numbers<[1], [0], [0], [1], [0, 0, 1, 1], [], []>, transpose_lhs_hint = false} : vector<256x1024xbf16>, vector<1024x1xbf16>, vector<256x1xf32> -> vector<256x1xf32>
      %get3A_279 = arith.constant 3 : index
      %get3A_280 = arith.constant 0 : index
      %get3A_281 = vector.load %arg7[%get3A_279, %get3A_280] : memref<7x1xf32, #tpu.memory_space<vmem>>, vector<1x1xf32>
      %get3A_282 = vector.extract %get3A_281[0, 0] : f32 from vector<1x1xf32>
      %add3A_283 = vector.broadcast %get3A_282 : f32 to vector<256x1xf32>
      %add3A_284 = arith.addf %dot_general3A_278, %add3A_283 : vector<256x1xf32>
      %get3A_285 = arith.constant 0 : index
      %get3A_286 = arith.constant 3 : index
      %get3A_287 = vector.load %arg3[%get3A_285, %get3A_286] : memref<256x128xf32, #tpu.memory_space<vmem>>, vector<256x1xf32>
      %max3A_288 = arith.constant 0.000000e+00 : f32
      %max3A_289 = vector.broadcast %max3A_288 : f32 to vector<256x1xf32>
      %max3A_290 = arith.maximumf %add3A_284, %max3A_289 : vector<256x1xf32>
      %mul3A_291 = arith.mulf %add3A_284, %get3A_287 : vector<256x1xf32>
      %sub3A_292 = arith.subf %max3A_290, %mul3A_291 : vector<256x1xf32>
      %abs3A_293 = math.absf %add3A_284 : vector<256x1xf32>
      %neg3A_294 = arith.constant 0.000000e+00 : f32
      %neg3A_295 = vector.broadcast %neg3A_294 : f32 to vector<256x1xf32>
      %neg3A_296 = arith.subf %neg3A_295, %abs3A_293 : vector<256x1xf32>
      %exp3A_297 = math.exp %neg3A_296 : vector<256x1xf32>
      %log1p3A_298 = math.log1p %exp3A_297 : vector<256x1xf32>
      %add3A_299 = arith.addf %sub3A_292, %log1p3A_298 : vector<256x1xf32>
      %jit3A_300 = arith.constant 0.000000e+00 : f32
      %broadcast_in_dim3A_301 = vector.broadcast %jit3A_300 : f32 to vector<256x1xf32>
      %select_n3A_302 = arith.select %lt3A_20, %add3A_299, %broadcast_in_dim3A_301 : vector<256x1xi1>, vector<256x1xf32>
      %reduce_sum3A_303 = vector.shape_cast %select_n3A_302 : vector<256x1xf32> to vector<1x256x1xf32>
      %reduce_sum3A_304 = arith.constant dense<0.000000e+00> : vector<1xf32>
      %reduce_sum3A_305 = vector.multi_reduction <add>, %reduce_sum3A_303, %reduce_sum3A_304 [1, 2] : vector<1x256x1xf32> to vector<1xf32>
      %reduce_sum3A_306 = vector.shape_cast %reduce_sum3A_305 : vector<1xf32> to vector<1x1x1xf32>
      %reduce_sum3A_307 = vector.extract %reduce_sum3A_306[0, 0, 0] : f32 from vector<1x1x1xf32>
      %broadcast_in_dim3A_308 = vector.broadcast %reduce_sum3A_307 : f32 to vector<1x1xf32>
      %add3A_309 = arith.addf %add3A_265, %broadcast_in_dim3A_308 : vector<1x1xf32>
      %logistic3A_310 = arith.negf %add3A_284 : vector<256x1xf32>
      %logistic3A_311 = math.exp %logistic3A_310 : vector<256x1xf32>
      %logistic3A_312 = arith.constant 1.000000e+00 : f32
      %logistic3A_313 = vector.broadcast %logistic3A_312 : f32 to vector<256x1xf32>
      %logistic3A_314 = arith.addf %logistic3A_313, %logistic3A_311 : vector<256x1xf32>
      %logistic3A_315 = arith.divf %logistic3A_313, %logistic3A_314 : vector<256x1xf32>
      %get3A_316 = arith.constant 4 : index
      %get3A_317 = arith.constant 0 : index
      %get3A_318 = arith.constant 0 : index
      %get3A_319 = vector.load %arg6[%get3A_316, %get3A_317, %get3A_318] : memref<7x1024x1xbf16, #tpu.memory_space<vmem>>, vector<1x1024x1xbf16>
      %get3A_320 = vector.shape_cast %get3A_319 : vector<1x1024x1xbf16> to vector<1024x1xbf16>
      %dot_general3A_321 = arith.constant dense<0.000000e+00> : vector<256x1xf32>
      %dot_general3A_322 = tpu.matmul %convert_element_type3A_108, %get3A_320, %dot_general3A_321 {dimension_numbers = #tpu.dot_dimension_numbers<[1], [0], [0], [1], [0, 0, 1, 1], [], []>, transpose_lhs_hint = false} : vector<256x1024xbf16>, vector<1024x1xbf16>, vector<256x1xf32> -> vector<256x1xf32>
      %get3A_323 = arith.constant 4 : index
      %get3A_324 = arith.constant 0 : index
      %get3A_325 = vector.load %arg7[%get3A_323, %get3A_324] : memref<7x1xf32, #tpu.memory_space<vmem>>, vector<1x1xf32>
      %get3A_326 = vector.extract %get3A_325[0, 0] : f32 from vector<1x1xf32>
      %add3A_327 = vector.broadcast %get3A_326 : f32 to vector<256x1xf32>
      %add3A_328 = arith.addf %dot_general3A_322, %add3A_327 : vector<256x1xf32>
      %get3A_329 = arith.constant 0 : index
      %get3A_330 = arith.constant 4 : index
      %get3A_331 = vector.load %arg3[%get3A_329, %get3A_330] : memref<256x128xf32, #tpu.memory_space<vmem>>, vector<256x1xf32>
      %max3A_332 = arith.constant 0.000000e+00 : f32
      %max3A_333 = vector.broadcast %max3A_332 : f32 to vector<256x1xf32>
      %max3A_334 = arith.maximumf %add3A_328, %max3A_333 : vector<256x1xf32>
      %mul3A_335 = arith.mulf %add3A_328, %get3A_331 : vector<256x1xf32>
      %sub3A_336 = arith.subf %max3A_334, %mul3A_335 : vector<256x1xf32>
      %abs3A_337 = math.absf %add3A_328 : vector<256x1xf32>
      %neg3A_338 = arith.constant 0.000000e+00 : f32
      %neg3A_339 = vector.broadcast %neg3A_338 : f32 to vector<256x1xf32>
      %neg3A_340 = arith.subf %neg3A_339, %abs3A_337 : vector<256x1xf32>
      %exp3A_341 = math.exp %neg3A_340 : vector<256x1xf32>
      %log1p3A_342 = math.log1p %exp3A_341 : vector<256x1xf32>
      %add3A_343 = arith.addf %sub3A_336, %log1p3A_342 : vector<256x1xf32>
      %jit3A_344 = arith.constant 0.000000e+00 : f32
      %broadcast_in_dim3A_345 = vector.broadcast %jit3A_344 : f32 to vector<256x1xf32>
      %select_n3A_346 = arith.select %lt3A_20, %add3A_343, %broadcast_in_dim3A_345 : vector<256x1xi1>, vector<256x1xf32>
      %reduce_sum3A_347 = vector.shape_cast %select_n3A_346 : vector<256x1xf32> to vector<1x256x1xf32>
      %reduce_sum3A_348 = arith.constant dense<0.000000e+00> : vector<1xf32>
      %reduce_sum3A_349 = vector.multi_reduction <add>, %reduce_sum3A_347, %reduce_sum3A_348 [1, 2] : vector<1x256x1xf32> to vector<1xf32>
      %reduce_sum3A_350 = vector.shape_cast %reduce_sum3A_349 : vector<1xf32> to vector<1x1x1xf32>
      %reduce_sum3A_351 = vector.extract %reduce_sum3A_350[0, 0, 0] : f32 from vector<1x1x1xf32>
      %broadcast_in_dim3A_352 = vector.broadcast %reduce_sum3A_351 : f32 to vector<1x1xf32>
      %add3A_353 = arith.addf %add3A_309, %broadcast_in_dim3A_352 : vector<1x1xf32>
      %logistic3A_354 = arith.negf %add3A_328 : vector<256x1xf32>
      %logistic3A_355 = math.exp %logistic3A_354 : vector<256x1xf32>
      %logistic3A_356 = arith.constant 1.000000e+00 : f32
      %logistic3A_357 = vector.broadcast %logistic3A_356 : f32 to vector<256x1xf32>
      %logistic3A_358 = arith.addf %logistic3A_357, %logistic3A_355 : vector<256x1xf32>
      %logistic3A_359 = arith.divf %logistic3A_357, %logistic3A_358 : vector<256x1xf32>
      %get3A_360 = arith.constant 5 : index
      %get3A_361 = arith.constant 0 : index
      %get3A_362 = arith.constant 0 : index
      %get3A_363 = vector.load %arg6[%get3A_360, %get3A_361, %get3A_362] : memref<7x1024x1xbf16, #tpu.memory_space<vmem>>, vector<1x1024x1xbf16>
      %get3A_364 = vector.shape_cast %get3A_363 : vector<1x1024x1xbf16> to vector<1024x1xbf16>
      %dot_general3A_365 = arith.constant dense<0.000000e+00> : vector<256x1xf32>
      %dot_general3A_366 = tpu.matmul %convert_element_type3A_126, %get3A_364, %dot_general3A_365 {dimension_numbers = #tpu.dot_dimension_numbers<[1], [0], [0], [1], [0, 0, 1, 1], [], []>, transpose_lhs_hint = false} : vector<256x1024xbf16>, vector<1024x1xbf16>, vector<256x1xf32> -> vector<256x1xf32>
      %get3A_367 = arith.constant 5 : index
      %get3A_368 = arith.constant 0 : index
      %get3A_369 = vector.load %arg7[%get3A_367, %get3A_368] : memref<7x1xf32, #tpu.memory_space<vmem>>, vector<1x1xf32>
      %get3A_370 = vector.extract %get3A_369[0, 0] : f32 from vector<1x1xf32>
      %add3A_371 = vector.broadcast %get3A_370 : f32 to vector<256x1xf32>
      %add3A_372 = arith.addf %dot_general3A_366, %add3A_371 : vector<256x1xf32>
      %get3A_373 = arith.constant 0 : index
      %get3A_374 = arith.constant 5 : index
      %get3A_375 = vector.load %arg3[%get3A_373, %get3A_374] : memref<256x128xf32, #tpu.memory_space<vmem>>, vector<256x1xf32>
      %max3A_376 = arith.constant 0.000000e+00 : f32
      %max3A_377 = vector.broadcast %max3A_376 : f32 to vector<256x1xf32>
      %max3A_378 = arith.maximumf %add3A_372, %max3A_377 : vector<256x1xf32>
      %mul3A_379 = arith.mulf %add3A_372, %get3A_375 : vector<256x1xf32>
      %sub3A_380 = arith.subf %max3A_378, %mul3A_379 : vector<256x1xf32>
      %abs3A_381 = math.absf %add3A_372 : vector<256x1xf32>
      %neg3A_382 = arith.constant 0.000000e+00 : f32
      %neg3A_383 = vector.broadcast %neg3A_382 : f32 to vector<256x1xf32>
      %neg3A_384 = arith.subf %neg3A_383, %abs3A_381 : vector<256x1xf32>
      %exp3A_385 = math.exp %neg3A_384 : vector<256x1xf32>
      %log1p3A_386 = math.log1p %exp3A_385 : vector<256x1xf32>
      %add3A_387 = arith.addf %sub3A_380, %log1p3A_386 : vector<256x1xf32>
      %jit3A_388 = arith.constant 0.000000e+00 : f32
      %broadcast_in_dim3A_389 = vector.broadcast %jit3A_388 : f32 to vector<256x1xf32>
      %select_n3A_390 = arith.select %lt3A_20, %add3A_387, %broadcast_in_dim3A_389 : vector<256x1xi1>, vector<256x1xf32>
      %reduce_sum3A_391 = vector.shape_cast %select_n3A_390 : vector<256x1xf32> to vector<1x256x1xf32>
      %reduce_sum3A_392 = arith.constant dense<0.000000e+00> : vector<1xf32>
      %reduce_sum3A_393 = vector.multi_reduction <add>, %reduce_sum3A_391, %reduce_sum3A_392 [1, 2] : vector<1x256x1xf32> to vector<1xf32>
      %reduce_sum3A_394 = vector.shape_cast %reduce_sum3A_393 : vector<1xf32> to vector<1x1x1xf32>
      %reduce_sum3A_395 = vector.extract %reduce_sum3A_394[0, 0, 0] : f32 from vector<1x1x1xf32>
      %broadcast_in_dim3A_396 = vector.broadcast %reduce_sum3A_395 : f32 to vector<1x1xf32>
      %add3A_397 = arith.addf %add3A_353, %broadcast_in_dim3A_396 : vector<1x1xf32>
      %logistic3A_398 = arith.negf %add3A_372 : vector<256x1xf32>
      %logistic3A_399 = math.exp %logistic3A_398 : vector<256x1xf32>
      %logistic3A_400 = arith.constant 1.000000e+00 : f32
      %logistic3A_401 = vector.broadcast %logistic3A_400 : f32 to vector<256x1xf32>
      %logistic3A_402 = arith.addf %logistic3A_401, %logistic3A_399 : vector<256x1xf32>
      %logistic3A_403 = arith.divf %logistic3A_401, %logistic3A_402 : vector<256x1xf32>
      %get3A_404 = arith.constant 6 : index
      %get3A_405 = arith.constant 0 : index
      %get3A_406 = arith.constant 0 : index
      %get3A_407 = vector.load %arg6[%get3A_404, %get3A_405, %get3A_406] : memref<7x1024x1xbf16, #tpu.memory_space<vmem>>, vector<1x1024x1xbf16>
      %get3A_408 = vector.shape_cast %get3A_407 : vector<1x1024x1xbf16> to vector<1024x1xbf16>
      %dot_general3A_409 = arith.constant dense<0.000000e+00> : vector<256x1xf32>
      %dot_general3A_410 = tpu.matmul %convert_element_type3A_144, %get3A_408, %dot_general3A_409 {dimension_numbers = #tpu.dot_dimension_numbers<[1], [0], [0], [1], [0, 0, 1, 1], [], []>, transpose_lhs_hint = false} : vector<256x1024xbf16>, vector<1024x1xbf16>, vector<256x1xf32> -> vector<256x1xf32>
      %get3A_411 = arith.constant 6 : index
      %get3A_412 = arith.constant 0 : index
      %get3A_413 = vector.load %arg7[%get3A_411, %get3A_412] : memref<7x1xf32, #tpu.memory_space<vmem>>, vector<1x1xf32>
      %get3A_414 = vector.extract %get3A_413[0, 0] : f32 from vector<1x1xf32>
      %add3A_415 = vector.broadcast %get3A_414 : f32 to vector<256x1xf32>
      %add3A_416 = arith.addf %dot_general3A_410, %add3A_415 : vector<256x1xf32>
      %get3A_417 = arith.constant 0 : index
      %get3A_418 = arith.constant 6 : index
      %get3A_419 = vector.load %arg3[%get3A_417, %get3A_418] : memref<256x128xf32, #tpu.memory_space<vmem>>, vector<256x1xf32>
      %max3A_420 = arith.constant 0.000000e+00 : f32
      %max3A_421 = vector.broadcast %max3A_420 : f32 to vector<256x1xf32>
      %max3A_422 = arith.maximumf %add3A_416, %max3A_421 : vector<256x1xf32>
      %mul3A_423 = arith.mulf %add3A_416, %get3A_419 : vector<256x1xf32>
      %sub3A_424 = arith.subf %max3A_422, %mul3A_423 : vector<256x1xf32>
      %abs3A_425 = math.absf %add3A_416 : vector<256x1xf32>
      %neg3A_426 = arith.constant 0.000000e+00 : f32
      %neg3A_427 = vector.broadcast %neg3A_426 : f32 to vector<256x1xf32>
      %neg3A_428 = arith.subf %neg3A_427, %abs3A_425 : vector<256x1xf32>
      %exp3A_429 = math.exp %neg3A_428 : vector<256x1xf32>
      %log1p3A_430 = math.log1p %exp3A_429 : vector<256x1xf32>
      %add3A_431 = arith.addf %sub3A_424, %log1p3A_430 : vector<256x1xf32>
      %jit3A_432 = arith.constant 0.000000e+00 : f32
      %broadcast_in_dim3A_433 = vector.broadcast %jit3A_432 : f32 to vector<256x1xf32>
      %select_n3A_434 = arith.select %lt3A_20, %add3A_431, %broadcast_in_dim3A_433 : vector<256x1xi1>, vector<256x1xf32>
      %reduce_sum3A_435 = vector.shape_cast %select_n3A_434 : vector<256x1xf32> to vector<1x256x1xf32>
      %reduce_sum3A_436 = arith.constant dense<0.000000e+00> : vector<1xf32>
      %reduce_sum3A_437 = vector.multi_reduction <add>, %reduce_sum3A_435, %reduce_sum3A_436 [1, 2] : vector<1x256x1xf32> to vector<1xf32>
      %reduce_sum3A_438 = vector.shape_cast %reduce_sum3A_437 : vector<1xf32> to vector<1x1x1xf32>
      %reduce_sum3A_439 = vector.extract %reduce_sum3A_438[0, 0, 0] : f32 from vector<1x1x1xf32>
      %broadcast_in_dim3A_440 = vector.broadcast %reduce_sum3A_439 : f32 to vector<1x1xf32>
      %add3A_441 = arith.addf %add3A_397, %broadcast_in_dim3A_440 : vector<1x1xf32>
      %logistic3A_442 = arith.negf %add3A_416 : vector<256x1xf32>
      %logistic3A_443 = math.exp %logistic3A_442 : vector<256x1xf32>
      %logistic3A_444 = arith.constant 1.000000e+00 : f32
      %logistic3A_445 = vector.broadcast %logistic3A_444 : f32 to vector<256x1xf32>
      %logistic3A_446 = arith.addf %logistic3A_445, %logistic3A_443 : vector<256x1xf32>
      %logistic3A_447 = arith.divf %logistic3A_445, %logistic3A_446 : vector<256x1xf32>
      %get3A_448 = arith.constant 0 : index
      %get3A_449 = arith.constant 0 : index
      %get3A_450 = vector.load %arg10[%get3A_448, %get3A_449] : memref<1x1xf32, #tpu.memory_space<vmem>>, vector<1x1xf32>
      %add3A_451 = arith.addf %get3A_450, %add3A_441 : vector<1x1xf32>
      %swap3A = arith.constant 0 : index
      %swap3A_452 = arith.constant 0 : index
      %swap3A_453 = vector.load %arg10[%swap3A, %swap3A_452] : memref<1x1xf32, #tpu.memory_space<vmem>>, vector<1x1xf32>
      tpu.vector_store %arg10[%swap3A, %swap3A_452], %add3A_451 {strides = array<i32>} : memref<1x1xf32, #tpu.memory_space<vmem>>, vector<1x1xf32>,
      %broadcast_in_dim3A_454 = arith.constant 0.000000e+00 : f32
      %broadcast_in_dim3A_455 = vector.broadcast %broadcast_in_dim3A_454 : f32 to vector<256x120xf32>
      %concatenate3A = tpu.concatenate %get3A_147, %logistic3A_183, %logistic3A_227, %logistic3A_271, %logistic3A_315, %logistic3A_359, %logistic3A_403, %logistic3A_447, %broadcast_in_dim3A_455 in 1 : vector<256x1xf32>, vector<256x1xf32>, vector<256x1xf32>, vector<256x1xf32>, vector<256x1xf32>, vector<256x1xf32>, vector<256x1xf32>, vector<256x1xf32>, vector<256x120xf32> -> vector<256x128xf32>
      %swap3A_456 = arith.constant 0 : index
      %swap3A_457 = arith.constant 0 : index
      %swap3A_458 = vector.load %arg8[%swap3A_456, %swap3A_457] : memref<256x128xf32, #tpu.memory_space<vmem>>, vector<256x128xf32>
      tpu.vector_store %arg8[%swap3A_456, %swap3A_457], %concatenate3A {strides = array<i32>} : memref<256x128xf32, #tpu.memory_space<vmem>>, vector<256x128xf32>,
    } else {
    }
    %eq3A_7 = arith.constant 31 : i32
    %eq3A_8 = arith.cmpi eq, %arg0, %eq3A_7 : i32
    %convert_element_type3A_9 = arith.extui %eq3A_8 : i1 to i32
    %cond3A_10 = arith.constant 0 : i32
    %cond3A_11 = arith.cmpi ne, %convert_element_type3A_9, %cond3A_10 : i32
    scf.if %cond3A_11 {
      %get3A_12 = arith.constant 0 : index
      %get3A_13 = arith.constant 0 : index
      %get3A_14 = vector.load %arg10[%get3A_12, %get3A_13] : memref<1x1xf32, #tpu.memory_space<vmem>>, vector<1x1xf32>
      %convert_element_type3A_15 = arith.sitofp %get3A_0 : i32 to f32
      %max3A = arith.constant 1.000000e+00 : f32
      %max3A_16 = arith.maximumf %convert_element_type3A_15, %max3A : f32
      %div3A = vector.broadcast %max3A_16 : f32 to vector<1x1xf32>
      %div3A_17 = arith.divf %get3A_14, %div3A : vector<1x1xf32>
      %swap3A = arith.constant 0 : index
      %swap3A_18 = arith.constant 0 : index
      %swap3A_19 = vector.load %arg9[%swap3A, %swap3A_18] : memref<1x1xf32, #tpu.memory_space<vmem>>, vector<1x1xf32>
      tpu.vector_store %arg9[%swap3A, %swap3A_18], %div3A_17 {strides = array<i32>} : memref<1x1xf32, #tpu.memory_space<vmem>>, vector<1x1xf32>,
    } else {
    }
    return
  }
  func.func @transform_0(%arg0: i32, %arg1: memref<1xi32, #tpu.memory_space<smem>>) -> (i32, i32) {
    %c0_i32 = arith.constant 0 : i32
    %c0_i32_0 = arith.constant 0 : i32
    return %arg0, %c0_i32 : i32, i32
  }
  func.func @transform_1(%arg0: i32, %arg1: memref<1xi32, #tpu.memory_space<smem>>) -> (i32, i32) {
    %c0_i32 = arith.constant 0 : i32
    %c0_i32_0 = arith.constant 0 : i32
    return %arg0, %c0_i32 : i32, i32
  }
  func.func @transform_2(%arg0: i32, %arg1: memref<1xi32, #tpu.memory_space<smem>>) -> (i32, i32, i32) {
    %c0_i32 = arith.constant 0 : i32
    %c0_i32_0 = arith.constant 0 : i32
    %c0_i32_1 = arith.constant 0 : i32
    %c0_i32_2 = arith.constant 0 : i32
    return %c0_i32, %c0_i32_0, %c0_i32_1 : i32, i32, i32
  }
  func.func @transform_3(%arg0: i32, %arg1: memref<1xi32, #tpu.memory_space<smem>>) -> (i32, i32, i32) {
    %c0_i32 = arith.constant 0 : i32
    %c0_i32_0 = arith.constant 0 : i32
    %c0_i32_1 = arith.constant 0 : i32
    %c0_i32_2 = arith.constant 0 : i32
    return %c0_i32, %c0_i32_0, %c0_i32_1 : i32, i32, i32
  }
  func.func @transform_4(%arg0: i32, %arg1: memref<1xi32, #tpu.memory_space<smem>>) -> (i32, i32, i32) {
    %c0_i32 = arith.constant 0 : i32
    %c0_i32_0 = arith.constant 0 : i32
    %c0_i32_1 = arith.constant 0 : i32
    %c0_i32_2 = arith.constant 0 : i32
    return %c0_i32, %c0_i32_0, %c0_i32_1 : i32, i32, i32
  }
  func.func @transform_5(%arg0: i32, %arg1: memref<1xi32, #tpu.memory_space<smem>>) -> (i32, i32) {
    %c0_i32 = arith.constant 0 : i32
    %c0_i32_0 = arith.constant 0 : i32
    %c0_i32_1 = arith.constant 0 : i32
    return %c0_i32, %c0_i32_0 : i32, i32
  }
  func.func @transform_6(%arg0: i32, %arg1: memref<1xi32, #tpu.memory_space<smem>>) -> (i32, i32) {
    %c0_i32 = arith.constant 0 : i32
    %c0_i32_0 = arith.constant 0 : i32
    return %arg0, %c0_i32 : i32, i32
  }
  func.func @transform_7(%arg0: i32, %arg1: memref<1xi32, #tpu.memory_space<smem>>) -> (i32, i32) {
    %c0_i32 = arith.constant 0 : i32
    %c0_i32_0 = arith.constant 0 : i32
    %c0_i32_1 = arith.constant 0 : i32
    return %c0_i32, %c0_i32_0 : i32, i32
  }
}

</mosaic_0001>

<sc_bundles>
// kernel: kernel.6.cloned.1.call-start
scs
__scs_entry_jumppad:
0x0: {  	(pc) =	sbr.rel $0x88, $3  }
0x1: {  	(tag) =	ssettag $0x0;
	lr =	simm.s32 $0x1  }
0x2: {  	[smem:$0x3F97] =	sst lr;
	_ =	strace $0xD0000000  }
0x3: {  	_ = 	snop  }
0x4: {  	_ = 	snop  }
0x5: {  	_ = 	snop  }
0x6: {  	_ = 	snop  }
0x7: {  	_ = 	snop  }
__scs_overlays_trampoline_lowered:
0x8: {  	[smem:$0x3FA6] =	sst s0  }
0x9: {  	[smem:$0x3FA7] =	sst s1  }
0xa: {  	[smem:$0x3FA8] =	sst s2  }
0xb: {  	[smem:$0x3FA9] =	sst s3  }
0xc: {  	[smem:$0x3FAA] =	sst s4  }
0xd: {  	[smem:$0x3FAB] =	sst s5  }
0xe: {  	[smem:$0x3FAC] =	sst s6  }
0xf: {  	[smem:$0x3FAD] =	sst s7  }
0x10: {  	[smem:$0x3FAE] =	sst s8  }
0x11: {  	[smem:$0x3FAF] =	sst s9;
	s0 =	simm.s32 @!p0 $0x0  }
0x12: {  	s1 =	sld [smem:$0x3F95];
	s0 =	simm.s32 @p0 $0x1  }
0x13: {  	[smem:$0x3FB0] =	sst s0;
	s0 =	simm.s32 @!p1 $0x0  }
0x14: {  	s2 =	sld [smem:$0x3F94];
	s0 =	simm.s32 @p1 $0x1  }
0x15: {  	[smem:$0x3FB1] =	sst s0;
	s0 =	simm.s32 @!p2 $0x0  }
0x16: {  	s3 =	sld [smem:$0x3FDB];
	s0 =	simm.s32 @p2 $0x1  }
0x17: {  	s4 =	simm.s32 $0x1BF5;
	[smem:$0x3FB3] =	sst s0  }
0x18: {  	s0 =	sld [smem:$0x3F96];
	_ =	swait.ge [sflag:s4], $0x0  }
0x19: {  	s7 =	sld [smem:$0x3F97]  }
0x1a: {  	s8 =	sadd.s32 $0xFFFFE003, lr  }
0x1b: {  	s9 =	sadd.s32 $0xFFFFFEF7, lr;
	s5 =	simm.s32 $0xFFFFFFFF;
	p2 =	slt.u32 s8, $0xFFFFF086  }
0x1c: {  	p1 =	slt.u32 s9, $0xF7A;
	s5 =	simm.s32 @!p2 $0x0  }
0x1d: {  	s5 =	simm.s32 @p1 $0x1;
	p0 =	seq.s32 s7, s2  }
0x1e: {  	s7 =	smul.u32 @!p0 $0xF7A, s2;
	p2 =	seq.s32 @!p0 s5, $0x0  }
0x1f: {  	s9 =	smul.u32 $0xF7A, s1;
	s8 =	simm.s32 @!p0 $0x1BF5;
	p2 =	por !p2, p0  }
0x20: {  	[sflag:s8] =	ssyncset.s32 @!p0 $0xFFFFF086;
	s6 =	sadd.s32 @!p0 s3, s7;
	s7 =	simm.s32 @!p0 $0x108  }
0x21: {  	s3 =	sadd.s32 s3, s9;
	s6 =	sadd.s32 @!p0 $0x88, s6;
	s7 =	simm.s32 @p2 $0x1082  }
0x22: {  	[simem:s7], [sflag:s8] =	dma.local @!p0 [hbm:s6], $0xF7A  }
0x23: {  	s9 =	sor.u32 $0xD0000000, s2;
	s6 =	simm.s32 $0x108;
	_ =	swait.ge @!p0 [sflag:s8], $0x0  }
0x24: {  	s3 =	sadd.s32 $0x88, s3;
	s6 =	simm.s32 @!p1 $0x1082;
	[sflag:s4] =	ssyncset.s32 $0xFFFFF086  }
0x25: {  	[simem:s6], [sflag:s4] =	dma.local [hbm:s3], $0xF7A  }
0x26: {  	[smem:$0x3F97] =	sst s1;
	(tag) =	ssettag s2;
	_ =	strace s9  }
0x27: {  	s1 =	sld [smem:$0x3FA7]  }
0x28: {  	s2 =	sld [smem:$0x3FA8]  }
0x29: {  	s4 =	sld [smem:$0x3FAA]  }
0x2a: {  	p0 =	seq.s32 s5, $0x0;
	s5 =	sld [smem:$0x3FAB]  }
0x2b: {  	s6 =	sld [smem:$0x3FAC]  }
0x2c: {  	s7 =	sld [smem:$0x3FAD]  }
0x2d: {  	s3 =	simm.s32 $0x108;
	s8 =	sld [smem:$0x3FAE]  }
0x2e: {  	s3 =	simm.s32 @!p0 $0x1082;
	s9 =	sld [smem:$0x3FAF]  }
0x2f: {  	lr =	sadd.s32 s0, s3;
	s0 =	sld [smem:$0x3FA6]  }
0x30: {  	s3 =	sld [smem:$0x3FA9]  }
0x31: {  	[smem:$0x3FB2] =	sst s10  }
0x32: {  	s10 =	sld [smem:$0x3FB0];
	_ =	sdelay $0x3  }
0x33: {  	p0 =	seq.s32 s10, $0x1;
	s10 =	sld [smem:$0x3FB2];
	_ =	sdelay $0x3  }
0x34: {  	[smem:$0x3FB2] =	sst s10  }
0x35: {  	s10 =	sld [smem:$0x3FB1];
	_ =	sdelay $0x3  }
0x36: {  	p1 =	seq.s32 s10, $0x1;
	s10 =	sld [smem:$0x3FB2];
	_ =	sdelay $0x3  }
0x37: {  	[smem:$0x3FB2] =	sst s10  }
0x38: {  	s10 =	sld [smem:$0x3FB3]  }
0x39: {  	_ = 	snop;
	(pc) =	sbr.ind lr, $3  }
0x3a: {  	_ = 	snop  }
0x3b: {  	_ = 	snop  }
0x3c: {  	p2 =	seq.s32 s10, $0x1;
	s10 =	sld [smem:$0x3FB2]  }
0x3d: {  	_ =	shalt  }
0x3e: {  	_ =	shalt  }
0x3f: {  	_ =	shalt  }
0x40: {  	_ =	shalt  }
0x41: {  	_ =	shalt  }
0x42: {  	_ =	shalt  }
0x43: {  	_ =	shalt  }
0x44: {  	_ =	shalt  }
0x45: {  	_ =	shalt  }
0x46: {  	_ =	shalt  }
0x47: {  	_ =	shalt  }
0x48: {  	_ =	shalt  }
0x49: {  	_ =	shalt  }
0x4a: {  	_ =	shalt  }
0x4b: {  	_ =	shalt  }
0x4c: {  	_ =	shalt  }
0x4d: {  	_ =	shalt  }
0x4e: {  	_ =	shalt  }
0x4f: {  	_ =	shalt  }
0x50: {  	_ =	shalt  }
0x51: {  	_ =	shalt  }
0x52: {  	_ =	shalt  }
0x53: {  	_ =	shalt  }
0x54: {  	_ =	shalt  }
0x55: {  	_ =	shalt  }
0x56: {  	_ =	shalt  }
0x57: {  	_ =	shalt  }
0x58: {  	_ =	shalt  }
0x59: {  	_ =	shalt  }
0x5a: {  	_ =	shalt  }
0x5b: {  	_ =	shalt  }
0x5c: {  	_ =	shalt  }
0x5d: {  	_ =	shalt  }
0x5e: {  	_ =	shalt  }
0x5f: {  	_ =	shalt  }
0x60: {  	_ =	shalt  }
0x61: {  	_ =	shalt  }
0x62: {  	_ =	shalt  }
0x63: {  	_ =	shalt  }
0x64: {  	_ =	shalt  }
0x65: {  	_ =	shalt  }
0x66: {  	_ =	shalt  }
0x67: {  	_ =	shalt  }
0x68: {  	_ =	shalt  }
0x69: {  	_ =	shalt  }
0x6a: {  	_ =	shalt  }
0x6b: {  	_ =	shalt  }
0x6c: {  	_ =	shalt  }
0x6d: {  	_ =	shalt  }
0x6e: {  	_ =	shalt  }
0x6f: {  	_ =	shalt  }
0x70: {  	_ =	shalt  }
0x71: {  	_ =	shalt  }
0x72: {  	_ =	shalt  }
0x73: {  	_ =	shalt  }
0x74: {  	_ =	shalt  }
0x75: {  	_ =	shalt  }
0x76: {  	_ =	shalt  }
0x77: {  	_ =	shalt  }
0x78: {  	_ =	shalt  }
0x79: {  	_ =	shalt  }
0x7a: {  	_ =	shalt  }
0x7b: {  	_ =	shalt  }
0x7c: {  	_ =	shalt  }
0x7d: {  	_ =	shalt  }
0x7e: {  	_ =	shalt  }
0x7f: {  	_ =	shalt  }
0x80: {  	_ =	shalt  }
0x81: {  	_ =	shalt  }
0x82: {  	_ =	shalt  }
0x83: {  	_ =	shalt  }
0x84: {  	_ =	shalt  }
0x85: {  	_ =	shalt  }
0x86: {  	_ =	shalt  }
0x87: {  	_ =	shalt  }
.Lfunc_end0:
.L_simem_size_0:
called_computation_lowered:
.L_overlay_start_0:
0x88: {  	s2 =	sld [smem:$0x3FD9]  }
0x89: {  	s3 =	sld [smem:$0x3FFE];
	_ =	sdelay $0x1  }
0x8a: {  	s1 =	srdreg.scid  }
0x8b: {  	s0 =	sand.u32 $0x1, s1  }
0x8c: {  	s14 =	sshll.u32 s0, $0xA;
	s2 =	sadd.s32 s3, s2  }
0x8d: {  	s2 =	sadd.s32 s2, s14  }
0x8e: {  	[smem:$0x3FBE] =	sst s2  }
0x8f: {  	_ = 	snop  }
0x90: {  	s2 =	sld [smem:$0x3FD0];
	_ =	sdelay $0x2  }
0x91: {  	s4 =	simm.s32 $0xA;
	s5 =	simm.s32 $0x10;
	s15 =	sld [smem:$0x3FC9]  }
0x92: {  	[smem:s5], [sflag:s4] =	dma.local [hbm:s2], $0x1  }
0x93: {  	_ =	swait.eq [sflag:s4], $0x1  }
0x94: {  	[sflag:s4] =	ssyncset.done $0x0  }
0x95: {  	[sflag:s4] =	ssyncadd.s32 $0xFFFFFFFF  }
0x96: {  	s16 =	sld [smem:$0x12];
	(tm) =	ssettm $0x1  }
0x97: {  	s17 =	sld [smem:$0x3FFB];
	_ =	sdelay $0x3  }
0x98: {  	_ =	strace s17  }
0x99: {  	s4 =	sld [smem:$0x3FFC];
	_ =	sdelay $0x3  }
0x9a: {  	_ =	strace s4  }
0x9b: {  	s4 =	sld [smem:$0x3FFD];
	_ =	sdelay $0x3  }
0x9c: {  	_ =	strace s4  }
0x9d: {  	_ =	strace $0x8FFFFFFF  }
0x9e: {  	s18 =	sld [smem:$0x3FDB];
	_ =	sdelay $0x1  }
0x9f: {  	s19 =	simm.s32 $_scs_section_size  }
0xa0: {  	s6 =	simm.s32 $_size__tile_overlayer_lowered;
	s7 =	simm.s32 $_tile_overlayer_lowered  }
0xa1: {  	s22 =	simm.s32 $0x1BFF;
	s21 =	sshll.u32 s7, $0x1;
	s4 =	sadd.s32 s19, s18  }
0xa2: {  	s8 =	simm.s32 $0x0;
	s20 =	sshll.u32 s6, $0x1;
	s6 =	sadd.s32 s21, s4  }
0xa3: {  	[timem:s8], [sflag:s22] =	dma.local [hbm:s6], s20  }
0xa4: {  	_ =	swait.ge [sflag:s22], s20  }
0xa5: {  	s5 =	ssub.s32 $0x0, s20;
	[sflag:s22] =	ssyncset.done $0x0  }
0xa6: {  	[sflag:s22] =	ssyncadd.s32 s5;
	_ =	sdelay $0x1  }
0xa7: {  	s23 =	simm.s32 $0x1B8B  }
0xa8: {  	_ =	swait.ge [sflag:s23], $0x1  }
0xa9: {  	[sflag:s23] =	ssyncset.done $0x0  }
0xaa: {  	s25 =	simm.s32 $0x1B8E;
	s24 =	sld [smem:$0x3FFE];
	[sflag:s23] =	ssyncadd.s32 $0xFFFFFFFF  }
0xab: {  	s26 =	simm.s32 $execute0_lowered;
	[smem:$0x3FD2] =	sst s25  }
0xac: {  	s6 =	sshll.u32 s26, $0x1;
	_ =	strace $0x80000046;
	[dreg:$0x1] =	wrdreg $0xFFFFFFFF  }
0xad: {  	s28 =	simm.s32 $_size_execute0_lowered;
	s4 =	sadd.s32 s4, s6;
	[dreg:$0x0] =	wrdreg $0x0  }
0xae: {  	s6 =	sshll.u32 s28, $0x1;
	[dreg:$0x2] =	wrdreg s4  }
0xaf: {  	[dreg:$0x3] =	wrdreg s6  }
0xb0: {  	[dreg:$0x4] =	wrdreg $0xC0  }
0xb1: {  	_ =	task [dreg:s8], $0x5FFFF  }
0xb2: {  	[dreg:$0x1] =	wrdreg $0xFFFFFFFF  }
0xb3: {  	[dreg:$0x0] =	wrdreg $0x60  }
0xb4: {  	[dreg:$0x2] =	wrdreg s16  }
0xb5: {  	[dreg:$0x3] =	wrdreg s15  }
0xb6: {  	[dreg:$0x4] =	wrdreg s24  }
0xb7: {  	[dreg:$0x5] =	wrdreg $0x9  }
0xb8: {  	_ =	task.clear_ibuf [dreg:s8], $0x6FFFF;
	_ =	strace $0x90000046  }
0xb9: {  	s29 =	simm.s32 $0x9;
	_ =	strace $0x80000048  }
0xba: {  	_ =	swait.ge [sflag:s29], $0x1  }
0xbb: {  	[sflag:s29] =	ssyncadd.s32 $0xFFFFFFFF  }
0xbc: {  	_ =	strace $0x90000048  }
0xbd: {  	_ =	sfence  }
0xbe: {  	s30 =	sld [smem:$0x0];
	_ =	sdelay $0x2  }
0xbf: {  	s31 =	sshll.u32 s1, $0xD;
	s1 =	sshrl.u32 s1, $0x2  }
0xc0: {  	s3 =	sand.u32 $0x4000, s31;
	s1 =	sadd.s32 s1, s30  }
0xc1: {  	s0 =	sor.u32 s3, s0;
	s1 =	sshll.u32 s1, $0x11  }
0xc2: {  	s0 =	sor.u32 s1, s0  }
0xc3: {  	s0 =	sadd.s32 $0x8F2B, s0  }
0xc4: {  	[sflag:s0] =	ssyncadd.remote.s32 $0x1  }
0xc5: {  	_ =	sfence.sel $0xFFFF  }
0xc6: {  	[dreg:$0x0] =	wrdreg $0xFFFFFFFF;
	(pc) =	sbr.abs _section_cstart, $3  }
0xc7: {  	[dreg:$0x1] =	wrdreg $0xFFFFFFFF  }
0xc8: {  	_ =	task.clear_ibuf [dreg:s8], $0x2FFFF;
	_ =	strace $0x9FFFFFFF  }
0xc9: {  	(tm) =	ssettm $0x7FFFFFFF  }
tec
execute0_lowered:
.L_overlay_start_1:
0x0: {  	(tag) =	ssettag $0x1  }
0x1: {  	s0 =	srdreg.scid;
	s2 =	stileid.u32  }
0x2: {  	s0 =	sand.u32 $0x1, s0;
	s2 =	sshll.u32 s2, $0x1  }
0x3: {  	s1 =	ssub.s32 $0x2, s0;
	s2 =	sor.u32 s0, s2  }
0x4: {  	s3 =	rddreg [dreg:$0x1];
	s4 =	sshrl.u32 s1, $0x1;
	s20 =	sshll.u32 s2, $0x8  }
0x5: {  	s26 =	sshll.u32 s2, $0x10;
	p0 =	sne.s32 s2, $0x0;
	s0 =	ssub.s32 s1, s4  }
0x6: {  	s4 =	sadd.s32 s3, s26;
	s5 =	sor.u32 $0x20, s20;
	s8 =	sor.u32 $0x30, s20  }
0x7: {  	s30 =	sor.u32 $0x40, s20;
	s31 =	sor.u32 $0x50, s20;
	s11 =	sor.u32 $0x60, s20  }
0x8: {  	s21 =	sor.u32 $0x80, s20;
	s13 =	sor.u32 $0x90, s20;
	s23 =	sor.u32 $0xD0, s20  }
0x9: {  	s1 =	sor.u32 $0xF0, s20;
	s26 =	sshll.u32 s2, $0xC;
	[dreg:$0x4] =	wrdreg s4  }
0xa: {  	s4 =	sor.u32 $0x10, s20;
	s7 =	sshll.u32 s5, $0x8;
	s29 =	sshll.u32 s8, $0x8  }
0xb: {  	s9 =	sshll.u32 s30, $0x8;
	s10 =	sshll.u32 s31, $0x8;
	s15 =	sshll.u32 s11, $0x8  }
0xc: {  	s12 =	sshll.u32 s21, $0x8;
	s18 =	sshll.u32 s13, $0x8;
	s25 =	sshll.u32 s1, $0x8  }
0xd: {  	s5 =	sshll.u32 s5, $0x4;
	s30 =	sshll.u32 s30, $0x4;
	s31 =	sshll.u32 s31, $0x4  }
0xe: {  	[dreg:$0xb] =	wrdreg s21;
	s0 =	smax.u32 s0, $0x1;
	s28 =	sadd.s32 s3, s7  }
0xf: {  	s6 =	sshll.u32 s4, $0x8;
	s9 =	sadd.s32 s3, s9;
	[dreg:$0x6] =	wrdreg s28  }
0x10: {  	s14 =	sadd.s32 s3, s10;
	s17 =	sadd.s32 s3, s12;
	[dreg:$0x8] =	wrdreg s9  }
0x11: {  	s12 =	sor.u32 $0xB0, s20;
	s4 =	sshll.u32 s4, $0x4;
	[dreg:$0x9] =	wrdreg s14  }
0x12: {  	s6 =	sadd.s32 s3, s6;
	s9 =	sadd.s32 s3, s15;
	[dreg:$0xd] =	wrdreg s17  }
0x13: {  	s15 =	sshll.u32 s12, $0x8;
	s17 =	sshll.u32 s23, $0x8;
	[dreg:$0x5] =	wrdreg s6  }
0x14: {  	s23 =	sshll.u32 s23, $0x4;
	s6 =	sadd.s32 s3, s29;
	[dreg:$0xa] =	wrdreg s9  }
0x15: {  	s9 =	sor.u32 $0x70, s20;
	s19 =	sadd.s32 s3, s15;
	[dreg:$0x7] =	wrdreg s6  }
0x16: {  	s17 =	sadd.s32 s3, s17;
	s16 =	sshll.u32 s9, $0x8;
	[dreg:$0x10] =	wrdreg s19  }
0x17: {  	s15 =	sor.u32 $0xE0, s20;
	[dreg:$0x12] =	wrdreg s17;
	s10 =	sadd.s32 s3, s16  }
0x18: {  	s19 =	simm.s32 $0x0;
	[dreg:$0xc] =	wrdreg s10;
	s10 =	sadd.s32 s3, s18  }
0x19: {  	s16 =	sor.u32 $0xC0, s20;
	[dreg:$0xe] =	wrdreg s10;
	s10 =	sor.u32 $0xA0, s20  }
0x1a: {  	[smem:$0x7FF] =	sst s19;
	s18 =	sshll.u32 s15, $0x8;
	s14 =	sshll.u32 s10, $0x8  }
0x1b: {  	s22 =	sshll.u32 s16, $0x8;
	s24 =	sadd.s32 s3, s18;
	s14 =	sadd.s32 s3, s14  }
0x1c: {  	[dreg:$0xf] =	wrdreg s14;
	s14 =	sadd.s32 s3, s22;
	s3 =	sadd.s32 s3, s25  }
0x1d: {  	s29 =	sshll.u32 s8, $0x4;
	s8 =	sshll.u32 s21, $0x4;
	[dreg:$0x14] =	wrdreg s3  }
0x1e: {  	s6 =	sshll.u32 s11, $0x4;
	s7 =	sshll.u32 s9, $0x4;
	s3 =	rddreg [dreg:$0x2]  }
0x1f: {  	s11 =	sshll.u32 s13, $0x4;
	[dreg:$0x13] =	wrdreg s24;
	s17 =	sadd.s32 $0x61400, s3  }
0x20: {  	s13 =	sshll.u32 s10, $0x4;
	[dreg:$0x11] =	wrdreg s14;
	s18 =	sadd.s32 s17, s26  }
0x21: {  	s24 =	sshll.u32 s15, $0x4;
	s4 =	sadd.s32 s17, s4;
	[dreg:$0x15] =	wrdreg s18  }
0x22: {  	s22 =	sshll.u32 s16, $0x4;
	s28 =	sadd.s32 s17, s5;
	[dreg:$0x16] =	wrdreg s4  }
0x23: {  	v0 =	vimm.s32 $0xEDCBA987;
	v1 =	vimm.s32 $0x65432100;
	s14 =	sadd.s32 $0xA1800, s3;
	s5 =	sadd.s32 s17, s31;
	[dreg:$0x17] =	wrdreg s28  }
0x24: {  	v13 =	vlaneseq.u32;
	vm0 =	vcmask $0x300;
	v3 =	vimm.s32 $0xDCBA9876;
	s15 =	sadd.s32 $0xA1900, s3;
	s9 =	sadd.s32 s17, s8;
	[dreg:$0x1a] =	wrdreg s5  }
0x25: {  	v5 =	vimm.s32 $0xFFFFFFFF;
	v6 =	vimm.s32 $0xE40000;
	v7 =	vimm.s32 $0x32100000;
	s16 =	sadd.s32 $0xA1A00, s3;
	s25 =	sadd.s32 s17, s24;
	[dreg:$0x1d] =	wrdreg s9  }
0x26: {  	v8 =	vimm.s32 $0xBA987654;
	v9 =	vimm.s32 $0x7060504;
	v0 =	vunpack.c.l.s4.s8 v0;
	s26 =	sshll.u32 s1, $0x4;
	s4 =	sadd.s32 s17, s29;
	[smem:$0x7F9] =	sst s25  }
0x27: {  	v1 =	vunpack.c.l.s4.s8 v1;
	v3 =	vunpack.c.l.s4.s8 v3;
	v6 =	vunpack.c.l.s2.s4 v6;
	s18 =	sshll.u32 s12, $0x4;
	[dreg:$0x18] =	wrdreg s4;
	s4 =	sadd.s32 s17, s30  }
0x28: {  	v7 =	vunpack.c.l.s4.s8 v7;
	v8 =	vunpack.c.l.s4.s8 v8;
	v9 =	vunpack.c.0.s8.s32 v9;
	s31 =	sadd.s32 $0x23600, s3;
	s21 =	sadd.s32 s17, s18;
	[dreg:$0x19] =	wrdreg s4  }
0x29: {  	v12 =	vshrl.u32 v13, $0x3;
	v11 =	vand.u32 $0x7, v13;
	v0 =	vunpack.c.0.s8.s32 v0;
	s24 =	simm.s32 $0x2;
	s4 =	sadd.s32 s17, s6;
	[smem:$0x7F6] =	sst s21  }
0x2a: {  	v1 =	vunpack.c.0.s8.s32 v1;
	v3 =	vunpack.c.0.s8.s32 v3;
	v6 =	vunpack.c.l.s4.s8 v6;
	s28 =	sshll.u32 s2, $0x4;
	[dreg:$0x1b] =	wrdreg s4;
	s4 =	sadd.s32 s17, s7  }
0x2b: {  	v8 =	vunpack.c.0.s8.s32 v8;
	v2 =	vand.u32 $0xF, v0;
	v0 =	vimm.s32 $0x54321000;
	s12 =	sadd.s32 $0xA1600, s3;
	[dreg:$0x1c] =	wrdreg s4;
	s4 =	sadd.s32 s17, s11  }
0x2c: {  	v7 =	vunpack.c.0.s8.s32 v7;
	v3 =	vand.u32 $0xF, v3;
	v4 =	vunpack.c.l.s4.s8 v0;
	s29 =	sor.u32 $0x2000, s28;
	[dreg:$0x1e] =	wrdreg s4;
	s4 =	sadd.s32 s17, s13  }
0x2d: {  	v6 =	vunpack.c.0.s8.s32 v6;
	v8 =	vand.u32 $0xF, v8;
	v1 =	vcombine.low v1, v2;
	s30 =	sadd.s32 $0x23400, s3;
	[dreg:$0x1f] =	wrdreg s4;
	s4 =	sadd.s32 s17, s22  }
0x2e: {  	v2 =	vsel vm0, $0x0, v5;
	vm0 =	vcmask $0x700;
	v4 =	vunpack.c.0.s8.s32 v4;
	s6 =	sadd.s32 $0xA1400, s3;
	[smem:$0x7F7] =	sst s4;
	s4 =	sadd.s32 s17, s23  }
0x2f: {  	v10 =	vand.u32 $0x3, v6;
	v6 =	vcombine.low v7, v8;
	v8 =	vmul.u32 $0xFFFFFFFF, v12;
	s21 =	simm.s32 $0x6080;
	[smem:$0x7F8] =	sst s4;
	s4 =	sadd.s32 s17, s26  }
0x30: {  	v3 =	vcombine.low v4, v3;
	v4 =	vsel vm0, $0x0, v5;
	vm0 =	vcmask $0xF00;
	s7 =	sadd.s32 $0x1400, s3;
	s11 =	sadd.s32 $0xA1500, s3;
	[smem:$0x7FA] =	sst s4  }
0x31: {  	v12 =	vmul.u32 $0x8, v12;
	v5 =	vsel vm0, $0x0, v5;
	vm0 =	vcmask $0x3F30;
	s13 =	sadd.s32 $0xA1700, s3;
	_ =	strace $0x80000047;
	[smem:$0x7FB] =	sst s30  }
0x32: {  	v7 =	vsel vm0, v9, v10;
	v9 =	vimm.s32 $0xF;
	v10 =	vor.u32 $0x2000, v13;
	s22 =	simm.s32 $0xE080;
	s23 =	simm.s32 $0x1;
	[smem:$0x7FC] =	sst s31  }
0x33: {  	vm0 =	vmmov $0xffff;
	v0 =	vor.u32 s29, v13;
	v13 =	vor.u32 $0x8, v13;
	s17 =	sadd.s32 $0xA1B00, s3;
	[smem:$0x7FD] =	sst s0;
	s0 =	simm.s32 $0x0  }
.LBB2_1:
0x34: {  	[smem:$0x7F5] =	sst s0  }
0x35: {  	s26 =	rddreg [dreg:$0x0];
	s25 =	simm.s32 $0x3  }
0x36: {  	[tilespmem:s19], [sflag:$0x3] =	stream.linear.gather [hbm4b:s26+s19], $0x2000, $0x38;
	[tilespmem:$0xE900] =	vst v63  }
0x37: {  	_ =	swait.ge [sflag:s25], $0x2000  }
0x38: {  	[sflag:s25] =	ssyncset.done $0x0  }
0x39: {  	[sflag:s25] =	ssyncadd.s32 $0xFFFFE000  }
0x3a: {  	v14 =	vld [tilespmem:s19+$0x0];
	_ =	sdelay $0x4  }
0x3b: {  	v15 =	vperm.xlane v14, v1;
	_ =	sdelay $0x1  }
0x3c: {  	v15 =	vand.u32 v2, v15  }
0x3d: {  	v15 =	vadd.s32 v14, v15  }
0x3e: {  	v16 =	vperm.xlane v15, v3;
	_ =	sdelay $0x1  }
0x3f: {  	v16 =	vand.u32 v4, v16  }
0x40: {  	v15 =	vadd.s32 v16, v15  }
0x41: {  	v16 =	vperm.xlane v15, v6;
	_ =	sdelay $0x1  }
0x42: {  	v16 =	vand.u32 v5, v16  }
0x43: {  	v15 =	vadd.s32 v16, v15  }
0x44: {  	v16 =	vperm.xlane v15, v7;
	_ =	sdelay $0x1  }
0x45: {  	v17 =	vimm.s32 $0x0;
	v16 =	vand.u32 v8, v16  }
0x46: {  	v15 =	vadd.s32 v16, v15;
	v16 =	vsub.s32 v17, v14  }
0x47: {  	v18 =	vsub.s32 $0x1, v14;
	v16 =	vadd.s32 v15, v16  }
0x48: {  	v19 =	vadd.s32 s19, v10;
	v14 =	vmul.u32 v14, v16;
	v16 =	vmul.u32 v10, v18  }
0x49: {  	v18 =	vmul.u32 v19, v18  }
0x4a: {  	s28 =	simm.s32 $0x2000;
	v16 =	vadd.s32 v16, v14  }
0x4b: {  	s26 =	simm.s32 $0x4000;
	v15 =	vperm.xlane v15, v9;
	v14 =	vadd.s32 v18, v14;
	[tilespmem:s28+$0x0] =	vst v16  }
0x4c: {  	s29 =	simm.s32 $0x10;
	[tilespmem:s26+$0x0] =	vst v14  }
0x4d: {  	v14 =	vadd.s32 v17, v15;
	v15 =	vld [tilespmem:s29+$0x0]  }
0x4e: {  	s30 =	simm.s32 $0x20;
	s31 =	simm.s32 $0x10  }
.LBB2_2:
0x4f: {  	p1 =	sne.s32 s30, $0x1FF0;
	_ =	sdelay $0x2  }
0x50: {  	v18 =	vadd.s32 s29, v10;
	s29 =	smov.u32 s30;
	v16 =	vperm.xlane v15, v1;
	v17 =	vsub.s32 $0x1, v15  }
0x51: {  	v18 =	vmul.u32 v18, v17  }
0x52: {  	v16 =	vand.u32 v2, v16  }
0x53: {  	v16 =	vadd.s32 v15, v16  }
0x54: {  	v19 =	vperm.xlane v16, v3;
	_ =	sdelay $0x1  }
0x55: {  	v19 =	vand.u32 v4, v19  }
0x56: {  	v16 =	vadd.s32 v19, v16  }
0x57: {  	v19 =	vperm.xlane v16, v6;
	_ =	sdelay $0x1  }
0x58: {  	v19 =	vand.u32 v5, v19  }
0x59: {  	v16 =	vadd.s32 v19, v16  }
0x5a: {  	v19 =	vperm.xlane v16, v7;
	_ =	sdelay $0x1  }
0x5b: {  	v19 =	vand.u32 v8, v19  }
0x5c: {  	v16 =	vadd.s32 v19, v16;
	v19 =	vsub.s32 v14, v15  }
0x5d: {  	v20 =	vperm.xlane v16, v9;
	v16 =	vadd.s32 v16, v19  }
0x5e: {  	v15 =	vmul.u32 v15, v16;
	v16 =	vmul.u32 v10, v17  }
0x5f: {  	v14 =	vadd.s32 v14, v20  }
.Ltmp0:
0x60: {  	s28 =	sadd.s32 $0x10, s28;
	v16 =	vadd.s32 v16, v15;
	v15 =	vadd.s32 v18, v15;
	(pc) =	sbr.rel @p1 .LBB2_2-.Ltmp0, $4  }
0x61: {  	s26 =	sadd.s32 $0x10, s26;
	[tilespmem:s28+$0x0] =	vst v16  }
0x62: {  	s31 =	sadd.s32 $0x10, s31;
	[tilespmem:s26+$0x0] =	vst v15  }
0x63: {  	v15 =	vld [tilespmem:s31+$0x0]  }
0x64: {  	s30 =	sadd.s32 $0x10, s30  }
0x65: {  	_ =	sdelay $0x2  }
0x66: {  	v16 =	vperm.xlane v15, v1;
	_ =	sdelay $0x1  }
0x67: {  	v16 =	vand.u32 v2, v16  }
0x68: {  	v16 =	vadd.s32 v15, v16  }
0x69: {  	v17 =	vperm.xlane v16, v3;
	_ =	sdelay $0x1  }
0x6a: {  	v17 =	vand.u32 v4, v17  }
0x6b: {  	v16 =	vadd.s32 v17, v16  }
0x6c: {  	v17 =	vperm.xlane v16, v6;
	_ =	sdelay $0x1  }
0x6d: {  	v17 =	vand.u32 v5, v17  }
0x6e: {  	v16 =	vadd.s32 v17, v16  }
0x6f: {  	v17 =	vperm.xlane v16, v7;
	_ =	sdelay $0x1  }
0x70: {  	v17 =	vand.u32 v8, v17  }
0x71: {  	v46 =	vsub.s32 v14, v15;
	v16 =	vadd.s32 v17, v16  }
0x72: {  	v18 =	vsub.s32 $0x1, v15;
	v17 =	vadd.s32 v16, v46  }
0x73: {  	v19 =	vadd.s32 s29, v10;
	v47 =	vmul.u32 v10, v18;
	v15 =	vmul.u32 v15, v17  }
0x74: {  	v18 =	vmul.u32 v19, v18  }
0x75: {  	s28 =	sadd.s32 $0x10, s28;
	v16 =	vperm.xlane v16, v9;
	v17 =	vadd.s32 v47, v15  }
0x76: {  	s26 =	sadd.s32 $0x10, s26;
	s29 =	sld [smem:$0x7FB];
	v15 =	vadd.s32 v18, v15;
	[tilespmem:s28+$0x0] =	vst v17  }
0x77: {  	v14 =	vadd.s32 v14, v16;
	[tilespmem:s26+$0x0] =	vst v15  }
0x78: {  	s28 =	simm.s32 @!p0 $0xE880;
	s26 =	simm.s32 @!p0 $0x0;
	[tilespmem:$0xE880] =	vst @!p0 v14  }
0x79: {  	[hbm4b:s29+s26] =	stream.linear.scatter @!p0 [tilespmem:s28], [sflag:$0x3], $0x80, $0x38;
	[tilespmem:$0xE900] =	vst v63  }
0x7a: {  	s28 =	simm.s32 @!p0 $0x3  }
0x7b: {  	_ =	swait.ge @!p0 [sflag:s28], $0x80  }
0x7c: {  	s30 =	sld [smem:$0x7FC]  }
0x7d: {  	[sflag:s28] =	ssyncset.done @!p0 $0x0  }
0x7e: {  	s29 =	simm.s32 @!p0 $0x4000;
	[sflag:s28] =	ssyncadd.s32 @!p0 $0xFFFFFF80  }
0x7f: {  	[hbm4b:s30+s26] =	stream.linear.scatter @!p0 [tilespmem:s29], [sflag:$0x3], $0x2000, $0x38;
	[tilespmem:$0xE900] =	vst v63  }
0x80: {  	_ =	swait.ge @!p0 [sflag:s28], $0x2000  }
0x81: {  	[sflag:s28] =	ssyncset.done @!p0 $0x0  }
0x82: {  	[sflag:s28] =	ssyncadd.s32 @!p0 $0xFFFFE000  }
0x83: {  	s18 =	rddreg [dreg:$0x4]  }
0x84: {  	[tilespmem:s21], [sflag:$0x1] =	stream.linear.gather [hbm4b:s18+s19], $0x8000, $0x38;
	[tilespmem:$0xE900] =	vst v63  }
0x85: {  	s25 =	rddreg [dreg:$0x15]  }
0x86: {  	[tilespmem:s22], [sflag:$0x2] =	stream.linear.gather [hbm4b:s25+s19], $0x800, $0x38;
	[tilespmem:$0xE900] =	vst v63  }
0x87: {  	v14 =	vld [tilespmem:s20+$0x2000];
	_ =	sdelay $0x4  }
0x88: {  	v15 =	vadd.s32 $0xFFFFE001, v14  }
0x89: {  	vm1 =	vgt.s32 v15, $0x0  }
0x8a: {  	v14 =	vsel vm1, v0, v14  }
0x8b: {  	v15 =	vshll.u32 v14, $0x4  }
0x8c: {  	v48 =	vand.u32 $0x7, v14;
	v15 =	vand.u32 $0xFFFFFF80, v15  }
0x8d: {  	v15 =	vor.u32 v48, v15  }
0x8e: {  	[tilespmem:$0x6000] =	vst v14;
	v14 =	vperm.xlane v15, v11  }
0x8f: {  	_ =	swait.ge [sflag:s23], $0x8000  }
0x90: {  	[sflag:s23] =	ssyncset.done $0x0;
	v14 =	vadd.s32 v12, v14  }
0x91: {  	[sflag:s23] =	ssyncadd.s32 $0xFFFF8000  }
0x92: {  	_ =	swait.ge [sflag:s24], $0x800  }
0x93: {  	[sflag:s24] =	ssyncset.done $0x0  }
0x94: {  	[sflag:s24] =	ssyncadd.s32 $0xFFFFF800  }
0x95: {  	[hbm4b:s6+s19] =	stream.indirect_vreg.scatter [tilespmem:s21], [sflag:$0x1], $0x80, v14, vm0, $0xb8;
	[tilespmem:$0xE900] =	vst v63  }
0x96: {  	s0 =	simm.s32 $0x6880  }
0x97: {  	[hbm4b:s11+s19] =	stream.indirect_vreg.scatter [tilespmem:s0], [sflag:$0x1], $0x80, v14, vm0, $0xb8;
	[tilespmem:$0xE900] =	vst v63  }
0x98: {  	s26 =	simm.s32 $0x7080  }
0x99: {  	[hbm4b:s12+s19] =	stream.indirect_vreg.scatter [tilespmem:s26], [sflag:$0x1], $0x80, v14, vm0, $0xb8;
	[tilespmem:$0xE900] =	vst v63  }
0x9a: {  	s28 =	simm.s32 $0x7880  }
0x9b: {  	[hbm4b:s13+s19] =	stream.indirect_vreg.scatter [tilespmem:s28], [sflag:$0x1], $0x80, v14, vm0, $0xb8;
	[tilespmem:$0xE900] =	vst v63  }
0x9c: {  	s29 =	simm.s32 $0x8080  }
0x9d: {  	[hbm4b:s14+s19] =	stream.indirect_vreg.scatter [tilespmem:s29], [sflag:$0x1], $0x80, v14, vm0, $0xb8;
	[tilespmem:$0xE900] =	vst v63  }
0x9e: {  	s30 =	simm.s32 $0x8880;
	v15 =	vperm.xlane v15, v13  }
0x9f: {  	[hbm4b:s15+s19] =	stream.indirect_vreg.scatter [tilespmem:s30], [sflag:$0x1], $0x80, v14, vm0, $0xb8;
	[tilespmem:$0xE900] =	vst v63  }
0xa0: {  	s2 =	simm.s32 $0x9080;
	v15 =	vadd.s32 v12, v15  }
0xa1: {  	[hbm4b:s16+s19] =	stream.indirect_vreg.scatter [tilespmem:s2], [sflag:$0x1], $0x80, v14, vm0, $0xb8;
	[tilespmem:$0xE900] =	vst v63  }
0xa2: {  	s31 =	simm.s32 $0x9880  }
0xa3: {  	[hbm4b:s17+s19] =	stream.indirect_vreg.scatter [tilespmem:s31], [sflag:$0x1], $0x80, v14, vm0, $0xb8;
	[tilespmem:$0xE900] =	vst v63  }
0xa4: {  	s3 =	simm.s32 $0xA080  }
0xa5: {  	[hbm4b:s6+s19] =	stream.indirect_vreg.scatter [tilespmem:s3], [sflag:$0x1], $0x80, v15, vm0, $0xb8;
	[tilespmem:$0xE900] =	vst v63  }
0xa6: {  	s4 =	simm.s32 $0xA880  }
0xa7: {  	[hbm4b:s11+s19] =	stream.indirect_vreg.scatter [tilespmem:s4], [sflag:$0x1], $0x80, v15, vm0, $0xb8;
	[tilespmem:$0xE900] =	vst v63  }
0xa8: {  	s5 =	simm.s32 $0xB080  }
0xa9: {  	[hbm4b:s12+s19] =	stream.indirect_vreg.scatter [tilespmem:s5], [sflag:$0x1], $0x80, v15, vm0, $0xb8;
	[tilespmem:$0xE900] =	vst v63  }
0xaa: {  	s8 =	simm.s32 $0xB880  }
0xab: {  	[hbm4b:s13+s19] =	stream.indirect_vreg.scatter [tilespmem:s8], [sflag:$0x1], $0x80, v15, vm0, $0xb8;
	[tilespmem:$0xE900] =	vst v63  }
0xac: {  	s1 =	simm.s32 $0xC080  }
0xad: {  	[hbm4b:s14+s19] =	stream.indirect_vreg.scatter [tilespmem:s1], [sflag:$0x1], $0x80, v15, vm0, $0xb8;
	[tilespmem:$0xE900] =	vst v63  }
0xae: {  	s3 =	simm.s32 $0xC880  }
0xaf: {  	[hbm4b:s15+s19] =	stream.indirect_vreg.scatter [tilespmem:s3], [sflag:$0x1], $0x80, v15, vm0, $0xb8;
	[tilespmem:$0xE900] =	vst v63  }
0xb0: {  	s4 =	simm.s32 $0xD080  }
0xb1: {  	[hbm4b:s16+s19] =	stream.indirect_vreg.scatter [tilespmem:s4], [sflag:$0x1], $0x80, v15, vm0, $0xb8;
	[tilespmem:$0xE900] =	vst v63  }
0xb2: {  	s5 =	simm.s32 $0xD880  }
0xb3: {  	[hbm4b:s17+s19] =	stream.indirect_vreg.scatter [tilespmem:s5], [sflag:$0x1], $0x80, v15, vm0, $0xb8;
	[tilespmem:$0xE900] =	vst v63  }
0xb4: {  	s8 =	simm.s32 $0x10;
	s1 =	simm.s32 $0x6000  }
0xb5: {  	[hbm4b:s7+s8] =	stream.indirect.scatter [tilespmem:s22], [sflag:$0x2], $0x80, s1, s8, $0xb8;
	[tilespmem:$0xE900] =	vst v63  }
0xb6: {  	_ =	swait.ge [sflag:s23], $0x8000  }
0xb7: {  	[sflag:s23] =	ssyncset.done $0x0  }
0xb8: {  	[sflag:s23] =	ssyncadd.s32 $0xFFFF8000  }
0xb9: {  	_ =	swait.ge [sflag:s24], $0x800  }
0xba: {  	[sflag:s24] =	ssyncset.done $0x0  }
0xbb: {  	s10 =	rddreg [dreg:$0x5];
	[sflag:s24] =	ssyncadd.s32 $0xFFFFF800  }
0xbc: {  	[tilespmem:s21], [sflag:$0x1] =	stream.linear.gather [hbm4b:s10+s19], $0x8000, $0x38;
	[tilespmem:$0xE900] =	vst v63  }
0xbd: {  	s18 =	rddreg [dreg:$0x16]  }
0xbe: {  	[tilespmem:s22], [sflag:$0x2] =	stream.linear.gather [hbm4b:s18+s19], $0x800, $0x38;
	[tilespmem:$0xE900] =	vst v63  }
0xbf: {  	v14 =	vld [tilespmem:s20+$0x2010];
	_ =	sdelay $0x4  }
0xc0: {  	v15 =	vadd.s32 $0xFFFFE001, v14  }
0xc1: {  	vm1 =	vgt.s32 v15, $0x0  }
0xc2: {  	v14 =	vsel vm1, v0, v14  }
0xc3: {  	v15 =	vshll.u32 v14, $0x4  }
0xc4: {  	v49 =	vand.u32 $0x7, v14;
	v15 =	vand.u32 $0xFFFFFF80, v15  }
0xc5: {  	v15 =	vor.u32 v49, v15  }
0xc6: {  	[tilespmem:$0x6000] =	vst v14;
	v14 =	vperm.xlane v15, v11  }
0xc7: {  	_ =	swait.ge [sflag:s23], $0x8000  }
0xc8: {  	[sflag:s23] =	ssyncset.done $0x0;
	v14 =	vadd.s32 v12, v14  }
0xc9: {  	[sflag:s23] =	ssyncadd.s32 $0xFFFF8000  }
0xca: {  	_ =	swait.ge [sflag:s24], $0x800  }
0xcb: {  	[sflag:s24] =	ssyncset.done $0x0  }
0xcc: {  	[sflag:s24] =	ssyncadd.s32 $0xFFFFF800  }
0xcd: {  	[hbm4b:s6+s19] =	stream.indirect_vreg.scatter [tilespmem:s21], [sflag:$0x1], $0x80, v14, vm0, $0xb8;
	[tilespmem:$0xE900] =	vst v63  }
0xce: {  	s1 =	simm.s32 $0x6880  }
0xcf: {  	[hbm4b:s11+s19] =	stream.indirect_vreg.scatter [tilespmem:s1], [sflag:$0x1], $0x80, v14, vm0, $0xb8;
	[tilespmem:$0xE900] =	vst v63  }
0xd0: {  	s2 =	simm.s32 $0x7080  }
0xd1: {  	[hbm4b:s12+s19] =	stream.indirect_vreg.scatter [tilespmem:s2], [sflag:$0x1], $0x80, v14, vm0, $0xb8;
	[tilespmem:$0xE900] =	vst v63  }
0xd2: {  	s3 =	simm.s32 $0x7880  }
0xd3: {  	[hbm4b:s13+s19] =	stream.indirect_vreg.scatter [tilespmem:s3], [sflag:$0x1], $0x80, v14, vm0, $0xb8;
	[tilespmem:$0xE900] =	vst v63  }
0xd4: {  	s4 =	simm.s32 $0x8080  }
0xd5: {  	[hbm4b:s14+s19] =	stream.indirect_vreg.scatter [tilespmem:s4], [sflag:$0x1], $0x80, v14, vm0, $0xb8;
	[tilespmem:$0xE900] =	vst v63  }
0xd6: {  	s0 =	simm.s32 $0x8880;
	v15 =	vperm.xlane v15, v13  }
0xd7: {  	[hbm4b:s15+s19] =	stream.indirect_vreg.scatter [tilespmem:s0], [sflag:$0x1], $0x80, v14, vm0, $0xb8;
	[tilespmem:$0xE900] =	vst v63  }
0xd8: {  	v15 =	vadd.s32 v12, v15;
	s0 =	simm.s32 $0x9080  }
0xd9: {  	[hbm4b:s16+s19] =	stream.indirect_vreg.scatter [tilespmem:s0], [sflag:$0x1], $0x80, v14, vm0, $0xb8;
	[tilespmem:$0xE900] =	vst v63  }
0xda: {  	s9 =	simm.s32 $0x9880  }
0xdb: {  	[hbm4b:s17+s19] =	stream.indirect_vreg.scatter [tilespmem:s9], [sflag:$0x1], $0x80, v14, vm0, $0xb8;
	[tilespmem:$0xE900] =	vst v63  }
0xdc: {  	s29 =	simm.s32 $0xA080  }
0xdd: {  	[hbm4b:s6+s19] =	stream.indirect_vreg.scatter [tilespmem:s29], [sflag:$0x1], $0x80, v15, vm0, $0xb8;
	[tilespmem:$0xE900] =	vst v63  }
0xde: {  	s30 =	simm.s32 $0xA880  }
0xdf: {  	[hbm4b:s11+s19] =	stream.indirect_vreg.scatter [tilespmem:s30], [sflag:$0x1], $0x80, v15, vm0, $0xb8;
	[tilespmem:$0xE900] =	vst v63  }
0xe0: {  	s31 =	simm.s32 $0xB080  }
0xe1: {  	[hbm4b:s12+s19] =	stream.indirect_vreg.scatter [tilespmem:s31], [sflag:$0x1], $0x80, v15, vm0, $0xb8;
	[tilespmem:$0xE900] =	vst v63  }
0xe2: {  	s25 =	simm.s32 $0xB880  }
0xe3: {  	[hbm4b:s13+s19] =	stream.indirect_vreg.scatter [tilespmem:s25], [sflag:$0x1], $0x80, v15, vm0, $0xb8;
	[tilespmem:$0xE900] =	vst v63  }
0xe4: {  	s26 =	simm.s32 $0xC080  }
0xe5: {  	[hbm4b:s14+s19] =	stream.indirect_vreg.scatter [tilespmem:s26], [sflag:$0x1], $0x80, v15, vm0, $0xb8;
	[tilespmem:$0xE900] =	vst v63  }
0xe6: {  	s29 =	simm.s32 $0xC880  }
0xe7: {  	[hbm4b:s15+s19] =	stream.indirect_vreg.scatter [tilespmem:s29], [sflag:$0x1], $0x80, v15, vm0, $0xb8;
	[tilespmem:$0xE900] =	vst v63  }
0xe8: {  	s28 =	simm.s32 $0xD080  }
0xe9: {  	[hbm4b:s16+s19] =	stream.indirect_vreg.scatter [tilespmem:s28], [sflag:$0x1], $0x80, v15, vm0, $0xb8;
	[tilespmem:$0xE900] =	vst v63  }
0xea: {  	s26 =	simm.s32 $0xD880  }
0xeb: {  	[hbm4b:s17+s19] =	stream.indirect_vreg.scatter [tilespmem:s26], [sflag:$0x1], $0x80, v15, vm0, $0xb8;
	[tilespmem:$0xE900] =	vst v63  }
0xec: {  	s5 =	simm.s32 $0x10;
	s26 =	simm.s32 $0x6000  }
0xed: {  	[hbm4b:s7+s5] =	stream.indirect.scatter [tilespmem:s22], [sflag:$0x2], $0x80, s26, s5, $0xb8;
	[tilespmem:$0xE900] =	vst v63  }
0xee: {  	_ =	swait.ge [sflag:s23], $0x8000  }
0xef: {  	[sflag:s23] =	ssyncset.done $0x0  }
0xf0: {  	[sflag:s23] =	ssyncadd.s32 $0xFFFF8000  }
0xf1: {  	_ =	swait.ge [sflag:s24], $0x800  }
0xf2: {  	[sflag:s24] =	ssyncset.done $0x0  }
0xf3: {  	s26 =	rddreg [dreg:$0x6];
	[sflag:s24] =	ssyncadd.s32 $0xFFFFF800  }
0xf4: {  	[tilespmem:s21], [sflag:$0x1] =	stream.linear.gather [hbm4b:s26+s19], $0x8000, $0x38;
	[tilespmem:$0xE900] =	vst v63  }
0xf5: {  	s26 =	rddreg [dreg:$0x17]  }
0xf6: {  	[tilespmem:s22], [sflag:$0x2] =	stream.linear.gather [hbm4b:s26+s19], $0x800, $0x38;
	[tilespmem:$0xE900] =	vst v63  }
0xf7: {  	v14 =	vld [tilespmem:s20+$0x2020];
	_ =	sdelay $0x4  }
0xf8: {  	v15 =	vadd.s32 $0xFFFFE001, v14  }
0xf9: {  	vm1 =	vgt.s32 v15, $0x0  }
0xfa: {  	v14 =	vsel vm1, v0, v14  }
0xfb: {  	v15 =	vshll.u32 v14, $0x4  }
0xfc: {  	v50 =	vand.u32 $0x7, v14;
	v15 =	vand.u32 $0xFFFFFF80, v15  }
0xfd: {  	v15 =	vor.u32 v50, v15  }
0xfe: {  	[tilespmem:$0x6000] =	vst v14;
	v14 =	vperm.xlane v15, v11  }
0xff: {  	_ =	swait.ge [sflag:s23], $0x8000  }
0x100: {  	[sflag:s23] =	ssyncset.done $0x0;
	v14 =	vadd.s32 v12, v14  }
0x101: {  	[sflag:s23] =	ssyncadd.s32 $0xFFFF8000  }
0x102: {  	_ =	swait.ge [sflag:s24], $0x800  }
0x103: {  	[sflag:s24] =	ssyncset.done $0x0  }
0x104: {  	[sflag:s24] =	ssyncadd.s32 $0xFFFFF800  }
0x105: {  	[hbm4b:s6+s19] =	stream.indirect_vreg.scatter [tilespmem:s21], [sflag:$0x1], $0x80, v14, vm0, $0xb8;
	[tilespmem:$0xE900] =	vst v63  }
0x106: {  	_ = 	snop  }
0x107: {  	[hbm4b:s11+s19] =	stream.indirect_vreg.scatter [tilespmem:s1], [sflag:$0x1], $0x80, v14, vm0, $0xb8;
	[tilespmem:$0xE900] =	vst v63  }
0x108: {  	_ = 	snop  }
0x109: {  	[hbm4b:s12+s19] =	stream.indirect_vreg.scatter [tilespmem:s2], [sflag:$0x1], $0x80, v14, vm0, $0xb8;
	[tilespmem:$0xE900] =	vst v63  }
0x10a: {  	_ = 	snop  }
0x10b: {  	[hbm4b:s13+s19] =	stream.indirect_vreg.scatter [tilespmem:s3], [sflag:$0x1], $0x80, v14, vm0, $0xb8;
	[tilespmem:$0xE900] =	vst v63  }
0x10c: {  	_ = 	snop  }
0x10d: {  	[hbm4b:s14+s19] =	stream.indirect_vreg.scatter [tilespmem:s4], [sflag:$0x1], $0x80, v14, vm0, $0xb8;
	[tilespmem:$0xE900] =	vst v63  }
0x10e: {  	s8 =	simm.s32 $0x8880;
	v15 =	vperm.xlane v15, v13  }
0x10f: {  	[hbm4b:s15+s19] =	stream.indirect_vreg.scatter [tilespmem:s8], [sflag:$0x1], $0x80, v14, vm0, $0xb8;
	[tilespmem:$0xE900] =	vst v63  }
0x110: {  	v15 =	vadd.s32 v12, v15  }
0x111: {  	[hbm4b:s16+s19] =	stream.indirect_vreg.scatter [tilespmem:s0], [sflag:$0x1], $0x80, v14, vm0, $0xb8;
	[tilespmem:$0xE900] =	vst v63  }
0x112: {  	s9 =	simm.s32 $0x9880  }
0x113: {  	[hbm4b:s17+s19] =	stream.indirect_vreg.scatter [tilespmem:s9], [sflag:$0x1], $0x80, v14, vm0, $0xb8;
	[tilespmem:$0xE900] =	vst v63  }
0x114: {  	s10 =	simm.s32 $0xA080  }
0x115: {  	[hbm4b:s6+s19] =	stream.indirect_vreg.scatter [tilespmem:s10], [sflag:$0x1], $0x80, v15, vm0, $0xb8;
	[tilespmem:$0xE900] =	vst v63  }
0x116: {  	s18 =	simm.s32 $0xA880  }
0x117: {  	[hbm4b:s11+s19] =	stream.indirect_vreg.scatter [tilespmem:s18], [sflag:$0x1], $0x80, v15, vm0, $0xb8;
	[tilespmem:$0xE900] =	vst v63  }
0x118: {  	s30 =	simm.s32 $0xB080  }
0x119: {  	[hbm4b:s12+s19] =	stream.indirect_vreg.scatter [tilespmem:s30], [sflag:$0x1], $0x80, v15, vm0, $0xb8;
	[tilespmem:$0xE900] =	vst v63  }
0x11a: {  	s31 =	simm.s32 $0xB880  }
0x11b: {  	[hbm4b:s13+s19] =	stream.indirect_vreg.scatter [tilespmem:s31], [sflag:$0x1], $0x80, v15, vm0, $0xb8;
	[tilespmem:$0xE900] =	vst v63  }
0x11c: {  	s25 =	simm.s32 $0xC080  }
0x11d: {  	[hbm4b:s14+s19] =	stream.indirect_vreg.scatter [tilespmem:s25], [sflag:$0x1], $0x80, v15, vm0, $0xb8;
	[tilespmem:$0xE900] =	vst v63  }
0x11e: {  	s29 =	simm.s32 $0xC880  }
0x11f: {  	[hbm4b:s15+s19] =	stream.indirect_vreg.scatter [tilespmem:s29], [sflag:$0x1], $0x80, v15, vm0, $0xb8;
	[tilespmem:$0xE900] =	vst v63  }
0x120: {  	s28 =	simm.s32 $0xD080  }
0x121: {  	[hbm4b:s16+s19] =	stream.indirect_vreg.scatter [tilespmem:s28], [sflag:$0x1], $0x80, v15, vm0, $0xb8;
	[tilespmem:$0xE900] =	vst v63  }
0x122: {  	s29 =	simm.s32 $0xD880  }
0x123: {  	[hbm4b:s17+s19] =	stream.indirect_vreg.scatter [tilespmem:s29], [sflag:$0x1], $0x80, v15, vm0, $0xb8;
	[tilespmem:$0xE900] =	vst v63  }
0x124: {  	s5 =	simm.s32 $0x10;
	s26 =	simm.s32 $0x6000  }
0x125: {  	[hbm4b:s7+s5] =	stream.indirect.scatter [tilespmem:s22], [sflag:$0x2], $0x80, s26, s5, $0xb8;
	[tilespmem:$0xE900] =	vst v63  }
0x126: {  	_ =	swait.ge [sflag:s23], $0x8000  }
0x127: {  	[sflag:s23] =	ssyncset.done $0x0  }
0x128: {  	[sflag:s23] =	ssyncadd.s32 $0xFFFF8000  }
0x129: {  	_ =	swait.ge [sflag:s24], $0x800  }
0x12a: {  	[sflag:s24] =	ssyncset.done $0x0  }
0x12b: {  	s26 =	rddreg [dreg:$0x7];
	[sflag:s24] =	ssyncadd.s32 $0xFFFFF800  }
0x12c: {  	[tilespmem:s21], [sflag:$0x1] =	stream.linear.gather [hbm4b:s26+s19], $0x8000, $0x38;
	[tilespmem:$0xE900] =	vst v63  }
0x12d: {  	s26 =	rddreg [dreg:$0x18]  }
0x12e: {  	[tilespmem:s22], [sflag:$0x2] =	stream.linear.gather [hbm4b:s26+s19], $0x800, $0x38;
	[tilespmem:$0xE900] =	vst v63  }
0x12f: {  	v14 =	vld [tilespmem:s20+$0x2030];
	_ =	sdelay $0x4  }
0x130: {  	v15 =	vadd.s32 $0xFFFFE001, v14  }
0x131: {  	vm1 =	vgt.s32 v15, $0x0  }
0x132: {  	v14 =	vsel vm1, v0, v14  }
0x133: {  	v15 =	vshll.u32 v14, $0x4  }
0x134: {  	v51 =	vand.u32 $0x7, v14;
	v15 =	vand.u32 $0xFFFFFF80, v15  }
0x135: {  	v15 =	vor.u32 v51, v15  }
0x136: {  	[tilespmem:$0x6000] =	vst v14;
	v14 =	vperm.xlane v15, v11  }
0x137: {  	_ =	swait.ge [sflag:s23], $0x8000  }
0x138: {  	[sflag:s23] =	ssyncset.done $0x0;
	v14 =	vadd.s32 v12, v14  }
0x139: {  	[sflag:s23] =	ssyncadd.s32 $0xFFFF8000  }
0x13a: {  	_ =	swait.ge [sflag:s24], $0x800  }
0x13b: {  	[sflag:s24] =	ssyncset.done $0x0  }
0x13c: {  	[sflag:s24] =	ssyncadd.s32 $0xFFFFF800  }
0x13d: {  	[hbm4b:s6+s19] =	stream.indirect_vreg.scatter [tilespmem:s21], [sflag:$0x1], $0x80, v14, vm0, $0xb8;
	[tilespmem:$0xE900] =	vst v63  }
0x13e: {  	s1 =	simm.s32 $0x6880  }
0x13f: {  	[hbm4b:s11+s19] =	stream.indirect_vreg.scatter [tilespmem:s1], [sflag:$0x1], $0x80, v14, vm0, $0xb8;
	[tilespmem:$0xE900] =	vst v63  }
0x140: {  	s2 =	simm.s32 $0x7080  }
0x141: {  	[hbm4b:s12+s19] =	stream.indirect_vreg.scatter [tilespmem:s2], [sflag:$0x1], $0x80, v14, vm0, $0xb8;
	[tilespmem:$0xE900] =	vst v63  }
0x142: {  	s3 =	simm.s32 $0x7880  }
0x143: {  	[hbm4b:s13+s19] =	stream.indirect_vreg.scatter [tilespmem:s3], [sflag:$0x1], $0x80, v14, vm0, $0xb8;
	[tilespmem:$0xE900] =	vst v63  }
0x144: {  	s4 =	simm.s32 $0x8080  }
0x145: {  	[hbm4b:s14+s19] =	stream.indirect_vreg.scatter [tilespmem:s4], [sflag:$0x1], $0x80, v14, vm0, $0xb8;
	[tilespmem:$0xE900] =	vst v63  }
0x146: {  	s8 =	simm.s32 $0x8880;
	v15 =	vperm.xlane v15, v13  }
0x147: {  	[hbm4b:s15+s19] =	stream.indirect_vreg.scatter [tilespmem:s8], [sflag:$0x1], $0x80, v14, vm0, $0xb8;
	[tilespmem:$0xE900] =	vst v63  }
0x148: {  	s0 =	simm.s32 $0x9080;
	v15 =	vadd.s32 v12, v15  }
0x149: {  	[hbm4b:s16+s19] =	stream.indirect_vreg.scatter [tilespmem:s0], [sflag:$0x1], $0x80, v14, vm0, $0xb8;
	[tilespmem:$0xE900] =	vst v63  }
0x14a: {  	s9 =	simm.s32 $0x9880  }
0x14b: {  	[hbm4b:s17+s19] =	stream.indirect_vreg.scatter [tilespmem:s9], [sflag:$0x1], $0x80, v14, vm0, $0xb8;
	[tilespmem:$0xE900] =	vst v63  }
0x14c: {  	s10 =	simm.s32 $0xA080  }
0x14d: {  	[hbm4b:s6+s19] =	stream.indirect_vreg.scatter [tilespmem:s10], [sflag:$0x1], $0x80, v15, vm0, $0xb8;
	[tilespmem:$0xE900] =	vst v63  }
0x14e: {  	s18 =	simm.s32 $0xA880  }
0x14f: {  	[hbm4b:s11+s19] =	stream.indirect_vreg.scatter [tilespmem:s18], [sflag:$0x1], $0x80, v15, vm0, $0xb8;
	[tilespmem:$0xE900] =	vst v63  }
0x150: {  	s30 =	simm.s32 $0xB080  }
0x151: {  	[hbm4b:s12+s19] =	stream.indirect_vreg.scatter [tilespmem:s30], [sflag:$0x1], $0x80, v15, vm0, $0xb8;
	[tilespmem:$0xE900] =	vst v63  }
0x152: {  	s31 =	simm.s32 $0xB880  }
0x153: {  	[hbm4b:s13+s19] =	stream.indirect_vreg.scatter [tilespmem:s31], [sflag:$0x1], $0x80, v15, vm0, $0xb8;
	[tilespmem:$0xE900] =	vst v63  }
0x154: {  	s26 =	simm.s32 $0xC080  }
0x155: {  	[hbm4b:s14+s19] =	stream.indirect_vreg.scatter [tilespmem:s26], [sflag:$0x1], $0x80, v15, vm0, $0xb8;
	[tilespmem:$0xE900] =	vst v63  }
0x156: {  	s25 =	simm.s32 $0xC880  }
0x157: {  	[hbm4b:s15+s19] =	stream.indirect_vreg.scatter [tilespmem:s25], [sflag:$0x1], $0x80, v15, vm0, $0xb8;
	[tilespmem:$0xE900] =	vst v63  }
0x158: {  	s28 =	simm.s32 $0xD080  }
0x159: {  	[hbm4b:s16+s19] =	stream.indirect_vreg.scatter [tilespmem:s28], [sflag:$0x1], $0x80, v15, vm0, $0xb8;
	[tilespmem:$0xE900] =	vst v63  }
0x15a: {  	s29 =	simm.s32 $0xD880  }
0x15b: {  	[hbm4b:s17+s19] =	stream.indirect_vreg.scatter [tilespmem:s29], [sflag:$0x1], $0x80, v15, vm0, $0xb8;
	[tilespmem:$0xE900] =	vst v63  }
0x15c: {  	s5 =	simm.s32 $0x10;
	s26 =	simm.s32 $0x6000  }
0x15d: {  	[hbm4b:s7+s5] =	stream.indirect.scatter [tilespmem:s22], [sflag:$0x2], $0x80, s26, s5, $0xb8;
	[tilespmem:$0xE900] =	vst v63  }
0x15e: {  	_ =	swait.ge [sflag:s23], $0x8000  }
0x15f: {  	[sflag:s23] =	ssyncset.done $0x0  }
0x160: {  	[sflag:s23] =	ssyncadd.s32 $0xFFFF8000  }
0x161: {  	_ =	swait.ge [sflag:s24], $0x800  }
0x162: {  	[sflag:s24] =	ssyncset.done $0x0  }
0x163: {  	s26 =	rddreg [dreg:$0x8];
	[sflag:s24] =	ssyncadd.s32 $0xFFFFF800  }
0x164: {  	[tilespmem:s21], [sflag:$0x1] =	stream.linear.gather [hbm4b:s26+s19], $0x8000, $0x38;
	[tilespmem:$0xE900] =	vst v63  }
0x165: {  	s26 =	rddreg [dreg:$0x19]  }
0x166: {  	[tilespmem:s22], [sflag:$0x2] =	stream.linear.gather [hbm4b:s26+s19], $0x800, $0x38;
	[tilespmem:$0xE900] =	vst v63  }
0x167: {  	v14 =	vld [tilespmem:s20+$0x2040];
	_ =	sdelay $0x4  }
0x168: {  	v15 =	vadd.s32 $0xFFFFE001, v14  }
0x169: {  	vm1 =	vgt.s32 v15, $0x0  }
0x16a: {  	v14 =	vsel vm1, v0, v14  }
0x16b: {  	v15 =	vshll.u32 v14, $0x4  }
0x16c: {  	v52 =	vand.u32 $0x7, v14;
	v15 =	vand.u32 $0xFFFFFF80, v15  }
0x16d: {  	v15 =	vor.u32 v52, v15  }
0x16e: {  	[tilespmem:$0x6000] =	vst v14;
	v14 =	vperm.xlane v15, v11  }
0x16f: {  	_ =	swait.ge [sflag:s23], $0x8000  }
0x170: {  	[sflag:s23] =	ssyncset.done $0x0;
	v14 =	vadd.s32 v12, v14  }
0x171: {  	[sflag:s23] =	ssyncadd.s32 $0xFFFF8000  }
0x172: {  	_ =	swait.ge [sflag:s24], $0x800  }
0x173: {  	[sflag:s24] =	ssyncset.done $0x0  }
0x174: {  	[sflag:s24] =	ssyncadd.s32 $0xFFFFF800  }
0x175: {  	[hbm4b:s6+s19] =	stream.indirect_vreg.scatter [tilespmem:s21], [sflag:$0x1], $0x80, v14, vm0, $0xb8;
	[tilespmem:$0xE900] =	vst v63  }
0x176: {  	s1 =	simm.s32 $0x6880  }
0x177: {  	[hbm4b:s11+s19] =	stream.indirect_vreg.scatter [tilespmem:s1], [sflag:$0x1], $0x80, v14, vm0, $0xb8;
	[tilespmem:$0xE900] =	vst v63  }
0x178: {  	s2 =	simm.s32 $0x7080  }
0x179: {  	[hbm4b:s12+s19] =	stream.indirect_vreg.scatter [tilespmem:s2], [sflag:$0x1], $0x80, v14, vm0, $0xb8;
	[tilespmem:$0xE900] =	vst v63  }
0x17a: {  	s3 =	simm.s32 $0x7880  }
0x17b: {  	[hbm4b:s13+s19] =	stream.indirect_vreg.scatter [tilespmem:s3], [sflag:$0x1], $0x80, v14, vm0, $0xb8;
	[tilespmem:$0xE900] =	vst v63  }
0x17c: {  	s4 =	simm.s32 $0x8080  }
0x17d: {  	[hbm4b:s14+s19] =	stream.indirect_vreg.scatter [tilespmem:s4], [sflag:$0x1], $0x80, v14, vm0, $0xb8;
	[tilespmem:$0xE900] =	vst v63  }
0x17e: {  	s8 =	simm.s32 $0x8880;
	v15 =	vperm.xlane v15, v13  }
0x17f: {  	[hbm4b:s15+s19] =	stream.indirect_vreg.scatter [tilespmem:s8], [sflag:$0x1], $0x80, v14, vm0, $0xb8;
	[tilespmem:$0xE900] =	vst v63  }
0x180: {  	s0 =	simm.s32 $0x9080;
	v15 =	vadd.s32 v12, v15  }
0x181: {  	[hbm4b:s16+s19] =	stream.indirect_vreg.scatter [tilespmem:s0], [sflag:$0x1], $0x80, v14, vm0, $0xb8;
	[tilespmem:$0xE900] =	vst v63  }
0x182: {  	s9 =	simm.s32 $0x9880  }
0x183: {  	[hbm4b:s17+s19] =	stream.indirect_vreg.scatter [tilespmem:s9], [sflag:$0x1], $0x80, v14, vm0, $0xb8;
	[tilespmem:$0xE900] =	vst v63  }
0x184: {  	s10 =	simm.s32 $0xA080  }
0x185: {  	[hbm4b:s6+s19] =	stream.indirect_vreg.scatter [tilespmem:s10], [sflag:$0x1], $0x80, v15, vm0, $0xb8;
	[tilespmem:$0xE900] =	vst v63  }
0x186: {  	s18 =	simm.s32 $0xA880  }
0x187: {  	[hbm4b:s11+s19] =	stream.indirect_vreg.scatter [tilespmem:s18], [sflag:$0x1], $0x80, v15, vm0, $0xb8;
	[tilespmem:$0xE900] =	vst v63  }
0x188: {  	s30 =	simm.s32 $0xB080  }
0x189: {  	[hbm4b:s12+s19] =	stream.indirect_vreg.scatter [tilespmem:s30], [sflag:$0x1], $0x80, v15, vm0, $0xb8;
	[tilespmem:$0xE900] =	vst v63  }
0x18a: {  	s31 =	simm.s32 $0xB880  }
0x18b: {  	[hbm4b:s13+s19] =	stream.indirect_vreg.scatter [tilespmem:s31], [sflag:$0x1], $0x80, v15, vm0, $0xb8;
	[tilespmem:$0xE900] =	vst v63  }
0x18c: {  	s30 =	simm.s32 $0xC080  }
0x18d: {  	[hbm4b:s14+s19] =	stream.indirect_vreg.scatter [tilespmem:s30], [sflag:$0x1], $0x80, v15, vm0, $0xb8;
	[tilespmem:$0xE900] =	vst v63  }
0x18e: {  	s25 =	simm.s32 $0xC880  }
0x18f: {  	[hbm4b:s15+s19] =	stream.indirect_vreg.scatter [tilespmem:s25], [sflag:$0x1], $0x80, v15, vm0, $0xb8;
	[tilespmem:$0xE900] =	vst v63  }
0x190: {  	s28 =	simm.s32 $0xD080  }
0x191: {  	[hbm4b:s16+s19] =	stream.indirect_vreg.scatter [tilespmem:s28], [sflag:$0x1], $0x80, v15, vm0, $0xb8;
	[tilespmem:$0xE900] =	vst v63  }
0x192: {  	s29 =	simm.s32 $0xD880  }
0x193: {  	[hbm4b:s17+s19] =	stream.indirect_vreg.scatter [tilespmem:s29], [sflag:$0x1], $0x80, v15, vm0, $0xb8;
	[tilespmem:$0xE900] =	vst v63  }
0x194: {  	s5 =	simm.s32 $0x6000;
	s26 =	simm.s32 $0x10  }
0x195: {  	[hbm4b:s7+s26] =	stream.indirect.scatter [tilespmem:s22], [sflag:$0x2], $0x80, s5, s26, $0xb8;
	[tilespmem:$0xE900] =	vst v63  }
0x196: {  	_ =	swait.ge [sflag:s23], $0x8000  }
0x197: {  	[sflag:s23] =	ssyncset.done $0x0  }
0x198: {  	[sflag:s23] =	ssyncadd.s32 $0xFFFF8000  }
0x199: {  	_ =	swait.ge [sflag:s24], $0x800  }
0x19a: {  	[sflag:s24] =	ssyncset.done $0x0  }
0x19b: {  	s26 =	rddreg [dreg:$0x9];
	[sflag:s24] =	ssyncadd.s32 $0xFFFFF800  }
0x19c: {  	[tilespmem:s21], [sflag:$0x1] =	stream.linear.gather [hbm4b:s26+s19], $0x8000, $0x38;
	[tilespmem:$0xE900] =	vst v63  }
0x19d: {  	s26 =	rddreg [dreg:$0x1a]  }
0x19e: {  	[tilespmem:s22], [sflag:$0x2] =	stream.linear.gather [hbm4b:s26+s19], $0x800, $0x38;
	[tilespmem:$0xE900] =	vst v63  }
0x19f: {  	v14 =	vld [tilespmem:s20+$0x2050];
	_ =	sdelay $0x4  }
0x1a0: {  	v15 =	vadd.s32 $0xFFFFE001, v14  }
0x1a1: {  	vm1 =	vgt.s32 v15, $0x0  }
0x1a2: {  	v14 =	vsel vm1, v0, v14  }
0x1a3: {  	v15 =	vshll.u32 v14, $0x4  }
0x1a4: {  	v53 =	vand.u32 $0x7, v14;
	v15 =	vand.u32 $0xFFFFFF80, v15  }
0x1a5: {  	v15 =	vor.u32 v53, v15  }
0x1a6: {  	[tilespmem:$0x6000] =	vst v14;
	v14 =	vperm.xlane v15, v11  }
0x1a7: {  	_ =	swait.ge [sflag:s23], $0x8000  }
0x1a8: {  	[sflag:s23] =	ssyncset.done $0x0;
	v14 =	vadd.s32 v12, v14  }
0x1a9: {  	[sflag:s23] =	ssyncadd.s32 $0xFFFF8000  }
0x1aa: {  	_ =	swait.ge [sflag:s24], $0x800  }
0x1ab: {  	[sflag:s24] =	ssyncset.done $0x0  }
0x1ac: {  	[sflag:s24] =	ssyncadd.s32 $0xFFFFF800  }
0x1ad: {  	[hbm4b:s6+s19] =	stream.indirect_vreg.scatter [tilespmem:s21], [sflag:$0x1], $0x80, v14, vm0, $0xb8;
	[tilespmem:$0xE900] =	vst v63  }
0x1ae: {  	s1 =	simm.s32 $0x6880  }
0x1af: {  	[hbm4b:s11+s19] =	stream.indirect_vreg.scatter [tilespmem:s1], [sflag:$0x1], $0x80, v14, vm0, $0xb8;
	[tilespmem:$0xE900] =	vst v63  }
0x1b0: {  	s2 =	simm.s32 $0x7080  }
0x1b1: {  	[hbm4b:s12+s19] =	stream.indirect_vreg.scatter [tilespmem:s2], [sflag:$0x1], $0x80, v14, vm0, $0xb8;
	[tilespmem:$0xE900] =	vst v63  }
0x1b2: {  	s3 =	simm.s32 $0x7880  }
0x1b3: {  	[hbm4b:s13+s19] =	stream.indirect_vreg.scatter [tilespmem:s3], [sflag:$0x1], $0x80, v14, vm0, $0xb8;
	[tilespmem:$0xE900] =	vst v63  }
0x1b4: {  	s4 =	simm.s32 $0x8080  }
0x1b5: {  	[hbm4b:s14+s19] =	stream.indirect_vreg.scatter [tilespmem:s4], [sflag:$0x1], $0x80, v14, vm0, $0xb8;
	[tilespmem:$0xE900] =	vst v63  }
0x1b6: {  	s8 =	simm.s32 $0x8880;
	v15 =	vperm.xlane v15, v13  }
0x1b7: {  	[hbm4b:s15+s19] =	stream.indirect_vreg.scatter [tilespmem:s8], [sflag:$0x1], $0x80, v14, vm0, $0xb8;
	[tilespmem:$0xE900] =	vst v63  }
0x1b8: {  	s0 =	simm.s32 $0x9080;
	v15 =	vadd.s32 v12, v15  }
0x1b9: {  	[hbm4b:s16+s19] =	stream.indirect_vreg.scatter [tilespmem:s0], [sflag:$0x1], $0x80, v14, vm0, $0xb8;
	[tilespmem:$0xE900] =	vst v63  }
0x1ba: {  	s9 =	simm.s32 $0x9880  }
0x1bb: {  	[hbm4b:s17+s19] =	stream.indirect_vreg.scatter [tilespmem:s9], [sflag:$0x1], $0x80, v14, vm0, $0xb8;
	[tilespmem:$0xE900] =	vst v63  }
0x1bc: {  	s10 =	simm.s32 $0xA080  }
0x1bd: {  	[hbm4b:s6+s19] =	stream.indirect_vreg.scatter [tilespmem:s10], [sflag:$0x1], $0x80, v15, vm0, $0xb8;
	[tilespmem:$0xE900] =	vst v63  }
0x1be: {  	s18 =	simm.s32 $0xA880  }
0x1bf: {  	[hbm4b:s11+s19] =	stream.indirect_vreg.scatter [tilespmem:s18], [sflag:$0x1], $0x80, v15, vm0, $0xb8;
	[tilespmem:$0xE900] =	vst v63  }
0x1c0: {  	s26 =	simm.s32 $0xB080  }
0x1c1: {  	[hbm4b:s12+s19] =	stream.indirect_vreg.scatter [tilespmem:s26], [sflag:$0x1], $0x80, v15, vm0, $0xb8;
	[tilespmem:$0xE900] =	vst v63  }
0x1c2: {  	s31 =	simm.s32 $0xB880  }
0x1c3: {  	[hbm4b:s13+s19] =	stream.indirect_vreg.scatter [tilespmem:s31], [sflag:$0x1], $0x80, v15, vm0, $0xb8;
	[tilespmem:$0xE900] =	vst v63  }
0x1c4: {  	s30 =	simm.s32 $0xC080  }
0x1c5: {  	[hbm4b:s14+s19] =	stream.indirect_vreg.scatter [tilespmem:s30], [sflag:$0x1], $0x80, v15, vm0, $0xb8;
	[tilespmem:$0xE900] =	vst v63  }
0x1c6: {  	s25 =	simm.s32 $0xC880  }
0x1c7: {  	[hbm4b:s15+s19] =	stream.indirect_vreg.scatter [tilespmem:s25], [sflag:$0x1], $0x80, v15, vm0, $0xb8;
	[tilespmem:$0xE900] =	vst v63  }
0x1c8: {  	s28 =	simm.s32 $0xD080  }
0x1c9: {  	[hbm4b:s16+s19] =	stream.indirect_vreg.scatter [tilespmem:s28], [sflag:$0x1], $0x80, v15, vm0, $0xb8;
	[tilespmem:$0xE900] =	vst v63  }
0x1ca: {  	s29 =	simm.s32 $0xD880  }
0x1cb: {  	[hbm4b:s17+s19] =	stream.indirect_vreg.scatter [tilespmem:s29], [sflag:$0x1], $0x80, v15, vm0, $0xb8;
	[tilespmem:$0xE900] =	vst v63  }
0x1cc: {  	s5 =	simm.s32 $0x10;
	s30 =	simm.s32 $0x6000  }
0x1cd: {  	[hbm4b:s7+s5] =	stream.indirect.scatter [tilespmem:s22], [sflag:$0x2], $0x80, s30, s5, $0xb8;
	[tilespmem:$0xE900] =	vst v63  }
0x1ce: {  	_ =	swait.ge [sflag:s23], $0x8000  }
0x1cf: {  	[sflag:s23] =	ssyncset.done $0x0  }
0x1d0: {  	[sflag:s23] =	ssyncadd.s32 $0xFFFF8000  }
0x1d1: {  	_ =	swait.ge [sflag:s24], $0x800  }
0x1d2: {  	[sflag:s24] =	ssyncset.done $0x0  }
0x1d3: {  	s30 =	rddreg [dreg:$0xa];
	[sflag:s24] =	ssyncadd.s32 $0xFFFFF800  }
0x1d4: {  	[tilespmem:s21], [sflag:$0x1] =	stream.linear.gather [hbm4b:s30+s19], $0x8000, $0x38;
	[tilespmem:$0xE900] =	vst v63  }
0x1d5: {  	s30 =	rddreg [dreg:$0x1b]  }
0x1d6: {  	[tilespmem:s22], [sflag:$0x2] =	stream.linear.gather [hbm4b:s30+s19], $0x800, $0x38;
	[tilespmem:$0xE900] =	vst v63  }
0x1d7: {  	v14 =	vld [tilespmem:s20+$0x2060];
	_ =	sdelay $0x4  }
0x1d8: {  	v15 =	vadd.s32 $0xFFFFE001, v14  }
0x1d9: {  	vm1 =	vgt.s32 v15, $0x0  }
0x1da: {  	v14 =	vsel vm1, v0, v14  }
0x1db: {  	v15 =	vshll.u32 v14, $0x4  }
0x1dc: {  	v54 =	vand.u32 $0x7, v14;
	v15 =	vand.u32 $0xFFFFFF80, v15  }
0x1dd: {  	v15 =	vor.u32 v54, v15  }
0x1de: {  	[tilespmem:$0x6000] =	vst v14;
	v14 =	vperm.xlane v15, v11  }
0x1df: {  	_ =	swait.ge [sflag:s23], $0x8000  }
0x1e0: {  	[sflag:s23] =	ssyncset.done $0x0;
	v14 =	vadd.s32 v12, v14  }
0x1e1: {  	[sflag:s23] =	ssyncadd.s32 $0xFFFF8000  }
0x1e2: {  	_ =	swait.ge [sflag:s24], $0x800  }
0x1e3: {  	[sflag:s24] =	ssyncset.done $0x0  }
0x1e4: {  	[sflag:s24] =	ssyncadd.s32 $0xFFFFF800  }
0x1e5: {  	[hbm4b:s6+s19] =	stream.indirect_vreg.scatter [tilespmem:s21], [sflag:$0x1], $0x80, v14, vm0, $0xb8;
	[tilespmem:$0xE900] =	vst v63  }
0x1e6: {  	s1 =	simm.s32 $0x6880  }
0x1e7: {  	[hbm4b:s11+s19] =	stream.indirect_vreg.scatter [tilespmem:s1], [sflag:$0x1], $0x80, v14, vm0, $0xb8;
	[tilespmem:$0xE900] =	vst v63  }
0x1e8: {  	s2 =	simm.s32 $0x7080  }
0x1e9: {  	[hbm4b:s12+s19] =	stream.indirect_vreg.scatter [tilespmem:s2], [sflag:$0x1], $0x80, v14, vm0, $0xb8;
	[tilespmem:$0xE900] =	vst v63  }
0x1ea: {  	s3 =	simm.s32 $0x7880  }
0x1eb: {  	[hbm4b:s13+s19] =	stream.indirect_vreg.scatter [tilespmem:s3], [sflag:$0x1], $0x80, v14, vm0, $0xb8;
	[tilespmem:$0xE900] =	vst v63  }
0x1ec: {  	s4 =	simm.s32 $0x8080  }
0x1ed: {  	[hbm4b:s14+s19] =	stream.indirect_vreg.scatter [tilespmem:s4], [sflag:$0x1], $0x80, v14, vm0, $0xb8;
	[tilespmem:$0xE900] =	vst v63  }
0x1ee: {  	s8 =	simm.s32 $0x8880;
	v15 =	vperm.xlane v15, v13  }
0x1ef: {  	[hbm4b:s15+s19] =	stream.indirect_vreg.scatter [tilespmem:s8], [sflag:$0x1], $0x80, v14, vm0, $0xb8;
	[tilespmem:$0xE900] =	vst v63  }
0x1f0: {  	s0 =	simm.s32 $0x9080;
	v15 =	vadd.s32 v12, v15  }
0x1f1: {  	[hbm4b:s16+s19] =	stream.indirect_vreg.scatter [tilespmem:s0], [sflag:$0x1], $0x80, v14, vm0, $0xb8;
	[tilespmem:$0xE900] =	vst v63  }
0x1f2: {  	s9 =	simm.s32 $0x9880  }
0x1f3: {  	[hbm4b:s17+s19] =	stream.indirect_vreg.scatter [tilespmem:s9], [sflag:$0x1], $0x80, v14, vm0, $0xb8;
	[tilespmem:$0xE900] =	vst v63  }
0x1f4: {  	s10 =	simm.s32 $0xA080  }
0x1f5: {  	[hbm4b:s6+s19] =	stream.indirect_vreg.scatter [tilespmem:s10], [sflag:$0x1], $0x80, v15, vm0, $0xb8;
	[tilespmem:$0xE900] =	vst v63  }
0x1f6: {  	s18 =	simm.s32 $0xA880  }
0x1f7: {  	[hbm4b:s11+s19] =	stream.indirect_vreg.scatter [tilespmem:s18], [sflag:$0x1], $0x80, v15, vm0, $0xb8;
	[tilespmem:$0xE900] =	vst v63  }
0x1f8: {  	s26 =	simm.s32 $0xB080  }
0x1f9: {  	[hbm4b:s12+s19] =	stream.indirect_vreg.scatter [tilespmem:s26], [sflag:$0x1], $0x80, v15, vm0, $0xb8;
	[tilespmem:$0xE900] =	vst v63  }
0x1fa: {  	s26 =	simm.s32 $0xB880  }
0x1fb: {  	[hbm4b:s13+s19] =	stream.indirect_vreg.scatter [tilespmem:s26], [sflag:$0x1], $0x80, v15, vm0, $0xb8;
	[tilespmem:$0xE900] =	vst v63  }
0x1fc: {  	s31 =	simm.s32 $0xC080  }
0x1fd: {  	[hbm4b:s14+s19] =	stream.indirect_vreg.scatter [tilespmem:s31], [sflag:$0x1], $0x80, v15, vm0, $0xb8;
	[tilespmem:$0xE900] =	vst v63  }
0x1fe: {  	s25 =	simm.s32 $0xC880  }
0x1ff: {  	[hbm4b:s15+s19] =	stream.indirect_vreg.scatter [tilespmem:s25], [sflag:$0x1], $0x80, v15, vm0, $0xb8;
	[tilespmem:$0xE900] =	vst v63  }
0x200: {  	s28 =	simm.s32 $0xD080  }
0x201: {  	[hbm4b:s16+s19] =	stream.indirect_vreg.scatter [tilespmem:s28], [sflag:$0x1], $0x80, v15, vm0, $0xb8;
	[tilespmem:$0xE900] =	vst v63  }
0x202: {  	s29 =	simm.s32 $0xD880  }
0x203: {  	[hbm4b:s17+s19] =	stream.indirect_vreg.scatter [tilespmem:s29], [sflag:$0x1], $0x80, v15, vm0, $0xb8;
	[tilespmem:$0xE900] =	vst v63  }
0x204: {  	s5 =	simm.s32 $0x6000;
	s26 =	simm.s32 $0x10  }
0x205: {  	[hbm4b:s7+s26] =	stream.indirect.scatter [tilespmem:s22], [sflag:$0x2], $0x80, s5, s26, $0xb8;
	[tilespmem:$0xE900] =	vst v63  }
0x206: {  	_ =	swait.ge [sflag:s23], $0x8000  }
0x207: {  	[sflag:s23] =	ssyncset.done $0x0  }
0x208: {  	[sflag:s23] =	ssyncadd.s32 $0xFFFF8000  }
0x209: {  	_ =	swait.ge [sflag:s24], $0x800  }
0x20a: {  	[sflag:s24] =	ssyncset.done $0x0  }
0x20b: {  	s26 =	rddreg [dreg:$0xc];
	[sflag:s24] =	ssyncadd.s32 $0xFFFFF800  }
0x20c: {  	[tilespmem:s21], [sflag:$0x1] =	stream.linear.gather [hbm4b:s26+s19], $0x8000, $0x38;
	[tilespmem:$0xE900] =	vst v63  }
0x20d: {  	s26 =	rddreg [dreg:$0x1c]  }
0x20e: {  	[tilespmem:s22], [sflag:$0x2] =	stream.linear.gather [hbm4b:s26+s19], $0x800, $0x38;
	[tilespmem:$0xE900] =	vst v63  }
0x20f: {  	v14 =	vld [tilespmem:s20+$0x2070];
	_ =	sdelay $0x4  }
0x210: {  	v15 =	vadd.s32 $0xFFFFE001, v14  }
0x211: {  	vm1 =	vgt.s32 v15, $0x0  }
0x212: {  	v14 =	vsel vm1, v0, v14  }
0x213: {  	v15 =	vshll.u32 v14, $0x4  }
0x214: {  	v55 =	vand.u32 $0x7, v14;
	v15 =	vand.u32 $0xFFFFFF80, v15  }
0x215: {  	v15 =	vor.u32 v55, v15  }
0x216: {  	[tilespmem:$0x6000] =	vst v14;
	v14 =	vperm.xlane v15, v11  }
0x217: {  	_ =	swait.ge [sflag:s23], $0x8000  }
0x218: {  	[sflag:s23] =	ssyncset.done $0x0;
	v14 =	vadd.s32 v12, v14  }
0x219: {  	[sflag:s23] =	ssyncadd.s32 $0xFFFF8000  }
0x21a: {  	_ =	swait.ge [sflag:s24], $0x800  }
0x21b: {  	[sflag:s24] =	ssyncset.done $0x0  }
0x21c: {  	[sflag:s24] =	ssyncadd.s32 $0xFFFFF800  }
0x21d: {  	[hbm4b:s6+s19] =	stream.indirect_vreg.scatter [tilespmem:s21], [sflag:$0x1], $0x80, v14, vm0, $0xb8;
	[tilespmem:$0xE900] =	vst v63  }
0x21e: {  	s1 =	simm.s32 $0x6880  }
0x21f: {  	[hbm4b:s11+s19] =	stream.indirect_vreg.scatter [tilespmem:s1], [sflag:$0x1], $0x80, v14, vm0, $0xb8;
	[tilespmem:$0xE900] =	vst v63  }
0x220: {  	s2 =	simm.s32 $0x7080  }
0x221: {  	[hbm4b:s12+s19] =	stream.indirect_vreg.scatter [tilespmem:s2], [sflag:$0x1], $0x80, v14, vm0, $0xb8;
	[tilespmem:$0xE900] =	vst v63  }
0x222: {  	s3 =	simm.s32 $0x7880  }
0x223: {  	[hbm4b:s13+s19] =	stream.indirect_vreg.scatter [tilespmem:s3], [sflag:$0x1], $0x80, v14, vm0, $0xb8;
	[tilespmem:$0xE900] =	vst v63  }
0x224: {  	s4 =	simm.s32 $0x8080  }
0x225: {  	[hbm4b:s14+s19] =	stream.indirect_vreg.scatter [tilespmem:s4], [sflag:$0x1], $0x80, v14, vm0, $0xb8;
	[tilespmem:$0xE900] =	vst v63  }
0x226: {  	s8 =	simm.s32 $0x8880;
	v15 =	vperm.xlane v15, v13  }
0x227: {  	[hbm4b:s15+s19] =	stream.indirect_vreg.scatter [tilespmem:s8], [sflag:$0x1], $0x80, v14, vm0, $0xb8;
	[tilespmem:$0xE900] =	vst v63  }
0x228: {  	s0 =	simm.s32 $0x9080;
	v15 =	vadd.s32 v12, v15  }
0x229: {  	[hbm4b:s16+s19] =	stream.indirect_vreg.scatter [tilespmem:s0], [sflag:$0x1], $0x80, v14, vm0, $0xb8;
	[tilespmem:$0xE900] =	vst v63  }
0x22a: {  	s30 =	simm.s32 $0x9880  }
0x22b: {  	[hbm4b:s17+s19] =	stream.indirect_vreg.scatter [tilespmem:s30], [sflag:$0x1], $0x80, v14, vm0, $0xb8;
	[tilespmem:$0xE900] =	vst v63  }
0x22c: {  	s10 =	simm.s32 $0xA080  }
0x22d: {  	[hbm4b:s6+s19] =	stream.indirect_vreg.scatter [tilespmem:s10], [sflag:$0x1], $0x80, v15, vm0, $0xb8;
	[tilespmem:$0xE900] =	vst v63  }
0x22e: {  	s18 =	simm.s32 $0xA880  }
0x22f: {  	[hbm4b:s11+s19] =	stream.indirect_vreg.scatter [tilespmem:s18], [sflag:$0x1], $0x80, v15, vm0, $0xb8;
	[tilespmem:$0xE900] =	vst v63  }
0x230: {  	s9 =	simm.s32 $0xB080  }
0x231: {  	[hbm4b:s12+s19] =	stream.indirect_vreg.scatter [tilespmem:s9], [sflag:$0x1], $0x80, v15, vm0, $0xb8;
	[tilespmem:$0xE900] =	vst v63  }
0x232: {  	s30 =	simm.s32 $0xB880  }
0x233: {  	[hbm4b:s13+s19] =	stream.indirect_vreg.scatter [tilespmem:s30], [sflag:$0x1], $0x80, v15, vm0, $0xb8;
	[tilespmem:$0xE900] =	vst v63  }
0x234: {  	s31 =	simm.s32 $0xC080  }
0x235: {  	[hbm4b:s14+s19] =	stream.indirect_vreg.scatter [tilespmem:s31], [sflag:$0x1], $0x80, v15, vm0, $0xb8;
	[tilespmem:$0xE900] =	vst v63  }
0x236: {  	s25 =	simm.s32 $0xC880  }
0x237: {  	[hbm4b:s15+s19] =	stream.indirect_vreg.scatter [tilespmem:s25], [sflag:$0x1], $0x80, v15, vm0, $0xb8;
	[tilespmem:$0xE900] =	vst v63  }
0x238: {  	s28 =	simm.s32 $0xD080  }
0x239: {  	[hbm4b:s16+s19] =	stream.indirect_vreg.scatter [tilespmem:s28], [sflag:$0x1], $0x80, v15, vm0, $0xb8;
	[tilespmem:$0xE900] =	vst v63  }
0x23a: {  	s29 =	simm.s32 $0xD880  }
0x23b: {  	[hbm4b:s17+s19] =	stream.indirect_vreg.scatter [tilespmem:s29], [sflag:$0x1], $0x80, v15, vm0, $0xb8;
	[tilespmem:$0xE900] =	vst v63  }
0x23c: {  	s5 =	simm.s32 $0x10;
	s26 =	simm.s32 $0x6000  }
0x23d: {  	[hbm4b:s7+s5] =	stream.indirect.scatter [tilespmem:s22], [sflag:$0x2], $0x80, s26, s5, $0xb8;
	[tilespmem:$0xE900] =	vst v63  }
0x23e: {  	_ =	swait.ge [sflag:s23], $0x8000  }
0x23f: {  	[sflag:s23] =	ssyncset.done $0x0  }
0x240: {  	[sflag:s23] =	ssyncadd.s32 $0xFFFF8000  }
0x241: {  	_ =	swait.ge [sflag:s24], $0x800  }
0x242: {  	[sflag:s24] =	ssyncset.done $0x0  }
0x243: {  	s26 =	rddreg [dreg:$0xd];
	[sflag:s24] =	ssyncadd.s32 $0xFFFFF800  }
0x244: {  	[tilespmem:s21], [sflag:$0x1] =	stream.linear.gather [hbm4b:s26+s19], $0x8000, $0x38;
	[tilespmem:$0xE900] =	vst v63  }
0x245: {  	s26 =	rddreg [dreg:$0x1d]  }
0x246: {  	[tilespmem:s22], [sflag:$0x2] =	stream.linear.gather [hbm4b:s26+s19], $0x800, $0x38;
	[tilespmem:$0xE900] =	vst v63  }
0x247: {  	s26 =	rddreg [dreg:$0xb]  }
0x248: {  	v14 =	vld [tilespmem:s26+$0x2000];
	_ =	sdelay $0x4  }
0x249: {  	v15 =	vadd.s32 $0xFFFFE001, v14  }
0x24a: {  	vm1 =	vgt.s32 v15, $0x0  }
0x24b: {  	v14 =	vsel vm1, v0, v14  }
0x24c: {  	v15 =	vshll.u32 v14, $0x4  }
0x24d: {  	v56 =	vand.u32 $0x7, v14;
	v15 =	vand.u32 $0xFFFFFF80, v15  }
0x24e: {  	v15 =	vor.u32 v56, v15  }
0x24f: {  	[tilespmem:$0x6000] =	vst v14;
	v14 =	vperm.xlane v15, v11  }
0x250: {  	_ =	swait.ge [sflag:s23], $0x8000  }
0x251: {  	[sflag:s23] =	ssyncset.done $0x0;
	v14 =	vadd.s32 v12, v14  }
0x252: {  	[sflag:s23] =	ssyncadd.s32 $0xFFFF8000  }
0x253: {  	_ =	swait.ge [sflag:s24], $0x800  }
0x254: {  	[sflag:s24] =	ssyncset.done $0x0  }
0x255: {  	[sflag:s24] =	ssyncadd.s32 $0xFFFFF800  }
0x256: {  	[hbm4b:s6+s19] =	stream.indirect_vreg.scatter [tilespmem:s21], [sflag:$0x1], $0x80, v14, vm0, $0xb8;
	[tilespmem:$0xE900] =	vst v63  }
0x257: {  	s1 =	simm.s32 $0x6880  }
0x258: {  	[hbm4b:s11+s19] =	stream.indirect_vreg.scatter [tilespmem:s1], [sflag:$0x1], $0x80, v14, vm0, $0xb8;
	[tilespmem:$0xE900] =	vst v63  }
0x259: {  	s2 =	simm.s32 $0x7080  }
0x25a: {  	[hbm4b:s12+s19] =	stream.indirect_vreg.scatter [tilespmem:s2], [sflag:$0x1], $0x80, v14, vm0, $0xb8;
	[tilespmem:$0xE900] =	vst v63  }
0x25b: {  	s3 =	simm.s32 $0x7880  }
0x25c: {  	[hbm4b:s13+s19] =	stream.indirect_vreg.scatter [tilespmem:s3], [sflag:$0x1], $0x80, v14, vm0, $0xb8;
	[tilespmem:$0xE900] =	vst v63  }
0x25d: {  	s4 =	simm.s32 $0x8080  }
0x25e: {  	[hbm4b:s14+s19] =	stream.indirect_vreg.scatter [tilespmem:s4], [sflag:$0x1], $0x80, v14, vm0, $0xb8;
	[tilespmem:$0xE900] =	vst v63  }
0x25f: {  	s8 =	simm.s32 $0x8880;
	v15 =	vperm.xlane v15, v13  }
0x260: {  	[hbm4b:s15+s19] =	stream.indirect_vreg.scatter [tilespmem:s8], [sflag:$0x1], $0x80, v14, vm0, $0xb8;
	[tilespmem:$0xE900] =	vst v63  }
0x261: {  	s0 =	simm.s32 $0x9080;
	v15 =	vadd.s32 v12, v15  }
0x262: {  	[hbm4b:s16+s19] =	stream.indirect_vreg.scatter [tilespmem:s0], [sflag:$0x1], $0x80, v14, vm0, $0xb8;
	[tilespmem:$0xE900] =	vst v63  }
0x263: {  	s26 =	simm.s32 $0x9880  }
0x264: {  	[hbm4b:s17+s19] =	stream.indirect_vreg.scatter [tilespmem:s26], [sflag:$0x1], $0x80, v14, vm0, $0xb8;
	[tilespmem:$0xE900] =	vst v63  }
0x265: {  	s10 =	simm.s32 $0xA080  }
0x266: {  	[hbm4b:s6+s19] =	stream.indirect_vreg.scatter [tilespmem:s10], [sflag:$0x1], $0x80, v15, vm0, $0xb8;
	[tilespmem:$0xE900] =	vst v63  }
0x267: {  	s18 =	simm.s32 $0xA880  }
0x268: {  	[hbm4b:s11+s19] =	stream.indirect_vreg.scatter [tilespmem:s18], [sflag:$0x1], $0x80, v15, vm0, $0xb8;
	[tilespmem:$0xE900] =	vst v63  }
0x269: {  	s9 =	simm.s32 $0xB080  }
0x26a: {  	[hbm4b:s12+s19] =	stream.indirect_vreg.scatter [tilespmem:s9], [sflag:$0x1], $0x80, v15, vm0, $0xb8;
	[tilespmem:$0xE900] =	vst v63  }
0x26b: {  	s30 =	simm.s32 $0xB880  }
0x26c: {  	[hbm4b:s13+s19] =	stream.indirect_vreg.scatter [tilespmem:s30], [sflag:$0x1], $0x80, v15, vm0, $0xb8;
	[tilespmem:$0xE900] =	vst v63  }
0x26d: {  	s31 =	simm.s32 $0xC080  }
0x26e: {  	[hbm4b:s14+s19] =	stream.indirect_vreg.scatter [tilespmem:s31], [sflag:$0x1], $0x80, v15, vm0, $0xb8;
	[tilespmem:$0xE900] =	vst v63  }
0x26f: {  	s25 =	simm.s32 $0xC880  }
0x270: {  	[hbm4b:s15+s19] =	stream.indirect_vreg.scatter [tilespmem:s25], [sflag:$0x1], $0x80, v15, vm0, $0xb8;
	[tilespmem:$0xE900] =	vst v63  }
0x271: {  	s28 =	simm.s32 $0xD080  }
0x272: {  	[hbm4b:s16+s19] =	stream.indirect_vreg.scatter [tilespmem:s28], [sflag:$0x1], $0x80, v15, vm0, $0xb8;
	[tilespmem:$0xE900] =	vst v63  }
0x273: {  	s29 =	simm.s32 $0xD880  }
0x274: {  	[hbm4b:s17+s19] =	stream.indirect_vreg.scatter [tilespmem:s29], [sflag:$0x1], $0x80, v15, vm0, $0xb8;
	[tilespmem:$0xE900] =	vst v63  }
0x275: {  	s5 =	simm.s32 $0x6000;
	s26 =	simm.s32 $0x10  }
0x276: {  	[hbm4b:s7+s26] =	stream.indirect.scatter [tilespmem:s22], [sflag:$0x2], $0x80, s5, s26, $0xb8;
	[tilespmem:$0xE900] =	vst v63  }
0x277: {  	_ =	swait.ge [sflag:s23], $0x8000  }
0x278: {  	[sflag:s23] =	ssyncset.done $0x0  }
0x279: {  	[sflag:s23] =	ssyncadd.s32 $0xFFFF8000  }
0x27a: {  	_ =	swait.ge [sflag:s24], $0x800  }
0x27b: {  	[sflag:s24] =	ssyncset.done $0x0  }
0x27c: {  	s26 =	rddreg [dreg:$0xe];
	[sflag:s24] =	ssyncadd.s32 $0xFFFFF800  }
0x27d: {  	[tilespmem:s21], [sflag:$0x1] =	stream.linear.gather [hbm4b:s26+s19], $0x8000, $0x38;
	[tilespmem:$0xE900] =	vst v63  }
0x27e: {  	s26 =	rddreg [dreg:$0x1e]  }
0x27f: {  	[tilespmem:s22], [sflag:$0x2] =	stream.linear.gather [hbm4b:s26+s19], $0x800, $0x38;
	[tilespmem:$0xE900] =	vst v63  }
0x280: {  	v14 =	vld [tilespmem:s20+$0x2090];
	_ =	sdelay $0x4  }
0x281: {  	v15 =	vadd.s32 $0xFFFFE001, v14  }
0x282: {  	vm1 =	vgt.s32 v15, $0x0  }
0x283: {  	v14 =	vsel vm1, v0, v14  }
0x284: {  	v15 =	vshll.u32 v14, $0x4  }
0x285: {  	v57 =	vand.u32 $0x7, v14;
	v15 =	vand.u32 $0xFFFFFF80, v15  }
0x286: {  	v15 =	vor.u32 v57, v15  }
0x287: {  	[tilespmem:$0x6000] =	vst v14;
	v14 =	vperm.xlane v15, v11  }
0x288: {  	_ =	swait.ge [sflag:s23], $0x8000  }
0x289: {  	[sflag:s23] =	ssyncset.done $0x0;
	v14 =	vadd.s32 v12, v14  }
0x28a: {  	[sflag:s23] =	ssyncadd.s32 $0xFFFF8000  }
0x28b: {  	_ =	swait.ge [sflag:s24], $0x800  }
0x28c: {  	[sflag:s24] =	ssyncset.done $0x0  }
0x28d: {  	[sflag:s24] =	ssyncadd.s32 $0xFFFFF800  }
0x28e: {  	[hbm4b:s6+s19] =	stream.indirect_vreg.scatter [tilespmem:s21], [sflag:$0x1], $0x80, v14, vm0, $0xb8;
	[tilespmem:$0xE900] =	vst v63  }
0x28f: {  	s1 =	simm.s32 $0x6880  }
0x290: {  	[hbm4b:s11+s19] =	stream.indirect_vreg.scatter [tilespmem:s1], [sflag:$0x1], $0x80, v14, vm0, $0xb8;
	[tilespmem:$0xE900] =	vst v63  }
0x291: {  	s2 =	simm.s32 $0x7080  }
0x292: {  	[hbm4b:s12+s19] =	stream.indirect_vreg.scatter [tilespmem:s2], [sflag:$0x1], $0x80, v14, vm0, $0xb8;
	[tilespmem:$0xE900] =	vst v63  }
0x293: {  	s3 =	simm.s32 $0x7880  }
0x294: {  	[hbm4b:s13+s19] =	stream.indirect_vreg.scatter [tilespmem:s3], [sflag:$0x1], $0x80, v14, vm0, $0xb8;
	[tilespmem:$0xE900] =	vst v63  }
0x295: {  	s4 =	simm.s32 $0x8080  }
0x296: {  	[hbm4b:s14+s19] =	stream.indirect_vreg.scatter [tilespmem:s4], [sflag:$0x1], $0x80, v14, vm0, $0xb8;
	[tilespmem:$0xE900] =	vst v63  }
0x297: {  	s8 =	simm.s32 $0x8880;
	v15 =	vperm.xlane v15, v13  }
0x298: {  	[hbm4b:s15+s19] =	stream.indirect_vreg.scatter [tilespmem:s8], [sflag:$0x1], $0x80, v14, vm0, $0xb8;
	[tilespmem:$0xE900] =	vst v63  }
0x299: {  	s0 =	simm.s32 $0x9080;
	v15 =	vadd.s32 v12, v15  }
0x29a: {  	[hbm4b:s16+s19] =	stream.indirect_vreg.scatter [tilespmem:s0], [sflag:$0x1], $0x80, v14, vm0, $0xb8;
	[tilespmem:$0xE900] =	vst v63  }
0x29b: {  	s26 =	simm.s32 $0x9880  }
0x29c: {  	[hbm4b:s17+s19] =	stream.indirect_vreg.scatter [tilespmem:s26], [sflag:$0x1], $0x80, v14, vm0, $0xb8;
	[tilespmem:$0xE900] =	vst v63  }
0x29d: {  	s10 =	simm.s32 $0xA080  }
0x29e: {  	[hbm4b:s6+s19] =	stream.indirect_vreg.scatter [tilespmem:s10], [sflag:$0x1], $0x80, v15, vm0, $0xb8;
	[tilespmem:$0xE900] =	vst v63  }
0x29f: {  	s18 =	simm.s32 $0xA880  }
0x2a0: {  	[hbm4b:s11+s19] =	stream.indirect_vreg.scatter [tilespmem:s18], [sflag:$0x1], $0x80, v15, vm0, $0xb8;
	[tilespmem:$0xE900] =	vst v63  }
0x2a1: {  	s9 =	simm.s32 $0xB080  }
0x2a2: {  	[hbm4b:s12+s19] =	stream.indirect_vreg.scatter [tilespmem:s9], [sflag:$0x1], $0x80, v15, vm0, $0xb8;
	[tilespmem:$0xE900] =	vst v63  }
0x2a3: {  	s30 =	simm.s32 $0xB880  }
0x2a4: {  	[hbm4b:s13+s19] =	stream.indirect_vreg.scatter [tilespmem:s30], [sflag:$0x1], $0x80, v15, vm0, $0xb8;
	[tilespmem:$0xE900] =	vst v63  }
0x2a5: {  	s31 =	simm.s32 $0xC080  }
0x2a6: {  	[hbm4b:s14+s19] =	stream.indirect_vreg.scatter [tilespmem:s31], [sflag:$0x1], $0x80, v15, vm0, $0xb8;
	[tilespmem:$0xE900] =	vst v63  }
0x2a7: {  	s25 =	simm.s32 $0xC880  }
0x2a8: {  	[hbm4b:s15+s19] =	stream.indirect_vreg.scatter [tilespmem:s25], [sflag:$0x1], $0x80, v15, vm0, $0xb8;
	[tilespmem:$0xE900] =	vst v63  }
0x2a9: {  	s28 =	simm.s32 $0xD080  }
0x2aa: {  	[hbm4b:s16+s19] =	stream.indirect_vreg.scatter [tilespmem:s28], [sflag:$0x1], $0x80, v15, vm0, $0xb8;
	[tilespmem:$0xE900] =	vst v63  }
0x2ab: {  	s29 =	simm.s32 $0xD880  }
0x2ac: {  	[hbm4b:s17+s19] =	stream.indirect_vreg.scatter [tilespmem:s29], [sflag:$0x1], $0x80, v15, vm0, $0xb8;
	[tilespmem:$0xE900] =	vst v63  }
0x2ad: {  	s5 =	simm.s32 $0x10;
	s26 =	simm.s32 $0x6000  }
0x2ae: {  	[hbm4b:s7+s5] =	stream.indirect.scatter [tilespmem:s22], [sflag:$0x2], $0x80, s26, s5, $0xb8;
	[tilespmem:$0xE900] =	vst v63  }
0x2af: {  	_ =	swait.ge [sflag:s23], $0x8000  }
0x2b0: {  	[sflag:s23] =	ssyncset.done $0x0  }
0x2b1: {  	[sflag:s23] =	ssyncadd.s32 $0xFFFF8000  }
0x2b2: {  	_ =	swait.ge [sflag:s24], $0x800  }
0x2b3: {  	[sflag:s24] =	ssyncset.done $0x0  }
0x2b4: {  	s26 =	rddreg [dreg:$0xf];
	[sflag:s24] =	ssyncadd.s32 $0xFFFFF800  }
0x2b5: {  	[tilespmem:s21], [sflag:$0x1] =	stream.linear.gather [hbm4b:s26+s19], $0x8000, $0x38;
	[tilespmem:$0xE900] =	vst v63  }
0x2b6: {  	s26 =	rddreg [dreg:$0x1f]  }
0x2b7: {  	[tilespmem:s22], [sflag:$0x2] =	stream.linear.gather [hbm4b:s26+s19], $0x800, $0x38;
	[tilespmem:$0xE900] =	vst v63  }
0x2b8: {  	v14 =	vld [tilespmem:s20+$0x20A0];
	_ =	sdelay $0x4  }
0x2b9: {  	v15 =	vadd.s32 $0xFFFFE001, v14  }
0x2ba: {  	vm1 =	vgt.s32 v15, $0x0  }
0x2bb: {  	v14 =	vsel vm1, v0, v14  }
0x2bc: {  	v15 =	vshll.u32 v14, $0x4  }
0x2bd: {  	v58 =	vand.u32 $0x7, v14;
	v15 =	vand.u32 $0xFFFFFF80, v15  }
0x2be: {  	v15 =	vor.u32 v58, v15  }
0x2bf: {  	[tilespmem:$0x6000] =	vst v14;
	v14 =	vperm.xlane v15, v11  }
0x2c0: {  	_ =	swait.ge [sflag:s23], $0x8000  }
0x2c1: {  	[sflag:s23] =	ssyncset.done $0x0;
	v14 =	vadd.s32 v12, v14  }
0x2c2: {  	[sflag:s23] =	ssyncadd.s32 $0xFFFF8000  }
0x2c3: {  	_ =	swait.ge [sflag:s24], $0x800  }
0x2c4: {  	[sflag:s24] =	ssyncset.done $0x0  }
0x2c5: {  	[sflag:s24] =	ssyncadd.s32 $0xFFFFF800  }
0x2c6: {  	[hbm4b:s6+s19] =	stream.indirect_vreg.scatter [tilespmem:s21], [sflag:$0x1], $0x80, v14, vm0, $0xb8;
	[tilespmem:$0xE900] =	vst v63  }
0x2c7: {  	s1 =	simm.s32 $0x6880  }
0x2c8: {  	[hbm4b:s11+s19] =	stream.indirect_vreg.scatter [tilespmem:s1], [sflag:$0x1], $0x80, v14, vm0, $0xb8;
	[tilespmem:$0xE900] =	vst v63  }
0x2c9: {  	s2 =	simm.s32 $0x7080  }
0x2ca: {  	[hbm4b:s12+s19] =	stream.indirect_vreg.scatter [tilespmem:s2], [sflag:$0x1], $0x80, v14, vm0, $0xb8;
	[tilespmem:$0xE900] =	vst v63  }
0x2cb: {  	s3 =	simm.s32 $0x7880  }
0x2cc: {  	[hbm4b:s13+s19] =	stream.indirect_vreg.scatter [tilespmem:s3], [sflag:$0x1], $0x80, v14, vm0, $0xb8;
	[tilespmem:$0xE900] =	vst v63  }
0x2cd: {  	s4 =	simm.s32 $0x8080  }
0x2ce: {  	[hbm4b:s14+s19] =	stream.indirect_vreg.scatter [tilespmem:s4], [sflag:$0x1], $0x80, v14, vm0, $0xb8;
	[tilespmem:$0xE900] =	vst v63  }
0x2cf: {  	s8 =	simm.s32 $0x8880;
	v15 =	vperm.xlane v15, v13  }
0x2d0: {  	[hbm4b:s15+s19] =	stream.indirect_vreg.scatter [tilespmem:s8], [sflag:$0x1], $0x80, v14, vm0, $0xb8;
	[tilespmem:$0xE900] =	vst v63  }
0x2d1: {  	s0 =	simm.s32 $0x9080;
	v15 =	vadd.s32 v12, v15  }
0x2d2: {  	[hbm4b:s16+s19] =	stream.indirect_vreg.scatter [tilespmem:s0], [sflag:$0x1], $0x80, v14, vm0, $0xb8;
	[tilespmem:$0xE900] =	vst v63  }
0x2d3: {  	s26 =	simm.s32 $0x9880  }
0x2d4: {  	[hbm4b:s17+s19] =	stream.indirect_vreg.scatter [tilespmem:s26], [sflag:$0x1], $0x80, v14, vm0, $0xb8;
	[tilespmem:$0xE900] =	vst v63  }
0x2d5: {  	s10 =	simm.s32 $0xA080  }
0x2d6: {  	[hbm4b:s6+s19] =	stream.indirect_vreg.scatter [tilespmem:s10], [sflag:$0x1], $0x80, v15, vm0, $0xb8;
	[tilespmem:$0xE900] =	vst v63  }
0x2d7: {  	s18 =	simm.s32 $0xA880  }
0x2d8: {  	[hbm4b:s11+s19] =	stream.indirect_vreg.scatter [tilespmem:s18], [sflag:$0x1], $0x80, v15, vm0, $0xb8;
	[tilespmem:$0xE900] =	vst v63  }
0x2d9: {  	s9 =	simm.s32 $0xB080  }
0x2da: {  	[hbm4b:s12+s19] =	stream.indirect_vreg.scatter [tilespmem:s9], [sflag:$0x1], $0x80, v15, vm0, $0xb8;
	[tilespmem:$0xE900] =	vst v63  }
0x2db: {  	s30 =	simm.s32 $0xB880  }
0x2dc: {  	[hbm4b:s13+s19] =	stream.indirect_vreg.scatter [tilespmem:s30], [sflag:$0x1], $0x80, v15, vm0, $0xb8;
	[tilespmem:$0xE900] =	vst v63  }
0x2dd: {  	s31 =	simm.s32 $0xC080  }
0x2de: {  	[hbm4b:s14+s19] =	stream.indirect_vreg.scatter [tilespmem:s31], [sflag:$0x1], $0x80, v15, vm0, $0xb8;
	[tilespmem:$0xE900] =	vst v63  }
0x2df: {  	s25 =	simm.s32 $0xC880  }
0x2e0: {  	[hbm4b:s15+s19] =	stream.indirect_vreg.scatter [tilespmem:s25], [sflag:$0x1], $0x80, v15, vm0, $0xb8;
	[tilespmem:$0xE900] =	vst v63  }
0x2e1: {  	s28 =	simm.s32 $0xD080  }
0x2e2: {  	[hbm4b:s16+s19] =	stream.indirect_vreg.scatter [tilespmem:s28], [sflag:$0x1], $0x80, v15, vm0, $0xb8;
	[tilespmem:$0xE900] =	vst v63  }
0x2e3: {  	s29 =	simm.s32 $0xD880  }
0x2e4: {  	[hbm4b:s17+s19] =	stream.indirect_vreg.scatter [tilespmem:s29], [sflag:$0x1], $0x80, v15, vm0, $0xb8;
	[tilespmem:$0xE900] =	vst v63  }
0x2e5: {  	s5 =	simm.s32 $0x6000;
	s26 =	simm.s32 $0x10  }
0x2e6: {  	[hbm4b:s7+s26] =	stream.indirect.scatter [tilespmem:s22], [sflag:$0x2], $0x80, s5, s26, $0xb8;
	[tilespmem:$0xE900] =	vst v63  }
0x2e7: {  	_ =	swait.ge [sflag:s23], $0x8000  }
0x2e8: {  	[sflag:s23] =	ssyncset.done $0x0  }
0x2e9: {  	[sflag:s23] =	ssyncadd.s32 $0xFFFF8000  }
0x2ea: {  	_ =	swait.ge [sflag:s24], $0x800  }
0x2eb: {  	[sflag:s24] =	ssyncset.done $0x0  }
0x2ec: {  	s26 =	rddreg [dreg:$0x10];
	[sflag:s24] =	ssyncadd.s32 $0xFFFFF800  }
0x2ed: {  	[tilespmem:s21], [sflag:$0x1] =	stream.linear.gather [hbm4b:s26+s19], $0x8000, $0x38;
	[tilespmem:$0xE900] =	vst v63  }
0x2ee: {  	s26 =	sld [smem:$0x7F6];
	_ =	sdelay $0x2  }
0x2ef: {  	[tilespmem:s22], [sflag:$0x2] =	stream.linear.gather [hbm4b:s26+s19], $0x800, $0x38;
	[tilespmem:$0xE900] =	vst v63  }
0x2f0: {  	v14 =	vld [tilespmem:s20+$0x20B0];
	_ =	sdelay $0x4  }
0x2f1: {  	v15 =	vadd.s32 $0xFFFFE001, v14  }
0x2f2: {  	vm1 =	vgt.s32 v15, $0x0  }
0x2f3: {  	v14 =	vsel vm1, v0, v14  }
0x2f4: {  	v15 =	vshll.u32 v14, $0x4  }
0x2f5: {  	v59 =	vand.u32 $0x7, v14;
	v15 =	vand.u32 $0xFFFFFF80, v15  }
0x2f6: {  	v15 =	vor.u32 v59, v15  }
0x2f7: {  	[tilespmem:$0x6000] =	vst v14;
	v14 =	vperm.xlane v15, v11  }
0x2f8: {  	_ =	swait.ge [sflag:s23], $0x8000  }
0x2f9: {  	[sflag:s23] =	ssyncset.done $0x0;
	v14 =	vadd.s32 v12, v14  }
0x2fa: {  	[sflag:s23] =	ssyncadd.s32 $0xFFFF8000  }
0x2fb: {  	_ =	swait.ge [sflag:s24], $0x800  }
0x2fc: {  	[sflag:s24] =	ssyncset.done $0x0  }
0x2fd: {  	[sflag:s24] =	ssyncadd.s32 $0xFFFFF800  }
0x2fe: {  	[hbm4b:s6+s19] =	stream.indirect_vreg.scatter [tilespmem:s21], [sflag:$0x1], $0x80, v14, vm0, $0xb8;
	[tilespmem:$0xE900] =	vst v63  }
0x2ff: {  	s1 =	simm.s32 $0x6880  }
0x300: {  	[hbm4b:s11+s19] =	stream.indirect_vreg.scatter [tilespmem:s1], [sflag:$0x1], $0x80, v14, vm0, $0xb8;
	[tilespmem:$0xE900] =	vst v63  }
0x301: {  	s2 =	simm.s32 $0x7080  }
0x302: {  	[hbm4b:s12+s19] =	stream.indirect_vreg.scatter [tilespmem:s2], [sflag:$0x1], $0x80, v14, vm0, $0xb8;
	[tilespmem:$0xE900] =	vst v63  }
0x303: {  	s3 =	simm.s32 $0x7880  }
0x304: {  	[hbm4b:s13+s19] =	stream.indirect_vreg.scatter [tilespmem:s3], [sflag:$0x1], $0x80, v14, vm0, $0xb8;
	[tilespmem:$0xE900] =	vst v63  }
0x305: {  	s4 =	simm.s32 $0x8080  }
0x306: {  	[hbm4b:s14+s19] =	stream.indirect_vreg.scatter [tilespmem:s4], [sflag:$0x1], $0x80, v14, vm0, $0xb8;
	[tilespmem:$0xE900] =	vst v63  }
0x307: {  	s8 =	simm.s32 $0x8880;
	v15 =	vperm.xlane v15, v13  }
0x308: {  	[hbm4b:s15+s19] =	stream.indirect_vreg.scatter [tilespmem:s8], [sflag:$0x1], $0x80, v14, vm0, $0xb8;
	[tilespmem:$0xE900] =	vst v63  }
0x309: {  	s0 =	simm.s32 $0x9080;
	v15 =	vadd.s32 v12, v15  }
0x30a: {  	[hbm4b:s16+s19] =	stream.indirect_vreg.scatter [tilespmem:s0], [sflag:$0x1], $0x80, v14, vm0, $0xb8;
	[tilespmem:$0xE900] =	vst v63  }
0x30b: {  	s26 =	simm.s32 $0x9880  }
0x30c: {  	[hbm4b:s17+s19] =	stream.indirect_vreg.scatter [tilespmem:s26], [sflag:$0x1], $0x80, v14, vm0, $0xb8;
	[tilespmem:$0xE900] =	vst v63  }
0x30d: {  	s10 =	simm.s32 $0xA080  }
0x30e: {  	[hbm4b:s6+s19] =	stream.indirect_vreg.scatter [tilespmem:s10], [sflag:$0x1], $0x80, v15, vm0, $0xb8;
	[tilespmem:$0xE900] =	vst v63  }
0x30f: {  	s18 =	simm.s32 $0xA880  }
0x310: {  	[hbm4b:s11+s19] =	stream.indirect_vreg.scatter [tilespmem:s18], [sflag:$0x1], $0x80, v15, vm0, $0xb8;
	[tilespmem:$0xE900] =	vst v63  }
0x311: {  	s9 =	simm.s32 $0xB080  }
0x312: {  	[hbm4b:s12+s19] =	stream.indirect_vreg.scatter [tilespmem:s9], [sflag:$0x1], $0x80, v15, vm0, $0xb8;
	[tilespmem:$0xE900] =	vst v63  }
0x313: {  	s30 =	simm.s32 $0xB880  }
0x314: {  	[hbm4b:s13+s19] =	stream.indirect_vreg.scatter [tilespmem:s30], [sflag:$0x1], $0x80, v15, vm0, $0xb8;
	[tilespmem:$0xE900] =	vst v63  }
0x315: {  	s31 =	simm.s32 $0xC080  }
0x316: {  	[hbm4b:s14+s19] =	stream.indirect_vreg.scatter [tilespmem:s31], [sflag:$0x1], $0x80, v15, vm0, $0xb8;
	[tilespmem:$0xE900] =	vst v63  }
0x317: {  	s25 =	simm.s32 $0xC880  }
0x318: {  	[hbm4b:s15+s19] =	stream.indirect_vreg.scatter [tilespmem:s25], [sflag:$0x1], $0x80, v15, vm0, $0xb8;
	[tilespmem:$0xE900] =	vst v63  }
0x319: {  	s28 =	simm.s32 $0xD080  }
0x31a: {  	[hbm4b:s16+s19] =	stream.indirect_vreg.scatter [tilespmem:s28], [sflag:$0x1], $0x80, v15, vm0, $0xb8;
	[tilespmem:$0xE900] =	vst v63  }
0x31b: {  	s29 =	simm.s32 $0xD880  }
0x31c: {  	[hbm4b:s17+s19] =	stream.indirect_vreg.scatter [tilespmem:s29], [sflag:$0x1], $0x80, v15, vm0, $0xb8;
	[tilespmem:$0xE900] =	vst v63  }
0x31d: {  	s5 =	simm.s32 $0x10;
	s26 =	simm.s32 $0x6000  }
0x31e: {  	[hbm4b:s7+s5] =	stream.indirect.scatter [tilespmem:s22], [sflag:$0x2], $0x80, s26, s5, $0xb8;
	[tilespmem:$0xE900] =	vst v63  }
0x31f: {  	_ =	swait.ge [sflag:s23], $0x8000  }
0x320: {  	[sflag:s23] =	ssyncset.done $0x0  }
0x321: {  	[sflag:s23] =	ssyncadd.s32 $0xFFFF8000  }
0x322: {  	_ =	swait.ge [sflag:s24], $0x800  }
0x323: {  	[sflag:s24] =	ssyncset.done $0x0  }
0x324: {  	s26 =	rddreg [dreg:$0x11];
	[sflag:s24] =	ssyncadd.s32 $0xFFFFF800  }
0x325: {  	[tilespmem:s21], [sflag:$0x1] =	stream.linear.gather [hbm4b:s26+s19], $0x8000, $0x38;
	[tilespmem:$0xE900] =	vst v63  }
0x326: {  	s26 =	sld [smem:$0x7F7];
	_ =	sdelay $0x2  }
0x327: {  	[tilespmem:s22], [sflag:$0x2] =	stream.linear.gather [hbm4b:s26+s19], $0x800, $0x38;
	[tilespmem:$0xE900] =	vst v63  }
0x328: {  	v14 =	vld [tilespmem:s20+$0x20C0];
	_ =	sdelay $0x4  }
0x329: {  	v15 =	vadd.s32 $0xFFFFE001, v14  }
0x32a: {  	vm1 =	vgt.s32 v15, $0x0  }
0x32b: {  	v14 =	vsel vm1, v0, v14  }
0x32c: {  	v15 =	vshll.u32 v14, $0x4  }
0x32d: {  	v60 =	vand.u32 $0x7, v14;
	v15 =	vand.u32 $0xFFFFFF80, v15  }
0x32e: {  	v15 =	vor.u32 v60, v15  }
0x32f: {  	[tilespmem:$0x6000] =	vst v14;
	v14 =	vperm.xlane v15, v11  }
0x330: {  	_ =	swait.ge [sflag:s23], $0x8000  }
0x331: {  	[sflag:s23] =	ssyncset.done $0x0;
	v14 =	vadd.s32 v12, v14  }
0x332: {  	[sflag:s23] =	ssyncadd.s32 $0xFFFF8000  }
0x333: {  	_ =	swait.ge [sflag:s24], $0x800  }
0x334: {  	[sflag:s24] =	ssyncset.done $0x0  }
0x335: {  	[sflag:s24] =	ssyncadd.s32 $0xFFFFF800  }
0x336: {  	[hbm4b:s6+s19] =	stream.indirect_vreg.scatter [tilespmem:s21], [sflag:$0x1], $0x80, v14, vm0, $0xb8;
	[tilespmem:$0xE900] =	vst v63  }
0x337: {  	s1 =	simm.s32 $0x6880  }
0x338: {  	[hbm4b:s11+s19] =	stream.indirect_vreg.scatter [tilespmem:s1], [sflag:$0x1], $0x80, v14, vm0, $0xb8;
	[tilespmem:$0xE900] =	vst v63  }
0x339: {  	s2 =	simm.s32 $0x7080  }
0x33a: {  	[hbm4b:s12+s19] =	stream.indirect_vreg.scatter [tilespmem:s2], [sflag:$0x1], $0x80, v14, vm0, $0xb8;
	[tilespmem:$0xE900] =	vst v63  }
0x33b: {  	s3 =	simm.s32 $0x7880  }
0x33c: {  	[hbm4b:s13+s19] =	stream.indirect_vreg.scatter [tilespmem:s3], [sflag:$0x1], $0x80, v14, vm0, $0xb8;
	[tilespmem:$0xE900] =	vst v63  }
0x33d: {  	s4 =	simm.s32 $0x8080  }
0x33e: {  	[hbm4b:s14+s19] =	stream.indirect_vreg.scatter [tilespmem:s4], [sflag:$0x1], $0x80, v14, vm0, $0xb8;
	[tilespmem:$0xE900] =	vst v63  }
0x33f: {  	s8 =	simm.s32 $0x8880;
	v15 =	vperm.xlane v15, v13  }
0x340: {  	[hbm4b:s15+s19] =	stream.indirect_vreg.scatter [tilespmem:s8], [sflag:$0x1], $0x80, v14, vm0, $0xb8;
	[tilespmem:$0xE900] =	vst v63  }
0x341: {  	s0 =	simm.s32 $0x9080;
	v15 =	vadd.s32 v12, v15  }
0x342: {  	[hbm4b:s16+s19] =	stream.indirect_vreg.scatter [tilespmem:s0], [sflag:$0x1], $0x80, v14, vm0, $0xb8;
	[tilespmem:$0xE900] =	vst v63  }
0x343: {  	s26 =	simm.s32 $0x9880  }
0x344: {  	[hbm4b:s17+s19] =	stream.indirect_vreg.scatter [tilespmem:s26], [sflag:$0x1], $0x80, v14, vm0, $0xb8;
	[tilespmem:$0xE900] =	vst v63  }
0x345: {  	s10 =	simm.s32 $0xA080  }
0x346: {  	[hbm4b:s6+s19] =	stream.indirect_vreg.scatter [tilespmem:s10], [sflag:$0x1], $0x80, v15, vm0, $0xb8;
	[tilespmem:$0xE900] =	vst v63  }
0x347: {  	s18 =	simm.s32 $0xA880  }
0x348: {  	[hbm4b:s11+s19] =	stream.indirect_vreg.scatter [tilespmem:s18], [sflag:$0x1], $0x80, v15, vm0, $0xb8;
	[tilespmem:$0xE900] =	vst v63  }
0x349: {  	s9 =	simm.s32 $0xB080  }
0x34a: {  	[hbm4b:s12+s19] =	stream.indirect_vreg.scatter [tilespmem:s9], [sflag:$0x1], $0x80, v15, vm0, $0xb8;
	[tilespmem:$0xE900] =	vst v63  }
0x34b: {  	s30 =	simm.s32 $0xB880  }
0x34c: {  	[hbm4b:s13+s19] =	stream.indirect_vreg.scatter [tilespmem:s30], [sflag:$0x1], $0x80, v15, vm0, $0xb8;
	[tilespmem:$0xE900] =	vst v63  }
0x34d: {  	s31 =	simm.s32 $0xC080  }
0x34e: {  	[hbm4b:s14+s19] =	stream.indirect_vreg.scatter [tilespmem:s31], [sflag:$0x1], $0x80, v15, vm0, $0xb8;
	[tilespmem:$0xE900] =	vst v63  }
0x34f: {  	s25 =	simm.s32 $0xC880  }
0x350: {  	[hbm4b:s15+s19] =	stream.indirect_vreg.scatter [tilespmem:s25], [sflag:$0x1], $0x80, v15, vm0, $0xb8;
	[tilespmem:$0xE900] =	vst v63  }
0x351: {  	s28 =	simm.s32 $0xD080  }
0x352: {  	[hbm4b:s16+s19] =	stream.indirect_vreg.scatter [tilespmem:s28], [sflag:$0x1], $0x80, v15, vm0, $0xb8;
	[tilespmem:$0xE900] =	vst v63  }
0x353: {  	s29 =	simm.s32 $0xD880  }
0x354: {  	[hbm4b:s17+s19] =	stream.indirect_vreg.scatter [tilespmem:s29], [sflag:$0x1], $0x80, v15, vm0, $0xb8;
	[tilespmem:$0xE900] =	vst v63  }
0x355: {  	s5 =	simm.s32 $0x6000;
	s26 =	simm.s32 $0x10  }
0x356: {  	[hbm4b:s7+s26] =	stream.indirect.scatter [tilespmem:s22], [sflag:$0x2], $0x80, s5, s26, $0xb8;
	[tilespmem:$0xE900] =	vst v63  }
0x357: {  	_ =	swait.ge [sflag:s23], $0x8000  }
0x358: {  	[sflag:s23] =	ssyncset.done $0x0  }
0x359: {  	[sflag:s23] =	ssyncadd.s32 $0xFFFF8000  }
0x35a: {  	_ =	swait.ge [sflag:s24], $0x800  }
0x35b: {  	[sflag:s24] =	ssyncset.done $0x0  }
0x35c: {  	s26 =	rddreg [dreg:$0x12];
	[sflag:s24] =	ssyncadd.s32 $0xFFFFF800  }
0x35d: {  	[tilespmem:s21], [sflag:$0x1] =	stream.linear.gather [hbm4b:s26+s19], $0x8000, $0x38;
	[tilespmem:$0xE900] =	vst v63  }
0x35e: {  	s26 =	sld [smem:$0x7F8];
	_ =	sdelay $0x2  }
0x35f: {  	[tilespmem:s22], [sflag:$0x2] =	stream.linear.gather [hbm4b:s26+s19], $0x800, $0x38;
	[tilespmem:$0xE900] =	vst v63  }
0x360: {  	v14 =	vld [tilespmem:s20+$0x20D0];
	_ =	sdelay $0x4  }
0x361: {  	v15 =	vadd.s32 $0xFFFFE001, v14  }
0x362: {  	vm1 =	vgt.s32 v15, $0x0  }
0x363: {  	v14 =	vsel vm1, v0, v14  }
0x364: {  	v15 =	vshll.u32 v14, $0x4  }
0x365: {  	v61 =	vand.u32 $0x7, v14;
	v15 =	vand.u32 $0xFFFFFF80, v15  }
0x366: {  	v15 =	vor.u32 v61, v15  }
0x367: {  	[tilespmem:$0x6000] =	vst v14;
	v14 =	vperm.xlane v15, v11  }
0x368: {  	_ =	swait.ge [sflag:s23], $0x8000  }
0x369: {  	[sflag:s23] =	ssyncset.done $0x0;
	v14 =	vadd.s32 v12, v14  }
0x36a: {  	[sflag:s23] =	ssyncadd.s32 $0xFFFF8000  }
0x36b: {  	_ =	swait.ge [sflag:s24], $0x800  }
0x36c: {  	[sflag:s24] =	ssyncset.done $0x0  }
0x36d: {  	[sflag:s24] =	ssyncadd.s32 $0xFFFFF800  }
0x36e: {  	[hbm4b:s6+s19] =	stream.indirect_vreg.scatter [tilespmem:s21], [sflag:$0x1], $0x80, v14, vm0, $0xb8;
	[tilespmem:$0xE900] =	vst v63  }
0x36f: {  	s1 =	simm.s32 $0x6880  }
0x370: {  	[hbm4b:s11+s19] =	stream.indirect_vreg.scatter [tilespmem:s1], [sflag:$0x1], $0x80, v14, vm0, $0xb8;
	[tilespmem:$0xE900] =	vst v63  }
0x371: {  	s2 =	simm.s32 $0x7080  }
0x372: {  	[hbm4b:s12+s19] =	stream.indirect_vreg.scatter [tilespmem:s2], [sflag:$0x1], $0x80, v14, vm0, $0xb8;
	[tilespmem:$0xE900] =	vst v63  }
0x373: {  	s3 =	simm.s32 $0x7880  }
0x374: {  	[hbm4b:s13+s19] =	stream.indirect_vreg.scatter [tilespmem:s3], [sflag:$0x1], $0x80, v14, vm0, $0xb8;
	[tilespmem:$0xE900] =	vst v63  }
0x375: {  	s4 =	simm.s32 $0x8080  }
0x376: {  	[hbm4b:s14+s19] =	stream.indirect_vreg.scatter [tilespmem:s4], [sflag:$0x1], $0x80, v14, vm0, $0xb8;
	[tilespmem:$0xE900] =	vst v63  }
0x377: {  	s8 =	simm.s32 $0x8880;
	v15 =	vperm.xlane v15, v13  }
0x378: {  	[hbm4b:s15+s19] =	stream.indirect_vreg.scatter [tilespmem:s8], [sflag:$0x1], $0x80, v14, vm0, $0xb8;
	[tilespmem:$0xE900] =	vst v63  }
0x379: {  	s0 =	simm.s32 $0x9080;
	v15 =	vadd.s32 v12, v15  }
0x37a: {  	[hbm4b:s16+s19] =	stream.indirect_vreg.scatter [tilespmem:s0], [sflag:$0x1], $0x80, v14, vm0, $0xb8;
	[tilespmem:$0xE900] =	vst v63  }
0x37b: {  	s26 =	simm.s32 $0x9880  }
0x37c: {  	[hbm4b:s17+s19] =	stream.indirect_vreg.scatter [tilespmem:s26], [sflag:$0x1], $0x80, v14, vm0, $0xb8;
	[tilespmem:$0xE900] =	vst v63  }
0x37d: {  	s10 =	simm.s32 $0xA080  }
0x37e: {  	[hbm4b:s6+s19] =	stream.indirect_vreg.scatter [tilespmem:s10], [sflag:$0x1], $0x80, v15, vm0, $0xb8;
	[tilespmem:$0xE900] =	vst v63  }
0x37f: {  	s18 =	simm.s32 $0xA880  }
0x380: {  	[hbm4b:s11+s19] =	stream.indirect_vreg.scatter [tilespmem:s18], [sflag:$0x1], $0x80, v15, vm0, $0xb8;
	[tilespmem:$0xE900] =	vst v63  }
0x381: {  	s9 =	simm.s32 $0xB080  }
0x382: {  	[hbm4b:s12+s19] =	stream.indirect_vreg.scatter [tilespmem:s9], [sflag:$0x1], $0x80, v15, vm0, $0xb8;
	[tilespmem:$0xE900] =	vst v63  }
0x383: {  	s30 =	simm.s32 $0xB880  }
0x384: {  	[hbm4b:s13+s19] =	stream.indirect_vreg.scatter [tilespmem:s30], [sflag:$0x1], $0x80, v15, vm0, $0xb8;
	[tilespmem:$0xE900] =	vst v63  }
0x385: {  	s31 =	simm.s32 $0xC080  }
0x386: {  	[hbm4b:s14+s19] =	stream.indirect_vreg.scatter [tilespmem:s31], [sflag:$0x1], $0x80, v15, vm0, $0xb8;
	[tilespmem:$0xE900] =	vst v63  }
0x387: {  	s25 =	simm.s32 $0xC880  }
0x388: {  	[hbm4b:s15+s19] =	stream.indirect_vreg.scatter [tilespmem:s25], [sflag:$0x1], $0x80, v15, vm0, $0xb8;
	[tilespmem:$0xE900] =	vst v63  }
0x389: {  	s28 =	simm.s32 $0xD080  }
0x38a: {  	[hbm4b:s16+s19] =	stream.indirect_vreg.scatter [tilespmem:s28], [sflag:$0x1], $0x80, v15, vm0, $0xb8;
	[tilespmem:$0xE900] =	vst v63  }
0x38b: {  	s29 =	simm.s32 $0xD880  }
0x38c: {  	[hbm4b:s17+s19] =	stream.indirect_vreg.scatter [tilespmem:s29], [sflag:$0x1], $0x80, v15, vm0, $0xb8;
	[tilespmem:$0xE900] =	vst v63  }
0x38d: {  	s5 =	simm.s32 $0x10;
	s29 =	simm.s32 $0x6000  }
0x38e: {  	[hbm4b:s7+s5] =	stream.indirect.scatter [tilespmem:s22], [sflag:$0x2], $0x80, s29, s5, $0xb8;
	[tilespmem:$0xE900] =	vst v63  }
0x38f: {  	_ =	swait.ge [sflag:s23], $0x8000  }
0x390: {  	[sflag:s23] =	ssyncset.done $0x0  }
0x391: {  	[sflag:s23] =	ssyncadd.s32 $0xFFFF8000  }
0x392: {  	_ =	swait.ge [sflag:s24], $0x800  }
0x393: {  	[sflag:s24] =	ssyncset.done $0x0;
	s5 =	rddreg [dreg:$0x13]  }
0x394: {  	s18 =	sld [smem:$0x7F9];
	[sflag:s24] =	ssyncadd.s32 $0xFFFFF800  }
0x395: {  	[tilespmem:s21], [sflag:$0x1] =	stream.linear.gather [hbm4b:s5+s19], $0x8000, $0x38;
	[tilespmem:$0xE900] =	vst v63  }
0x396: {  	_ = 	snop  }
0x397: {  	[tilespmem:s22], [sflag:$0x2] =	stream.linear.gather [hbm4b:s18+s19], $0x800, $0x38;
	[tilespmem:$0xE900] =	vst v63  }
0x398: {  	v14 =	vld [tilespmem:s20+$0x20E0];
	_ =	sdelay $0x4  }
0x399: {  	v15 =	vadd.s32 $0xFFFFE001, v14  }
0x39a: {  	vm1 =	vgt.s32 v15, $0x0  }
0x39b: {  	v14 =	vsel vm1, v0, v14  }
0x39c: {  	v15 =	vshll.u32 v14, $0x4  }
0x39d: {  	v62 =	vand.u32 $0x7, v14;
	v15 =	vand.u32 $0xFFFFFF80, v15  }
0x39e: {  	v15 =	vor.u32 v62, v15  }
0x39f: {  	[tilespmem:$0x6000] =	vst v14;
	v14 =	vperm.xlane v15, v11  }
0x3a0: {  	_ =	swait.ge [sflag:s23], $0x8000  }
0x3a1: {  	[sflag:s23] =	ssyncset.done $0x0;
	v14 =	vadd.s32 v12, v14  }
0x3a2: {  	[sflag:s23] =	ssyncadd.s32 $0xFFFF8000  }
0x3a3: {  	_ =	swait.ge [sflag:s24], $0x800  }
0x3a4: {  	[sflag:s24] =	ssyncset.done $0x0  }
0x3a5: {  	[sflag:s24] =	ssyncadd.s32 $0xFFFFF800  }
0x3a6: {  	[hbm4b:s6+s19] =	stream.indirect_vreg.scatter [tilespmem:s21], [sflag:$0x1], $0x80, v14, vm0, $0xb8;
	[tilespmem:$0xE900] =	vst v63  }
0x3a7: {  	s1 =	simm.s32 $0x6880  }
0x3a8: {  	[hbm4b:s11+s19] =	stream.indirect_vreg.scatter [tilespmem:s1], [sflag:$0x1], $0x80, v14, vm0, $0xb8;
	[tilespmem:$0xE900] =	vst v63  }
0x3a9: {  	s2 =	simm.s32 $0x7080  }
0x3aa: {  	[hbm4b:s12+s19] =	stream.indirect_vreg.scatter [tilespmem:s2], [sflag:$0x1], $0x80, v14, vm0, $0xb8;
	[tilespmem:$0xE900] =	vst v63  }
0x3ab: {  	s3 =	simm.s32 $0x7880  }
0x3ac: {  	[hbm4b:s13+s19] =	stream.indirect_vreg.scatter [tilespmem:s3], [sflag:$0x1], $0x80, v14, vm0, $0xb8;
	[tilespmem:$0xE900] =	vst v63  }
0x3ad: {  	s4 =	simm.s32 $0x8080  }
0x3ae: {  	[hbm4b:s14+s19] =	stream.indirect_vreg.scatter [tilespmem:s4], [sflag:$0x1], $0x80, v14, vm0, $0xb8;
	[tilespmem:$0xE900] =	vst v63  }
0x3af: {  	s8 =	simm.s32 $0x8880;
	v15 =	vperm.xlane v15, v13  }
0x3b0: {  	[hbm4b:s15+s19] =	stream.indirect_vreg.scatter [tilespmem:s8], [sflag:$0x1], $0x80, v14, vm0, $0xb8;
	[tilespmem:$0xE900] =	vst v63  }
0x3b1: {  	s0 =	simm.s32 $0x9080;
	v15 =	vadd.s32 v12, v15  }
0x3b2: {  	[hbm4b:s16+s19] =	stream.indirect_vreg.scatter [tilespmem:s0], [sflag:$0x1], $0x80, v14, vm0, $0xb8;
	[tilespmem:$0xE900] =	vst v63  }
0x3b3: {  	s25 =	simm.s32 $0x9880  }
0x3b4: {  	[hbm4b:s17+s19] =	stream.indirect_vreg.scatter [tilespmem:s25], [sflag:$0x1], $0x80, v14, vm0, $0xb8;
	[tilespmem:$0xE900] =	vst v63  }
0x3b5: {  	s10 =	simm.s32 $0xA080  }
0x3b6: {  	[hbm4b:s6+s19] =	stream.indirect_vreg.scatter [tilespmem:s10], [sflag:$0x1], $0x80, v15, vm0, $0xb8;
	[tilespmem:$0xE900] =	vst v63  }
0x3b7: {  	s26 =	simm.s32 $0xA880  }
0x3b8: {  	[hbm4b:s11+s19] =	stream.indirect_vreg.scatter [tilespmem:s26], [sflag:$0x1], $0x80, v15, vm0, $0xb8;
	[tilespmem:$0xE900] =	vst v63  }
0x3b9: {  	s9 =	simm.s32 $0xB080  }
0x3ba: {  	[hbm4b:s12+s19] =	stream.indirect_vreg.scatter [tilespmem:s9], [sflag:$0x1], $0x80, v15, vm0, $0xb8;
	[tilespmem:$0xE900] =	vst v63  }
0x3bb: {  	s28 =	simm.s32 $0xB880  }
0x3bc: {  	[hbm4b:s13+s19] =	stream.indirect_vreg.scatter [tilespmem:s28], [sflag:$0x1], $0x80, v15, vm0, $0xb8;
	[tilespmem:$0xE900] =	vst v63  }
0x3bd: {  	s31 =	simm.s32 $0xC080  }
0x3be: {  	[hbm4b:s14+s19] =	stream.indirect_vreg.scatter [tilespmem:s31], [sflag:$0x1], $0x80, v15, vm0, $0xb8;
	[tilespmem:$0xE900] =	vst v63  }
0x3bf: {  	s30 =	simm.s32 $0xC880  }
0x3c0: {  	[hbm4b:s15+s19] =	stream.indirect_vreg.scatter [tilespmem:s30], [sflag:$0x1], $0x80, v15, vm0, $0xb8;
	[tilespmem:$0xE900] =	vst v63  }
0x3c1: {  	s26 =	simm.s32 $0xD080  }
0x3c2: {  	[hbm4b:s16+s19] =	stream.indirect_vreg.scatter [tilespmem:s26], [sflag:$0x1], $0x80, v15, vm0, $0xb8;
	[tilespmem:$0xE900] =	vst v63  }
0x3c3: {  	s26 =	simm.s32 $0xD880  }
0x3c4: {  	[hbm4b:s17+s19] =	stream.indirect_vreg.scatter [tilespmem:s26], [sflag:$0x1], $0x80, v15, vm0, $0xb8;
	[tilespmem:$0xE900] =	vst v63  }
0x3c5: {  	s29 =	simm.s32 $0x6000;
	s26 =	simm.s32 $0x10  }
0x3c6: {  	[hbm4b:s7+s26] =	stream.indirect.scatter [tilespmem:s22], [sflag:$0x2], $0x80, s29, s26, $0xb8;
	[tilespmem:$0xE900] =	vst v63  }
0x3c7: {  	_ =	swait.ge [sflag:s23], $0x8000  }
0x3c8: {  	[sflag:s23] =	ssyncset.done $0x0  }
0x3c9: {  	[sflag:s23] =	ssyncadd.s32 $0xFFFF8000  }
0x3ca: {  	_ =	swait.ge [sflag:s24], $0x800  }
0x3cb: {  	[sflag:s24] =	ssyncset.done $0x0  }
0x3cc: {  	s26 =	rddreg [dreg:$0x14];
	[sflag:s24] =	ssyncadd.s32 $0xFFFFF800  }
0x3cd: {  	[tilespmem:s21], [sflag:$0x1] =	stream.linear.gather [hbm4b:s26+s19], $0x8000, $0x38;
	[tilespmem:$0xE900] =	vst v63  }
0x3ce: {  	s26 =	sld [smem:$0x7FA];
	_ =	sdelay $0x2  }
0x3cf: {  	[tilespmem:s22], [sflag:$0x2] =	stream.linear.gather [hbm4b:s26+s19], $0x800, $0x38;
	[tilespmem:$0xE900] =	vst v63  }
0x3d0: {  	v14 =	vld [tilespmem:s20+$0x20F0];
	_ =	sdelay $0x4  }
0x3d1: {  	v15 =	vadd.s32 $0xFFFFE001, v14  }
0x3d2: {  	vm1 =	vgt.s32 v15, $0x0  }
0x3d3: {  	v14 =	vsel vm1, v0, v14  }
0x3d4: {  	v15 =	vshll.u32 v14, $0x4  }
0x3d5: {  	v63 =	vand.u32 $0x7, v14;
	v15 =	vand.u32 $0xFFFFFF80, v15  }
0x3d6: {  	v15 =	vor.u32 v63, v15  }
0x3d7: {  	[tilespmem:$0x6000] =	vst v14;
	v14 =	vperm.xlane v15, v11  }
0x3d8: {  	_ =	swait.ge [sflag:s23], $0x8000  }
0x3d9: {  	[sflag:s23] =	ssyncset.done $0x0;
	v14 =	vadd.s32 v12, v14  }
0x3da: {  	[sflag:s23] =	ssyncadd.s32 $0xFFFF8000  }
0x3db: {  	_ =	swait.ge [sflag:s24], $0x800  }
0x3dc: {  	[sflag:s24] =	ssyncset.done $0x0  }
0x3dd: {  	[sflag:s24] =	ssyncadd.s32 $0xFFFFF800  }
0x3de: {  	[hbm4b:s6+s19] =	stream.indirect_vreg.scatter [tilespmem:s21], [sflag:$0x1], $0x80, v14, vm0, $0xb8;
	[tilespmem:$0xE900] =	vst v63  }
0x3df: {  	s1 =	simm.s32 $0x6880  }
0x3e0: {  	[hbm4b:s11+s19] =	stream.indirect_vreg.scatter [tilespmem:s1], [sflag:$0x1], $0x80, v14, vm0, $0xb8;
	[tilespmem:$0xE900] =	vst v63  }
0x3e1: {  	s2 =	simm.s32 $0x7080  }
0x3e2: {  	[hbm4b:s12+s19] =	stream.indirect_vreg.scatter [tilespmem:s2], [sflag:$0x1], $0x80, v14, vm0, $0xb8;
	[tilespmem:$0xE900] =	vst v63  }
0x3e3: {  	s3 =	simm.s32 $0x7880  }
0x3e4: {  	[hbm4b:s13+s19] =	stream.indirect_vreg.scatter [tilespmem:s3], [sflag:$0x1], $0x80, v14, vm0, $0xb8;
	[tilespmem:$0xE900] =	vst v63  }
0x3e5: {  	s4 =	simm.s32 $0x8080  }
0x3e6: {  	[hbm4b:s14+s19] =	stream.indirect_vreg.scatter [tilespmem:s4], [sflag:$0x1], $0x80, v14, vm0, $0xb8;
	[tilespmem:$0xE900] =	vst v63  }
0x3e7: {  	s8 =	simm.s32 $0x8880;
	v15 =	vperm.xlane v15, v13  }
0x3e8: {  	[hbm4b:s15+s19] =	stream.indirect_vreg.scatter [tilespmem:s8], [sflag:$0x1], $0x80, v14, vm0, $0xb8;
	[tilespmem:$0xE900] =	vst v63  }
0x3e9: {  	s0 =	simm.s32 $0x9080;
	v15 =	vadd.s32 v12, v15  }
0x3ea: {  	[hbm4b:s16+s19] =	stream.indirect_vreg.scatter [tilespmem:s0], [sflag:$0x1], $0x80, v14, vm0, $0xb8;
	[tilespmem:$0xE900] =	vst v63  }
0x3eb: {  	s5 =	simm.s32 $0x9880  }
0x3ec: {  	[hbm4b:s17+s19] =	stream.indirect_vreg.scatter [tilespmem:s5], [sflag:$0x1], $0x80, v14, vm0, $0xb8;
	[tilespmem:$0xE900] =	vst v63  }
0x3ed: {  	s18 =	simm.s32 $0xA080  }
0x3ee: {  	[hbm4b:s6+s19] =	stream.indirect_vreg.scatter [tilespmem:s18], [sflag:$0x1], $0x80, v15, vm0, $0xb8;
	[tilespmem:$0xE900] =	vst v63  }
0x3ef: {  	s25 =	simm.s32 $0xA880  }
0x3f0: {  	[hbm4b:s11+s19] =	stream.indirect_vreg.scatter [tilespmem:s25], [sflag:$0x1], $0x80, v15, vm0, $0xb8;
	[tilespmem:$0xE900] =	vst v63  }
0x3f1: {  	s9 =	simm.s32 $0xB080  }
0x3f2: {  	[hbm4b:s12+s19] =	stream.indirect_vreg.scatter [tilespmem:s9], [sflag:$0x1], $0x80, v15, vm0, $0xb8;
	[tilespmem:$0xE900] =	vst v63  }
0x3f3: {  	s28 =	simm.s32 $0xB880  }
0x3f4: {  	[hbm4b:s13+s19] =	stream.indirect_vreg.scatter [tilespmem:s28], [sflag:$0x1], $0x80, v15, vm0, $0xb8;
	[tilespmem:$0xE900] =	vst v63  }
0x3f5: {  	s31 =	simm.s32 $0xC080  }
0x3f6: {  	[hbm4b:s14+s19] =	stream.indirect_vreg.scatter [tilespmem:s31], [sflag:$0x1], $0x80, v15, vm0, $0xb8;
	[tilespmem:$0xE900] =	vst v63  }
0x3f7: {  	s30 =	simm.s32 $0xC880  }
0x3f8: {  	[hbm4b:s15+s19] =	stream.indirect_vreg.scatter [tilespmem:s30], [sflag:$0x1], $0x80, v15, vm0, $0xb8;
	[tilespmem:$0xE900] =	vst v63  }
0x3f9: {  	s26 =	simm.s32 $0xD080  }
0x3fa: {  	[hbm4b:s16+s19] =	stream.indirect_vreg.scatter [tilespmem:s26], [sflag:$0x1], $0x80, v15, vm0, $0xb8;
	[tilespmem:$0xE900] =	vst v63  }
0x3fb: {  	s28 =	simm.s32 $0xD880  }
0x3fc: {  	[hbm4b:s17+s19] =	stream.indirect_vreg.scatter [tilespmem:s28], [sflag:$0x1], $0x80, v15, vm0, $0xb8;
	[tilespmem:$0xE900] =	vst v63  }
0x3fd: {  	s10 =	simm.s32 $0x10;
	s29 =	simm.s32 $0x6000  }
0x3fe: {  	[hbm4b:s7+s10] =	stream.indirect.scatter [tilespmem:s22], [sflag:$0x2], $0x80, s29, s10, $0xb8;
	[tilespmem:$0xE900] =	vst v63  }
0x3ff: {  	_ =	swait.ge [sflag:s23], $0x8000  }
0x400: {  	[sflag:s23] =	ssyncset.done $0x0  }
0x401: {  	[sflag:s23] =	ssyncadd.s32 $0xFFFF8000  }
0x402: {  	_ =	swait.ge [sflag:s24], $0x800  }
0x403: {  	s30 =	sld [smem:$0x7F5]  }
0x404: {  	s31 =	sld [smem:$0x7FD];
	_ =	sdelay $0x1  }
0x405: {  	s0 =	sadd.s32 $0x1, s30  }
0x406: {  	p1 =	sne.s32 s0, s31  }
.Ltmp1:
0x407: {  	_ = 	snop;
	(pc) =	sbr.rel @p1 .LBB2_1-.Ltmp1, $3  }
0x408: {  	_ =	sdelay $0x1  }
0x409: {  	[sflag:s24] =	ssyncset.done $0x0  }
0x40a: {  	[sflag:s24] =	ssyncadd.s32 $0xFFFFF800  }
0x40b: {  	_ =	sfence.sel $0x180000  }
0x40c: {  	[bflag:$0x0] =	sbarrier.arrive $0xFFFF  }
0x40d: {  	_ =	strace $0x90000047  }
0x40e: {  	s0 =	stileid.u32;
	[bflag:$0x2] =	sbarrier.arrive $0xFFFF  }
0x40f: {  	p0 =	sne.s32 s0, $0x0;
	s0 =	rddreg [dreg:$0x3]  }
0x410: {  	s0 =	sadd.s32 @!p0 $0x100000, s0  }
0x411: {  	[sflag:s0] =	ssyncadd.tile.s32 @!p0 $0x1;
	_ =	shalt  }
.Lfunc_end2:
_tile_overlayer_lowered:
.L_overlay_start_2:
0x412: {  	(tag) =	ssettag $0x2  }
0x413: {  	s0 =	rddreg [dreg:$0x0];
	s2 =	stileid.u32  }
0x414: {  	s1 =	rddreg [dreg:$0x1];
	p0 =	sne.s32 s2, $0x0  }
0x415: {  	s3 =	rddreg [dreg:$0x2];
	[bflag:$0x3] =	sbarrier.arrive $0xFFFF;
	s2 =	simm.s32 @!p0 $0x1C03  }
0x416: {  	[timem:s3], [sflag:s2] =	dma.local @!p0 [hbm:s0], s1  }
0x417: {  	s0 =	simm.s32 @!p0 $0x3  }
0x418: {  	_ =	swait.ge @!p0 [sflag:s0], s1  }
0x419: {  	s1 =	ssub.s32 @!p0 $0x0, s1;
	[sflag:s0] =	ssyncset.done @!p0 $0x0  }
0x41a: {  	[sflag:s0] =	ssyncadd.s32 @!p0 s1  }
0x41b: {  	[bflag:$0x3] =	sbarrier.arrive $0xFFFF  }
0x41c: {  	_ =	shalt  }

// kernel: kernel.9.cloned.1.call-start
scs
__scs_entry_jumppad:
0x0: {  	(pc) =	sbr.rel $0x88, $3  }
0x1: {  	(tag) =	ssettag $0x0;
	lr =	simm.s32 $0x1  }
0x2: {  	[smem:$0x3F97] =	sst lr;
	_ =	strace $0xD0000000  }
0x3: {  	_ = 	snop  }
0x4: {  	_ = 	snop  }
0x5: {  	_ = 	snop  }
0x6: {  	_ = 	snop  }
0x7: {  	_ = 	snop  }
__scs_overlays_trampoline_lowered:
0x8: {  	[smem:$0x3FA6] =	sst s0  }
0x9: {  	[smem:$0x3FA7] =	sst s1  }
0xa: {  	[smem:$0x3FA8] =	sst s2  }
0xb: {  	[smem:$0x3FA9] =	sst s3  }
0xc: {  	[smem:$0x3FAA] =	sst s4  }
0xd: {  	[smem:$0x3FAB] =	sst s5  }
0xe: {  	[smem:$0x3FAC] =	sst s6  }
0xf: {  	[smem:$0x3FAD] =	sst s7  }
0x10: {  	[smem:$0x3FAE] =	sst s8  }
0x11: {  	[smem:$0x3FAF] =	sst s9;
	s0 =	simm.s32 @!p0 $0x0  }
0x12: {  	s1 =	sld [smem:$0x3F95];
	s0 =	simm.s32 @p0 $0x1  }
0x13: {  	[smem:$0x3FB0] =	sst s0;
	s0 =	simm.s32 @!p1 $0x0  }
0x14: {  	s2 =	sld [smem:$0x3F94];
	s0 =	simm.s32 @p1 $0x1  }
0x15: {  	[smem:$0x3FB1] =	sst s0;
	s0 =	simm.s32 @!p2 $0x0  }
0x16: {  	s3 =	sld [smem:$0x3FDB];
	s0 =	simm.s32 @p2 $0x1  }
0x17: {  	s4 =	simm.s32 $0x1BF5;
	[smem:$0x3FB3] =	sst s0  }
0x18: {  	s0 =	sld [smem:$0x3F96];
	_ =	swait.ge [sflag:s4], $0x0  }
0x19: {  	s7 =	sld [smem:$0x3F97]  }
0x1a: {  	s8 =	sadd.s32 $0xFFFFE003, lr  }
0x1b: {  	s9 =	sadd.s32 $0xFFFFFEF7, lr;
	s5 =	simm.s32 $0xFFFFFFFF;
	p2 =	slt.u32 s8, $0xFFFFF086  }
0x1c: {  	p1 =	slt.u32 s9, $0xF7A;
	s5 =	simm.s32 @!p2 $0x0  }
0x1d: {  	s5 =	simm.s32 @p1 $0x1;
	p0 =	seq.s32 s7, s2  }
0x1e: {  	s7 =	smul.u32 @!p0 $0xF7A, s2;
	p2 =	seq.s32 @!p0 s5, $0x0  }
0x1f: {  	s9 =	smul.u32 $0xF7A, s1;
	s8 =	simm.s32 @!p0 $0x1BF5;
	p2 =	por !p2, p0  }
0x20: {  	[sflag:s8] =	ssyncset.s32 @!p0 $0xFFFFF086;
	s6 =	sadd.s32 @!p0 s3, s7;
	s7 =	simm.s32 @!p0 $0x108  }
0x21: {  	s3 =	sadd.s32 s3, s9;
	s6 =	sadd.s32 @!p0 $0x88, s6;
	s7 =	simm.s32 @p2 $0x1082  }
0x22: {  	[simem:s7], [sflag:s8] =	dma.local @!p0 [hbm:s6], $0xF7A  }
0x23: {  	s9 =	sor.u32 $0xD0000000, s2;
	s6 =	simm.s32 $0x108;
	_ =	swait.ge @!p0 [sflag:s8], $0x0  }
0x24: {  	s3 =	sadd.s32 $0x88, s3;
	s6 =	simm.s32 @!p1 $0x1082;
	[sflag:s4] =	ssyncset.s32 $0xFFFFF086  }
0x25: {  	[simem:s6], [sflag:s4] =	dma.local [hbm:s3], $0xF7A  }
0x26: {  	[smem:$0x3F97] =	sst s1;
	(tag) =	ssettag s2;
	_ =	strace s9  }
0x27: {  	s1 =	sld [smem:$0x3FA7]  }
0x28: {  	s2 =	sld [smem:$0x3FA8]  }
0x29: {  	s4 =	sld [smem:$0x3FAA]  }
0x2a: {  	p0 =	seq.s32 s5, $0x0;
	s5 =	sld [smem:$0x3FAB]  }
0x2b: {  	s6 =	sld [smem:$0x3FAC]  }
0x2c: {  	s7 =	sld [smem:$0x3FAD]  }
0x2d: {  	s3 =	simm.s32 $0x108;
	s8 =	sld [smem:$0x3FAE]  }
0x2e: {  	s3 =	simm.s32 @!p0 $0x1082;
	s9 =	sld [smem:$0x3FAF]  }
0x2f: {  	lr =	sadd.s32 s0, s3;
	s0 =	sld [smem:$0x3FA6]  }
0x30: {  	s3 =	sld [smem:$0x3FA9]  }
0x31: {  	[smem:$0x3FB2] =	sst s10  }
0x32: {  	s10 =	sld [smem:$0x3FB0];
	_ =	sdelay $0x3  }
0x33: {  	p0 =	seq.s32 s10, $0x1;
	s10 =	sld [smem:$0x3FB2];
	_ =	sdelay $0x3  }
0x34: {  	[smem:$0x3FB2] =	sst s10  }
0x35: {  	s10 =	sld [smem:$0x3FB1];
	_ =	sdelay $0x3  }
0x36: {  	p1 =	seq.s32 s10, $0x1;
	s10 =	sld [smem:$0x3FB2];
	_ =	sdelay $0x3  }
0x37: {  	[smem:$0x3FB2] =	sst s10  }
0x38: {  	s10 =	sld [smem:$0x3FB3]  }
0x39: {  	_ = 	snop;
	(pc) =	sbr.ind lr, $3  }
0x3a: {  	_ = 	snop  }
0x3b: {  	_ = 	snop  }
0x3c: {  	p2 =	seq.s32 s10, $0x1;
	s10 =	sld [smem:$0x3FB2]  }
0x3d: {  	_ =	shalt  }
0x3e: {  	_ =	shalt  }
0x3f: {  	_ =	shalt  }
0x40: {  	_ =	shalt  }
0x41: {  	_ =	shalt  }
0x42: {  	_ =	shalt  }
0x43: {  	_ =	shalt  }
0x44: {  	_ =	shalt  }
0x45: {  	_ =	shalt  }
0x46: {  	_ =	shalt  }
0x47: {  	_ =	shalt  }
0x48: {  	_ =	shalt  }
0x49: {  	_ =	shalt  }
0x4a: {  	_ =	shalt  }
0x4b: {  	_ =	shalt  }
0x4c: {  	_ =	shalt  }
0x4d: {  	_ =	shalt  }
0x4e: {  	_ =	shalt  }
0x4f: {  	_ =	shalt  }
0x50: {  	_ =	shalt  }
0x51: {  	_ =	shalt  }
0x52: {  	_ =	shalt  }
0x53: {  	_ =	shalt  }
0x54: {  	_ =	shalt  }
0x55: {  	_ =	shalt  }
0x56: {  	_ =	shalt  }
0x57: {  	_ =	shalt  }
0x58: {  	_ =	shalt  }
0x59: {  	_ =	shalt  }
0x5a: {  	_ =	shalt  }
0x5b: {  	_ =	shalt  }
0x5c: {  	_ =	shalt  }
0x5d: {  	_ =	shalt  }
0x5e: {  	_ =	shalt  }
0x5f: {  	_ =	shalt  }
0x60: {  	_ =	shalt  }
0x61: {  	_ =	shalt  }
0x62: {  	_ =	shalt  }
0x63: {  	_ =	shalt  }
0x64: {  	_ =	shalt  }
0x65: {  	_ =	shalt  }
0x66: {  	_ =	shalt  }
0x67: {  	_ =	shalt  }
0x68: {  	_ =	shalt  }
0x69: {  	_ =	shalt  }
0x6a: {  	_ =	shalt  }
0x6b: {  	_ =	shalt  }
0x6c: {  	_ =	shalt  }
0x6d: {  	_ =	shalt  }
0x6e: {  	_ =	shalt  }
0x6f: {  	_ =	shalt  }
0x70: {  	_ =	shalt  }
0x71: {  	_ =	shalt  }
0x72: {  	_ =	shalt  }
0x73: {  	_ =	shalt  }
0x74: {  	_ =	shalt  }
0x75: {  	_ =	shalt  }
0x76: {  	_ =	shalt  }
0x77: {  	_ =	shalt  }
0x78: {  	_ =	shalt  }
0x79: {  	_ =	shalt  }
0x7a: {  	_ =	shalt  }
0x7b: {  	_ =	shalt  }
0x7c: {  	_ =	shalt  }
0x7d: {  	_ =	shalt  }
0x7e: {  	_ =	shalt  }
0x7f: {  	_ =	shalt  }
0x80: {  	_ =	shalt  }
0x81: {  	_ =	shalt  }
0x82: {  	_ =	shalt  }
0x83: {  	_ =	shalt  }
0x84: {  	_ =	shalt  }
0x85: {  	_ =	shalt  }
0x86: {  	_ =	shalt  }
0x87: {  	_ =	shalt  }
.Lfunc_end0:
.L_simem_size_0:
called_computation.1_lowered:
.L_overlay_start_0:
0x88: {  	s2 =	sld [smem:$0x3FD9]  }
0x89: {  	s3 =	sld [smem:$0x3FFE];
	_ =	sdelay $0x1  }
0x8a: {  	s1 =	srdreg.scid  }
0x8b: {  	s0 =	sand.u32 $0x1, s1  }
0x8c: {  	s16 =	sshll.u32 s0, $0xA;
	s2 =	sadd.s32 s3, s2  }
0x8d: {  	s2 =	sadd.s32 s2, s16  }
0x8e: {  	[smem:$0x3FBE] =	sst s2  }
0x8f: {  	_ = 	snop  }
0x90: {  	(tm) =	ssettm $0x1  }
0x91: {  	s17 =	sld [smem:$0x3FFB];
	_ =	sdelay $0x3  }
0x92: {  	_ =	strace s17  }
0x93: {  	s2 =	sld [smem:$0x3FFC];
	_ =	sdelay $0x3  }
0x94: {  	_ =	strace s2  }
0x95: {  	s2 =	sld [smem:$0x3FFD];
	_ =	sdelay $0x3  }
0x96: {  	_ =	strace s2  }
0x97: {  	_ =	strace $0x8FFFFFFF  }
0x98: {  	s18 =	sld [smem:$0x3FDB];
	_ =	sdelay $0x1  }
0x99: {  	s19 =	simm.s32 $_scs_section_size  }
0x9a: {  	s4 =	simm.s32 $_size__tile_overlayer_lowered;
	s5 =	simm.s32 $_tile_overlayer_lowered  }
0x9b: {  	s22 =	simm.s32 $0x1BFF;
	s21 =	sshll.u32 s5, $0x1;
	s2 =	sadd.s32 s19, s18  }
0x9c: {  	s6 =	simm.s32 $0x0;
	s20 =	sshll.u32 s4, $0x1;
	s4 =	sadd.s32 s21, s2  }
0x9d: {  	[timem:s6], [sflag:s22] =	dma.local [hbm:s4], s20  }
0x9e: {  	_ =	swait.ge [sflag:s22], s20  }
0x9f: {  	s3 =	ssub.s32 $0x0, s20;
	[sflag:s22] =	ssyncset.done $0x0  }
0xa0: {  	[sflag:s22] =	ssyncadd.s32 s3;
	_ =	sdelay $0x1  }
0xa1: {  	s23 =	simm.s32 $0x1B8B  }
0xa2: {  	_ =	swait.ge [sflag:s23], $0x1  }
0xa3: {  	[sflag:s23] =	ssyncset.done $0x0  }
0xa4: {  	s25 =	simm.s32 $0x1B8E;
	s24 =	sld [smem:$0x3FFE];
	[sflag:s23] =	ssyncadd.s32 $0xFFFFFFFF  }
0xa5: {  	s26 =	simm.s32 $execute0_lowered;
	[smem:$0x3FD2] =	sst s25  }
0xa6: {  	s4 =	sshll.u32 s26, $0x1;
	_ =	strace $0x80000049;
	[dreg:$0x1] =	wrdreg $0xFFFFFFFF  }
0xa7: {  	s28 =	simm.s32 $_size_execute0_lowered;
	s2 =	sadd.s32 s2, s4;
	[dreg:$0x0] =	wrdreg $0x0  }
0xa8: {  	s4 =	sshll.u32 s28, $0x1;
	[dreg:$0x2] =	wrdreg s2  }
0xa9: {  	[dreg:$0x3] =	wrdreg s4  }
0xaa: {  	[dreg:$0x4] =	wrdreg $0xC0  }
0xab: {  	_ =	task [dreg:s6], $0x5FFFF  }
0xac: {  	[dreg:$0x1] =	wrdreg $0xFFFFFFFF  }
0xad: {  	[dreg:$0x0] =	wrdreg $0x60  }
0xae: {  	[dreg:$0x2] =	wrdreg s24  }
0xaf: {  	[dreg:$0x3] =	wrdreg $0x9  }
0xb0: {  	_ =	task.clear_ibuf [dreg:s6], $0x4FFFF;
	_ =	strace $0x90000049  }
0xb1: {  	s29 =	simm.s32 $0x9;
	_ =	strace $0x8000004B  }
0xb2: {  	_ =	swait.ge [sflag:s29], $0x1  }
0xb3: {  	[sflag:s29] =	ssyncadd.s32 $0xFFFFFFFF  }
0xb4: {  	_ =	strace $0x9000004B  }
0xb5: {  	_ =	sfence  }
0xb6: {  	s30 =	sld [smem:$0x0];
	_ =	sdelay $0x2  }
0xb7: {  	s31 =	sshll.u32 s1, $0xD;
	s1 =	sshrl.u32 s1, $0x2  }
0xb8: {  	s3 =	sand.u32 $0x4000, s31;
	s1 =	sadd.s32 s1, s30  }
0xb9: {  	s0 =	sor.u32 s3, s0;
	s1 =	sshll.u32 s1, $0x11  }
0xba: {  	s0 =	sor.u32 s1, s0  }
0xbb: {  	s0 =	sadd.s32 $0x8F2B, s0  }
0xbc: {  	[sflag:s0] =	ssyncadd.remote.s32 $0x1  }
0xbd: {  	_ =	sfence.sel $0xFFFF  }
0xbe: {  	[dreg:$0x0] =	wrdreg $0xFFFFFFFF;
	(pc) =	sbr.abs _section_cstart, $3  }
0xbf: {  	[dreg:$0x1] =	wrdreg $0xFFFFFFFF  }
0xc0: {  	_ =	task.clear_ibuf [dreg:s6], $0x2FFFF;
	_ =	strace $0x9FFFFFFF  }
0xc1: {  	(tm) =	ssettm $0x7FFFFFFF  }
tec
execute0_lowered:
.L_overlay_start_1:
0x0: {  	(tag) =	ssettag $0x1  }
0x1: {  	s1 =	srdreg.scid  }
0x2: {  	s0 =	stileid.u32;
	s10 =	sand.u32 $0x1, s1  }
0x3: {  	s8 =	rddreg [dreg:$0x0];
	s3 =	sshll.u32 s0, $0x9;
	s4 =	sshll.u32 s10, $0x8  }
0x4: {  	s2 =	simm.s32 $0x0;
	s1 =	rddreg [dreg:$0x1];
	s9 =	sor.u32 s4, s3  }
0x5: {  	[smem:$0x7FF] =	sst s2;
	s11 =	sadd.s32 $0x23600, s8;
	s3 =	sshrl.u32 s9, $0x3  }
0x6: {  	_ =	strace $0x8000004A;
	s4 =	sadd.s32 s11, s3;
	s3 =	simm.s32 $0x2  }
0x7: {  	[tilespmem:s2], [sflag:$0x2] =	stream.linear.gather [hbm4b:s4+s2], $0x80, $0x38;
	[tilespmem:$0x4080] =	vst v63  }
0x8: {  	_ =	swait.ge [sflag:s3], $0x80  }
0x9: {  	s6 =	simm.s32 $0x80;
	[sflag:s3] =	ssyncset.done $0x0  }
0xa: {  	s7 =	simm.s32 $0x1;
	s5 =	sadd.s32 $0xA1400, s8;
	[sflag:s3] =	ssyncadd.s32 $0xFFFFFF80  }
0xb: {  	[tilespmem:s6], [sflag:$0x1] =	stream.indirect.gather [hbm4b:s5+s6], $0x80, s2, s6, $0xb8;
	[tilespmem:$0x4080] =	vst v63  }
0xc: {  	_ =	swait.ge [sflag:s7], $0x4000  }
0xd: {  	s12 =	sadd.s32 $0x1400, s8;
	s29 =	sshll.u32 s9, $0x4;
	[sflag:s7] =	ssyncset.done $0x0  }
0xe: {  	s8 =	sadd.s32 s12, s29;
	[sflag:s7] =	ssyncadd.s32 $0xFFFFC000  }
0xf: {  	[hbm4b:s8+s2] =	stream.linear.scatter [tilespmem:s6], [sflag:$0x2], $0x4000, $0x38;
	[tilespmem:$0x4080] =	vst v63  }
0x10: {  	s13 =	sor.u32 $0x80, s9;
	_ =	swait.ge [sflag:s3], $0x4000  }
0x11: {  	s9 =	sshrl.u32 s13, $0x3;
	[sflag:s3] =	ssyncset.done $0x0  }
0x12: {  	s10 =	ssub.s32 $0x2, s10;
	s9 =	sadd.s32 s11, s9;
	[sflag:s3] =	ssyncadd.s32 $0xFFFFC000  }
0x13: {  	[tilespmem:s2], [sflag:$0x2] =	stream.linear.gather [hbm4b:s9+s2], $0x80, $0x38;
	[tilespmem:$0x4080] =	vst v63  }
0x14: {  	s30 =	sshrl.u32 s10, $0x1;
	_ =	swait.ge [sflag:s3], $0x80  }
0x15: {  	s11 =	ssub.s32 s10, s30;
	[sflag:s3] =	ssyncset.done $0x0  }
0x16: {  	s11 =	smax.u32 s11, $0x1;
	[sflag:s3] =	ssyncadd.s32 $0xFFFFFF80  }
0x17: {  	[tilespmem:s6], [sflag:$0x1] =	stream.indirect.gather [hbm4b:s5+s6], $0x80, s2, s6, $0xb8;
	[tilespmem:$0x4080] =	vst v63  }
0x18: {  	p0 =	sne.s32 s11, $0x1;
	_ =	swait.ge [sflag:s7], $0x4000  }
.Ltmp0:
0x19: {  	s31 =	sshll.u32 s13, $0x4;
	[sflag:s7] =	ssyncset.done $0x0;
	(pc) =	sbr.rel @!p0 .LBB2_2-.Ltmp0, $4  }
0x1a: {  	s10 =	sadd.s32 s12, s31;
	[sflag:s7] =	ssyncadd.s32 $0xFFFFC000  }
0x1b: {  	[hbm4b:s10+s2] =	stream.linear.scatter [tilespmem:s6], [sflag:$0x2], $0x4000, $0x38;
	[tilespmem:$0x4080] =	vst v63  }
0x1c: {  	_ =	swait.ge [sflag:s3], $0x4000  }
0x1d: {  	s11 =	sadd.s32 $0xFFFFFFFF, s11;
	[sflag:s3] =	ssyncset.done $0x0  }
.LBB2_1:
0x1e: {  	p0 =	sne.s32 s11, $0x1;
	s11 =	sadd.s32 $0xFFFFFFFF, s11;
	[sflag:s3] =	ssyncadd.s32 $0xFFFFC000  }
0x1f: {  	[tilespmem:s2], [sflag:$0x2] =	stream.linear.gather [hbm4b:s4+s2], $0x80, $0x38;
	[tilespmem:$0x4080] =	vst v63  }
0x20: {  	_ =	swait.ge [sflag:s3], $0x80  }
0x21: {  	[sflag:s3] =	ssyncset.done $0x0  }
0x22: {  	[sflag:s3] =	ssyncadd.s32 $0xFFFFFF80  }
0x23: {  	[tilespmem:s6], [sflag:$0x1] =	stream.indirect.gather [hbm4b:s5+s6], $0x80, s2, s6, $0xb8;
	[tilespmem:$0x4080] =	vst v63  }
0x24: {  	_ =	swait.ge [sflag:s7], $0x4000  }
0x25: {  	[sflag:s7] =	ssyncset.done $0x0  }
0x26: {  	[sflag:s7] =	ssyncadd.s32 $0xFFFFC000  }
0x27: {  	[hbm4b:s8+s2] =	stream.linear.scatter [tilespmem:s6], [sflag:$0x2], $0x4000, $0x38;
	[tilespmem:$0x4080] =	vst v63  }
0x28: {  	_ =	swait.ge [sflag:s3], $0x4000  }
0x29: {  	[sflag:s3] =	ssyncset.done $0x0  }
0x2a: {  	[sflag:s3] =	ssyncadd.s32 $0xFFFFC000  }
0x2b: {  	[tilespmem:s2], [sflag:$0x2] =	stream.linear.gather [hbm4b:s9+s2], $0x80, $0x38;
	[tilespmem:$0x4080] =	vst v63  }
0x2c: {  	_ =	swait.ge [sflag:s3], $0x80  }
0x2d: {  	[sflag:s3] =	ssyncset.done $0x0  }
0x2e: {  	[sflag:s3] =	ssyncadd.s32 $0xFFFFFF80  }
0x2f: {  	[tilespmem:s6], [sflag:$0x1] =	stream.indirect.gather [hbm4b:s5+s6], $0x80, s2, s6, $0xb8;
	[tilespmem:$0x4080] =	vst v63  }
0x30: {  	_ =	swait.ge [sflag:s7], $0x4000  }
.Ltmp1:
0x31: {  	[sflag:s7] =	ssyncset.done $0x0;
	(pc) =	sbr.rel @p0 .LBB2_1-.Ltmp1, $4  }
0x32: {  	[sflag:s7] =	ssyncadd.s32 $0xFFFFC000  }
0x33: {  	[hbm4b:s10+s2] =	stream.linear.scatter [tilespmem:s6], [sflag:$0x2], $0x4000, $0x38;
	[tilespmem:$0x4080] =	vst v63  }
0x34: {  	_ =	swait.ge [sflag:s3], $0x4000  }
0x35: {  	[sflag:s3] =	ssyncset.done $0x0  }
.LBB2_2:
0x36: {  	[sflag:s3] =	ssyncadd.s32 $0xFFFFC000  }
0x37: {  	_ =	sfence.sel $0x180000  }
0x38: {  	[bflag:$0x0] =	sbarrier.arrive $0xFFFF  }
0x39: {  	p0 =	sne.s32 s0, $0x0;
	_ =	strace $0x9000004A  }
0x3a: {  	s0 =	sadd.s32 @!p0 $0x100000, s1;
	[bflag:$0x2] =	sbarrier.arrive $0xFFFF  }
0x3b: {  	[sflag:s0] =	ssyncadd.tile.s32 @!p0 $0x1;
	_ =	shalt  }
.Lfunc_end2:
_tile_overlayer_lowered:
.L_overlay_start_2:
0x3c: {  	(tag) =	ssettag $0x2  }
0x3d: {  	s0 =	rddreg [dreg:$0x0];
	s2 =	stileid.u32  }
0x3e: {  	s1 =	rddreg [dreg:$0x1];
	p0 =	sne.s32 s2, $0x0  }
0x3f: {  	s3 =	rddreg [dreg:$0x2];
	[bflag:$0x3] =	sbarrier.arrive $0xFFFF;
	s2 =	simm.s32 @!p0 $0x1C02  }
0x40: {  	[timem:s3], [sflag:s2] =	dma.local @!p0 [hbm:s0], s1  }
0x41: {  	s0 =	simm.s32 @!p0 $0x2  }
0x42: {  	_ =	swait.ge @!p0 [sflag:s0], s1  }
0x43: {  	s1 =	ssub.s32 @!p0 $0x0, s1;
	[sflag:s0] =	ssyncset.done @!p0 $0x0  }
0x44: {  	[sflag:s0] =	ssyncadd.s32 @!p0 s1  }
0x45: {  	[bflag:$0x3] =	sbarrier.arrive $0xFFFF  }
0x46: {  	_ =	shalt  }

</sc_bundles>
